<compile_context>
chip_gen: v7x
topology: tpu7x:2x2x1
jax: 0.10.2.dev20260603
libtpu: 0.0.44.dev20260713+nightly
codegen_flags: <defaults>
</compile_context>

<pallas_src>
import functools

import jax
import jax.numpy as jnp
from jax import lax
from jax.experimental import pallas as pl
from jax.experimental.pallas import tpu as pltpu
from jax.experimental.pallas import tpu_sc as plsc

D_MODEL = 64
SCALE = 8.0
NC, NS = 2, 16
NW = NC * NS
BB = 128
LANES = 16
TILE = 8 * BB
H = 500096


def _pack_table(table):
    tt = table.T

    def body(a_ref, b_ref, o_ref):
        o_ref[:, :D_MODEL] = a_ref[...].T
        o_ref[:, D_MODEL:] = b_ref[...].T

    return pl.pallas_call(
        body,
        grid=(H // BB,),
        in_specs=[
            pl.BlockSpec((D_MODEL, BB), lambda i: (0, i)),
            pl.BlockSpec((D_MODEL, BB), lambda i: (0, H // BB + i)),
        ],
        out_specs=pl.BlockSpec((BB, 2 * D_MODEL), lambda i: (i, 0)),
        out_shape=jax.ShapeDtypeStruct((H, 2 * D_MODEL), jnp.float32),
    )(tt, tt)


def kernel(x, table):
    B0, S = x.shape
    V = table.shape[0]
    assert B0 == NW * BB and D_MODEL == table.shape[1] and V <= 2 * H
    xt = x.T
    if xt.dtype != jnp.int32:
        xt = xt.astype(jnp.int32)
    table2 = _pack_table(table)

    mesh = plsc.VectorSubcoreMesh(core_axis_name="c", subcore_axis_name="s")

    @functools.partial(
        pl.kernel,
        mesh=mesh,
        out_type=jax.ShapeDtypeStruct((S, 8, NW, TILE), jnp.float32),
        scratch_types=[
            pltpu.VMEM((S, BB), jnp.int32),
            pltpu.VMEM((BB, 2 * D_MODEL), jnp.float32),
            pltpu.VMEM((BB, 2 * D_MODEL), jnp.float32),
            pltpu.VMEM((D_MODEL * BB,), jnp.float32),
            pltpu.VMEM((D_MODEL * BB,), jnp.float32),
            pltpu.VMEM((BB,), jnp.int32),
            pltpu.VMEM((BB,), jnp.int32),
            pltpu.VMEM((BB,), jnp.int32),
            pltpu.SemaphoreType.DMA,
            pltpu.SemaphoreType.DMA,
            pltpu.SemaphoreType.DMA,
            pltpu.SemaphoreType.DMA,
        ],
        compiler_params=pltpu.CompilerParams(
            use_tc_tiling_on_sc=False, needs_layout_passes=False),
    )
    def emb(xt_hbm, table2_hbm, out_hbm, idx_v, rows0, rows1, trans0, trans1,
            idxs0, idxs1, par_v, gsem0, gsem1, osem0, osem1):
        rows_bufs = (rows0, rows1)
        trans_bufs = (trans0, trans1)
        idxs_bufs = (idxs0, idxs1)
        gsems = (gsem0, gsem1)
        osems = (osem0, osem1)
        wid = lax.axis_index("s") * NC + lax.axis_index("c")
        pltpu.sync_copy(xt_hbm.at[:, pl.ds(wid * BB, BB)], idx_v)

        iota = lax.iota(jnp.int32, LANES)
        dcol = [iota + c * LANES for c in range(D_MODEL // LANES)]
        ddst = [(iota + c * LANES) * BB for c in range(D_MODEL // LANES)]

        def prep_idxs(s, p):
            for k in range(BB // LANES):
                sl = pl.ds(k * LANES, LANES)
                v = idx_v[s, sl]
                idxs_bufs[p][sl] = jnp.where(v >= H, v - H, v)

        def fire(p):
            pltpu.async_copy(
                table2_hbm.at[idxs_bufs[p]], rows_bufs[p], gsems[p])

        def out_copies(s, p, wait):
            trans = trans_bufs[p]
            for td in range(8):
                cp = pltpu.make_async_copy(
                    trans.at[pl.ds(td * TILE, TILE)],
                    out_hbm.at[s, td, wid], osems[p])
                if wait:
                    cp.wait()
                else:
                    cp.start()

        for p in range(2):
            prep_idxs(p, p)
            fire(p)

        def step(i, carry):
            for p in range(2):
                s = i * 2 + p
                rows = rows_bufs[p]
                trans = trans_bufs[p]
                pltpu.make_async_copy(
                    table2_hbm.at[idxs_bufs[p]], rows, gsems[p]).wait()

                for k in range(BB // LANES):
                    sl = pl.ds(k * LANES, LANES)
                    par_v[sl] = jnp.where(idx_v[s, sl] >= H, 1, 0)

                @pl.when(s >= 2)
                def _(s=s, p=p):
                    out_copies(s - 2, p, wait=True)

                @plsc.parallel_loop(0, LANES, unroll=1)
                def _(t, rows=rows, trans=trans):
                    a = (iota + t) & 15
                    for q in range(BB // LANES):
                        bi = a + q * LANES
                        par = plsc.load_gather(par_v, [bi])
                        pcol = par * D_MODEL
                        for c in range(D_MODEL // LANES):
                            vals = plsc.load_gather(
                                rows, [bi, pcol + dcol[c]])
                            plsc.store_scatter(
                                trans, [ddst[c] + bi], vals * SCALE)

                out_copies(s, p, wait=False)

                @pl.when(s + 2 < S)
                def _(s=s, p=p):
                    prep_idxs(s + 2, p)
                    fire(p)

            return carry

        lax.fori_loop(0, S // 2, step, 0)
        for p in range(2):
            out_copies(S - 2 + p, p, wait=True)

    out5 = emb(xt, table2)
    out5 = out5.reshape(S, 8, NW, 8, BB)
    return out5.transpose(2, 4, 0, 1, 3).reshape(B0, S, D_MODEL)

# --- scband reference (transcript-rebuilt; emitter-appended) ---
"""Pipeline reference for scband-input-embeddings-32839319945272 (READ-ONLY COPY).

The authoritative reference and input builder live on the scoring server;
editing this copy changes nothing except your own understanding.
"""

import jax, jax.numpy as jnp
import numpy as np
import math

VOCAB_SIZE = 1000000
D_MODEL = 64

def setup_inputs(seed: int = 0) -> dict:
    key = jax.random.key(seed)
    k1, k2 = jax.random.split(key)
    x = jax.random.randint(k1, (4096, 200), 0, VOCAB_SIZE, dtype=jnp.int64 if jax.config.jax_enable_x64 else jnp.int32)
    # nn.Embedding default init: N(0, 1)
    table = jax.random.normal(k2, (VOCAB_SIZE, D_MODEL), dtype=jnp.float32)
    return {"x": x, "table": table}

def reference(x, table):
    # InputEmbeddings.forward: embed(x) * sqrt(d_model)
    emb = jnp.take(table, x, axis=0)
    return emb * math.sqrt(D_MODEL)

if __name__ == "__main__":
    import jax
    _d = setup_inputs()
    print(jax.jit(kernel)(*tuple(_d.values())))

</pallas_src>

<mosaic_0001>
#map = affine_map<(d0, d1) -> (0, 0)>
#map1 = affine_map<(d0, d1) -> (0, 0, 0, 0)>
module attributes {stable_mosaic.version = 14 : i64} {
  func.func @emb(%arg0: i32, %arg1: i32, %arg2: memref<200x4096xi32, #tpu.memory_space<hbm>>, %arg3: memref<500096x128xf32, #tpu.memory_space<hbm>>, %arg4: memref<200x8x32x1024xf32, #tpu.memory_space<hbm>>, %arg5: memref<200x128xi32, #tpu.memory_space<vmem>>, %arg6: memref<128x128xf32, #tpu.memory_space<vmem>>, %arg7: memref<128x128xf32, #tpu.memory_space<vmem>>, %arg8: memref<8192xf32, #tpu.memory_space<vmem>>, %arg9: memref<8192xf32, #tpu.memory_space<vmem>>, %arg10: memref<128xi32, #tpu.memory_space<vmem>>, %arg11: memref<128xi32, #tpu.memory_space<vmem>>, %arg12: memref<128xi32, #tpu.memory_space<vmem>>, %arg13: memref<!tpu.dma_semaphore, #tpu.memory_space<semaphore_mem>>, %arg14: memref<!tpu.dma_semaphore, #tpu.memory_space<semaphore_mem>>, %arg15: memref<!tpu.dma_semaphore, #tpu.memory_space<semaphore_mem>>, %arg16: memref<!tpu.dma_semaphore, #tpu.memory_space<semaphore_mem>>) attributes {dimension_semantics = [#tpu.dimension_semantics<core_parallel>, #tpu.dimension_semantics<subcore_parallel>], iteration_bounds = array<i64: 2, 16>, scalar_prefetch = 0 : i64, scratch_operands = 12 : i64, tpu.core_type = #tpu.core_type<sc_vector_subcore>, window_params = [{transform_indices = #map}, {transform_indices = #map}, {transform_indices = #map1}]} {
    %mul3A = arith.constant 2 : i32
    %mul3A_0 = arith.muli %arg1, %mul3A : i32
    %add3A = arith.addi %mul3A_0, %arg0 : i32
    %mul3A_1 = arith.constant 128 : i32
    %mul3A_2 = arith.muli %add3A, %mul3A_1 : i32
    "tpu.region"() ({
      %run_scoped3A = tpu.sem_alloc : memref<!tpu.dma_semaphore, #tpu.memory_space<semaphore_mem>>
      %dma_start3A_443 = arith.constant 0 : i32
      %dma_start3A_444 = tpu.memref_slice %arg2[%dma_start3A_443, %mul3A_2] : memref<200x4096xi32, #tpu.memory_space<hbm>> -> memref<200x128xi32, #tpu.memory_space<hbm>>
      %dma_start3A_445 = arith.constant 0 : i32
      %dma_start3A_446 = tpu.memref_slice %arg2[%dma_start3A_445, %mul3A_2] : memref<200x4096xi32, #tpu.memory_space<hbm>> -> memref<200x128xi32, #tpu.memory_space<hbm>>
      tpu.enqueue_dma source(%dma_start3A_446 : memref<200x128xi32, #tpu.memory_space<hbm>>) target(%arg5 : memref<200x128xi32, #tpu.memory_space<vmem>>) target_semaphore(%run_scoped3A : memref<!tpu.dma_semaphore, #tpu.memory_space<semaphore_mem>>)
      %dma_wait3A_447 = arith.constant 0 : i32
      %dma_wait3A_448 = tpu.memref_slice %arg2[%dma_wait3A_447, %mul3A_2] : memref<200x4096xi32, #tpu.memory_space<hbm>> -> memref<200x128xi32, #tpu.memory_space<hbm>>
      %dma_wait3A_449 = arith.constant 0 : i32
      %dma_wait3A_450 = tpu.memref_slice %arg2[%dma_wait3A_449, %mul3A_2] : memref<200x4096xi32, #tpu.memory_space<hbm>> -> memref<200x128xi32, #tpu.memory_space<hbm>>
      tpu.wait_dma2 semaphore(%run_scoped3A : memref<!tpu.dma_semaphore, #tpu.memory_space<semaphore_mem>>) src(%dma_wait3A_450 : memref<200x128xi32, #tpu.memory_space<hbm>>) dst(%arg5 : memref<200x128xi32, #tpu.memory_space<vmem>>)
      tpu.yield
    }) : () -> ()
    %iota3A = tpu.iota {dimensions = array<i32: 0>} : vector<16xi32>
    %add3A_3 = arith.constant 0 : i32
    %add3A_4 = vector.broadcast %add3A_3 : i32 to vector<16xi32>
    %add3A_5 = arith.addi %iota3A, %add3A_4 : vector<16xi32>
    %add3A_6 = arith.constant 16 : i32
    %add3A_7 = vector.broadcast %add3A_6 : i32 to vector<16xi32>
    %add3A_8 = arith.addi %iota3A, %add3A_7 : vector<16xi32>
    %add3A_9 = arith.constant 32 : i32
    %add3A_10 = vector.broadcast %add3A_9 : i32 to vector<16xi32>
    %add3A_11 = arith.addi %iota3A, %add3A_10 : vector<16xi32>
    %add3A_12 = arith.constant 48 : i32
    %add3A_13 = vector.broadcast %add3A_12 : i32 to vector<16xi32>
    %add3A_14 = arith.addi %iota3A, %add3A_13 : vector<16xi32>
    %add3A_15 = arith.constant 0 : i32
    %add3A_16 = vector.broadcast %add3A_15 : i32 to vector<16xi32>
    %add3A_17 = arith.addi %iota3A, %add3A_16 : vector<16xi32>
    %mul3A_18 = arith.constant 128 : i32
    %mul3A_19 = vector.broadcast %mul3A_18 : i32 to vector<16xi32>
    %mul3A_20 = arith.muli %add3A_17, %mul3A_19 : vector<16xi32>
    %add3A_21 = arith.constant 16 : i32
    %add3A_22 = vector.broadcast %add3A_21 : i32 to vector<16xi32>
    %add3A_23 = arith.addi %iota3A, %add3A_22 : vector<16xi32>
    %mul3A_24 = arith.constant 128 : i32
    %mul3A_25 = vector.broadcast %mul3A_24 : i32 to vector<16xi32>
    %mul3A_26 = arith.muli %add3A_23, %mul3A_25 : vector<16xi32>
    %add3A_27 = arith.constant 32 : i32
    %add3A_28 = vector.broadcast %add3A_27 : i32 to vector<16xi32>
    %add3A_29 = arith.addi %iota3A, %add3A_28 : vector<16xi32>
    %mul3A_30 = arith.constant 128 : i32
    %mul3A_31 = vector.broadcast %mul3A_30 : i32 to vector<16xi32>
    %mul3A_32 = arith.muli %add3A_29, %mul3A_31 : vector<16xi32>
    %add3A_33 = arith.constant 48 : i32
    %add3A_34 = vector.broadcast %add3A_33 : i32 to vector<16xi32>
    %add3A_35 = arith.addi %iota3A, %add3A_34 : vector<16xi32>
    %mul3A_36 = arith.constant 128 : i32
    %mul3A_37 = vector.broadcast %mul3A_36 : i32 to vector<16xi32>
    %mul3A_38 = arith.muli %add3A_35, %mul3A_37 : vector<16xi32>
    %get3A = arith.constant 0 : i32
    %get3A_39 = arith.index_cast %get3A : i32 to index
    %get3A_40 = arith.constant 0 : index
    %get3A_41 = tpu.vector_load %arg5[%get3A_39, %get3A_40] {strides = array<i32>} : memref<200x128xi32, #tpu.memory_space<vmem>>, vector<16xi32>,
    %ge3A = arith.constant 500096 : i32
    %ge3A_42 = vector.broadcast %ge3A : i32 to vector<16xi32>
    %ge3A_43 = arith.cmpi sge, %get3A_41, %ge3A_42 : vector<16xi32>
    %sub3A = arith.constant 500096 : i32
    %sub3A_44 = vector.broadcast %sub3A : i32 to vector<16xi32>
    %sub3A_45 = arith.subi %get3A_41, %sub3A_44 : vector<16xi32>
    %select_n3A = arith.select %ge3A_43, %sub3A_45, %get3A_41 : vector<16xi1>, vector<16xi32>
    %swap3A = arith.constant 0 : index
    %swap3A_46 = tpu.vector_load %arg10[%swap3A] {strides = array<i32>} : memref<128xi32, #tpu.memory_space<vmem>>, vector<16xi32>,
    tpu.vector_store %arg10[%swap3A], %select_n3A {strides = array<i32>} : memref<128xi32, #tpu.memory_space<vmem>>, vector<16xi32>,
    %get3A_47 = arith.constant 0 : i32
    %get3A_48 = arith.index_cast %get3A_47 : i32 to index
    %get3A_49 = arith.constant 16 : index
    %get3A_50 = tpu.vector_load %arg5[%get3A_48, %get3A_49] {strides = array<i32>} : memref<200x128xi32, #tpu.memory_space<vmem>>, vector<16xi32>,
    %ge3A_51 = arith.constant 500096 : i32
    %ge3A_52 = vector.broadcast %ge3A_51 : i32 to vector<16xi32>
    %ge3A_53 = arith.cmpi sge, %get3A_50, %ge3A_52 : vector<16xi32>
    %sub3A_54 = arith.constant 500096 : i32
    %sub3A_55 = vector.broadcast %sub3A_54 : i32 to vector<16xi32>
    %sub3A_56 = arith.subi %get3A_50, %sub3A_55 : vector<16xi32>
    %select_n3A_57 = arith.select %ge3A_53, %sub3A_56, %get3A_50 : vector<16xi1>, vector<16xi32>
    %swap3A_58 = arith.constant 16 : index
    %swap3A_59 = tpu.vector_load %arg10[%swap3A_58] {strides = array<i32>} : memref<128xi32, #tpu.memory_space<vmem>>, vector<16xi32>,
    tpu.vector_store %arg10[%swap3A_58], %select_n3A_57 {strides = array<i32>} : memref<128xi32, #tpu.memory_space<vmem>>, vector<16xi32>,
    %get3A_60 = arith.constant 0 : i32
    %get3A_61 = arith.index_cast %get3A_60 : i32 to index
    %get3A_62 = arith.constant 32 : index
    %get3A_63 = tpu.vector_load %arg5[%get3A_61, %get3A_62] {strides = array<i32>} : memref<200x128xi32, #tpu.memory_space<vmem>>, vector<16xi32>,
    %ge3A_64 = arith.constant 500096 : i32
    %ge3A_65 = vector.broadcast %ge3A_64 : i32 to vector<16xi32>
    %ge3A_66 = arith.cmpi sge, %get3A_63, %ge3A_65 : vector<16xi32>
    %sub3A_67 = arith.constant 500096 : i32
    %sub3A_68 = vector.broadcast %sub3A_67 : i32 to vector<16xi32>
    %sub3A_69 = arith.subi %get3A_63, %sub3A_68 : vector<16xi32>
    %select_n3A_70 = arith.select %ge3A_66, %sub3A_69, %get3A_63 : vector<16xi1>, vector<16xi32>
    %swap3A_71 = arith.constant 32 : index
    %swap3A_72 = tpu.vector_load %arg10[%swap3A_71] {strides = array<i32>} : memref<128xi32, #tpu.memory_space<vmem>>, vector<16xi32>,
    tpu.vector_store %arg10[%swap3A_71], %select_n3A_70 {strides = array<i32>} : memref<128xi32, #tpu.memory_space<vmem>>, vector<16xi32>,
    %get3A_73 = arith.constant 0 : i32
    %get3A_74 = arith.index_cast %get3A_73 : i32 to index
    %get3A_75 = arith.constant 48 : index
    %get3A_76 = tpu.vector_load %arg5[%get3A_74, %get3A_75] {strides = array<i32>} : memref<200x128xi32, #tpu.memory_space<vmem>>, vector<16xi32>,
    %ge3A_77 = arith.constant 500096 : i32
    %ge3A_78 = vector.broadcast %ge3A_77 : i32 to vector<16xi32>
    %ge3A_79 = arith.cmpi sge, %get3A_76, %ge3A_78 : vector<16xi32>
    %sub3A_80 = arith.constant 500096 : i32
    %sub3A_81 = vector.broadcast %sub3A_80 : i32 to vector<16xi32>
    %sub3A_82 = arith.subi %get3A_76, %sub3A_81 : vector<16xi32>
    %select_n3A_83 = arith.select %ge3A_79, %sub3A_82, %get3A_76 : vector<16xi1>, vector<16xi32>
    %swap3A_84 = arith.constant 48 : index
    %swap3A_85 = tpu.vector_load %arg10[%swap3A_84] {strides = array<i32>} : memref<128xi32, #tpu.memory_space<vmem>>, vector<16xi32>,
    tpu.vector_store %arg10[%swap3A_84], %select_n3A_83 {strides = array<i32>} : memref<128xi32, #tpu.memory_space<vmem>>, vector<16xi32>,
    %get3A_86 = arith.constant 0 : i32
    %get3A_87 = arith.index_cast %get3A_86 : i32 to index
    %get3A_88 = arith.constant 64 : index
    %get3A_89 = tpu.vector_load %arg5[%get3A_87, %get3A_88] {strides = array<i32>} : memref<200x128xi32, #tpu.memory_space<vmem>>, vector<16xi32>,
    %ge3A_90 = arith.constant 500096 : i32
    %ge3A_91 = vector.broadcast %ge3A_90 : i32 to vector<16xi32>
    %ge3A_92 = arith.cmpi sge, %get3A_89, %ge3A_91 : vector<16xi32>
    %sub3A_93 = arith.constant 500096 : i32
    %sub3A_94 = vector.broadcast %sub3A_93 : i32 to vector<16xi32>
    %sub3A_95 = arith.subi %get3A_89, %sub3A_94 : vector<16xi32>
    %select_n3A_96 = arith.select %ge3A_92, %sub3A_95, %get3A_89 : vector<16xi1>, vector<16xi32>
    %swap3A_97 = arith.constant 64 : index
    %swap3A_98 = tpu.vector_load %arg10[%swap3A_97] {strides = array<i32>} : memref<128xi32, #tpu.memory_space<vmem>>, vector<16xi32>,
    tpu.vector_store %arg10[%swap3A_97], %select_n3A_96 {strides = array<i32>} : memref<128xi32, #tpu.memory_space<vmem>>, vector<16xi32>,
    %get3A_99 = arith.constant 0 : i32
    %get3A_100 = arith.index_cast %get3A_99 : i32 to index
    %get3A_101 = arith.constant 80 : index
    %get3A_102 = tpu.vector_load %arg5[%get3A_100, %get3A_101] {strides = array<i32>} : memref<200x128xi32, #tpu.memory_space<vmem>>, vector<16xi32>,
    %ge3A_103 = arith.constant 500096 : i32
    %ge3A_104 = vector.broadcast %ge3A_103 : i32 to vector<16xi32>
    %ge3A_105 = arith.cmpi sge, %get3A_102, %ge3A_104 : vector<16xi32>
    %sub3A_106 = arith.constant 500096 : i32
    %sub3A_107 = vector.broadcast %sub3A_106 : i32 to vector<16xi32>
    %sub3A_108 = arith.subi %get3A_102, %sub3A_107 : vector<16xi32>
    %select_n3A_109 = arith.select %ge3A_105, %sub3A_108, %get3A_102 : vector<16xi1>, vector<16xi32>
    %swap3A_110 = arith.constant 80 : index
    %swap3A_111 = tpu.vector_load %arg10[%swap3A_110] {strides = array<i32>} : memref<128xi32, #tpu.memory_space<vmem>>, vector<16xi32>,
    tpu.vector_store %arg10[%swap3A_110], %select_n3A_109 {strides = array<i32>} : memref<128xi32, #tpu.memory_space<vmem>>, vector<16xi32>,
    %get3A_112 = arith.constant 0 : i32
    %get3A_113 = arith.index_cast %get3A_112 : i32 to index
    %get3A_114 = arith.constant 96 : index
    %get3A_115 = tpu.vector_load %arg5[%get3A_113, %get3A_114] {strides = array<i32>} : memref<200x128xi32, #tpu.memory_space<vmem>>, vector<16xi32>,
    %ge3A_116 = arith.constant 500096 : i32
    %ge3A_117 = vector.broadcast %ge3A_116 : i32 to vector<16xi32>
    %ge3A_118 = arith.cmpi sge, %get3A_115, %ge3A_117 : vector<16xi32>
    %sub3A_119 = arith.constant 500096 : i32
    %sub3A_120 = vector.broadcast %sub3A_119 : i32 to vector<16xi32>
    %sub3A_121 = arith.subi %get3A_115, %sub3A_120 : vector<16xi32>
    %select_n3A_122 = arith.select %ge3A_118, %sub3A_121, %get3A_115 : vector<16xi1>, vector<16xi32>
    %swap3A_123 = arith.constant 96 : index
    %swap3A_124 = tpu.vector_load %arg10[%swap3A_123] {strides = array<i32>} : memref<128xi32, #tpu.memory_space<vmem>>, vector<16xi32>,
    tpu.vector_store %arg10[%swap3A_123], %select_n3A_122 {strides = array<i32>} : memref<128xi32, #tpu.memory_space<vmem>>, vector<16xi32>,
    %get3A_125 = arith.constant 0 : i32
    %get3A_126 = arith.index_cast %get3A_125 : i32 to index
    %get3A_127 = arith.constant 112 : index
    %get3A_128 = tpu.vector_load %arg5[%get3A_126, %get3A_127] {strides = array<i32>} : memref<200x128xi32, #tpu.memory_space<vmem>>, vector<16xi32>,
    %ge3A_129 = arith.constant 500096 : i32
    %ge3A_130 = vector.broadcast %ge3A_129 : i32 to vector<16xi32>
    %ge3A_131 = arith.cmpi sge, %get3A_128, %ge3A_130 : vector<16xi32>
    %sub3A_132 = arith.constant 500096 : i32
    %sub3A_133 = vector.broadcast %sub3A_132 : i32 to vector<16xi32>
    %sub3A_134 = arith.subi %get3A_128, %sub3A_133 : vector<16xi32>
    %select_n3A_135 = arith.select %ge3A_131, %sub3A_134, %get3A_128 : vector<16xi1>, vector<16xi32>
    %swap3A_136 = arith.constant 112 : index
    %swap3A_137 = tpu.vector_load %arg10[%swap3A_136] {strides = array<i32>} : memref<128xi32, #tpu.memory_space<vmem>>, vector<16xi32>,
    tpu.vector_store %arg10[%swap3A_136], %select_n3A_135 {strides = array<i32>} : memref<128xi32, #tpu.memory_space<vmem>>, vector<16xi32>,
    %dma_start3A = arith.constant 0 : i32
    %dma_start3A_138 = arith.constant 0 : i32
    %dma_start3A_139 = tpu.memref_slice %arg3[%dma_start3A, %dma_start3A_138] : memref<500096x128xf32, #tpu.memory_space<hbm>> -> memref<500096x128xf32, #tpu.memory_space<hbm>>
    tpu.enqueue_indirect_dma source(%dma_start3A_139 : memref<500096x128xf32, #tpu.memory_space<hbm>>) target(%arg6 : memref<128x128xf32, #tpu.memory_space<vmem>>) offsets(%arg10 : memref<128xi32, #tpu.memory_space<vmem>>) semaphore(%arg13 : memref<!tpu.dma_semaphore, #tpu.memory_space<semaphore_mem>>)
    %get3A_140 = arith.constant 1 : i32
    %get3A_141 = arith.index_cast %get3A_140 : i32 to index
    %get3A_142 = arith.constant 0 : index
    %get3A_143 = tpu.vector_load %arg5[%get3A_141, %get3A_142] {strides = array<i32>} : memref<200x128xi32, #tpu.memory_space<vmem>>, vector<16xi32>,
    %ge3A_144 = arith.constant 500096 : i32
    %ge3A_145 = vector.broadcast %ge3A_144 : i32 to vector<16xi32>
    %ge3A_146 = arith.cmpi sge, %get3A_143, %ge3A_145 : vector<16xi32>
    %sub3A_147 = arith.constant 500096 : i32
    %sub3A_148 = vector.broadcast %sub3A_147 : i32 to vector<16xi32>
    %sub3A_149 = arith.subi %get3A_143, %sub3A_148 : vector<16xi32>
    %select_n3A_150 = arith.select %ge3A_146, %sub3A_149, %get3A_143 : vector<16xi1>, vector<16xi32>
    %swap3A_151 = arith.constant 0 : index
    %swap3A_152 = tpu.vector_load %arg11[%swap3A_151] {strides = array<i32>} : memref<128xi32, #tpu.memory_space<vmem>>, vector<16xi32>,
    tpu.vector_store %arg11[%swap3A_151], %select_n3A_150 {strides = array<i32>} : memref<128xi32, #tpu.memory_space<vmem>>, vector<16xi32>,
    %get3A_153 = arith.constant 1 : i32
    %get3A_154 = arith.index_cast %get3A_153 : i32 to index
    %get3A_155 = arith.constant 16 : index
    %get3A_156 = tpu.vector_load %arg5[%get3A_154, %get3A_155] {strides = array<i32>} : memref<200x128xi32, #tpu.memory_space<vmem>>, vector<16xi32>,
    %ge3A_157 = arith.constant 500096 : i32
    %ge3A_158 = vector.broadcast %ge3A_157 : i32 to vector<16xi32>
    %ge3A_159 = arith.cmpi sge, %get3A_156, %ge3A_158 : vector<16xi32>
    %sub3A_160 = arith.constant 500096 : i32
    %sub3A_161 = vector.broadcast %sub3A_160 : i32 to vector<16xi32>
    %sub3A_162 = arith.subi %get3A_156, %sub3A_161 : vector<16xi32>
    %select_n3A_163 = arith.select %ge3A_159, %sub3A_162, %get3A_156 : vector<16xi1>, vector<16xi32>
    %swap3A_164 = arith.constant 16 : index
    %swap3A_165 = tpu.vector_load %arg11[%swap3A_164] {strides = array<i32>} : memref<128xi32, #tpu.memory_space<vmem>>, vector<16xi32>,
    tpu.vector_store %arg11[%swap3A_164], %select_n3A_163 {strides = array<i32>} : memref<128xi32, #tpu.memory_space<vmem>>, vector<16xi32>,
    %get3A_166 = arith.constant 1 : i32
    %get3A_167 = arith.index_cast %get3A_166 : i32 to index
    %get3A_168 = arith.constant 32 : index
    %get3A_169 = tpu.vector_load %arg5[%get3A_167, %get3A_168] {strides = array<i32>} : memref<200x128xi32, #tpu.memory_space<vmem>>, vector<16xi32>,
    %ge3A_170 = arith.constant 500096 : i32
    %ge3A_171 = vector.broadcast %ge3A_170 : i32 to vector<16xi32>
    %ge3A_172 = arith.cmpi sge, %get3A_169, %ge3A_171 : vector<16xi32>
    %sub3A_173 = arith.constant 500096 : i32
    %sub3A_174 = vector.broadcast %sub3A_173 : i32 to vector<16xi32>
    %sub3A_175 = arith.subi %get3A_169, %sub3A_174 : vector<16xi32>
    %select_n3A_176 = arith.select %ge3A_172, %sub3A_175, %get3A_169 : vector<16xi1>, vector<16xi32>
    %swap3A_177 = arith.constant 32 : index
    %swap3A_178 = tpu.vector_load %arg11[%swap3A_177] {strides = array<i32>} : memref<128xi32, #tpu.memory_space<vmem>>, vector<16xi32>,
    tpu.vector_store %arg11[%swap3A_177], %select_n3A_176 {strides = array<i32>} : memref<128xi32, #tpu.memory_space<vmem>>, vector<16xi32>,
    %get3A_179 = arith.constant 1 : i32
    %get3A_180 = arith.index_cast %get3A_179 : i32 to index
    %get3A_181 = arith.constant 48 : index
    %get3A_182 = tpu.vector_load %arg5[%get3A_180, %get3A_181] {strides = array<i32>} : memref<200x128xi32, #tpu.memory_space<vmem>>, vector<16xi32>,
    %ge3A_183 = arith.constant 500096 : i32
    %ge3A_184 = vector.broadcast %ge3A_183 : i32 to vector<16xi32>
    %ge3A_185 = arith.cmpi sge, %get3A_182, %ge3A_184 : vector<16xi32>
    %sub3A_186 = arith.constant 500096 : i32
    %sub3A_187 = vector.broadcast %sub3A_186 : i32 to vector<16xi32>
    %sub3A_188 = arith.subi %get3A_182, %sub3A_187 : vector<16xi32>
    %select_n3A_189 = arith.select %ge3A_185, %sub3A_188, %get3A_182 : vector<16xi1>, vector<16xi32>
    %swap3A_190 = arith.constant 48 : index
    %swap3A_191 = tpu.vector_load %arg11[%swap3A_190] {strides = array<i32>} : memref<128xi32, #tpu.memory_space<vmem>>, vector<16xi32>,
    tpu.vector_store %arg11[%swap3A_190], %select_n3A_189 {strides = array<i32>} : memref<128xi32, #tpu.memory_space<vmem>>, vector<16xi32>,
    %get3A_192 = arith.constant 1 : i32
    %get3A_193 = arith.index_cast %get3A_192 : i32 to index
    %get3A_194 = arith.constant 64 : index
    %get3A_195 = tpu.vector_load %arg5[%get3A_193, %get3A_194] {strides = array<i32>} : memref<200x128xi32, #tpu.memory_space<vmem>>, vector<16xi32>,
    %ge3A_196 = arith.constant 500096 : i32
    %ge3A_197 = vector.broadcast %ge3A_196 : i32 to vector<16xi32>
    %ge3A_198 = arith.cmpi sge, %get3A_195, %ge3A_197 : vector<16xi32>
    %sub3A_199 = arith.constant 500096 : i32
    %sub3A_200 = vector.broadcast %sub3A_199 : i32 to vector<16xi32>
    %sub3A_201 = arith.subi %get3A_195, %sub3A_200 : vector<16xi32>
    %select_n3A_202 = arith.select %ge3A_198, %sub3A_201, %get3A_195 : vector<16xi1>, vector<16xi32>
    %swap3A_203 = arith.constant 64 : index
    %swap3A_204 = tpu.vector_load %arg11[%swap3A_203] {strides = array<i32>} : memref<128xi32, #tpu.memory_space<vmem>>, vector<16xi32>,
    tpu.vector_store %arg11[%swap3A_203], %select_n3A_202 {strides = array<i32>} : memref<128xi32, #tpu.memory_space<vmem>>, vector<16xi32>,
    %get3A_205 = arith.constant 1 : i32
    %get3A_206 = arith.index_cast %get3A_205 : i32 to index
    %get3A_207 = arith.constant 80 : index
    %get3A_208 = tpu.vector_load %arg5[%get3A_206, %get3A_207] {strides = array<i32>} : memref<200x128xi32, #tpu.memory_space<vmem>>, vector<16xi32>,
    %ge3A_209 = arith.constant 500096 : i32
    %ge3A_210 = vector.broadcast %ge3A_209 : i32 to vector<16xi32>
    %ge3A_211 = arith.cmpi sge, %get3A_208, %ge3A_210 : vector<16xi32>
    %sub3A_212 = arith.constant 500096 : i32
    %sub3A_213 = vector.broadcast %sub3A_212 : i32 to vector<16xi32>
    %sub3A_214 = arith.subi %get3A_208, %sub3A_213 : vector<16xi32>
    %select_n3A_215 = arith.select %ge3A_211, %sub3A_214, %get3A_208 : vector<16xi1>, vector<16xi32>
    %swap3A_216 = arith.constant 80 : index
    %swap3A_217 = tpu.vector_load %arg11[%swap3A_216] {strides = array<i32>} : memref<128xi32, #tpu.memory_space<vmem>>, vector<16xi32>,
    tpu.vector_store %arg11[%swap3A_216], %select_n3A_215 {strides = array<i32>} : memref<128xi32, #tpu.memory_space<vmem>>, vector<16xi32>,
    %get3A_218 = arith.constant 1 : i32
    %get3A_219 = arith.index_cast %get3A_218 : i32 to index
    %get3A_220 = arith.constant 96 : index
    %get3A_221 = tpu.vector_load %arg5[%get3A_219, %get3A_220] {strides = array<i32>} : memref<200x128xi32, #tpu.memory_space<vmem>>, vector<16xi32>,
    %ge3A_222 = arith.constant 500096 : i32
    %ge3A_223 = vector.broadcast %ge3A_222 : i32 to vector<16xi32>
    %ge3A_224 = arith.cmpi sge, %get3A_221, %ge3A_223 : vector<16xi32>
    %sub3A_225 = arith.constant 500096 : i32
    %sub3A_226 = vector.broadcast %sub3A_225 : i32 to vector<16xi32>
    %sub3A_227 = arith.subi %get3A_221, %sub3A_226 : vector<16xi32>
    %select_n3A_228 = arith.select %ge3A_224, %sub3A_227, %get3A_221 : vector<16xi1>, vector<16xi32>
    %swap3A_229 = arith.constant 96 : index
    %swap3A_230 = tpu.vector_load %arg11[%swap3A_229] {strides = array<i32>} : memref<128xi32, #tpu.memory_space<vmem>>, vector<16xi32>,
    tpu.vector_store %arg11[%swap3A_229], %select_n3A_228 {strides = array<i32>} : memref<128xi32, #tpu.memory_space<vmem>>, vector<16xi32>,
    %get3A_231 = arith.constant 1 : i32
    %get3A_232 = arith.index_cast %get3A_231 : i32 to index
    %get3A_233 = arith.constant 112 : index
    %get3A_234 = tpu.vector_load %arg5[%get3A_232, %get3A_233] {strides = array<i32>} : memref<200x128xi32, #tpu.memory_space<vmem>>, vector<16xi32>,
    %ge3A_235 = arith.constant 500096 : i32
    %ge3A_236 = vector.broadcast %ge3A_235 : i32 to vector<16xi32>
    %ge3A_237 = arith.cmpi sge, %get3A_234, %ge3A_236 : vector<16xi32>
    %sub3A_238 = arith.constant 500096 : i32
    %sub3A_239 = vector.broadcast %sub3A_238 : i32 to vector<16xi32>
    %sub3A_240 = arith.subi %get3A_234, %sub3A_239 : vector<16xi32>
    %select_n3A_241 = arith.select %ge3A_237, %sub3A_240, %get3A_234 : vector<16xi1>, vector<16xi32>
    %swap3A_242 = arith.constant 112 : index
    %swap3A_243 = tpu.vector_load %arg11[%swap3A_242] {strides = array<i32>} : memref<128xi32, #tpu.memory_space<vmem>>, vector<16xi32>,
    tpu.vector_store %arg11[%swap3A_242], %select_n3A_241 {strides = array<i32>} : memref<128xi32, #tpu.memory_space<vmem>>, vector<16xi32>,
    %dma_start3A_244 = arith.constant 0 : i32
    %dma_start3A_245 = arith.constant 0 : i32
    %dma_start3A_246 = tpu.memref_slice %arg3[%dma_start3A_244, %dma_start3A_245] : memref<500096x128xf32, #tpu.memory_space<hbm>> -> memref<500096x128xf32, #tpu.memory_space<hbm>>
    tpu.enqueue_indirect_dma source(%dma_start3A_246 : memref<500096x128xf32, #tpu.memory_space<hbm>>) target(%arg7 : memref<128x128xf32, #tpu.memory_space<vmem>>) offsets(%arg11 : memref<128xi32, #tpu.memory_space<vmem>>) semaphore(%arg14 : memref<!tpu.dma_semaphore, #tpu.memory_space<semaphore_mem>>)
    %scan3A = arith.constant 0 : i32
    %scan3A_247 = arith.constant 0 : i32
    %scan3A_248 = arith.constant 100 : i32
    %scan3A_249 = arith.addi %scan3A_247, %scan3A_248 : i32
    %scan3A_250 = arith.constant 1 : i32
    scf.for %scan3A_443 = %scan3A_247 to %scan3A_249 step %scan3A_250  : i32 {
      %mul3A_444 = arith.constant 2 : i32
      %mul3A_445 = arith.muli %scan3A_443, %mul3A_444 : i32
      %add3A_446 = arith.constant 0 : i32
      %add3A_447 = arith.addi %mul3A_445, %add3A_446 : i32
      %dma_wait3A_448 = arith.constant 0 : i32
      %dma_wait3A_449 = arith.constant 0 : i32
      %dma_wait3A_450 = tpu.memref_slice %arg3[%dma_wait3A_448, %dma_wait3A_449] : memref<500096x128xf32, #tpu.memory_space<hbm>> -> memref<500096x128xf32, #tpu.memory_space<hbm>>
      tpu.wait_indirect_dma semaphore(%arg13 : memref<!tpu.dma_semaphore, #tpu.memory_space<semaphore_mem>>) src(%dma_wait3A_450 : memref<500096x128xf32, #tpu.memory_space<hbm>>) dst(%arg6 : memref<128x128xf32, #tpu.memory_space<vmem>>)
      %get3A_451 = arith.index_cast %add3A_447 : i32 to index
      %get3A_452 = arith.constant 0 : index
      %get3A_453 = tpu.vector_load %arg5[%get3A_451, %get3A_452] {strides = array<i32>} : memref<200x128xi32, #tpu.memory_space<vmem>>, vector<16xi32>,
      %ge3A_454 = arith.constant 500096 : i32
      %ge3A_455 = vector.broadcast %ge3A_454 : i32 to vector<16xi32>
      %ge3A_456 = arith.cmpi sge, %get3A_453, %ge3A_455 : vector<16xi32>
      %jit3A = arith.constant 1 : i32
      %jit3A_457 = arith.constant 0 : i32
      %broadcast_in_dim3A = vector.broadcast %jit3A : i32 to vector<16xi32>
      %broadcast_in_dim3A_458 = vector.broadcast %jit3A_457 : i32 to vector<16xi32>
      %select_n3A_459 = arith.select %ge3A_456, %broadcast_in_dim3A, %broadcast_in_dim3A_458 : vector<16xi1>, vector<16xi32>
      %swap3A_460 = arith.constant 0 : index
      %swap3A_461 = tpu.vector_load %arg12[%swap3A_460] {strides = array<i32>} : memref<128xi32, #tpu.memory_space<vmem>>, vector<16xi32>,
      tpu.vector_store %arg12[%swap3A_460], %select_n3A_459 {strides = array<i32>} : memref<128xi32, #tpu.memory_space<vmem>>, vector<16xi32>,
      %get3A_462 = arith.index_cast %add3A_447 : i32 to index
      %get3A_463 = arith.constant 16 : index
      %get3A_464 = tpu.vector_load %arg5[%get3A_462, %get3A_463] {strides = array<i32>} : memref<200x128xi32, #tpu.memory_space<vmem>>, vector<16xi32>,
      %ge3A_465 = arith.constant 500096 : i32
      %ge3A_466 = vector.broadcast %ge3A_465 : i32 to vector<16xi32>
      %ge3A_467 = arith.cmpi sge, %get3A_464, %ge3A_466 : vector<16xi32>
      %jit3A_468 = arith.constant 1 : i32
      %jit3A_469 = arith.constant 0 : i32
      %broadcast_in_dim3A_470 = vector.broadcast %jit3A_468 : i32 to vector<16xi32>
      %broadcast_in_dim3A_471 = vector.broadcast %jit3A_469 : i32 to vector<16xi32>
      %select_n3A_472 = arith.select %ge3A_467, %broadcast_in_dim3A_470, %broadcast_in_dim3A_471 : vector<16xi1>, vector<16xi32>
      %swap3A_473 = arith.constant 16 : index
      %swap3A_474 = tpu.vector_load %arg12[%swap3A_473] {strides = array<i32>} : memref<128xi32, #tpu.memory_space<vmem>>, vector<16xi32>,
      tpu.vector_store %arg12[%swap3A_473], %select_n3A_472 {strides = array<i32>} : memref<128xi32, #tpu.memory_space<vmem>>, vector<16xi32>,
      %get3A_475 = arith.index_cast %add3A_447 : i32 to index
      %get3A_476 = arith.constant 32 : index
      %get3A_477 = tpu.vector_load %arg5[%get3A_475, %get3A_476] {strides = array<i32>} : memref<200x128xi32, #tpu.memory_space<vmem>>, vector<16xi32>,
      %ge3A_478 = arith.constant 500096 : i32
      %ge3A_479 = vector.broadcast %ge3A_478 : i32 to vector<16xi32>
      %ge3A_480 = arith.cmpi sge, %get3A_477, %ge3A_479 : vector<16xi32>
      %jit3A_481 = arith.constant 1 : i32
      %jit3A_482 = arith.constant 0 : i32
      %broadcast_in_dim3A_483 = vector.broadcast %jit3A_481 : i32 to vector<16xi32>
      %broadcast_in_dim3A_484 = vector.broadcast %jit3A_482 : i32 to vector<16xi32>
      %select_n3A_485 = arith.select %ge3A_480, %broadcast_in_dim3A_483, %broadcast_in_dim3A_484 : vector<16xi1>, vector<16xi32>
      %swap3A_486 = arith.constant 32 : index
      %swap3A_487 = tpu.vector_load %arg12[%swap3A_486] {strides = array<i32>} : memref<128xi32, #tpu.memory_space<vmem>>, vector<16xi32>,
      tpu.vector_store %arg12[%swap3A_486], %select_n3A_485 {strides = array<i32>} : memref<128xi32, #tpu.memory_space<vmem>>, vector<16xi32>,
      %get3A_488 = arith.index_cast %add3A_447 : i32 to index
      %get3A_489 = arith.constant 48 : index
      %get3A_490 = tpu.vector_load %arg5[%get3A_488, %get3A_489] {strides = array<i32>} : memref<200x128xi32, #tpu.memory_space<vmem>>, vector<16xi32>,
      %ge3A_491 = arith.constant 500096 : i32
      %ge3A_492 = vector.broadcast %ge3A_491 : i32 to vector<16xi32>
      %ge3A_493 = arith.cmpi sge, %get3A_490, %ge3A_492 : vector<16xi32>
      %jit3A_494 = arith.constant 1 : i32
      %jit3A_495 = arith.constant 0 : i32
      %broadcast_in_dim3A_496 = vector.broadcast %jit3A_494 : i32 to vector<16xi32>
      %broadcast_in_dim3A_497 = vector.broadcast %jit3A_495 : i32 to vector<16xi32>
      %select_n3A_498 = arith.select %ge3A_493, %broadcast_in_dim3A_496, %broadcast_in_dim3A_497 : vector<16xi1>, vector<16xi32>
      %swap3A_499 = arith.constant 48 : index
      %swap3A_500 = tpu.vector_load %arg12[%swap3A_499] {strides = array<i32>} : memref<128xi32, #tpu.memory_space<vmem>>, vector<16xi32>,
      tpu.vector_store %arg12[%swap3A_499], %select_n3A_498 {strides = array<i32>} : memref<128xi32, #tpu.memory_space<vmem>>, vector<16xi32>,
      %get3A_501 = arith.index_cast %add3A_447 : i32 to index
      %get3A_502 = arith.constant 64 : index
      %get3A_503 = tpu.vector_load %arg5[%get3A_501, %get3A_502] {strides = array<i32>} : memref<200x128xi32, #tpu.memory_space<vmem>>, vector<16xi32>,
      %ge3A_504 = arith.constant 500096 : i32
      %ge3A_505 = vector.broadcast %ge3A_504 : i32 to vector<16xi32>
      %ge3A_506 = arith.cmpi sge, %get3A_503, %ge3A_505 : vector<16xi32>
      %jit3A_507 = arith.constant 1 : i32
      %jit3A_508 = arith.constant 0 : i32
      %broadcast_in_dim3A_509 = vector.broadcast %jit3A_507 : i32 to vector<16xi32>
      %broadcast_in_dim3A_510 = vector.broadcast %jit3A_508 : i32 to vector<16xi32>
      %select_n3A_511 = arith.select %ge3A_506, %broadcast_in_dim3A_509, %broadcast_in_dim3A_510 : vector<16xi1>, vector<16xi32>
      %swap3A_512 = arith.constant 64 : index
      %swap3A_513 = tpu.vector_load %arg12[%swap3A_512] {strides = array<i32>} : memref<128xi32, #tpu.memory_space<vmem>>, vector<16xi32>,
      tpu.vector_store %arg12[%swap3A_512], %select_n3A_511 {strides = array<i32>} : memref<128xi32, #tpu.memory_space<vmem>>, vector<16xi32>,
      %get3A_514 = arith.index_cast %add3A_447 : i32 to index
      %get3A_515 = arith.constant 80 : index
      %get3A_516 = tpu.vector_load %arg5[%get3A_514, %get3A_515] {strides = array<i32>} : memref<200x128xi32, #tpu.memory_space<vmem>>, vector<16xi32>,
      %ge3A_517 = arith.constant 500096 : i32
      %ge3A_518 = vector.broadcast %ge3A_517 : i32 to vector<16xi32>
      %ge3A_519 = arith.cmpi sge, %get3A_516, %ge3A_518 : vector<16xi32>
      %jit3A_520 = arith.constant 1 : i32
      %jit3A_521 = arith.constant 0 : i32
      %broadcast_in_dim3A_522 = vector.broadcast %jit3A_520 : i32 to vector<16xi32>
      %broadcast_in_dim3A_523 = vector.broadcast %jit3A_521 : i32 to vector<16xi32>
      %select_n3A_524 = arith.select %ge3A_519, %broadcast_in_dim3A_522, %broadcast_in_dim3A_523 : vector<16xi1>, vector<16xi32>
      %swap3A_525 = arith.constant 80 : index
      %swap3A_526 = tpu.vector_load %arg12[%swap3A_525] {strides = array<i32>} : memref<128xi32, #tpu.memory_space<vmem>>, vector<16xi32>,
      tpu.vector_store %arg12[%swap3A_525], %select_n3A_524 {strides = array<i32>} : memref<128xi32, #tpu.memory_space<vmem>>, vector<16xi32>,
      %get3A_527 = arith.index_cast %add3A_447 : i32 to index
      %get3A_528 = arith.constant 96 : index
      %get3A_529 = tpu.vector_load %arg5[%get3A_527, %get3A_528] {strides = array<i32>} : memref<200x128xi32, #tpu.memory_space<vmem>>, vector<16xi32>,
      %ge3A_530 = arith.constant 500096 : i32
      %ge3A_531 = vector.broadcast %ge3A_530 : i32 to vector<16xi32>
      %ge3A_532 = arith.cmpi sge, %get3A_529, %ge3A_531 : vector<16xi32>
      %jit3A_533 = arith.constant 1 : i32
      %jit3A_534 = arith.constant 0 : i32
      %broadcast_in_dim3A_535 = vector.broadcast %jit3A_533 : i32 to vector<16xi32>
      %broadcast_in_dim3A_536 = vector.broadcast %jit3A_534 : i32 to vector<16xi32>
      %select_n3A_537 = arith.select %ge3A_532, %broadcast_in_dim3A_535, %broadcast_in_dim3A_536 : vector<16xi1>, vector<16xi32>
      %swap3A_538 = arith.constant 96 : index
      %swap3A_539 = tpu.vector_load %arg12[%swap3A_538] {strides = array<i32>} : memref<128xi32, #tpu.memory_space<vmem>>, vector<16xi32>,
      tpu.vector_store %arg12[%swap3A_538], %select_n3A_537 {strides = array<i32>} : memref<128xi32, #tpu.memory_space<vmem>>, vector<16xi32>,
      %get3A_540 = arith.index_cast %add3A_447 : i32 to index
      %get3A_541 = arith.constant 112 : index
      %get3A_542 = tpu.vector_load %arg5[%get3A_540, %get3A_541] {strides = array<i32>} : memref<200x128xi32, #tpu.memory_space<vmem>>, vector<16xi32>,
      %ge3A_543 = arith.constant 500096 : i32
      %ge3A_544 = vector.broadcast %ge3A_543 : i32 to vector<16xi32>
      %ge3A_545 = arith.cmpi sge, %get3A_542, %ge3A_544 : vector<16xi32>
      %jit3A_546 = arith.constant 1 : i32
      %jit3A_547 = arith.constant 0 : i32
      %broadcast_in_dim3A_548 = vector.broadcast %jit3A_546 : i32 to vector<16xi32>
      %broadcast_in_dim3A_549 = vector.broadcast %jit3A_547 : i32 to vector<16xi32>
      %select_n3A_550 = arith.select %ge3A_545, %broadcast_in_dim3A_548, %broadcast_in_dim3A_549 : vector<16xi1>, vector<16xi32>
      %swap3A_551 = arith.constant 112 : index
      %swap3A_552 = tpu.vector_load %arg12[%swap3A_551] {strides = array<i32>} : memref<128xi32, #tpu.memory_space<vmem>>, vector<16xi32>,
      tpu.vector_store %arg12[%swap3A_551], %select_n3A_550 {strides = array<i32>} : memref<128xi32, #tpu.memory_space<vmem>>, vector<16xi32>,
      %ge3A_553 = arith.constant 2 : i32
      %ge3A_554 = arith.cmpi sge, %add3A_447, %ge3A_553 : i32
      %convert_element_type3A = arith.extui %ge3A_554 : i1 to i32
      %cond3A = arith.constant 0 : i32
      %cond3A_555 = arith.cmpi ne, %convert_element_type3A, %cond3A : i32
      scf.if %cond3A_555 {
        %sub3A_866 = arith.constant 2 : i32
        %sub3A_867 = arith.subi %add3A_447, %sub3A_866 : i32
        %dma_wait3A_868 = arith.constant 0 : i32
        %dma_wait3A_869 = arith.constant 0 : i32
        %dma_wait3A_870 = tpu.memref_slice %arg8[%dma_wait3A_869] : memref<8192xf32, #tpu.memory_space<vmem>> -> memref<1024xf32, #tpu.memory_space<vmem>>
        %dma_wait3A_871 = arith.constant 0 : i32
        %dma_wait3A_872 = tpu.memref_slice %arg4[%sub3A_867, %dma_wait3A_868, %add3A, %dma_wait3A_871] : memref<200x8x32x1024xf32, #tpu.memory_space<hbm>> -> memref<1x1x1x1024xf32, #tpu.memory_space<hbm>>
        %dma_wait3A_873 = tpu.memref_squeeze %dma_wait3A_872 : memref<1x1x1x1024xf32, #tpu.memory_space<hbm>> -> memref<1024xf32, #tpu.memory_space<hbm>>
        %dma_wait3A_874 = arith.constant 0 : i32
        %dma_wait3A_875 = tpu.memref_slice %arg4[%sub3A_867, %dma_wait3A_868, %add3A, %dma_wait3A_874] : memref<200x8x32x1024xf32, #tpu.memory_space<hbm>> -> memref<1x1x1x1024xf32, #tpu.memory_space<hbm>>
        %dma_wait3A_876 = tpu.memref_squeeze %dma_wait3A_875 : memref<1x1x1x1024xf32, #tpu.memory_space<hbm>> -> memref<1024xf32, #tpu.memory_space<hbm>>
        %dma_wait3A_877 = arith.constant 0 : i32
        %dma_wait3A_878 = tpu.memref_slice %arg8[%dma_wait3A_877] : memref<8192xf32, #tpu.memory_space<vmem>> -> memref<1024xf32, #tpu.memory_space<vmem>>
        tpu.wait_dma2 semaphore(%arg15 : memref<!tpu.dma_semaphore, #tpu.memory_space<semaphore_mem>>) src(%dma_wait3A_878 : memref<1024xf32, #tpu.memory_space<vmem>>) dst(%dma_wait3A_876 : memref<1024xf32, #tpu.memory_space<hbm>>)
        %dma_wait3A_879 = arith.constant 1 : i32
        %dma_wait3A_880 = arith.constant 1024 : i32
        %dma_wait3A_881 = tpu.memref_slice %arg8[%dma_wait3A_880] : memref<8192xf32, #tpu.memory_space<vmem>> -> memref<1024xf32, #tpu.memory_space<vmem>>
        %dma_wait3A_882 = arith.constant 0 : i32
        %dma_wait3A_883 = tpu.memref_slice %arg4[%sub3A_867, %dma_wait3A_879, %add3A, %dma_wait3A_882] : memref<200x8x32x1024xf32, #tpu.memory_space<hbm>> -> memref<1x1x1x1024xf32, #tpu.memory_space<hbm>>
        %dma_wait3A_884 = tpu.memref_squeeze %dma_wait3A_883 : memref<1x1x1x1024xf32, #tpu.memory_space<hbm>> -> memref<1024xf32, #tpu.memory_space<hbm>>
        %dma_wait3A_885 = arith.constant 0 : i32
        %dma_wait3A_886 = tpu.memref_slice %arg4[%sub3A_867, %dma_wait3A_879, %add3A, %dma_wait3A_885] : memref<200x8x32x1024xf32, #tpu.memory_space<hbm>> -> memref<1x1x1x1024xf32, #tpu.memory_space<hbm>>
        %dma_wait3A_887 = tpu.memref_squeeze %dma_wait3A_886 : memref<1x1x1x1024xf32, #tpu.memory_space<hbm>> -> memref<1024xf32, #tpu.memory_space<hbm>>
        %dma_wait3A_888 = arith.constant 1024 : i32
        %dma_wait3A_889 = tpu.memref_slice %arg8[%dma_wait3A_888] : memref<8192xf32, #tpu.memory_space<vmem>> -> memref<1024xf32, #tpu.memory_space<vmem>>
        tpu.wait_dma2 semaphore(%arg15 : memref<!tpu.dma_semaphore, #tpu.memory_space<semaphore_mem>>) src(%dma_wait3A_889 : memref<1024xf32, #tpu.memory_space<vmem>>) dst(%dma_wait3A_887 : memref<1024xf32, #tpu.memory_space<hbm>>)
        %dma_wait3A_890 = arith.constant 2 : i32
        %dma_wait3A_891 = arith.constant 2048 : i32
        %dma_wait3A_892 = tpu.memref_slice %arg8[%dma_wait3A_891] : memref<8192xf32, #tpu.memory_space<vmem>> -> memref<1024xf32, #tpu.memory_space<vmem>>
        %dma_wait3A_893 = arith.constant 0 : i32
        %dma_wait3A_894 = tpu.memref_slice %arg4[%sub3A_867, %dma_wait3A_890, %add3A, %dma_wait3A_893] : memref<200x8x32x1024xf32, #tpu.memory_space<hbm>> -> memref<1x1x1x1024xf32, #tpu.memory_space<hbm>>
        %dma_wait3A_895 = tpu.memref_squeeze %dma_wait3A_894 : memref<1x1x1x1024xf32, #tpu.memory_space<hbm>> -> memref<1024xf32, #tpu.memory_space<hbm>>
        %dma_wait3A_896 = arith.constant 0 : i32
        %dma_wait3A_897 = tpu.memref_slice %arg4[%sub3A_867, %dma_wait3A_890, %add3A, %dma_wait3A_896] : memref<200x8x32x1024xf32, #tpu.memory_space<hbm>> -> memref<1x1x1x1024xf32, #tpu.memory_space<hbm>>
        %dma_wait3A_898 = tpu.memref_squeeze %dma_wait3A_897 : memref<1x1x1x1024xf32, #tpu.memory_space<hbm>> -> memref<1024xf32, #tpu.memory_space<hbm>>
        %dma_wait3A_899 = arith.constant 2048 : i32
        %dma_wait3A_900 = tpu.memref_slice %arg8[%dma_wait3A_899] : memref<8192xf32, #tpu.memory_space<vmem>> -> memref<1024xf32, #tpu.memory_space<vmem>>
        tpu.wait_dma2 semaphore(%arg15 : memref<!tpu.dma_semaphore, #tpu.memory_space<semaphore_mem>>) src(%dma_wait3A_900 : memref<1024xf32, #tpu.memory_space<vmem>>) dst(%dma_wait3A_898 : memref<1024xf32, #tpu.memory_space<hbm>>)
        %dma_wait3A_901 = arith.constant 3 : i32
        %dma_wait3A_902 = arith.constant 3072 : i32
        %dma_wait3A_903 = tpu.memref_slice %arg8[%dma_wait3A_902] : memref<8192xf32, #tpu.memory_space<vmem>> -> memref<1024xf32, #tpu.memory_space<vmem>>
        %dma_wait3A_904 = arith.constant 0 : i32
        %dma_wait3A_905 = tpu.memref_slice %arg4[%sub3A_867, %dma_wait3A_901, %add3A, %dma_wait3A_904] : memref<200x8x32x1024xf32, #tpu.memory_space<hbm>> -> memref<1x1x1x1024xf32, #tpu.memory_space<hbm>>
        %dma_wait3A_906 = tpu.memref_squeeze %dma_wait3A_905 : memref<1x1x1x1024xf32, #tpu.memory_space<hbm>> -> memref<1024xf32, #tpu.memory_space<hbm>>
        %dma_wait3A_907 = arith.constant 0 : i32
        %dma_wait3A_908 = tpu.memref_slice %arg4[%sub3A_867, %dma_wait3A_901, %add3A, %dma_wait3A_907] : memref<200x8x32x1024xf32, #tpu.memory_space<hbm>> -> memref<1x1x1x1024xf32, #tpu.memory_space<hbm>>
        %dma_wait3A_909 = tpu.memref_squeeze %dma_wait3A_908 : memref<1x1x1x1024xf32, #tpu.memory_space<hbm>> -> memref<1024xf32, #tpu.memory_space<hbm>>
        %dma_wait3A_910 = arith.constant 3072 : i32
        %dma_wait3A_911 = tpu.memref_slice %arg8[%dma_wait3A_910] : memref<8192xf32, #tpu.memory_space<vmem>> -> memref<1024xf32, #tpu.memory_space<vmem>>
        tpu.wait_dma2 semaphore(%arg15 : memref<!tpu.dma_semaphore, #tpu.memory_space<semaphore_mem>>) src(%dma_wait3A_911 : memref<1024xf32, #tpu.memory_space<vmem>>) dst(%dma_wait3A_909 : memref<1024xf32, #tpu.memory_space<hbm>>)
        %dma_wait3A_912 = arith.constant 4 : i32
        %dma_wait3A_913 = arith.constant 4096 : i32
        %dma_wait3A_914 = tpu.memref_slice %arg8[%dma_wait3A_913] : memref<8192xf32, #tpu.memory_space<vmem>> -> memref<1024xf32, #tpu.memory_space<vmem>>
        %dma_wait3A_915 = arith.constant 0 : i32
        %dma_wait3A_916 = tpu.memref_slice %arg4[%sub3A_867, %dma_wait3A_912, %add3A, %dma_wait3A_915] : memref<200x8x32x1024xf32, #tpu.memory_space<hbm>> -> memref<1x1x1x1024xf32, #tpu.memory_space<hbm>>
        %dma_wait3A_917 = tpu.memref_squeeze %dma_wait3A_916 : memref<1x1x1x1024xf32, #tpu.memory_space<hbm>> -> memref<1024xf32, #tpu.memory_space<hbm>>
        %dma_wait3A_918 = arith.constant 0 : i32
        %dma_wait3A_919 = tpu.memref_slice %arg4[%sub3A_867, %dma_wait3A_912, %add3A, %dma_wait3A_918] : memref<200x8x32x1024xf32, #tpu.memory_space<hbm>> -> memref<1x1x1x1024xf32, #tpu.memory_space<hbm>>
        %dma_wait3A_920 = tpu.memref_squeeze %dma_wait3A_919 : memref<1x1x1x1024xf32, #tpu.memory_space<hbm>> -> memref<1024xf32, #tpu.memory_space<hbm>>
        %dma_wait3A_921 = arith.constant 4096 : i32
        %dma_wait3A_922 = tpu.memref_slice %arg8[%dma_wait3A_921] : memref<8192xf32, #tpu.memory_space<vmem>> -> memref<1024xf32, #tpu.memory_space<vmem>>
        tpu.wait_dma2 semaphore(%arg15 : memref<!tpu.dma_semaphore, #tpu.memory_space<semaphore_mem>>) src(%dma_wait3A_922 : memref<1024xf32, #tpu.memory_space<vmem>>) dst(%dma_wait3A_920 : memref<1024xf32, #tpu.memory_space<hbm>>)
        %dma_wait3A_923 = arith.constant 5 : i32
        %dma_wait3A_924 = arith.constant 5120 : i32
        %dma_wait3A_925 = tpu.memref_slice %arg8[%dma_wait3A_924] : memref<8192xf32, #tpu.memory_space<vmem>> -> memref<1024xf32, #tpu.memory_space<vmem>>
        %dma_wait3A_926 = arith.constant 0 : i32
        %dma_wait3A_927 = tpu.memref_slice %arg4[%sub3A_867, %dma_wait3A_923, %add3A, %dma_wait3A_926] : memref<200x8x32x1024xf32, #tpu.memory_space<hbm>> -> memref<1x1x1x1024xf32, #tpu.memory_space<hbm>>
        %dma_wait3A_928 = tpu.memref_squeeze %dma_wait3A_927 : memref<1x1x1x1024xf32, #tpu.memory_space<hbm>> -> memref<1024xf32, #tpu.memory_space<hbm>>
        %dma_wait3A_929 = arith.constant 0 : i32
        %dma_wait3A_930 = tpu.memref_slice %arg4[%sub3A_867, %dma_wait3A_923, %add3A, %dma_wait3A_929] : memref<200x8x32x1024xf32, #tpu.memory_space<hbm>> -> memref<1x1x1x1024xf32, #tpu.memory_space<hbm>>
        %dma_wait3A_931 = tpu.memref_squeeze %dma_wait3A_930 : memref<1x1x1x1024xf32, #tpu.memory_space<hbm>> -> memref<1024xf32, #tpu.memory_space<hbm>>
        %dma_wait3A_932 = arith.constant 5120 : i32
        %dma_wait3A_933 = tpu.memref_slice %arg8[%dma_wait3A_932] : memref<8192xf32, #tpu.memory_space<vmem>> -> memref<1024xf32, #tpu.memory_space<vmem>>
        tpu.wait_dma2 semaphore(%arg15 : memref<!tpu.dma_semaphore, #tpu.memory_space<semaphore_mem>>) src(%dma_wait3A_933 : memref<1024xf32, #tpu.memory_space<vmem>>) dst(%dma_wait3A_931 : memref<1024xf32, #tpu.memory_space<hbm>>)
        %dma_wait3A_934 = arith.constant 6 : i32
        %dma_wait3A_935 = arith.constant 6144 : i32
        %dma_wait3A_936 = tpu.memref_slice %arg8[%dma_wait3A_935] : memref<8192xf32, #tpu.memory_space<vmem>> -> memref<1024xf32, #tpu.memory_space<vmem>>
        %dma_wait3A_937 = arith.constant 0 : i32
        %dma_wait3A_938 = tpu.memref_slice %arg4[%sub3A_867, %dma_wait3A_934, %add3A, %dma_wait3A_937] : memref<200x8x32x1024xf32, #tpu.memory_space<hbm>> -> memref<1x1x1x1024xf32, #tpu.memory_space<hbm>>
        %dma_wait3A_939 = tpu.memref_squeeze %dma_wait3A_938 : memref<1x1x1x1024xf32, #tpu.memory_space<hbm>> -> memref<1024xf32, #tpu.memory_space<hbm>>
        %dma_wait3A_940 = arith.constant 0 : i32
        %dma_wait3A_941 = tpu.memref_slice %arg4[%sub3A_867, %dma_wait3A_934, %add3A, %dma_wait3A_940] : memref<200x8x32x1024xf32, #tpu.memory_space<hbm>> -> memref<1x1x1x1024xf32, #tpu.memory_space<hbm>>
        %dma_wait3A_942 = tpu.memref_squeeze %dma_wait3A_941 : memref<1x1x1x1024xf32, #tpu.memory_space<hbm>> -> memref<1024xf32, #tpu.memory_space<hbm>>
        %dma_wait3A_943 = arith.constant 6144 : i32
        %dma_wait3A_944 = tpu.memref_slice %arg8[%dma_wait3A_943] : memref<8192xf32, #tpu.memory_space<vmem>> -> memref<1024xf32, #tpu.memory_space<vmem>>
        tpu.wait_dma2 semaphore(%arg15 : memref<!tpu.dma_semaphore, #tpu.memory_space<semaphore_mem>>) src(%dma_wait3A_944 : memref<1024xf32, #tpu.memory_space<vmem>>) dst(%dma_wait3A_942 : memref<1024xf32, #tpu.memory_space<hbm>>)
        %dma_wait3A_945 = arith.constant 7 : i32
        %dma_wait3A_946 = arith.constant 7168 : i32
        %dma_wait3A_947 = tpu.memref_slice %arg8[%dma_wait3A_946] : memref<8192xf32, #tpu.memory_space<vmem>> -> memref<1024xf32, #tpu.memory_space<vmem>>
        %dma_wait3A_948 = arith.constant 0 : i32
        %dma_wait3A_949 = tpu.memref_slice %arg4[%sub3A_867, %dma_wait3A_945, %add3A, %dma_wait3A_948] : memref<200x8x32x1024xf32, #tpu.memory_space<hbm>> -> memref<1x1x1x1024xf32, #tpu.memory_space<hbm>>
        %dma_wait3A_950 = tpu.memref_squeeze %dma_wait3A_949 : memref<1x1x1x1024xf32, #tpu.memory_space<hbm>> -> memref<1024xf32, #tpu.memory_space<hbm>>
        %dma_wait3A_951 = arith.constant 0 : i32
        %dma_wait3A_952 = tpu.memref_slice %arg4[%sub3A_867, %dma_wait3A_945, %add3A, %dma_wait3A_951] : memref<200x8x32x1024xf32, #tpu.memory_space<hbm>> -> memref<1x1x1x1024xf32, #tpu.memory_space<hbm>>
        %dma_wait3A_953 = tpu.memref_squeeze %dma_wait3A_952 : memref<1x1x1x1024xf32, #tpu.memory_space<hbm>> -> memref<1024xf32, #tpu.memory_space<hbm>>
        %dma_wait3A_954 = arith.constant 7168 : i32
        %dma_wait3A_955 = tpu.memref_slice %arg8[%dma_wait3A_954] : memref<8192xf32, #tpu.memory_space<vmem>> -> memref<1024xf32, #tpu.memory_space<vmem>>
        tpu.wait_dma2 semaphore(%arg15 : memref<!tpu.dma_semaphore, #tpu.memory_space<semaphore_mem>>) src(%dma_wait3A_955 : memref<1024xf32, #tpu.memory_space<vmem>>) dst(%dma_wait3A_953 : memref<1024xf32, #tpu.memory_space<hbm>>)
      } else {
      }
      %parallel_loop3A = arith.constant 0 : i32
      %parallel_loop3A_556 = arith.constant 16 : i32
      %parallel_loop3A_557 = arith.constant 1 : i32
      scf.for %parallel_loop3A_866 = %parallel_loop3A to %parallel_loop3A_556 step %parallel_loop3A_557  : i32 {
        %parallel_loop3A_867 = vector.broadcast %parallel_loop3A_866 : i32 to vector<16xi32>
        %parallel_loop3A_868 = arith.addi %iota3A, %parallel_loop3A_867 : vector<16xi32>
        %parallel_loop3A_869 = arith.constant 15 : i32
        %parallel_loop3A_870 = vector.broadcast %parallel_loop3A_869 : i32 to vector<16xi32>
        %parallel_loop3A_871 = arith.andi %parallel_loop3A_868, %parallel_loop3A_870 : vector<16xi32>
        %parallel_loop3A_872 = arith.constant 0 : i32
        %parallel_loop3A_873 = vector.broadcast %parallel_loop3A_872 : i32 to vector<16xi32>
        %parallel_loop3A_874 = arith.addi %parallel_loop3A_871, %parallel_loop3A_873 : vector<16xi32>
        %parallel_loop3A_875 = tpu.vector_load_idx %arg12[%parallel_loop3A_874] : memref<128xi32, #tpu.memory_space<vmem>>[vector<16xi32>], vector<16xi32>,
        %parallel_loop3A_876 = arith.constant 64 : i32
        %parallel_loop3A_877 = vector.broadcast %parallel_loop3A_876 : i32 to vector<16xi32>
        %parallel_loop3A_878 = arith.muli %parallel_loop3A_875, %parallel_loop3A_877 : vector<16xi32>
        %parallel_loop3A_879 = arith.addi %parallel_loop3A_878, %add3A_5 : vector<16xi32>
        %parallel_loop3A_880 = tpu.vector_load_idx %arg6[%parallel_loop3A_874, %parallel_loop3A_879] : memref<128x128xf32, #tpu.memory_space<vmem>>[vector<16xi32>, vector<16xi32>], vector<16xf32>,
        %parallel_loop3A_881 = arith.addi %mul3A_20, %parallel_loop3A_874 : vector<16xi32>
        %parallel_loop3A_882 = arith.constant 8.000000e+00 : f32
        %parallel_loop3A_883 = vector.broadcast %parallel_loop3A_882 : f32 to vector<16xf32>
        %parallel_loop3A_884 = arith.mulf %parallel_loop3A_880, %parallel_loop3A_883 : vector<16xf32>
        tpu.vector_store_idx %arg8[%parallel_loop3A_881], %parallel_loop3A_884 : memref<8192xf32, #tpu.memory_space<vmem>>[vector<16xi32>], vector<16xf32>,
        %parallel_loop3A_885 = arith.addi %parallel_loop3A_878, %add3A_8 : vector<16xi32>
        %parallel_loop3A_886 = tpu.vector_load_idx %arg6[%parallel_loop3A_874, %parallel_loop3A_885] : memref<128x128xf32, #tpu.memory_space<vmem>>[vector<16xi32>, vector<16xi32>], vector<16xf32>,
        %parallel_loop3A_887 = arith.addi %mul3A_26, %parallel_loop3A_874 : vector<16xi32>
        %parallel_loop3A_888 = arith.constant 8.000000e+00 : f32
        %parallel_loop3A_889 = vector.broadcast %parallel_loop3A_888 : f32 to vector<16xf32>
        %parallel_loop3A_890 = arith.mulf %parallel_loop3A_886, %parallel_loop3A_889 : vector<16xf32>
        tpu.vector_store_idx %arg8[%parallel_loop3A_887], %parallel_loop3A_890 : memref<8192xf32, #tpu.memory_space<vmem>>[vector<16xi32>], vector<16xf32>,
        %parallel_loop3A_891 = arith.addi %parallel_loop3A_878, %add3A_11 : vector<16xi32>
        %parallel_loop3A_892 = tpu.vector_load_idx %arg6[%parallel_loop3A_874, %parallel_loop3A_891] : memref<128x128xf32, #tpu.memory_space<vmem>>[vector<16xi32>, vector<16xi32>], vector<16xf32>,
        %parallel_loop3A_893 = arith.addi %mul3A_32, %parallel_loop3A_874 : vector<16xi32>
        %parallel_loop3A_894 = arith.constant 8.000000e+00 : f32
        %parallel_loop3A_895 = vector.broadcast %parallel_loop3A_894 : f32 to vector<16xf32>
        %parallel_loop3A_896 = arith.mulf %parallel_loop3A_892, %parallel_loop3A_895 : vector<16xf32>
        tpu.vector_store_idx %arg8[%parallel_loop3A_893], %parallel_loop3A_896 : memref<8192xf32, #tpu.memory_space<vmem>>[vector<16xi32>], vector<16xf32>,
        %parallel_loop3A_897 = arith.addi %parallel_loop3A_878, %add3A_14 : vector<16xi32>
        %parallel_loop3A_898 = tpu.vector_load_idx %arg6[%parallel_loop3A_874, %parallel_loop3A_897] : memref<128x128xf32, #tpu.memory_space<vmem>>[vector<16xi32>, vector<16xi32>], vector<16xf32>,
        %parallel_loop3A_899 = arith.addi %mul3A_38, %parallel_loop3A_874 : vector<16xi32>
        %parallel_loop3A_900 = arith.constant 8.000000e+00 : f32
        %parallel_loop3A_901 = vector.broadcast %parallel_loop3A_900 : f32 to vector<16xf32>
        %parallel_loop3A_902 = arith.mulf %parallel_loop3A_898, %parallel_loop3A_901 : vector<16xf32>
        tpu.vector_store_idx %arg8[%parallel_loop3A_899], %parallel_loop3A_902 : memref<8192xf32, #tpu.memory_space<vmem>>[vector<16xi32>], vector<16xf32>,
        %parallel_loop3A_903 = arith.constant 16 : i32
        %parallel_loop3A_904 = vector.broadcast %parallel_loop3A_903 : i32 to vector<16xi32>
        %parallel_loop3A_905 = arith.addi %parallel_loop3A_871, %parallel_loop3A_904 : vector<16xi32>
        %parallel_loop3A_906 = tpu.vector_load_idx %arg12[%parallel_loop3A_905] : memref<128xi32, #tpu.memory_space<vmem>>[vector<16xi32>], vector<16xi32>,
        %parallel_loop3A_907 = arith.constant 64 : i32
        %parallel_loop3A_908 = vector.broadcast %parallel_loop3A_907 : i32 to vector<16xi32>
        %parallel_loop3A_909 = arith.muli %parallel_loop3A_906, %parallel_loop3A_908 : vector<16xi32>
        %parallel_loop3A_910 = arith.addi %parallel_loop3A_909, %add3A_5 : vector<16xi32>
        %parallel_loop3A_911 = tpu.vector_load_idx %arg6[%parallel_loop3A_905, %parallel_loop3A_910] : memref<128x128xf32, #tpu.memory_space<vmem>>[vector<16xi32>, vector<16xi32>], vector<16xf32>,
        %parallel_loop3A_912 = arith.addi %mul3A_20, %parallel_loop3A_905 : vector<16xi32>
        %parallel_loop3A_913 = arith.constant 8.000000e+00 : f32
        %parallel_loop3A_914 = vector.broadcast %parallel_loop3A_913 : f32 to vector<16xf32>
        %parallel_loop3A_915 = arith.mulf %parallel_loop3A_911, %parallel_loop3A_914 : vector<16xf32>
        tpu.vector_store_idx %arg8[%parallel_loop3A_912], %parallel_loop3A_915 : memref<8192xf32, #tpu.memory_space<vmem>>[vector<16xi32>], vector<16xf32>,
        %parallel_loop3A_916 = arith.addi %parallel_loop3A_909, %add3A_8 : vector<16xi32>
        %parallel_loop3A_917 = tpu.vector_load_idx %arg6[%parallel_loop3A_905, %parallel_loop3A_916] : memref<128x128xf32, #tpu.memory_space<vmem>>[vector<16xi32>, vector<16xi32>], vector<16xf32>,
        %parallel_loop3A_918 = arith.addi %mul3A_26, %parallel_loop3A_905 : vector<16xi32>
        %parallel_loop3A_919 = arith.constant 8.000000e+00 : f32
        %parallel_loop3A_920 = vector.broadcast %parallel_loop3A_919 : f32 to vector<16xf32>
        %parallel_loop3A_921 = arith.mulf %parallel_loop3A_917, %parallel_loop3A_920 : vector<16xf32>
        tpu.vector_store_idx %arg8[%parallel_loop3A_918], %parallel_loop3A_921 : memref<8192xf32, #tpu.memory_space<vmem>>[vector<16xi32>], vector<16xf32>,
        %parallel_loop3A_922 = arith.addi %parallel_loop3A_909, %add3A_11 : vector<16xi32>
        %parallel_loop3A_923 = tpu.vector_load_idx %arg6[%parallel_loop3A_905, %parallel_loop3A_922] : memref<128x128xf32, #tpu.memory_space<vmem>>[vector<16xi32>, vector<16xi32>], vector<16xf32>,
        %parallel_loop3A_924 = arith.addi %mul3A_32, %parallel_loop3A_905 : vector<16xi32>
        %parallel_loop3A_925 = arith.constant 8.000000e+00 : f32
        %parallel_loop3A_926 = vector.broadcast %parallel_loop3A_925 : f32 to vector<16xf32>
        %parallel_loop3A_927 = arith.mulf %parallel_loop3A_923, %parallel_loop3A_926 : vector<16xf32>
        tpu.vector_store_idx %arg8[%parallel_loop3A_924], %parallel_loop3A_927 : memref<8192xf32, #tpu.memory_space<vmem>>[vector<16xi32>], vector<16xf32>,
        %parallel_loop3A_928 = arith.addi %parallel_loop3A_909, %add3A_14 : vector<16xi32>
        %parallel_loop3A_929 = tpu.vector_load_idx %arg6[%parallel_loop3A_905, %parallel_loop3A_928] : memref<128x128xf32, #tpu.memory_space<vmem>>[vector<16xi32>, vector<16xi32>], vector<16xf32>,
        %parallel_loop3A_930 = arith.addi %mul3A_38, %parallel_loop3A_905 : vector<16xi32>
        %parallel_loop3A_931 = arith.constant 8.000000e+00 : f32
        %parallel_loop3A_932 = vector.broadcast %parallel_loop3A_931 : f32 to vector<16xf32>
        %parallel_loop3A_933 = arith.mulf %parallel_loop3A_929, %parallel_loop3A_932 : vector<16xf32>
        tpu.vector_store_idx %arg8[%parallel_loop3A_930], %parallel_loop3A_933 : memref<8192xf32, #tpu.memory_space<vmem>>[vector<16xi32>], vector<16xf32>,
        %parallel_loop3A_934 = arith.constant 32 : i32
        %parallel_loop3A_935 = vector.broadcast %parallel_loop3A_934 : i32 to vector<16xi32>
        %parallel_loop3A_936 = arith.addi %parallel_loop3A_871, %parallel_loop3A_935 : vector<16xi32>
        %parallel_loop3A_937 = tpu.vector_load_idx %arg12[%parallel_loop3A_936] : memref<128xi32, #tpu.memory_space<vmem>>[vector<16xi32>], vector<16xi32>,
        %parallel_loop3A_938 = arith.constant 64 : i32
        %parallel_loop3A_939 = vector.broadcast %parallel_loop3A_938 : i32 to vector<16xi32>
        %parallel_loop3A_940 = arith.muli %parallel_loop3A_937, %parallel_loop3A_939 : vector<16xi32>
        %parallel_loop3A_941 = arith.addi %parallel_loop3A_940, %add3A_5 : vector<16xi32>
        %parallel_loop3A_942 = tpu.vector_load_idx %arg6[%parallel_loop3A_936, %parallel_loop3A_941] : memref<128x128xf32, #tpu.memory_space<vmem>>[vector<16xi32>, vector<16xi32>], vector<16xf32>,
        %parallel_loop3A_943 = arith.addi %mul3A_20, %parallel_loop3A_936 : vector<16xi32>
        %parallel_loop3A_944 = arith.constant 8.000000e+00 : f32
        %parallel_loop3A_945 = vector.broadcast %parallel_loop3A_944 : f32 to vector<16xf32>
        %parallel_loop3A_946 = arith.mulf %parallel_loop3A_942, %parallel_loop3A_945 : vector<16xf32>
        tpu.vector_store_idx %arg8[%parallel_loop3A_943], %parallel_loop3A_946 : memref<8192xf32, #tpu.memory_space<vmem>>[vector<16xi32>], vector<16xf32>,
        %parallel_loop3A_947 = arith.addi %parallel_loop3A_940, %add3A_8 : vector<16xi32>
        %parallel_loop3A_948 = tpu.vector_load_idx %arg6[%parallel_loop3A_936, %parallel_loop3A_947] : memref<128x128xf32, #tpu.memory_space<vmem>>[vector<16xi32>, vector<16xi32>], vector<16xf32>,
        %parallel_loop3A_949 = arith.addi %mul3A_26, %parallel_loop3A_936 : vector<16xi32>
        %parallel_loop3A_950 = arith.constant 8.000000e+00 : f32
        %parallel_loop3A_951 = vector.broadcast %parallel_loop3A_950 : f32 to vector<16xf32>
        %parallel_loop3A_952 = arith.mulf %parallel_loop3A_948, %parallel_loop3A_951 : vector<16xf32>
        tpu.vector_store_idx %arg8[%parallel_loop3A_949], %parallel_loop3A_952 : memref<8192xf32, #tpu.memory_space<vmem>>[vector<16xi32>], vector<16xf32>,
        %parallel_loop3A_953 = arith.addi %parallel_loop3A_940, %add3A_11 : vector<16xi32>
        %parallel_loop3A_954 = tpu.vector_load_idx %arg6[%parallel_loop3A_936, %parallel_loop3A_953] : memref<128x128xf32, #tpu.memory_space<vmem>>[vector<16xi32>, vector<16xi32>], vector<16xf32>,
        %parallel_loop3A_955 = arith.addi %mul3A_32, %parallel_loop3A_936 : vector<16xi32>
        %parallel_loop3A_956 = arith.constant 8.000000e+00 : f32
        %parallel_loop3A_957 = vector.broadcast %parallel_loop3A_956 : f32 to vector<16xf32>
        %parallel_loop3A_958 = arith.mulf %parallel_loop3A_954, %parallel_loop3A_957 : vector<16xf32>
        tpu.vector_store_idx %arg8[%parallel_loop3A_955], %parallel_loop3A_958 : memref<8192xf32, #tpu.memory_space<vmem>>[vector<16xi32>], vector<16xf32>,
        %parallel_loop3A_959 = arith.addi %parallel_loop3A_940, %add3A_14 : vector<16xi32>
        %parallel_loop3A_960 = tpu.vector_load_idx %arg6[%parallel_loop3A_936, %parallel_loop3A_959] : memref<128x128xf32, #tpu.memory_space<vmem>>[vector<16xi32>, vector<16xi32>], vector<16xf32>,
        %parallel_loop3A_961 = arith.addi %mul3A_38, %parallel_loop3A_936 : vector<16xi32>
        %parallel_loop3A_962 = arith.constant 8.000000e+00 : f32
        %parallel_loop3A_963 = vector.broadcast %parallel_loop3A_962 : f32 to vector<16xf32>
        %parallel_loop3A_964 = arith.mulf %parallel_loop3A_960, %parallel_loop3A_963 : vector<16xf32>
        tpu.vector_store_idx %arg8[%parallel_loop3A_961], %parallel_loop3A_964 : memref<8192xf32, #tpu.memory_space<vmem>>[vector<16xi32>], vector<16xf32>,
        %parallel_loop3A_965 = arith.constant 48 : i32
        %parallel_loop3A_966 = vector.broadcast %parallel_loop3A_965 : i32 to vector<16xi32>
        %parallel_loop3A_967 = arith.addi %parallel_loop3A_871, %parallel_loop3A_966 : vector<16xi32>
        %parallel_loop3A_968 = tpu.vector_load_idx %arg12[%parallel_loop3A_967] : memref<128xi32, #tpu.memory_space<vmem>>[vector<16xi32>], vector<16xi32>,
        %parallel_loop3A_969 = arith.constant 64 : i32
        %parallel_loop3A_970 = vector.broadcast %parallel_loop3A_969 : i32 to vector<16xi32>
        %parallel_loop3A_971 = arith.muli %parallel_loop3A_968, %parallel_loop3A_970 : vector<16xi32>
        %parallel_loop3A_972 = arith.addi %parallel_loop3A_971, %add3A_5 : vector<16xi32>
        %parallel_loop3A_973 = tpu.vector_load_idx %arg6[%parallel_loop3A_967, %parallel_loop3A_972] : memref<128x128xf32, #tpu.memory_space<vmem>>[vector<16xi32>, vector<16xi32>], vector<16xf32>,
        %parallel_loop3A_974 = arith.addi %mul3A_20, %parallel_loop3A_967 : vector<16xi32>
        %parallel_loop3A_975 = arith.constant 8.000000e+00 : f32
        %parallel_loop3A_976 = vector.broadcast %parallel_loop3A_975 : f32 to vector<16xf32>
        %parallel_loop3A_977 = arith.mulf %parallel_loop3A_973, %parallel_loop3A_976 : vector<16xf32>
        tpu.vector_store_idx %arg8[%parallel_loop3A_974], %parallel_loop3A_977 : memref<8192xf32, #tpu.memory_space<vmem>>[vector<16xi32>], vector<16xf32>,
        %parallel_loop3A_978 = arith.addi %parallel_loop3A_971, %add3A_8 : vector<16xi32>
        %parallel_loop3A_979 = tpu.vector_load_idx %arg6[%parallel_loop3A_967, %parallel_loop3A_978] : memref<128x128xf32, #tpu.memory_space<vmem>>[vector<16xi32>, vector<16xi32>], vector<16xf32>,
        %parallel_loop3A_980 = arith.addi %mul3A_26, %parallel_loop3A_967 : vector<16xi32>
        %parallel_loop3A_981 = arith.constant 8.000000e+00 : f32
        %parallel_loop3A_982 = vector.broadcast %parallel_loop3A_981 : f32 to vector<16xf32>
        %parallel_loop3A_983 = arith.mulf %parallel_loop3A_979, %parallel_loop3A_982 : vector<16xf32>
        tpu.vector_store_idx %arg8[%parallel_loop3A_980], %parallel_loop3A_983 : memref<8192xf32, #tpu.memory_space<vmem>>[vector<16xi32>], vector<16xf32>,
        %parallel_loop3A_984 = arith.addi %parallel_loop3A_971, %add3A_11 : vector<16xi32>
        %parallel_loop3A_985 = tpu.vector_load_idx %arg6[%parallel_loop3A_967, %parallel_loop3A_984] : memref<128x128xf32, #tpu.memory_space<vmem>>[vector<16xi32>, vector<16xi32>], vector<16xf32>,
        %parallel_loop3A_986 = arith.addi %mul3A_32, %parallel_loop3A_967 : vector<16xi32>
        %parallel_loop3A_987 = arith.constant 8.000000e+00 : f32
        %parallel_loop3A_988 = vector.broadcast %parallel_loop3A_987 : f32 to vector<16xf32>
        %parallel_loop3A_989 = arith.mulf %parallel_loop3A_985, %parallel_loop3A_988 : vector<16xf32>
        tpu.vector_store_idx %arg8[%parallel_loop3A_986], %parallel_loop3A_989 : memref<8192xf32, #tpu.memory_space<vmem>>[vector<16xi32>], vector<16xf32>,
        %parallel_loop3A_990 = arith.addi %parallel_loop3A_971, %add3A_14 : vector<16xi32>
        %parallel_loop3A_991 = tpu.vector_load_idx %arg6[%parallel_loop3A_967, %parallel_loop3A_990] : memref<128x128xf32, #tpu.memory_space<vmem>>[vector<16xi32>, vector<16xi32>], vector<16xf32>,
        %parallel_loop3A_992 = arith.addi %mul3A_38, %parallel_loop3A_967 : vector<16xi32>
        %parallel_loop3A_993 = arith.constant 8.000000e+00 : f32
        %parallel_loop3A_994 = vector.broadcast %parallel_loop3A_993 : f32 to vector<16xf32>
        %parallel_loop3A_995 = arith.mulf %parallel_loop3A_991, %parallel_loop3A_994 : vector<16xf32>
        tpu.vector_store_idx %arg8[%parallel_loop3A_992], %parallel_loop3A_995 : memref<8192xf32, #tpu.memory_space<vmem>>[vector<16xi32>], vector<16xf32>,
        %parallel_loop3A_996 = arith.constant 64 : i32
        %parallel_loop3A_997 = vector.broadcast %parallel_loop3A_996 : i32 to vector<16xi32>
        %parallel_loop3A_998 = arith.addi %parallel_loop3A_871, %parallel_loop3A_997 : vector<16xi32>
        %parallel_loop3A_999 = tpu.vector_load_idx %arg12[%parallel_loop3A_998] : memref<128xi32, #tpu.memory_space<vmem>>[vector<16xi32>], vector<16xi32>,
        %parallel_loop3A_1000 = arith.constant 64 : i32
        %parallel_loop3A_1001 = vector.broadcast %parallel_loop3A_1000 : i32 to vector<16xi32>
        %parallel_loop3A_1002 = arith.muli %parallel_loop3A_999, %parallel_loop3A_1001 : vector<16xi32>
        %parallel_loop3A_1003 = arith.addi %parallel_loop3A_1002, %add3A_5 : vector<16xi32>
        %parallel_loop3A_1004 = tpu.vector_load_idx %arg6[%parallel_loop3A_998, %parallel_loop3A_1003] : memref<128x128xf32, #tpu.memory_space<vmem>>[vector<16xi32>, vector<16xi32>], vector<16xf32>,
        %parallel_loop3A_1005 = arith.addi %mul3A_20, %parallel_loop3A_998 : vector<16xi32>
        %parallel_loop3A_1006 = arith.constant 8.000000e+00 : f32
        %parallel_loop3A_1007 = vector.broadcast %parallel_loop3A_1006 : f32 to vector<16xf32>
        %parallel_loop3A_1008 = arith.mulf %parallel_loop3A_1004, %parallel_loop3A_1007 : vector<16xf32>
        tpu.vector_store_idx %arg8[%parallel_loop3A_1005], %parallel_loop3A_1008 : memref<8192xf32, #tpu.memory_space<vmem>>[vector<16xi32>], vector<16xf32>,
        %parallel_loop3A_1009 = arith.addi %parallel_loop3A_1002, %add3A_8 : vector<16xi32>
        %parallel_loop3A_1010 = tpu.vector_load_idx %arg6[%parallel_loop3A_998, %parallel_loop3A_1009] : memref<128x128xf32, #tpu.memory_space<vmem>>[vector<16xi32>, vector<16xi32>], vector<16xf32>,
        %parallel_loop3A_1011 = arith.addi %mul3A_26, %parallel_loop3A_998 : vector<16xi32>
        %parallel_loop3A_1012 = arith.constant 8.000000e+00 : f32
        %parallel_loop3A_1013 = vector.broadcast %parallel_loop3A_1012 : f32 to vector<16xf32>
        %parallel_loop3A_1014 = arith.mulf %parallel_loop3A_1010, %parallel_loop3A_1013 : vector<16xf32>
        tpu.vector_store_idx %arg8[%parallel_loop3A_1011], %parallel_loop3A_1014 : memref<8192xf32, #tpu.memory_space<vmem>>[vector<16xi32>], vector<16xf32>,
        %parallel_loop3A_1015 = arith.addi %parallel_loop3A_1002, %add3A_11 : vector<16xi32>
        %parallel_loop3A_1016 = tpu.vector_load_idx %arg6[%parallel_loop3A_998, %parallel_loop3A_1015] : memref<128x128xf32, #tpu.memory_space<vmem>>[vector<16xi32>, vector<16xi32>], vector<16xf32>,
        %parallel_loop3A_1017 = arith.addi %mul3A_32, %parallel_loop3A_998 : vector<16xi32>
        %parallel_loop3A_1018 = arith.constant 8.000000e+00 : f32
        %parallel_loop3A_1019 = vector.broadcast %parallel_loop3A_1018 : f32 to vector<16xf32>
        %parallel_loop3A_1020 = arith.mulf %parallel_loop3A_1016, %parallel_loop3A_1019 : vector<16xf32>
        tpu.vector_store_idx %arg8[%parallel_loop3A_1017], %parallel_loop3A_1020 : memref<8192xf32, #tpu.memory_space<vmem>>[vector<16xi32>], vector<16xf32>,
        %parallel_loop3A_1021 = arith.addi %parallel_loop3A_1002, %add3A_14 : vector<16xi32>
        %parallel_loop3A_1022 = tpu.vector_load_idx %arg6[%parallel_loop3A_998, %parallel_loop3A_1021] : memref<128x128xf32, #tpu.memory_space<vmem>>[vector<16xi32>, vector<16xi32>], vector<16xf32>,
        %parallel_loop3A_1023 = arith.addi %mul3A_38, %parallel_loop3A_998 : vector<16xi32>
        %parallel_loop3A_1024 = arith.constant 8.000000e+00 : f32
        %parallel_loop3A_1025 = vector.broadcast %parallel_loop3A_1024 : f32 to vector<16xf32>
        %parallel_loop3A_1026 = arith.mulf %parallel_loop3A_1022, %parallel_loop3A_1025 : vector<16xf32>
        tpu.vector_store_idx %arg8[%parallel_loop3A_1023], %parallel_loop3A_1026 : memref<8192xf32, #tpu.memory_space<vmem>>[vector<16xi32>], vector<16xf32>,
        %parallel_loop3A_1027 = arith.constant 80 : i32
        %parallel_loop3A_1028 = vector.broadcast %parallel_loop3A_1027 : i32 to vector<16xi32>
        %parallel_loop3A_1029 = arith.addi %parallel_loop3A_871, %parallel_loop3A_1028 : vector<16xi32>
        %parallel_loop3A_1030 = tpu.vector_load_idx %arg12[%parallel_loop3A_1029] : memref<128xi32, #tpu.memory_space<vmem>>[vector<16xi32>], vector<16xi32>,
        %parallel_loop3A_1031 = arith.constant 64 : i32
        %parallel_loop3A_1032 = vector.broadcast %parallel_loop3A_1031 : i32 to vector<16xi32>
        %parallel_loop3A_1033 = arith.muli %parallel_loop3A_1030, %parallel_loop3A_1032 : vector<16xi32>
        %parallel_loop3A_1034 = arith.addi %parallel_loop3A_1033, %add3A_5 : vector<16xi32>
        %parallel_loop3A_1035 = tpu.vector_load_idx %arg6[%parallel_loop3A_1029, %parallel_loop3A_1034] : memref<128x128xf32, #tpu.memory_space<vmem>>[vector<16xi32>, vector<16xi32>], vector<16xf32>,
        %parallel_loop3A_1036 = arith.addi %mul3A_20, %parallel_loop3A_1029 : vector<16xi32>
        %parallel_loop3A_1037 = arith.constant 8.000000e+00 : f32
        %parallel_loop3A_1038 = vector.broadcast %parallel_loop3A_1037 : f32 to vector<16xf32>
        %parallel_loop3A_1039 = arith.mulf %parallel_loop3A_1035, %parallel_loop3A_1038 : vector<16xf32>
        tpu.vector_store_idx %arg8[%parallel_loop3A_1036], %parallel_loop3A_1039 : memref<8192xf32, #tpu.memory_space<vmem>>[vector<16xi32>], vector<16xf32>,
        %parallel_loop3A_1040 = arith.addi %parallel_loop3A_1033, %add3A_8 : vector<16xi32>
        %parallel_loop3A_1041 = tpu.vector_load_idx %arg6[%parallel_loop3A_1029, %parallel_loop3A_1040] : memref<128x128xf32, #tpu.memory_space<vmem>>[vector<16xi32>, vector<16xi32>], vector<16xf32>,
        %parallel_loop3A_1042 = arith.addi %mul3A_26, %parallel_loop3A_1029 : vector<16xi32>
        %parallel_loop3A_1043 = arith.constant 8.000000e+00 : f32
        %parallel_loop3A_1044 = vector.broadcast %parallel_loop3A_1043 : f32 to vector<16xf32>
        %parallel_loop3A_1045 = arith.mulf %parallel_loop3A_1041, %parallel_loop3A_1044 : vector<16xf32>
        tpu.vector_store_idx %arg8[%parallel_loop3A_1042], %parallel_loop3A_1045 : memref<8192xf32, #tpu.memory_space<vmem>>[vector<16xi32>], vector<16xf32>,
        %parallel_loop3A_1046 = arith.addi %parallel_loop3A_1033, %add3A_11 : vector<16xi32>
        %parallel_loop3A_1047 = tpu.vector_load_idx %arg6[%parallel_loop3A_1029, %parallel_loop3A_1046] : memref<128x128xf32, #tpu.memory_space<vmem>>[vector<16xi32>, vector<16xi32>], vector<16xf32>,
        %parallel_loop3A_1048 = arith.addi %mul3A_32, %parallel_loop3A_1029 : vector<16xi32>
        %parallel_loop3A_1049 = arith.constant 8.000000e+00 : f32
        %parallel_loop3A_1050 = vector.broadcast %parallel_loop3A_1049 : f32 to vector<16xf32>
        %parallel_loop3A_1051 = arith.mulf %parallel_loop3A_1047, %parallel_loop3A_1050 : vector<16xf32>
        tpu.vector_store_idx %arg8[%parallel_loop3A_1048], %parallel_loop3A_1051 : memref<8192xf32, #tpu.memory_space<vmem>>[vector<16xi32>], vector<16xf32>,
        %parallel_loop3A_1052 = arith.addi %parallel_loop3A_1033, %add3A_14 : vector<16xi32>
        %parallel_loop3A_1053 = tpu.vector_load_idx %arg6[%parallel_loop3A_1029, %parallel_loop3A_1052] : memref<128x128xf32, #tpu.memory_space<vmem>>[vector<16xi32>, vector<16xi32>], vector<16xf32>,
        %parallel_loop3A_1054 = arith.addi %mul3A_38, %parallel_loop3A_1029 : vector<16xi32>
        %parallel_loop3A_1055 = arith.constant 8.000000e+00 : f32
        %parallel_loop3A_1056 = vector.broadcast %parallel_loop3A_1055 : f32 to vector<16xf32>
        %parallel_loop3A_1057 = arith.mulf %parallel_loop3A_1053, %parallel_loop3A_1056 : vector<16xf32>
        tpu.vector_store_idx %arg8[%parallel_loop3A_1054], %parallel_loop3A_1057 : memref<8192xf32, #tpu.memory_space<vmem>>[vector<16xi32>], vector<16xf32>,
        %parallel_loop3A_1058 = arith.constant 96 : i32
        %parallel_loop3A_1059 = vector.broadcast %parallel_loop3A_1058 : i32 to vector<16xi32>
        %parallel_loop3A_1060 = arith.addi %parallel_loop3A_871, %parallel_loop3A_1059 : vector<16xi32>
        %parallel_loop3A_1061 = tpu.vector_load_idx %arg12[%parallel_loop3A_1060] : memref<128xi32, #tpu.memory_space<vmem>>[vector<16xi32>], vector<16xi32>,
        %parallel_loop3A_1062 = arith.constant 64 : i32
        %parallel_loop3A_1063 = vector.broadcast %parallel_loop3A_1062 : i32 to vector<16xi32>
        %parallel_loop3A_1064 = arith.muli %parallel_loop3A_1061, %parallel_loop3A_1063 : vector<16xi32>
        %parallel_loop3A_1065 = arith.addi %parallel_loop3A_1064, %add3A_5 : vector<16xi32>
        %parallel_loop3A_1066 = tpu.vector_load_idx %arg6[%parallel_loop3A_1060, %parallel_loop3A_1065] : memref<128x128xf32, #tpu.memory_space<vmem>>[vector<16xi32>, vector<16xi32>], vector<16xf32>,
        %parallel_loop3A_1067 = arith.addi %mul3A_20, %parallel_loop3A_1060 : vector<16xi32>
        %parallel_loop3A_1068 = arith.constant 8.000000e+00 : f32
        %parallel_loop3A_1069 = vector.broadcast %parallel_loop3A_1068 : f32 to vector<16xf32>
        %parallel_loop3A_1070 = arith.mulf %parallel_loop3A_1066, %parallel_loop3A_1069 : vector<16xf32>
        tpu.vector_store_idx %arg8[%parallel_loop3A_1067], %parallel_loop3A_1070 : memref<8192xf32, #tpu.memory_space<vmem>>[vector<16xi32>], vector<16xf32>,
        %parallel_loop3A_1071 = arith.addi %parallel_loop3A_1064, %add3A_8 : vector<16xi32>
        %parallel_loop3A_1072 = tpu.vector_load_idx %arg6[%parallel_loop3A_1060, %parallel_loop3A_1071] : memref<128x128xf32, #tpu.memory_space<vmem>>[vector<16xi32>, vector<16xi32>], vector<16xf32>,
        %parallel_loop3A_1073 = arith.addi %mul3A_26, %parallel_loop3A_1060 : vector<16xi32>
        %parallel_loop3A_1074 = arith.constant 8.000000e+00 : f32
        %parallel_loop3A_1075 = vector.broadcast %parallel_loop3A_1074 : f32 to vector<16xf32>
        %parallel_loop3A_1076 = arith.mulf %parallel_loop3A_1072, %parallel_loop3A_1075 : vector<16xf32>
        tpu.vector_store_idx %arg8[%parallel_loop3A_1073], %parallel_loop3A_1076 : memref<8192xf32, #tpu.memory_space<vmem>>[vector<16xi32>], vector<16xf32>,
        %parallel_loop3A_1077 = arith.addi %parallel_loop3A_1064, %add3A_11 : vector<16xi32>
        %parallel_loop3A_1078 = tpu.vector_load_idx %arg6[%parallel_loop3A_1060, %parallel_loop3A_1077] : memref<128x128xf32, #tpu.memory_space<vmem>>[vector<16xi32>, vector<16xi32>], vector<16xf32>,
        %parallel_loop3A_1079 = arith.addi %mul3A_32, %parallel_loop3A_1060 : vector<16xi32>
        %parallel_loop3A_1080 = arith.constant 8.000000e+00 : f32
        %parallel_loop3A_1081 = vector.broadcast %parallel_loop3A_1080 : f32 to vector<16xf32>
        %parallel_loop3A_1082 = arith.mulf %parallel_loop3A_1078, %parallel_loop3A_1081 : vector<16xf32>
        tpu.vector_store_idx %arg8[%parallel_loop3A_1079], %parallel_loop3A_1082 : memref<8192xf32, #tpu.memory_space<vmem>>[vector<16xi32>], vector<16xf32>,
        %parallel_loop3A_1083 = arith.addi %parallel_loop3A_1064, %add3A_14 : vector<16xi32>
        %parallel_loop3A_1084 = tpu.vector_load_idx %arg6[%parallel_loop3A_1060, %parallel_loop3A_1083] : memref<128x128xf32, #tpu.memory_space<vmem>>[vector<16xi32>, vector<16xi32>], vector<16xf32>,
        %parallel_loop3A_1085 = arith.addi %mul3A_38, %parallel_loop3A_1060 : vector<16xi32>
        %parallel_loop3A_1086 = arith.constant 8.000000e+00 : f32
        %parallel_loop3A_1087 = vector.broadcast %parallel_loop3A_1086 : f32 to vector<16xf32>
        %parallel_loop3A_1088 = arith.mulf %parallel_loop3A_1084, %parallel_loop3A_1087 : vector<16xf32>
        tpu.vector_store_idx %arg8[%parallel_loop3A_1085], %parallel_loop3A_1088 : memref<8192xf32, #tpu.memory_space<vmem>>[vector<16xi32>], vector<16xf32>,
        %parallel_loop3A_1089 = arith.constant 112 : i32
        %parallel_loop3A_1090 = vector.broadcast %parallel_loop3A_1089 : i32 to vector<16xi32>
        %parallel_loop3A_1091 = arith.addi %parallel_loop3A_871, %parallel_loop3A_1090 : vector<16xi32>
        %parallel_loop3A_1092 = tpu.vector_load_idx %arg12[%parallel_loop3A_1091] : memref<128xi32, #tpu.memory_space<vmem>>[vector<16xi32>], vector<16xi32>,
        %parallel_loop3A_1093 = arith.constant 64 : i32
        %parallel_loop3A_1094 = vector.broadcast %parallel_loop3A_1093 : i32 to vector<16xi32>
        %parallel_loop3A_1095 = arith.muli %parallel_loop3A_1092, %parallel_loop3A_1094 : vector<16xi32>
        %parallel_loop3A_1096 = arith.addi %parallel_loop3A_1095, %add3A_5 : vector<16xi32>
        %parallel_loop3A_1097 = tpu.vector_load_idx %arg6[%parallel_loop3A_1091, %parallel_loop3A_1096] : memref<128x128xf32, #tpu.memory_space<vmem>>[vector<16xi32>, vector<16xi32>], vector<16xf32>,
        %parallel_loop3A_1098 = arith.addi %mul3A_20, %parallel_loop3A_1091 : vector<16xi32>
        %parallel_loop3A_1099 = arith.constant 8.000000e+00 : f32
        %parallel_loop3A_1100 = vector.broadcast %parallel_loop3A_1099 : f32 to vector<16xf32>
        %parallel_loop3A_1101 = arith.mulf %parallel_loop3A_1097, %parallel_loop3A_1100 : vector<16xf32>
        tpu.vector_store_idx %arg8[%parallel_loop3A_1098], %parallel_loop3A_1101 : memref<8192xf32, #tpu.memory_space<vmem>>[vector<16xi32>], vector<16xf32>,
        %parallel_loop3A_1102 = arith.addi %parallel_loop3A_1095, %add3A_8 : vector<16xi32>
        %parallel_loop3A_1103 = tpu.vector_load_idx %arg6[%parallel_loop3A_1091, %parallel_loop3A_1102] : memref<128x128xf32, #tpu.memory_space<vmem>>[vector<16xi32>, vector<16xi32>], vector<16xf32>,
        %parallel_loop3A_1104 = arith.addi %mul3A_26, %parallel_loop3A_1091 : vector<16xi32>
        %parallel_loop3A_1105 = arith.constant 8.000000e+00 : f32
        %parallel_loop3A_1106 = vector.broadcast %parallel_loop3A_1105 : f32 to vector<16xf32>
        %parallel_loop3A_1107 = arith.mulf %parallel_loop3A_1103, %parallel_loop3A_1106 : vector<16xf32>
        tpu.vector_store_idx %arg8[%parallel_loop3A_1104], %parallel_loop3A_1107 : memref<8192xf32, #tpu.memory_space<vmem>>[vector<16xi32>], vector<16xf32>,
        %parallel_loop3A_1108 = arith.addi %parallel_loop3A_1095, %add3A_11 : vector<16xi32>
        %parallel_loop3A_1109 = tpu.vector_load_idx %arg6[%parallel_loop3A_1091, %parallel_loop3A_1108] : memref<128x128xf32, #tpu.memory_space<vmem>>[vector<16xi32>, vector<16xi32>], vector<16xf32>,
        %parallel_loop3A_1110 = arith.addi %mul3A_32, %parallel_loop3A_1091 : vector<16xi32>
        %parallel_loop3A_1111 = arith.constant 8.000000e+00 : f32
        %parallel_loop3A_1112 = vector.broadcast %parallel_loop3A_1111 : f32 to vector<16xf32>
        %parallel_loop3A_1113 = arith.mulf %parallel_loop3A_1109, %parallel_loop3A_1112 : vector<16xf32>
        tpu.vector_store_idx %arg8[%parallel_loop3A_1110], %parallel_loop3A_1113 : memref<8192xf32, #tpu.memory_space<vmem>>[vector<16xi32>], vector<16xf32>,
        %parallel_loop3A_1114 = arith.addi %parallel_loop3A_1095, %add3A_14 : vector<16xi32>
        %parallel_loop3A_1115 = tpu.vector_load_idx %arg6[%parallel_loop3A_1091, %parallel_loop3A_1114] : memref<128x128xf32, #tpu.memory_space<vmem>>[vector<16xi32>, vector<16xi32>], vector<16xf32>,
        %parallel_loop3A_1116 = arith.addi %mul3A_38, %parallel_loop3A_1091 : vector<16xi32>
        %parallel_loop3A_1117 = arith.constant 8.000000e+00 : f32
        %parallel_loop3A_1118 = vector.broadcast %parallel_loop3A_1117 : f32 to vector<16xf32>
        %parallel_loop3A_1119 = arith.mulf %parallel_loop3A_1115, %parallel_loop3A_1118 : vector<16xf32>
        tpu.vector_store_idx %arg8[%parallel_loop3A_1116], %parallel_loop3A_1119 : memref<8192xf32, #tpu.memory_space<vmem>>[vector<16xi32>], vector<16xf32>,
      } {sc.loop_unroll_factor = 1 : i64, sc.parallel_access}
      %dma_start3A_558 = arith.constant 0 : i32
      %dma_start3A_559 = arith.constant 0 : i32
      %dma_start3A_560 = tpu.memref_slice %arg8[%dma_start3A_559] : memref<8192xf32, #tpu.memory_space<vmem>> -> memref<1024xf32, #tpu.memory_space<vmem>>
      %dma_start3A_561 = arith.constant 0 : i32
      %dma_start3A_562 = tpu.memref_slice %arg4[%add3A_447, %dma_start3A_558, %add3A, %dma_start3A_561] : memref<200x8x32x1024xf32, #tpu.memory_space<hbm>> -> memref<1x1x1x1024xf32, #tpu.memory_space<hbm>>
      %dma_start3A_563 = tpu.memref_squeeze %dma_start3A_562 : memref<1x1x1x1024xf32, #tpu.memory_space<hbm>> -> memref<1024xf32, #tpu.memory_space<hbm>>
      %dma_start3A_564 = arith.constant 0 : i32
      %dma_start3A_565 = tpu.memref_slice %arg4[%add3A_447, %dma_start3A_558, %add3A, %dma_start3A_564] : memref<200x8x32x1024xf32, #tpu.memory_space<hbm>> -> memref<1x1x1x1024xf32, #tpu.memory_space<hbm>>
      %dma_start3A_566 = tpu.memref_squeeze %dma_start3A_565 : memref<1x1x1x1024xf32, #tpu.memory_space<hbm>> -> memref<1024xf32, #tpu.memory_space<hbm>>
      %dma_start3A_567 = arith.constant 0 : i32
      %dma_start3A_568 = tpu.memref_slice %arg8[%dma_start3A_567] : memref<8192xf32, #tpu.memory_space<vmem>> -> memref<1024xf32, #tpu.memory_space<vmem>>
      tpu.enqueue_dma source(%dma_start3A_568 : memref<1024xf32, #tpu.memory_space<vmem>>) target(%dma_start3A_566 : memref<1024xf32, #tpu.memory_space<hbm>>) target_semaphore(%arg15 : memref<!tpu.dma_semaphore, #tpu.memory_space<semaphore_mem>>)
      %dma_start3A_569 = arith.constant 1 : i32
      %dma_start3A_570 = arith.constant 1024 : i32
      %dma_start3A_571 = tpu.memref_slice %arg8[%dma_start3A_570] : memref<8192xf32, #tpu.memory_space<vmem>> -> memref<1024xf32, #tpu.memory_space<vmem>>
      %dma_start3A_572 = arith.constant 0 : i32
      %dma_start3A_573 = tpu.memref_slice %arg4[%add3A_447, %dma_start3A_569, %add3A, %dma_start3A_572] : memref<200x8x32x1024xf32, #tpu.memory_space<hbm>> -> memref<1x1x1x1024xf32, #tpu.memory_space<hbm>>
      %dma_start3A_574 = tpu.memref_squeeze %dma_start3A_573 : memref<1x1x1x1024xf32, #tpu.memory_space<hbm>> -> memref<1024xf32, #tpu.memory_space<hbm>>
      %dma_start3A_575 = arith.constant 0 : i32
      %dma_start3A_576 = tpu.memref_slice %arg4[%add3A_447, %dma_start3A_569, %add3A, %dma_start3A_575] : memref<200x8x32x1024xf32, #tpu.memory_space<hbm>> -> memref<1x1x1x1024xf32, #tpu.memory_space<hbm>>
      %dma_start3A_577 = tpu.memref_squeeze %dma_start3A_576 : memref<1x1x1x1024xf32, #tpu.memory_space<hbm>> -> memref<1024xf32, #tpu.memory_space<hbm>>
      %dma_start3A_578 = arith.constant 1024 : i32
      %dma_start3A_579 = tpu.memref_slice %arg8[%dma_start3A_578] : memref<8192xf32, #tpu.memory_space<vmem>> -> memref<1024xf32, #tpu.memory_space<vmem>>
      tpu.enqueue_dma source(%dma_start3A_579 : memref<1024xf32, #tpu.memory_space<vmem>>) target(%dma_start3A_577 : memref<1024xf32, #tpu.memory_space<hbm>>) target_semaphore(%arg15 : memref<!tpu.dma_semaphore, #tpu.memory_space<semaphore_mem>>)
      %dma_start3A_580 = arith.constant 2 : i32
      %dma_start3A_581 = arith.constant 2048 : i32
      %dma_start3A_582 = tpu.memref_slice %arg8[%dma_start3A_581] : memref<8192xf32, #tpu.memory_space<vmem>> -> memref<1024xf32, #tpu.memory_space<vmem>>
      %dma_start3A_583 = arith.constant 0 : i32
      %dma_start3A_584 = tpu.memref_slice %arg4[%add3A_447, %dma_start3A_580, %add3A, %dma_start3A_583] : memref<200x8x32x1024xf32, #tpu.memory_space<hbm>> -> memref<1x1x1x1024xf32, #tpu.memory_space<hbm>>
      %dma_start3A_585 = tpu.memref_squeeze %dma_start3A_584 : memref<1x1x1x1024xf32, #tpu.memory_space<hbm>> -> memref<1024xf32, #tpu.memory_space<hbm>>
      %dma_start3A_586 = arith.constant 0 : i32
      %dma_start3A_587 = tpu.memref_slice %arg4[%add3A_447, %dma_start3A_580, %add3A, %dma_start3A_586] : memref<200x8x32x1024xf32, #tpu.memory_space<hbm>> -> memref<1x1x1x1024xf32, #tpu.memory_space<hbm>>
      %dma_start3A_588 = tpu.memref_squeeze %dma_start3A_587 : memref<1x1x1x1024xf32, #tpu.memory_space<hbm>> -> memref<1024xf32, #tpu.memory_space<hbm>>
      %dma_start3A_589 = arith.constant 2048 : i32
      %dma_start3A_590 = tpu.memref_slice %arg8[%dma_start3A_589] : memref<8192xf32, #tpu.memory_space<vmem>> -> memref<1024xf32, #tpu.memory_space<vmem>>
      tpu.enqueue_dma source(%dma_start3A_590 : memref<1024xf32, #tpu.memory_space<vmem>>) target(%dma_start3A_588 : memref<1024xf32, #tpu.memory_space<hbm>>) target_semaphore(%arg15 : memref<!tpu.dma_semaphore, #tpu.memory_space<semaphore_mem>>)
      %dma_start3A_591 = arith.constant 3 : i32
      %dma_start3A_592 = arith.constant 3072 : i32
      %dma_start3A_593 = tpu.memref_slice %arg8[%dma_start3A_592] : memref<8192xf32, #tpu.memory_space<vmem>> -> memref<1024xf32, #tpu.memory_space<vmem>>
      %dma_start3A_594 = arith.constant 0 : i32
      %dma_start3A_595 = tpu.memref_slice %arg4[%add3A_447, %dma_start3A_591, %add3A, %dma_start3A_594] : memref<200x8x32x1024xf32, #tpu.memory_space<hbm>> -> memref<1x1x1x1024xf32, #tpu.memory_space<hbm>>
      %dma_start3A_596 = tpu.memref_squeeze %dma_start3A_595 : memref<1x1x1x1024xf32, #tpu.memory_space<hbm>> -> memref<1024xf32, #tpu.memory_space<hbm>>
      %dma_start3A_597 = arith.constant 0 : i32
      %dma_start3A_598 = tpu.memref_slice %arg4[%add3A_447, %dma_start3A_591, %add3A, %dma_start3A_597] : memref<200x8x32x1024xf32, #tpu.memory_space<hbm>> -> memref<1x1x1x1024xf32, #tpu.memory_space<hbm>>
      %dma_start3A_599 = tpu.memref_squeeze %dma_start3A_598 : memref<1x1x1x1024xf32, #tpu.memory_space<hbm>> -> memref<1024xf32, #tpu.memory_space<hbm>>
      %dma_start3A_600 = arith.constant 3072 : i32
      %dma_start3A_601 = tpu.memref_slice %arg8[%dma_start3A_600] : memref<8192xf32, #tpu.memory_space<vmem>> -> memref<1024xf32, #tpu.memory_space<vmem>>
      tpu.enqueue_dma source(%dma_start3A_601 : memref<1024xf32, #tpu.memory_space<vmem>>) target(%dma_start3A_599 : memref<1024xf32, #tpu.memory_space<hbm>>) target_semaphore(%arg15 : memref<!tpu.dma_semaphore, #tpu.memory_space<semaphore_mem>>)
      %dma_start3A_602 = arith.constant 4 : i32
      %dma_start3A_603 = arith.constant 4096 : i32
      %dma_start3A_604 = tpu.memref_slice %arg8[%dma_start3A_603] : memref<8192xf32, #tpu.memory_space<vmem>> -> memref<1024xf32, #tpu.memory_space<vmem>>
      %dma_start3A_605 = arith.constant 0 : i32
      %dma_start3A_606 = tpu.memref_slice %arg4[%add3A_447, %dma_start3A_602, %add3A, %dma_start3A_605] : memref<200x8x32x1024xf32, #tpu.memory_space<hbm>> -> memref<1x1x1x1024xf32, #tpu.memory_space<hbm>>
      %dma_start3A_607 = tpu.memref_squeeze %dma_start3A_606 : memref<1x1x1x1024xf32, #tpu.memory_space<hbm>> -> memref<1024xf32, #tpu.memory_space<hbm>>
      %dma_start3A_608 = arith.constant 0 : i32
      %dma_start3A_609 = tpu.memref_slice %arg4[%add3A_447, %dma_start3A_602, %add3A, %dma_start3A_608] : memref<200x8x32x1024xf32, #tpu.memory_space<hbm>> -> memref<1x1x1x1024xf32, #tpu.memory_space<hbm>>
      %dma_start3A_610 = tpu.memref_squeeze %dma_start3A_609 : memref<1x1x1x1024xf32, #tpu.memory_space<hbm>> -> memref<1024xf32, #tpu.memory_space<hbm>>
      %dma_start3A_611 = arith.constant 4096 : i32
      %dma_start3A_612 = tpu.memref_slice %arg8[%dma_start3A_611] : memref<8192xf32, #tpu.memory_space<vmem>> -> memref<1024xf32, #tpu.memory_space<vmem>>
      tpu.enqueue_dma source(%dma_start3A_612 : memref<1024xf32, #tpu.memory_space<vmem>>) target(%dma_start3A_610 : memref<1024xf32, #tpu.memory_space<hbm>>) target_semaphore(%arg15 : memref<!tpu.dma_semaphore, #tpu.memory_space<semaphore_mem>>)
      %dma_start3A_613 = arith.constant 5 : i32
      %dma_start3A_614 = arith.constant 5120 : i32
      %dma_start3A_615 = tpu.memref_slice %arg8[%dma_start3A_614] : memref<8192xf32, #tpu.memory_space<vmem>> -> memref<1024xf32, #tpu.memory_space<vmem>>
      %dma_start3A_616 = arith.constant 0 : i32
      %dma_start3A_617 = tpu.memref_slice %arg4[%add3A_447, %dma_start3A_613, %add3A, %dma_start3A_616] : memref<200x8x32x1024xf32, #tpu.memory_space<hbm>> -> memref<1x1x1x1024xf32, #tpu.memory_space<hbm>>
      %dma_start3A_618 = tpu.memref_squeeze %dma_start3A_617 : memref<1x1x1x1024xf32, #tpu.memory_space<hbm>> -> memref<1024xf32, #tpu.memory_space<hbm>>
      %dma_start3A_619 = arith.constant 0 : i32
      %dma_start3A_620 = tpu.memref_slice %arg4[%add3A_447, %dma_start3A_613, %add3A, %dma_start3A_619] : memref<200x8x32x1024xf32, #tpu.memory_space<hbm>> -> memref<1x1x1x1024xf32, #tpu.memory_space<hbm>>
      %dma_start3A_621 = tpu.memref_squeeze %dma_start3A_620 : memref<1x1x1x1024xf32, #tpu.memory_space<hbm>> -> memref<1024xf32, #tpu.memory_space<hbm>>
      %dma_start3A_622 = arith.constant 5120 : i32
      %dma_start3A_623 = tpu.memref_slice %arg8[%dma_start3A_622] : memref<8192xf32, #tpu.memory_space<vmem>> -> memref<1024xf32, #tpu.memory_space<vmem>>
      tpu.enqueue_dma source(%dma_start3A_623 : memref<1024xf32, #tpu.memory_space<vmem>>) target(%dma_start3A_621 : memref<1024xf32, #tpu.memory_space<hbm>>) target_semaphore(%arg15 : memref<!tpu.dma_semaphore, #tpu.memory_space<semaphore_mem>>)
      %dma_start3A_624 = arith.constant 6 : i32
      %dma_start3A_625 = arith.constant 6144 : i32
      %dma_start3A_626 = tpu.memref_slice %arg8[%dma_start3A_625] : memref<8192xf32, #tpu.memory_space<vmem>> -> memref<1024xf32, #tpu.memory_space<vmem>>
      %dma_start3A_627 = arith.constant 0 : i32
      %dma_start3A_628 = tpu.memref_slice %arg4[%add3A_447, %dma_start3A_624, %add3A, %dma_start3A_627] : memref<200x8x32x1024xf32, #tpu.memory_space<hbm>> -> memref<1x1x1x1024xf32, #tpu.memory_space<hbm>>
      %dma_start3A_629 = tpu.memref_squeeze %dma_start3A_628 : memref<1x1x1x1024xf32, #tpu.memory_space<hbm>> -> memref<1024xf32, #tpu.memory_space<hbm>>
      %dma_start3A_630 = arith.constant 0 : i32
      %dma_start3A_631 = tpu.memref_slice %arg4[%add3A_447, %dma_start3A_624, %add3A, %dma_start3A_630] : memref<200x8x32x1024xf32, #tpu.memory_space<hbm>> -> memref<1x1x1x1024xf32, #tpu.memory_space<hbm>>
      %dma_start3A_632 = tpu.memref_squeeze %dma_start3A_631 : memref<1x1x1x1024xf32, #tpu.memory_space<hbm>> -> memref<1024xf32, #tpu.memory_space<hbm>>
      %dma_start3A_633 = arith.constant 6144 : i32
      %dma_start3A_634 = tpu.memref_slice %arg8[%dma_start3A_633] : memref<8192xf32, #tpu.memory_space<vmem>> -> memref<1024xf32, #tpu.memory_space<vmem>>
      tpu.enqueue_dma source(%dma_start3A_634 : memref<1024xf32, #tpu.memory_space<vmem>>) target(%dma_start3A_632 : memref<1024xf32, #tpu.memory_space<hbm>>) target_semaphore(%arg15 : memref<!tpu.dma_semaphore, #tpu.memory_space<semaphore_mem>>)
      %dma_start3A_635 = arith.constant 7 : i32
      %dma_start3A_636 = arith.constant 7168 : i32
      %dma_start3A_637 = tpu.memref_slice %arg8[%dma_start3A_636] : memref<8192xf32, #tpu.memory_space<vmem>> -> memref<1024xf32, #tpu.memory_space<vmem>>
      %dma_start3A_638 = arith.constant 0 : i32
      %dma_start3A_639 = tpu.memref_slice %arg4[%add3A_447, %dma_start3A_635, %add3A, %dma_start3A_638] : memref<200x8x32x1024xf32, #tpu.memory_space<hbm>> -> memref<1x1x1x1024xf32, #tpu.memory_space<hbm>>
      %dma_start3A_640 = tpu.memref_squeeze %dma_start3A_639 : memref<1x1x1x1024xf32, #tpu.memory_space<hbm>> -> memref<1024xf32, #tpu.memory_space<hbm>>
      %dma_start3A_641 = arith.constant 0 : i32
      %dma_start3A_642 = tpu.memref_slice %arg4[%add3A_447, %dma_start3A_635, %add3A, %dma_start3A_641] : memref<200x8x32x1024xf32, #tpu.memory_space<hbm>> -> memref<1x1x1x1024xf32, #tpu.memory_space<hbm>>
      %dma_start3A_643 = tpu.memref_squeeze %dma_start3A_642 : memref<1x1x1x1024xf32, #tpu.memory_space<hbm>> -> memref<1024xf32, #tpu.memory_space<hbm>>
      %dma_start3A_644 = arith.constant 7168 : i32
      %dma_start3A_645 = tpu.memref_slice %arg8[%dma_start3A_644] : memref<8192xf32, #tpu.memory_space<vmem>> -> memref<1024xf32, #tpu.memory_space<vmem>>
      tpu.enqueue_dma source(%dma_start3A_645 : memref<1024xf32, #tpu.memory_space<vmem>>) target(%dma_start3A_643 : memref<1024xf32, #tpu.memory_space<hbm>>) target_semaphore(%arg15 : memref<!tpu.dma_semaphore, #tpu.memory_space<semaphore_mem>>)
      %add3A_646 = arith.constant 2 : i32
      %add3A_647 = arith.addi %add3A_447, %add3A_646 : i32
      %lt3A = arith.constant 200 : i32
      %lt3A_648 = arith.cmpi slt, %add3A_647, %lt3A : i32
      %convert_element_type3A_649 = arith.extui %lt3A_648 : i1 to i32
      %cond3A_650 = arith.constant 0 : i32
      %cond3A_651 = arith.cmpi ne, %convert_element_type3A_649, %cond3A_650 : i32
      scf.if %cond3A_651 {
        %add3A_866 = arith.constant 2 : i32
        %add3A_867 = arith.addi %add3A_447, %add3A_866 : i32
        %get3A_868 = arith.index_cast %add3A_867 : i32 to index
        %get3A_869 = arith.constant 0 : index
        %get3A_870 = tpu.vector_load %arg5[%get3A_868, %get3A_869] {strides = array<i32>} : memref<200x128xi32, #tpu.memory_space<vmem>>, vector<16xi32>,
        %ge3A_871 = arith.constant 500096 : i32
        %ge3A_872 = vector.broadcast %ge3A_871 : i32 to vector<16xi32>
        %ge3A_873 = arith.cmpi sge, %get3A_870, %ge3A_872 : vector<16xi32>
        %sub3A_874 = arith.constant 500096 : i32
        %sub3A_875 = vector.broadcast %sub3A_874 : i32 to vector<16xi32>
        %sub3A_876 = arith.subi %get3A_870, %sub3A_875 : vector<16xi32>
        %select_n3A_877 = arith.select %ge3A_873, %sub3A_876, %get3A_870 : vector<16xi1>, vector<16xi32>
        %swap3A_878 = arith.constant 0 : index
        %swap3A_879 = tpu.vector_load %arg10[%swap3A_878] {strides = array<i32>} : memref<128xi32, #tpu.memory_space<vmem>>, vector<16xi32>,
        tpu.vector_store %arg10[%swap3A_878], %select_n3A_877 {strides = array<i32>} : memref<128xi32, #tpu.memory_space<vmem>>, vector<16xi32>,
        %get3A_880 = arith.index_cast %add3A_867 : i32 to index
        %get3A_881 = arith.constant 16 : index
        %get3A_882 = tpu.vector_load %arg5[%get3A_880, %get3A_881] {strides = array<i32>} : memref<200x128xi32, #tpu.memory_space<vmem>>, vector<16xi32>,
        %ge3A_883 = arith.constant 500096 : i32
        %ge3A_884 = vector.broadcast %ge3A_883 : i32 to vector<16xi32>
        %ge3A_885 = arith.cmpi sge, %get3A_882, %ge3A_884 : vector<16xi32>
        %sub3A_886 = arith.constant 500096 : i32
        %sub3A_887 = vector.broadcast %sub3A_886 : i32 to vector<16xi32>
        %sub3A_888 = arith.subi %get3A_882, %sub3A_887 : vector<16xi32>
        %select_n3A_889 = arith.select %ge3A_885, %sub3A_888, %get3A_882 : vector<16xi1>, vector<16xi32>
        %swap3A_890 = arith.constant 16 : index
        %swap3A_891 = tpu.vector_load %arg10[%swap3A_890] {strides = array<i32>} : memref<128xi32, #tpu.memory_space<vmem>>, vector<16xi32>,
        tpu.vector_store %arg10[%swap3A_890], %select_n3A_889 {strides = array<i32>} : memref<128xi32, #tpu.memory_space<vmem>>, vector<16xi32>,
        %get3A_892 = arith.index_cast %add3A_867 : i32 to index
        %get3A_893 = arith.constant 32 : index
        %get3A_894 = tpu.vector_load %arg5[%get3A_892, %get3A_893] {strides = array<i32>} : memref<200x128xi32, #tpu.memory_space<vmem>>, vector<16xi32>,
        %ge3A_895 = arith.constant 500096 : i32
        %ge3A_896 = vector.broadcast %ge3A_895 : i32 to vector<16xi32>
        %ge3A_897 = arith.cmpi sge, %get3A_894, %ge3A_896 : vector<16xi32>
        %sub3A_898 = arith.constant 500096 : i32
        %sub3A_899 = vector.broadcast %sub3A_898 : i32 to vector<16xi32>
        %sub3A_900 = arith.subi %get3A_894, %sub3A_899 : vector<16xi32>
        %select_n3A_901 = arith.select %ge3A_897, %sub3A_900, %get3A_894 : vector<16xi1>, vector<16xi32>
        %swap3A_902 = arith.constant 32 : index
        %swap3A_903 = tpu.vector_load %arg10[%swap3A_902] {strides = array<i32>} : memref<128xi32, #tpu.memory_space<vmem>>, vector<16xi32>,
        tpu.vector_store %arg10[%swap3A_902], %select_n3A_901 {strides = array<i32>} : memref<128xi32, #tpu.memory_space<vmem>>, vector<16xi32>,
        %get3A_904 = arith.index_cast %add3A_867 : i32 to index
        %get3A_905 = arith.constant 48 : index
        %get3A_906 = tpu.vector_load %arg5[%get3A_904, %get3A_905] {strides = array<i32>} : memref<200x128xi32, #tpu.memory_space<vmem>>, vector<16xi32>,
        %ge3A_907 = arith.constant 500096 : i32
        %ge3A_908 = vector.broadcast %ge3A_907 : i32 to vector<16xi32>
        %ge3A_909 = arith.cmpi sge, %get3A_906, %ge3A_908 : vector<16xi32>
        %sub3A_910 = arith.constant 500096 : i32
        %sub3A_911 = vector.broadcast %sub3A_910 : i32 to vector<16xi32>
        %sub3A_912 = arith.subi %get3A_906, %sub3A_911 : vector<16xi32>
        %select_n3A_913 = arith.select %ge3A_909, %sub3A_912, %get3A_906 : vector<16xi1>, vector<16xi32>
        %swap3A_914 = arith.constant 48 : index
        %swap3A_915 = tpu.vector_load %arg10[%swap3A_914] {strides = array<i32>} : memref<128xi32, #tpu.memory_space<vmem>>, vector<16xi32>,
        tpu.vector_store %arg10[%swap3A_914], %select_n3A_913 {strides = array<i32>} : memref<128xi32, #tpu.memory_space<vmem>>, vector<16xi32>,
        %get3A_916 = arith.index_cast %add3A_867 : i32 to index
        %get3A_917 = arith.constant 64 : index
        %get3A_918 = tpu.vector_load %arg5[%get3A_916, %get3A_917] {strides = array<i32>} : memref<200x128xi32, #tpu.memory_space<vmem>>, vector<16xi32>,
        %ge3A_919 = arith.constant 500096 : i32
        %ge3A_920 = vector.broadcast %ge3A_919 : i32 to vector<16xi32>
        %ge3A_921 = arith.cmpi sge, %get3A_918, %ge3A_920 : vector<16xi32>
        %sub3A_922 = arith.constant 500096 : i32
        %sub3A_923 = vector.broadcast %sub3A_922 : i32 to vector<16xi32>
        %sub3A_924 = arith.subi %get3A_918, %sub3A_923 : vector<16xi32>
        %select_n3A_925 = arith.select %ge3A_921, %sub3A_924, %get3A_918 : vector<16xi1>, vector<16xi32>
        %swap3A_926 = arith.constant 64 : index
        %swap3A_927 = tpu.vector_load %arg10[%swap3A_926] {strides = array<i32>} : memref<128xi32, #tpu.memory_space<vmem>>, vector<16xi32>,
        tpu.vector_store %arg10[%swap3A_926], %select_n3A_925 {strides = array<i32>} : memref<128xi32, #tpu.memory_space<vmem>>, vector<16xi32>,
        %get3A_928 = arith.index_cast %add3A_867 : i32 to index
        %get3A_929 = arith.constant 80 : index
        %get3A_930 = tpu.vector_load %arg5[%get3A_928, %get3A_929] {strides = array<i32>} : memref<200x128xi32, #tpu.memory_space<vmem>>, vector<16xi32>,
        %ge3A_931 = arith.constant 500096 : i32
        %ge3A_932 = vector.broadcast %ge3A_931 : i32 to vector<16xi32>
        %ge3A_933 = arith.cmpi sge, %get3A_930, %ge3A_932 : vector<16xi32>
        %sub3A_934 = arith.constant 500096 : i32
        %sub3A_935 = vector.broadcast %sub3A_934 : i32 to vector<16xi32>
        %sub3A_936 = arith.subi %get3A_930, %sub3A_935 : vector<16xi32>
        %select_n3A_937 = arith.select %ge3A_933, %sub3A_936, %get3A_930 : vector<16xi1>, vector<16xi32>
        %swap3A_938 = arith.constant 80 : index
        %swap3A_939 = tpu.vector_load %arg10[%swap3A_938] {strides = array<i32>} : memref<128xi32, #tpu.memory_space<vmem>>, vector<16xi32>,
        tpu.vector_store %arg10[%swap3A_938], %select_n3A_937 {strides = array<i32>} : memref<128xi32, #tpu.memory_space<vmem>>, vector<16xi32>,
        %get3A_940 = arith.index_cast %add3A_867 : i32 to index
        %get3A_941 = arith.constant 96 : index
        %get3A_942 = tpu.vector_load %arg5[%get3A_940, %get3A_941] {strides = array<i32>} : memref<200x128xi32, #tpu.memory_space<vmem>>, vector<16xi32>,
        %ge3A_943 = arith.constant 500096 : i32
        %ge3A_944 = vector.broadcast %ge3A_943 : i32 to vector<16xi32>
        %ge3A_945 = arith.cmpi sge, %get3A_942, %ge3A_944 : vector<16xi32>
        %sub3A_946 = arith.constant 500096 : i32
        %sub3A_947 = vector.broadcast %sub3A_946 : i32 to vector<16xi32>
        %sub3A_948 = arith.subi %get3A_942, %sub3A_947 : vector<16xi32>
        %select_n3A_949 = arith.select %ge3A_945, %sub3A_948, %get3A_942 : vector<16xi1>, vector<16xi32>
        %swap3A_950 = arith.constant 96 : index
        %swap3A_951 = tpu.vector_load %arg10[%swap3A_950] {strides = array<i32>} : memref<128xi32, #tpu.memory_space<vmem>>, vector<16xi32>,
        tpu.vector_store %arg10[%swap3A_950], %select_n3A_949 {strides = array<i32>} : memref<128xi32, #tpu.memory_space<vmem>>, vector<16xi32>,
        %get3A_952 = arith.index_cast %add3A_867 : i32 to index
        %get3A_953 = arith.constant 112 : index
        %get3A_954 = tpu.vector_load %arg5[%get3A_952, %get3A_953] {strides = array<i32>} : memref<200x128xi32, #tpu.memory_space<vmem>>, vector<16xi32>,
        %ge3A_955 = arith.constant 500096 : i32
        %ge3A_956 = vector.broadcast %ge3A_955 : i32 to vector<16xi32>
        %ge3A_957 = arith.cmpi sge, %get3A_954, %ge3A_956 : vector<16xi32>
        %sub3A_958 = arith.constant 500096 : i32
        %sub3A_959 = vector.broadcast %sub3A_958 : i32 to vector<16xi32>
        %sub3A_960 = arith.subi %get3A_954, %sub3A_959 : vector<16xi32>
        %select_n3A_961 = arith.select %ge3A_957, %sub3A_960, %get3A_954 : vector<16xi1>, vector<16xi32>
        %swap3A_962 = arith.constant 112 : index
        %swap3A_963 = tpu.vector_load %arg10[%swap3A_962] {strides = array<i32>} : memref<128xi32, #tpu.memory_space<vmem>>, vector<16xi32>,
        tpu.vector_store %arg10[%swap3A_962], %select_n3A_961 {strides = array<i32>} : memref<128xi32, #tpu.memory_space<vmem>>, vector<16xi32>,
        %dma_start3A_964 = arith.constant 0 : i32
        %dma_start3A_965 = arith.constant 0 : i32
        %dma_start3A_966 = tpu.memref_slice %arg3[%dma_start3A_964, %dma_start3A_965] : memref<500096x128xf32, #tpu.memory_space<hbm>> -> memref<500096x128xf32, #tpu.memory_space<hbm>>
        tpu.enqueue_indirect_dma source(%dma_start3A_966 : memref<500096x128xf32, #tpu.memory_space<hbm>>) target(%arg6 : memref<128x128xf32, #tpu.memory_space<vmem>>) offsets(%arg10 : memref<128xi32, #tpu.memory_space<vmem>>) semaphore(%arg13 : memref<!tpu.dma_semaphore, #tpu.memory_space<semaphore_mem>>)
      } else {
      }
      %mul3A_652 = arith.constant 2 : i32
      %mul3A_653 = arith.muli %scan3A_443, %mul3A_652 : i32
      %add3A_654 = arith.constant 1 : i32
      %add3A_655 = arith.addi %mul3A_653, %add3A_654 : i32
      %dma_wait3A_656 = arith.constant 0 : i32
      %dma_wait3A_657 = arith.constant 0 : i32
      %dma_wait3A_658 = tpu.memref_slice %arg3[%dma_wait3A_656, %dma_wait3A_657] : memref<500096x128xf32, #tpu.memory_space<hbm>> -> memref<500096x128xf32, #tpu.memory_space<hbm>>
      tpu.wait_indirect_dma semaphore(%arg14 : memref<!tpu.dma_semaphore, #tpu.memory_space<semaphore_mem>>) src(%dma_wait3A_658 : memref<500096x128xf32, #tpu.memory_space<hbm>>) dst(%arg7 : memref<128x128xf32, #tpu.memory_space<vmem>>)
      %get3A_659 = arith.index_cast %add3A_655 : i32 to index
      %get3A_660 = arith.constant 0 : index
      %get3A_661 = tpu.vector_load %arg5[%get3A_659, %get3A_660] {strides = array<i32>} : memref<200x128xi32, #tpu.memory_space<vmem>>, vector<16xi32>,
      %ge3A_662 = arith.constant 500096 : i32
      %ge3A_663 = vector.broadcast %ge3A_662 : i32 to vector<16xi32>
      %ge3A_664 = arith.cmpi sge, %get3A_661, %ge3A_663 : vector<16xi32>
      %jit3A_665 = arith.constant 1 : i32
      %jit3A_666 = arith.constant 0 : i32
      %broadcast_in_dim3A_667 = vector.broadcast %jit3A_665 : i32 to vector<16xi32>
      %broadcast_in_dim3A_668 = vector.broadcast %jit3A_666 : i32 to vector<16xi32>
      %select_n3A_669 = arith.select %ge3A_664, %broadcast_in_dim3A_667, %broadcast_in_dim3A_668 : vector<16xi1>, vector<16xi32>
      %swap3A_670 = arith.constant 0 : index
      %swap3A_671 = tpu.vector_load %arg12[%swap3A_670] {strides = array<i32>} : memref<128xi32, #tpu.memory_space<vmem>>, vector<16xi32>,
      tpu.vector_store %arg12[%swap3A_670], %select_n3A_669 {strides = array<i32>} : memref<128xi32, #tpu.memory_space<vmem>>, vector<16xi32>,
      %get3A_672 = arith.index_cast %add3A_655 : i32 to index
      %get3A_673 = arith.constant 16 : index
      %get3A_674 = tpu.vector_load %arg5[%get3A_672, %get3A_673] {strides = array<i32>} : memref<200x128xi32, #tpu.memory_space<vmem>>, vector<16xi32>,
      %ge3A_675 = arith.constant 500096 : i32
      %ge3A_676 = vector.broadcast %ge3A_675 : i32 to vector<16xi32>
      %ge3A_677 = arith.cmpi sge, %get3A_674, %ge3A_676 : vector<16xi32>
      %jit3A_678 = arith.constant 1 : i32
      %jit3A_679 = arith.constant 0 : i32
      %broadcast_in_dim3A_680 = vector.broadcast %jit3A_678 : i32 to vector<16xi32>
      %broadcast_in_dim3A_681 = vector.broadcast %jit3A_679 : i32 to vector<16xi32>
      %select_n3A_682 = arith.select %ge3A_677, %broadcast_in_dim3A_680, %broadcast_in_dim3A_681 : vector<16xi1>, vector<16xi32>
      %swap3A_683 = arith.constant 16 : index
      %swap3A_684 = tpu.vector_load %arg12[%swap3A_683] {strides = array<i32>} : memref<128xi32, #tpu.memory_space<vmem>>, vector<16xi32>,
      tpu.vector_store %arg12[%swap3A_683], %select_n3A_682 {strides = array<i32>} : memref<128xi32, #tpu.memory_space<vmem>>, vector<16xi32>,
      %get3A_685 = arith.index_cast %add3A_655 : i32 to index
      %get3A_686 = arith.constant 32 : index
      %get3A_687 = tpu.vector_load %arg5[%get3A_685, %get3A_686] {strides = array<i32>} : memref<200x128xi32, #tpu.memory_space<vmem>>, vector<16xi32>,
      %ge3A_688 = arith.constant 500096 : i32
      %ge3A_689 = vector.broadcast %ge3A_688 : i32 to vector<16xi32>
      %ge3A_690 = arith.cmpi sge, %get3A_687, %ge3A_689 : vector<16xi32>
      %jit3A_691 = arith.constant 1 : i32
      %jit3A_692 = arith.constant 0 : i32
      %broadcast_in_dim3A_693 = vector.broadcast %jit3A_691 : i32 to vector<16xi32>
      %broadcast_in_dim3A_694 = vector.broadcast %jit3A_692 : i32 to vector<16xi32>
      %select_n3A_695 = arith.select %ge3A_690, %broadcast_in_dim3A_693, %broadcast_in_dim3A_694 : vector<16xi1>, vector<16xi32>
      %swap3A_696 = arith.constant 32 : index
      %swap3A_697 = tpu.vector_load %arg12[%swap3A_696] {strides = array<i32>} : memref<128xi32, #tpu.memory_space<vmem>>, vector<16xi32>,
      tpu.vector_store %arg12[%swap3A_696], %select_n3A_695 {strides = array<i32>} : memref<128xi32, #tpu.memory_space<vmem>>, vector<16xi32>,
      %get3A_698 = arith.index_cast %add3A_655 : i32 to index
      %get3A_699 = arith.constant 48 : index
      %get3A_700 = tpu.vector_load %arg5[%get3A_698, %get3A_699] {strides = array<i32>} : memref<200x128xi32, #tpu.memory_space<vmem>>, vector<16xi32>,
      %ge3A_701 = arith.constant 500096 : i32
      %ge3A_702 = vector.broadcast %ge3A_701 : i32 to vector<16xi32>
      %ge3A_703 = arith.cmpi sge, %get3A_700, %ge3A_702 : vector<16xi32>
      %jit3A_704 = arith.constant 1 : i32
      %jit3A_705 = arith.constant 0 : i32
      %broadcast_in_dim3A_706 = vector.broadcast %jit3A_704 : i32 to vector<16xi32>
      %broadcast_in_dim3A_707 = vector.broadcast %jit3A_705 : i32 to vector<16xi32>
      %select_n3A_708 = arith.select %ge3A_703, %broadcast_in_dim3A_706, %broadcast_in_dim3A_707 : vector<16xi1>, vector<16xi32>
      %swap3A_709 = arith.constant 48 : index
      %swap3A_710 = tpu.vector_load %arg12[%swap3A_709] {strides = array<i32>} : memref<128xi32, #tpu.memory_space<vmem>>, vector<16xi32>,
      tpu.vector_store %arg12[%swap3A_709], %select_n3A_708 {strides = array<i32>} : memref<128xi32, #tpu.memory_space<vmem>>, vector<16xi32>,
      %get3A_711 = arith.index_cast %add3A_655 : i32 to index
      %get3A_712 = arith.constant 64 : index
      %get3A_713 = tpu.vector_load %arg5[%get3A_711, %get3A_712] {strides = array<i32>} : memref<200x128xi32, #tpu.memory_space<vmem>>, vector<16xi32>,
      %ge3A_714 = arith.constant 500096 : i32
      %ge3A_715 = vector.broadcast %ge3A_714 : i32 to vector<16xi32>
      %ge3A_716 = arith.cmpi sge, %get3A_713, %ge3A_715 : vector<16xi32>
      %jit3A_717 = arith.constant 1 : i32
      %jit3A_718 = arith.constant 0 : i32
      %broadcast_in_dim3A_719 = vector.broadcast %jit3A_717 : i32 to vector<16xi32>
      %broadcast_in_dim3A_720 = vector.broadcast %jit3A_718 : i32 to vector<16xi32>
      %select_n3A_721 = arith.select %ge3A_716, %broadcast_in_dim3A_719, %broadcast_in_dim3A_720 : vector<16xi1>, vector<16xi32>
      %swap3A_722 = arith.constant 64 : index
      %swap3A_723 = tpu.vector_load %arg12[%swap3A_722] {strides = array<i32>} : memref<128xi32, #tpu.memory_space<vmem>>, vector<16xi32>,
      tpu.vector_store %arg12[%swap3A_722], %select_n3A_721 {strides = array<i32>} : memref<128xi32, #tpu.memory_space<vmem>>, vector<16xi32>,
      %get3A_724 = arith.index_cast %add3A_655 : i32 to index
      %get3A_725 = arith.constant 80 : index
      %get3A_726 = tpu.vector_load %arg5[%get3A_724, %get3A_725] {strides = array<i32>} : memref<200x128xi32, #tpu.memory_space<vmem>>, vector<16xi32>,
      %ge3A_727 = arith.constant 500096 : i32
      %ge3A_728 = vector.broadcast %ge3A_727 : i32 to vector<16xi32>
      %ge3A_729 = arith.cmpi sge, %get3A_726, %ge3A_728 : vector<16xi32>
      %jit3A_730 = arith.constant 1 : i32
      %jit3A_731 = arith.constant 0 : i32
      %broadcast_in_dim3A_732 = vector.broadcast %jit3A_730 : i32 to vector<16xi32>
      %broadcast_in_dim3A_733 = vector.broadcast %jit3A_731 : i32 to vector<16xi32>
      %select_n3A_734 = arith.select %ge3A_729, %broadcast_in_dim3A_732, %broadcast_in_dim3A_733 : vector<16xi1>, vector<16xi32>
      %swap3A_735 = arith.constant 80 : index
      %swap3A_736 = tpu.vector_load %arg12[%swap3A_735] {strides = array<i32>} : memref<128xi32, #tpu.memory_space<vmem>>, vector<16xi32>,
      tpu.vector_store %arg12[%swap3A_735], %select_n3A_734 {strides = array<i32>} : memref<128xi32, #tpu.memory_space<vmem>>, vector<16xi32>,
      %get3A_737 = arith.index_cast %add3A_655 : i32 to index
      %get3A_738 = arith.constant 96 : index
      %get3A_739 = tpu.vector_load %arg5[%get3A_737, %get3A_738] {strides = array<i32>} : memref<200x128xi32, #tpu.memory_space<vmem>>, vector<16xi32>,
      %ge3A_740 = arith.constant 500096 : i32
      %ge3A_741 = vector.broadcast %ge3A_740 : i32 to vector<16xi32>
      %ge3A_742 = arith.cmpi sge, %get3A_739, %ge3A_741 : vector<16xi32>
      %jit3A_743 = arith.constant 1 : i32
      %jit3A_744 = arith.constant 0 : i32
      %broadcast_in_dim3A_745 = vector.broadcast %jit3A_743 : i32 to vector<16xi32>
      %broadcast_in_dim3A_746 = vector.broadcast %jit3A_744 : i32 to vector<16xi32>
      %select_n3A_747 = arith.select %ge3A_742, %broadcast_in_dim3A_745, %broadcast_in_dim3A_746 : vector<16xi1>, vector<16xi32>
      %swap3A_748 = arith.constant 96 : index
      %swap3A_749 = tpu.vector_load %arg12[%swap3A_748] {strides = array<i32>} : memref<128xi32, #tpu.memory_space<vmem>>, vector<16xi32>,
      tpu.vector_store %arg12[%swap3A_748], %select_n3A_747 {strides = array<i32>} : memref<128xi32, #tpu.memory_space<vmem>>, vector<16xi32>,
      %get3A_750 = arith.index_cast %add3A_655 : i32 to index
      %get3A_751 = arith.constant 112 : index
      %get3A_752 = tpu.vector_load %arg5[%get3A_750, %get3A_751] {strides = array<i32>} : memref<200x128xi32, #tpu.memory_space<vmem>>, vector<16xi32>,
      %ge3A_753 = arith.constant 500096 : i32
      %ge3A_754 = vector.broadcast %ge3A_753 : i32 to vector<16xi32>
      %ge3A_755 = arith.cmpi sge, %get3A_752, %ge3A_754 : vector<16xi32>
      %jit3A_756 = arith.constant 1 : i32
      %jit3A_757 = arith.constant 0 : i32
      %broadcast_in_dim3A_758 = vector.broadcast %jit3A_756 : i32 to vector<16xi32>
      %broadcast_in_dim3A_759 = vector.broadcast %jit3A_757 : i32 to vector<16xi32>
      %select_n3A_760 = arith.select %ge3A_755, %broadcast_in_dim3A_758, %broadcast_in_dim3A_759 : vector<16xi1>, vector<16xi32>
      %swap3A_761 = arith.constant 112 : index
      %swap3A_762 = tpu.vector_load %arg12[%swap3A_761] {strides = array<i32>} : memref<128xi32, #tpu.memory_space<vmem>>, vector<16xi32>,
      tpu.vector_store %arg12[%swap3A_761], %select_n3A_760 {strides = array<i32>} : memref<128xi32, #tpu.memory_space<vmem>>, vector<16xi32>,
      %ge3A_763 = arith.constant 2 : i32
      %ge3A_764 = arith.cmpi sge, %add3A_655, %ge3A_763 : i32
      %convert_element_type3A_765 = arith.extui %ge3A_764 : i1 to i32
      %cond3A_766 = arith.constant 0 : i32
      %cond3A_767 = arith.cmpi ne, %convert_element_type3A_765, %cond3A_766 : i32
      scf.if %cond3A_767 {
        %sub3A_866 = arith.constant 2 : i32
        %sub3A_867 = arith.subi %add3A_655, %sub3A_866 : i32
        %dma_wait3A_868 = arith.constant 0 : i32
        %dma_wait3A_869 = arith.constant 0 : i32
        %dma_wait3A_870 = tpu.memref_slice %arg9[%dma_wait3A_869] : memref<8192xf32, #tpu.memory_space<vmem>> -> memref<1024xf32, #tpu.memory_space<vmem>>
        %dma_wait3A_871 = arith.constant 0 : i32
        %dma_wait3A_872 = tpu.memref_slice %arg4[%sub3A_867, %dma_wait3A_868, %add3A, %dma_wait3A_871] : memref<200x8x32x1024xf32, #tpu.memory_space<hbm>> -> memref<1x1x1x1024xf32, #tpu.memory_space<hbm>>
        %dma_wait3A_873 = tpu.memref_squeeze %dma_wait3A_872 : memref<1x1x1x1024xf32, #tpu.memory_space<hbm>> -> memref<1024xf32, #tpu.memory_space<hbm>>
        %dma_wait3A_874 = arith.constant 0 : i32
        %dma_wait3A_875 = tpu.memref_slice %arg4[%sub3A_867, %dma_wait3A_868, %add3A, %dma_wait3A_874] : memref<200x8x32x1024xf32, #tpu.memory_space<hbm>> -> memref<1x1x1x1024xf32, #tpu.memory_space<hbm>>
        %dma_wait3A_876 = tpu.memref_squeeze %dma_wait3A_875 : memref<1x1x1x1024xf32, #tpu.memory_space<hbm>> -> memref<1024xf32, #tpu.memory_space<hbm>>
        %dma_wait3A_877 = arith.constant 0 : i32
        %dma_wait3A_878 = tpu.memref_slice %arg9[%dma_wait3A_877] : memref<8192xf32, #tpu.memory_space<vmem>> -> memref<1024xf32, #tpu.memory_space<vmem>>
        tpu.wait_dma2 semaphore(%arg16 : memref<!tpu.dma_semaphore, #tpu.memory_space<semaphore_mem>>) src(%dma_wait3A_878 : memref<1024xf32, #tpu.memory_space<vmem>>) dst(%dma_wait3A_876 : memref<1024xf32, #tpu.memory_space<hbm>>)
        %dma_wait3A_879 = arith.constant 1 : i32
        %dma_wait3A_880 = arith.constant 1024 : i32
        %dma_wait3A_881 = tpu.memref_slice %arg9[%dma_wait3A_880] : memref<8192xf32, #tpu.memory_space<vmem>> -> memref<1024xf32, #tpu.memory_space<vmem>>
        %dma_wait3A_882 = arith.constant 0 : i32
        %dma_wait3A_883 = tpu.memref_slice %arg4[%sub3A_867, %dma_wait3A_879, %add3A, %dma_wait3A_882] : memref<200x8x32x1024xf32, #tpu.memory_space<hbm>> -> memref<1x1x1x1024xf32, #tpu.memory_space<hbm>>
        %dma_wait3A_884 = tpu.memref_squeeze %dma_wait3A_883 : memref<1x1x1x1024xf32, #tpu.memory_space<hbm>> -> memref<1024xf32, #tpu.memory_space<hbm>>
        %dma_wait3A_885 = arith.constant 0 : i32
        %dma_wait3A_886 = tpu.memref_slice %arg4[%sub3A_867, %dma_wait3A_879, %add3A, %dma_wait3A_885] : memref<200x8x32x1024xf32, #tpu.memory_space<hbm>> -> memref<1x1x1x1024xf32, #tpu.memory_space<hbm>>
        %dma_wait3A_887 = tpu.memref_squeeze %dma_wait3A_886 : memref<1x1x1x1024xf32, #tpu.memory_space<hbm>> -> memref<1024xf32, #tpu.memory_space<hbm>>
        %dma_wait3A_888 = arith.constant 1024 : i32
        %dma_wait3A_889 = tpu.memref_slice %arg9[%dma_wait3A_888] : memref<8192xf32, #tpu.memory_space<vmem>> -> memref<1024xf32, #tpu.memory_space<vmem>>
        tpu.wait_dma2 semaphore(%arg16 : memref<!tpu.dma_semaphore, #tpu.memory_space<semaphore_mem>>) src(%dma_wait3A_889 : memref<1024xf32, #tpu.memory_space<vmem>>) dst(%dma_wait3A_887 : memref<1024xf32, #tpu.memory_space<hbm>>)
        %dma_wait3A_890 = arith.constant 2 : i32
        %dma_wait3A_891 = arith.constant 2048 : i32
        %dma_wait3A_892 = tpu.memref_slice %arg9[%dma_wait3A_891] : memref<8192xf32, #tpu.memory_space<vmem>> -> memref<1024xf32, #tpu.memory_space<vmem>>
        %dma_wait3A_893 = arith.constant 0 : i32
        %dma_wait3A_894 = tpu.memref_slice %arg4[%sub3A_867, %dma_wait3A_890, %add3A, %dma_wait3A_893] : memref<200x8x32x1024xf32, #tpu.memory_space<hbm>> -> memref<1x1x1x1024xf32, #tpu.memory_space<hbm>>
        %dma_wait3A_895 = tpu.memref_squeeze %dma_wait3A_894 : memref<1x1x1x1024xf32, #tpu.memory_space<hbm>> -> memref<1024xf32, #tpu.memory_space<hbm>>
        %dma_wait3A_896 = arith.constant 0 : i32
        %dma_wait3A_897 = tpu.memref_slice %arg4[%sub3A_867, %dma_wait3A_890, %add3A, %dma_wait3A_896] : memref<200x8x32x1024xf32, #tpu.memory_space<hbm>> -> memref<1x1x1x1024xf32, #tpu.memory_space<hbm>>
        %dma_wait3A_898 = tpu.memref_squeeze %dma_wait3A_897 : memref<1x1x1x1024xf32, #tpu.memory_space<hbm>> -> memref<1024xf32, #tpu.memory_space<hbm>>
        %dma_wait3A_899 = arith.constant 2048 : i32
        %dma_wait3A_900 = tpu.memref_slice %arg9[%dma_wait3A_899] : memref<8192xf32, #tpu.memory_space<vmem>> -> memref<1024xf32, #tpu.memory_space<vmem>>
        tpu.wait_dma2 semaphore(%arg16 : memref<!tpu.dma_semaphore, #tpu.memory_space<semaphore_mem>>) src(%dma_wait3A_900 : memref<1024xf32, #tpu.memory_space<vmem>>) dst(%dma_wait3A_898 : memref<1024xf32, #tpu.memory_space<hbm>>)
        %dma_wait3A_901 = arith.constant 3 : i32
        %dma_wait3A_902 = arith.constant 3072 : i32
        %dma_wait3A_903 = tpu.memref_slice %arg9[%dma_wait3A_902] : memref<8192xf32, #tpu.memory_space<vmem>> -> memref<1024xf32, #tpu.memory_space<vmem>>
        %dma_wait3A_904 = arith.constant 0 : i32
        %dma_wait3A_905 = tpu.memref_slice %arg4[%sub3A_867, %dma_wait3A_901, %add3A, %dma_wait3A_904] : memref<200x8x32x1024xf32, #tpu.memory_space<hbm>> -> memref<1x1x1x1024xf32, #tpu.memory_space<hbm>>
        %dma_wait3A_906 = tpu.memref_squeeze %dma_wait3A_905 : memref<1x1x1x1024xf32, #tpu.memory_space<hbm>> -> memref<1024xf32, #tpu.memory_space<hbm>>
        %dma_wait3A_907 = arith.constant 0 : i32
        %dma_wait3A_908 = tpu.memref_slice %arg4[%sub3A_867, %dma_wait3A_901, %add3A, %dma_wait3A_907] : memref<200x8x32x1024xf32, #tpu.memory_space<hbm>> -> memref<1x1x1x1024xf32, #tpu.memory_space<hbm>>
        %dma_wait3A_909 = tpu.memref_squeeze %dma_wait3A_908 : memref<1x1x1x1024xf32, #tpu.memory_space<hbm>> -> memref<1024xf32, #tpu.memory_space<hbm>>
        %dma_wait3A_910 = arith.constant 3072 : i32
        %dma_wait3A_911 = tpu.memref_slice %arg9[%dma_wait3A_910] : memref<8192xf32, #tpu.memory_space<vmem>> -> memref<1024xf32, #tpu.memory_space<vmem>>
        tpu.wait_dma2 semaphore(%arg16 : memref<!tpu.dma_semaphore, #tpu.memory_space<semaphore_mem>>) src(%dma_wait3A_911 : memref<1024xf32, #tpu.memory_space<vmem>>) dst(%dma_wait3A_909 : memref<1024xf32, #tpu.memory_space<hbm>>)
        %dma_wait3A_912 = arith.constant 4 : i32
        %dma_wait3A_913 = arith.constant 4096 : i32
        %dma_wait3A_914 = tpu.memref_slice %arg9[%dma_wait3A_913] : memref<8192xf32, #tpu.memory_space<vmem>> -> memref<1024xf32, #tpu.memory_space<vmem>>
        %dma_wait3A_915 = arith.constant 0 : i32
        %dma_wait3A_916 = tpu.memref_slice %arg4[%sub3A_867, %dma_wait3A_912, %add3A, %dma_wait3A_915] : memref<200x8x32x1024xf32, #tpu.memory_space<hbm>> -> memref<1x1x1x1024xf32, #tpu.memory_space<hbm>>
        %dma_wait3A_917 = tpu.memref_squeeze %dma_wait3A_916 : memref<1x1x1x1024xf32, #tpu.memory_space<hbm>> -> memref<1024xf32, #tpu.memory_space<hbm>>
        %dma_wait3A_918 = arith.constant 0 : i32
        %dma_wait3A_919 = tpu.memref_slice %arg4[%sub3A_867, %dma_wait3A_912, %add3A, %dma_wait3A_918] : memref<200x8x32x1024xf32, #tpu.memory_space<hbm>> -> memref<1x1x1x1024xf32, #tpu.memory_space<hbm>>
        %dma_wait3A_920 = tpu.memref_squeeze %dma_wait3A_919 : memref<1x1x1x1024xf32, #tpu.memory_space<hbm>> -> memref<1024xf32, #tpu.memory_space<hbm>>
        %dma_wait3A_921 = arith.constant 4096 : i32
        %dma_wait3A_922 = tpu.memref_slice %arg9[%dma_wait3A_921] : memref<8192xf32, #tpu.memory_space<vmem>> -> memref<1024xf32, #tpu.memory_space<vmem>>
        tpu.wait_dma2 semaphore(%arg16 : memref<!tpu.dma_semaphore, #tpu.memory_space<semaphore_mem>>) src(%dma_wait3A_922 : memref<1024xf32, #tpu.memory_space<vmem>>) dst(%dma_wait3A_920 : memref<1024xf32, #tpu.memory_space<hbm>>)
        %dma_wait3A_923 = arith.constant 5 : i32
        %dma_wait3A_924 = arith.constant 5120 : i32
        %dma_wait3A_925 = tpu.memref_slice %arg9[%dma_wait3A_924] : memref<8192xf32, #tpu.memory_space<vmem>> -> memref<1024xf32, #tpu.memory_space<vmem>>
        %dma_wait3A_926 = arith.constant 0 : i32
        %dma_wait3A_927 = tpu.memref_slice %arg4[%sub3A_867, %dma_wait3A_923, %add3A, %dma_wait3A_926] : memref<200x8x32x1024xf32, #tpu.memory_space<hbm>> -> memref<1x1x1x1024xf32, #tpu.memory_space<hbm>>
        %dma_wait3A_928 = tpu.memref_squeeze %dma_wait3A_927 : memref<1x1x1x1024xf32, #tpu.memory_space<hbm>> -> memref<1024xf32, #tpu.memory_space<hbm>>
        %dma_wait3A_929 = arith.constant 0 : i32
        %dma_wait3A_930 = tpu.memref_slice %arg4[%sub3A_867, %dma_wait3A_923, %add3A, %dma_wait3A_929] : memref<200x8x32x1024xf32, #tpu.memory_space<hbm>> -> memref<1x1x1x1024xf32, #tpu.memory_space<hbm>>
        %dma_wait3A_931 = tpu.memref_squeeze %dma_wait3A_930 : memref<1x1x1x1024xf32, #tpu.memory_space<hbm>> -> memref<1024xf32, #tpu.memory_space<hbm>>
        %dma_wait3A_932 = arith.constant 5120 : i32
        %dma_wait3A_933 = tpu.memref_slice %arg9[%dma_wait3A_932] : memref<8192xf32, #tpu.memory_space<vmem>> -> memref<1024xf32, #tpu.memory_space<vmem>>
        tpu.wait_dma2 semaphore(%arg16 : memref<!tpu.dma_semaphore, #tpu.memory_space<semaphore_mem>>) src(%dma_wait3A_933 : memref<1024xf32, #tpu.memory_space<vmem>>) dst(%dma_wait3A_931 : memref<1024xf32, #tpu.memory_space<hbm>>)
        %dma_wait3A_934 = arith.constant 6 : i32
        %dma_wait3A_935 = arith.constant 6144 : i32
        %dma_wait3A_936 = tpu.memref_slice %arg9[%dma_wait3A_935] : memref<8192xf32, #tpu.memory_space<vmem>> -> memref<1024xf32, #tpu.memory_space<vmem>>
        %dma_wait3A_937 = arith.constant 0 : i32
        %dma_wait3A_938 = tpu.memref_slice %arg4[%sub3A_867, %dma_wait3A_934, %add3A, %dma_wait3A_937] : memref<200x8x32x1024xf32, #tpu.memory_space<hbm>> -> memref<1x1x1x1024xf32, #tpu.memory_space<hbm>>
        %dma_wait3A_939 = tpu.memref_squeeze %dma_wait3A_938 : memref<1x1x1x1024xf32, #tpu.memory_space<hbm>> -> memref<1024xf32, #tpu.memory_space<hbm>>
        %dma_wait3A_940 = arith.constant 0 : i32
        %dma_wait3A_941 = tpu.memref_slice %arg4[%sub3A_867, %dma_wait3A_934, %add3A, %dma_wait3A_940] : memref<200x8x32x1024xf32, #tpu.memory_space<hbm>> -> memref<1x1x1x1024xf32, #tpu.memory_space<hbm>>
        %dma_wait3A_942 = tpu.memref_squeeze %dma_wait3A_941 : memref<1x1x1x1024xf32, #tpu.memory_space<hbm>> -> memref<1024xf32, #tpu.memory_space<hbm>>
        %dma_wait3A_943 = arith.constant 6144 : i32
        %dma_wait3A_944 = tpu.memref_slice %arg9[%dma_wait3A_943] : memref<8192xf32, #tpu.memory_space<vmem>> -> memref<1024xf32, #tpu.memory_space<vmem>>
        tpu.wait_dma2 semaphore(%arg16 : memref<!tpu.dma_semaphore, #tpu.memory_space<semaphore_mem>>) src(%dma_wait3A_944 : memref<1024xf32, #tpu.memory_space<vmem>>) dst(%dma_wait3A_942 : memref<1024xf32, #tpu.memory_space<hbm>>)
        %dma_wait3A_945 = arith.constant 7 : i32
        %dma_wait3A_946 = arith.constant 7168 : i32
        %dma_wait3A_947 = tpu.memref_slice %arg9[%dma_wait3A_946] : memref<8192xf32, #tpu.memory_space<vmem>> -> memref<1024xf32, #tpu.memory_space<vmem>>
        %dma_wait3A_948 = arith.constant 0 : i32
        %dma_wait3A_949 = tpu.memref_slice %arg4[%sub3A_867, %dma_wait3A_945, %add3A, %dma_wait3A_948] : memref<200x8x32x1024xf32, #tpu.memory_space<hbm>> -> memref<1x1x1x1024xf32, #tpu.memory_space<hbm>>
        %dma_wait3A_950 = tpu.memref_squeeze %dma_wait3A_949 : memref<1x1x1x1024xf32, #tpu.memory_space<hbm>> -> memref<1024xf32, #tpu.memory_space<hbm>>
        %dma_wait3A_951 = arith.constant 0 : i32
        %dma_wait3A_952 = tpu.memref_slice %arg4[%sub3A_867, %dma_wait3A_945, %add3A, %dma_wait3A_951] : memref<200x8x32x1024xf32, #tpu.memory_space<hbm>> -> memref<1x1x1x1024xf32, #tpu.memory_space<hbm>>
        %dma_wait3A_953 = tpu.memref_squeeze %dma_wait3A_952 : memref<1x1x1x1024xf32, #tpu.memory_space<hbm>> -> memref<1024xf32, #tpu.memory_space<hbm>>
        %dma_wait3A_954 = arith.constant 7168 : i32
        %dma_wait3A_955 = tpu.memref_slice %arg9[%dma_wait3A_954] : memref<8192xf32, #tpu.memory_space<vmem>> -> memref<1024xf32, #tpu.memory_space<vmem>>
        tpu.wait_dma2 semaphore(%arg16 : memref<!tpu.dma_semaphore, #tpu.memory_space<semaphore_mem>>) src(%dma_wait3A_955 : memref<1024xf32, #tpu.memory_space<vmem>>) dst(%dma_wait3A_953 : memref<1024xf32, #tpu.memory_space<hbm>>)
      } else {
      }
      %parallel_loop3A_768 = arith.constant 0 : i32
      %parallel_loop3A_769 = arith.constant 16 : i32
      %parallel_loop3A_770 = arith.constant 1 : i32
      scf.for %parallel_loop3A_866 = %parallel_loop3A_768 to %parallel_loop3A_769 step %parallel_loop3A_770  : i32 {
        %parallel_loop3A_867 = vector.broadcast %parallel_loop3A_866 : i32 to vector<16xi32>
        %parallel_loop3A_868 = arith.addi %iota3A, %parallel_loop3A_867 : vector<16xi32>
        %parallel_loop3A_869 = arith.constant 15 : i32
        %parallel_loop3A_870 = vector.broadcast %parallel_loop3A_869 : i32 to vector<16xi32>
        %parallel_loop3A_871 = arith.andi %parallel_loop3A_868, %parallel_loop3A_870 : vector<16xi32>
        %parallel_loop3A_872 = arith.constant 0 : i32
        %parallel_loop3A_873 = vector.broadcast %parallel_loop3A_872 : i32 to vector<16xi32>
        %parallel_loop3A_874 = arith.addi %parallel_loop3A_871, %parallel_loop3A_873 : vector<16xi32>
        %parallel_loop3A_875 = tpu.vector_load_idx %arg12[%parallel_loop3A_874] : memref<128xi32, #tpu.memory_space<vmem>>[vector<16xi32>], vector<16xi32>,
        %parallel_loop3A_876 = arith.constant 64 : i32
        %parallel_loop3A_877 = vector.broadcast %parallel_loop3A_876 : i32 to vector<16xi32>
        %parallel_loop3A_878 = arith.muli %parallel_loop3A_875, %parallel_loop3A_877 : vector<16xi32>
        %parallel_loop3A_879 = arith.addi %parallel_loop3A_878, %add3A_5 : vector<16xi32>
        %parallel_loop3A_880 = tpu.vector_load_idx %arg7[%parallel_loop3A_874, %parallel_loop3A_879] : memref<128x128xf32, #tpu.memory_space<vmem>>[vector<16xi32>, vector<16xi32>], vector<16xf32>,
        %parallel_loop3A_881 = arith.addi %mul3A_20, %parallel_loop3A_874 : vector<16xi32>
        %parallel_loop3A_882 = arith.constant 8.000000e+00 : f32
        %parallel_loop3A_883 = vector.broadcast %parallel_loop3A_882 : f32 to vector<16xf32>
        %parallel_loop3A_884 = arith.mulf %parallel_loop3A_880, %parallel_loop3A_883 : vector<16xf32>
        tpu.vector_store_idx %arg9[%parallel_loop3A_881], %parallel_loop3A_884 : memref<8192xf32, #tpu.memory_space<vmem>>[vector<16xi32>], vector<16xf32>,
        %parallel_loop3A_885 = arith.addi %parallel_loop3A_878, %add3A_8 : vector<16xi32>
        %parallel_loop3A_886 = tpu.vector_load_idx %arg7[%parallel_loop3A_874, %parallel_loop3A_885] : memref<128x128xf32, #tpu.memory_space<vmem>>[vector<16xi32>, vector<16xi32>], vector<16xf32>,
        %parallel_loop3A_887 = arith.addi %mul3A_26, %parallel_loop3A_874 : vector<16xi32>
        %parallel_loop3A_888 = arith.constant 8.000000e+00 : f32
        %parallel_loop3A_889 = vector.broadcast %parallel_loop3A_888 : f32 to vector<16xf32>
        %parallel_loop3A_890 = arith.mulf %parallel_loop3A_886, %parallel_loop3A_889 : vector<16xf32>
        tpu.vector_store_idx %arg9[%parallel_loop3A_887], %parallel_loop3A_890 : memref<8192xf32, #tpu.memory_space<vmem>>[vector<16xi32>], vector<16xf32>,
        %parallel_loop3A_891 = arith.addi %parallel_loop3A_878, %add3A_11 : vector<16xi32>
        %parallel_loop3A_892 = tpu.vector_load_idx %arg7[%parallel_loop3A_874, %parallel_loop3A_891] : memref<128x128xf32, #tpu.memory_space<vmem>>[vector<16xi32>, vector<16xi32>], vector<16xf32>,
        %parallel_loop3A_893 = arith.addi %mul3A_32, %parallel_loop3A_874 : vector<16xi32>
        %parallel_loop3A_894 = arith.constant 8.000000e+00 : f32
        %parallel_loop3A_895 = vector.broadcast %parallel_loop3A_894 : f32 to vector<16xf32>
        %parallel_loop3A_896 = arith.mulf %parallel_loop3A_892, %parallel_loop3A_895 : vector<16xf32>
        tpu.vector_store_idx %arg9[%parallel_loop3A_893], %parallel_loop3A_896 : memref<8192xf32, #tpu.memory_space<vmem>>[vector<16xi32>], vector<16xf32>,
        %parallel_loop3A_897 = arith.addi %parallel_loop3A_878, %add3A_14 : vector<16xi32>
        %parallel_loop3A_898 = tpu.vector_load_idx %arg7[%parallel_loop3A_874, %parallel_loop3A_897] : memref<128x128xf32, #tpu.memory_space<vmem>>[vector<16xi32>, vector<16xi32>], vector<16xf32>,
        %parallel_loop3A_899 = arith.addi %mul3A_38, %parallel_loop3A_874 : vector<16xi32>
        %parallel_loop3A_900 = arith.constant 8.000000e+00 : f32
        %parallel_loop3A_901 = vector.broadcast %parallel_loop3A_900 : f32 to vector<16xf32>
        %parallel_loop3A_902 = arith.mulf %parallel_loop3A_898, %parallel_loop3A_901 : vector<16xf32>
        tpu.vector_store_idx %arg9[%parallel_loop3A_899], %parallel_loop3A_902 : memref<8192xf32, #tpu.memory_space<vmem>>[vector<16xi32>], vector<16xf32>,
        %parallel_loop3A_903 = arith.constant 16 : i32
        %parallel_loop3A_904 = vector.broadcast %parallel_loop3A_903 : i32 to vector<16xi32>
        %parallel_loop3A_905 = arith.addi %parallel_loop3A_871, %parallel_loop3A_904 : vector<16xi32>
        %parallel_loop3A_906 = tpu.vector_load_idx %arg12[%parallel_loop3A_905] : memref<128xi32, #tpu.memory_space<vmem>>[vector<16xi32>], vector<16xi32>,
        %parallel_loop3A_907 = arith.constant 64 : i32
        %parallel_loop3A_908 = vector.broadcast %parallel_loop3A_907 : i32 to vector<16xi32>
        %parallel_loop3A_909 = arith.muli %parallel_loop3A_906, %parallel_loop3A_908 : vector<16xi32>
        %parallel_loop3A_910 = arith.addi %parallel_loop3A_909, %add3A_5 : vector<16xi32>
        %parallel_loop3A_911 = tpu.vector_load_idx %arg7[%parallel_loop3A_905, %parallel_loop3A_910] : memref<128x128xf32, #tpu.memory_space<vmem>>[vector<16xi32>, vector<16xi32>], vector<16xf32>,
        %parallel_loop3A_912 = arith.addi %mul3A_20, %parallel_loop3A_905 : vector<16xi32>
        %parallel_loop3A_913 = arith.constant 8.000000e+00 : f32
        %parallel_loop3A_914 = vector.broadcast %parallel_loop3A_913 : f32 to vector<16xf32>
        %parallel_loop3A_915 = arith.mulf %parallel_loop3A_911, %parallel_loop3A_914 : vector<16xf32>
        tpu.vector_store_idx %arg9[%parallel_loop3A_912], %parallel_loop3A_915 : memref<8192xf32, #tpu.memory_space<vmem>>[vector<16xi32>], vector<16xf32>,
        %parallel_loop3A_916 = arith.addi %parallel_loop3A_909, %add3A_8 : vector<16xi32>
        %parallel_loop3A_917 = tpu.vector_load_idx %arg7[%parallel_loop3A_905, %parallel_loop3A_916] : memref<128x128xf32, #tpu.memory_space<vmem>>[vector<16xi32>, vector<16xi32>], vector<16xf32>,
        %parallel_loop3A_918 = arith.addi %mul3A_26, %parallel_loop3A_905 : vector<16xi32>
        %parallel_loop3A_919 = arith.constant 8.000000e+00 : f32
        %parallel_loop3A_920 = vector.broadcast %parallel_loop3A_919 : f32 to vector<16xf32>
        %parallel_loop3A_921 = arith.mulf %parallel_loop3A_917, %parallel_loop3A_920 : vector<16xf32>
        tpu.vector_store_idx %arg9[%parallel_loop3A_918], %parallel_loop3A_921 : memref<8192xf32, #tpu.memory_space<vmem>>[vector<16xi32>], vector<16xf32>,
        %parallel_loop3A_922 = arith.addi %parallel_loop3A_909, %add3A_11 : vector<16xi32>
        %parallel_loop3A_923 = tpu.vector_load_idx %arg7[%parallel_loop3A_905, %parallel_loop3A_922] : memref<128x128xf32, #tpu.memory_space<vmem>>[vector<16xi32>, vector<16xi32>], vector<16xf32>,
        %parallel_loop3A_924 = arith.addi %mul3A_32, %parallel_loop3A_905 : vector<16xi32>
        %parallel_loop3A_925 = arith.constant 8.000000e+00 : f32
        %parallel_loop3A_926 = vector.broadcast %parallel_loop3A_925 : f32 to vector<16xf32>
        %parallel_loop3A_927 = arith.mulf %parallel_loop3A_923, %parallel_loop3A_926 : vector<16xf32>
        tpu.vector_store_idx %arg9[%parallel_loop3A_924], %parallel_loop3A_927 : memref<8192xf32, #tpu.memory_space<vmem>>[vector<16xi32>], vector<16xf32>,
        %parallel_loop3A_928 = arith.addi %parallel_loop3A_909, %add3A_14 : vector<16xi32>
        %parallel_loop3A_929 = tpu.vector_load_idx %arg7[%parallel_loop3A_905, %parallel_loop3A_928] : memref<128x128xf32, #tpu.memory_space<vmem>>[vector<16xi32>, vector<16xi32>], vector<16xf32>,
        %parallel_loop3A_930 = arith.addi %mul3A_38, %parallel_loop3A_905 : vector<16xi32>
        %parallel_loop3A_931 = arith.constant 8.000000e+00 : f32
        %parallel_loop3A_932 = vector.broadcast %parallel_loop3A_931 : f32 to vector<16xf32>
        %parallel_loop3A_933 = arith.mulf %parallel_loop3A_929, %parallel_loop3A_932 : vector<16xf32>
        tpu.vector_store_idx %arg9[%parallel_loop3A_930], %parallel_loop3A_933 : memref<8192xf32, #tpu.memory_space<vmem>>[vector<16xi32>], vector<16xf32>,
        %parallel_loop3A_934 = arith.constant 32 : i32
        %parallel_loop3A_935 = vector.broadcast %parallel_loop3A_934 : i32 to vector<16xi32>
        %parallel_loop3A_936 = arith.addi %parallel_loop3A_871, %parallel_loop3A_935 : vector<16xi32>
        %parallel_loop3A_937 = tpu.vector_load_idx %arg12[%parallel_loop3A_936] : memref<128xi32, #tpu.memory_space<vmem>>[vector<16xi32>], vector<16xi32>,
        %parallel_loop3A_938 = arith.constant 64 : i32
        %parallel_loop3A_939 = vector.broadcast %parallel_loop3A_938 : i32 to vector<16xi32>
        %parallel_loop3A_940 = arith.muli %parallel_loop3A_937, %parallel_loop3A_939 : vector<16xi32>
        %parallel_loop3A_941 = arith.addi %parallel_loop3A_940, %add3A_5 : vector<16xi32>
        %parallel_loop3A_942 = tpu.vector_load_idx %arg7[%parallel_loop3A_936, %parallel_loop3A_941] : memref<128x128xf32, #tpu.memory_space<vmem>>[vector<16xi32>, vector<16xi32>], vector<16xf32>,
        %parallel_loop3A_943 = arith.addi %mul3A_20, %parallel_loop3A_936 : vector<16xi32>
        %parallel_loop3A_944 = arith.constant 8.000000e+00 : f32
        %parallel_loop3A_945 = vector.broadcast %parallel_loop3A_944 : f32 to vector<16xf32>
        %parallel_loop3A_946 = arith.mulf %parallel_loop3A_942, %parallel_loop3A_945 : vector<16xf32>
        tpu.vector_store_idx %arg9[%parallel_loop3A_943], %parallel_loop3A_946 : memref<8192xf32, #tpu.memory_space<vmem>>[vector<16xi32>], vector<16xf32>,
        %parallel_loop3A_947 = arith.addi %parallel_loop3A_940, %add3A_8 : vector<16xi32>
        %parallel_loop3A_948 = tpu.vector_load_idx %arg7[%parallel_loop3A_936, %parallel_loop3A_947] : memref<128x128xf32, #tpu.memory_space<vmem>>[vector<16xi32>, vector<16xi32>], vector<16xf32>,
        %parallel_loop3A_949 = arith.addi %mul3A_26, %parallel_loop3A_936 : vector<16xi32>
        %parallel_loop3A_950 = arith.constant 8.000000e+00 : f32
        %parallel_loop3A_951 = vector.broadcast %parallel_loop3A_950 : f32 to vector<16xf32>
        %parallel_loop3A_952 = arith.mulf %parallel_loop3A_948, %parallel_loop3A_951 : vector<16xf32>
        tpu.vector_store_idx %arg9[%parallel_loop3A_949], %parallel_loop3A_952 : memref<8192xf32, #tpu.memory_space<vmem>>[vector<16xi32>], vector<16xf32>,
        %parallel_loop3A_953 = arith.addi %parallel_loop3A_940, %add3A_11 : vector<16xi32>
        %parallel_loop3A_954 = tpu.vector_load_idx %arg7[%parallel_loop3A_936, %parallel_loop3A_953] : memref<128x128xf32, #tpu.memory_space<vmem>>[vector<16xi32>, vector<16xi32>], vector<16xf32>,
        %parallel_loop3A_955 = arith.addi %mul3A_32, %parallel_loop3A_936 : vector<16xi32>
        %parallel_loop3A_956 = arith.constant 8.000000e+00 : f32
        %parallel_loop3A_957 = vector.broadcast %parallel_loop3A_956 : f32 to vector<16xf32>
        %parallel_loop3A_958 = arith.mulf %parallel_loop3A_954, %parallel_loop3A_957 : vector<16xf32>
        tpu.vector_store_idx %arg9[%parallel_loop3A_955], %parallel_loop3A_958 : memref<8192xf32, #tpu.memory_space<vmem>>[vector<16xi32>], vector<16xf32>,
        %parallel_loop3A_959 = arith.addi %parallel_loop3A_940, %add3A_14 : vector<16xi32>
        %parallel_loop3A_960 = tpu.vector_load_idx %arg7[%parallel_loop3A_936, %parallel_loop3A_959] : memref<128x128xf32, #tpu.memory_space<vmem>>[vector<16xi32>, vector<16xi32>], vector<16xf32>,
        %parallel_loop3A_961 = arith.addi %mul3A_38, %parallel_loop3A_936 : vector<16xi32>
        %parallel_loop3A_962 = arith.constant 8.000000e+00 : f32
        %parallel_loop3A_963 = vector.broadcast %parallel_loop3A_962 : f32 to vector<16xf32>
        %parallel_loop3A_964 = arith.mulf %parallel_loop3A_960, %parallel_loop3A_963 : vector<16xf32>
        tpu.vector_store_idx %arg9[%parallel_loop3A_961], %parallel_loop3A_964 : memref<8192xf32, #tpu.memory_space<vmem>>[vector<16xi32>], vector<16xf32>,
        %parallel_loop3A_965 = arith.constant 48 : i32
        %parallel_loop3A_966 = vector.broadcast %parallel_loop3A_965 : i32 to vector<16xi32>
        %parallel_loop3A_967 = arith.addi %parallel_loop3A_871, %parallel_loop3A_966 : vector<16xi32>
        %parallel_loop3A_968 = tpu.vector_load_idx %arg12[%parallel_loop3A_967] : memref<128xi32, #tpu.memory_space<vmem>>[vector<16xi32>], vector<16xi32>,
        %parallel_loop3A_969 = arith.constant 64 : i32
        %parallel_loop3A_970 = vector.broadcast %parallel_loop3A_969 : i32 to vector<16xi32>
        %parallel_loop3A_971 = arith.muli %parallel_loop3A_968, %parallel_loop3A_970 : vector<16xi32>
        %parallel_loop3A_972 = arith.addi %parallel_loop3A_971, %add3A_5 : vector<16xi32>
        %parallel_loop3A_973 = tpu.vector_load_idx %arg7[%parallel_loop3A_967, %parallel_loop3A_972] : memref<128x128xf32, #tpu.memory_space<vmem>>[vector<16xi32>, vector<16xi32>], vector<16xf32>,
        %parallel_loop3A_974 = arith.addi %mul3A_20, %parallel_loop3A_967 : vector<16xi32>
        %parallel_loop3A_975 = arith.constant 8.000000e+00 : f32
        %parallel_loop3A_976 = vector.broadcast %parallel_loop3A_975 : f32 to vector<16xf32>
        %parallel_loop3A_977 = arith.mulf %parallel_loop3A_973, %parallel_loop3A_976 : vector<16xf32>
        tpu.vector_store_idx %arg9[%parallel_loop3A_974], %parallel_loop3A_977 : memref<8192xf32, #tpu.memory_space<vmem>>[vector<16xi32>], vector<16xf32>,
        %parallel_loop3A_978 = arith.addi %parallel_loop3A_971, %add3A_8 : vector<16xi32>
        %parallel_loop3A_979 = tpu.vector_load_idx %arg7[%parallel_loop3A_967, %parallel_loop3A_978] : memref<128x128xf32, #tpu.memory_space<vmem>>[vector<16xi32>, vector<16xi32>], vector<16xf32>,
        %parallel_loop3A_980 = arith.addi %mul3A_26, %parallel_loop3A_967 : vector<16xi32>
        %parallel_loop3A_981 = arith.constant 8.000000e+00 : f32
        %parallel_loop3A_982 = vector.broadcast %parallel_loop3A_981 : f32 to vector<16xf32>
        %parallel_loop3A_983 = arith.mulf %parallel_loop3A_979, %parallel_loop3A_982 : vector<16xf32>
        tpu.vector_store_idx %arg9[%parallel_loop3A_980], %parallel_loop3A_983 : memref<8192xf32, #tpu.memory_space<vmem>>[vector<16xi32>], vector<16xf32>,
        %parallel_loop3A_984 = arith.addi %parallel_loop3A_971, %add3A_11 : vector<16xi32>
        %parallel_loop3A_985 = tpu.vector_load_idx %arg7[%parallel_loop3A_967, %parallel_loop3A_984] : memref<128x128xf32, #tpu.memory_space<vmem>>[vector<16xi32>, vector<16xi32>], vector<16xf32>,
        %parallel_loop3A_986 = arith.addi %mul3A_32, %parallel_loop3A_967 : vector<16xi32>
        %parallel_loop3A_987 = arith.constant 8.000000e+00 : f32
        %parallel_loop3A_988 = vector.broadcast %parallel_loop3A_987 : f32 to vector<16xf32>
        %parallel_loop3A_989 = arith.mulf %parallel_loop3A_985, %parallel_loop3A_988 : vector<16xf32>
        tpu.vector_store_idx %arg9[%parallel_loop3A_986], %parallel_loop3A_989 : memref<8192xf32, #tpu.memory_space<vmem>>[vector<16xi32>], vector<16xf32>,
        %parallel_loop3A_990 = arith.addi %parallel_loop3A_971, %add3A_14 : vector<16xi32>
        %parallel_loop3A_991 = tpu.vector_load_idx %arg7[%parallel_loop3A_967, %parallel_loop3A_990] : memref<128x128xf32, #tpu.memory_space<vmem>>[vector<16xi32>, vector<16xi32>], vector<16xf32>,
        %parallel_loop3A_992 = arith.addi %mul3A_38, %parallel_loop3A_967 : vector<16xi32>
        %parallel_loop3A_993 = arith.constant 8.000000e+00 : f32
        %parallel_loop3A_994 = vector.broadcast %parallel_loop3A_993 : f32 to vector<16xf32>
        %parallel_loop3A_995 = arith.mulf %parallel_loop3A_991, %parallel_loop3A_994 : vector<16xf32>
        tpu.vector_store_idx %arg9[%parallel_loop3A_992], %parallel_loop3A_995 : memref<8192xf32, #tpu.memory_space<vmem>>[vector<16xi32>], vector<16xf32>,
        %parallel_loop3A_996 = arith.constant 64 : i32
        %parallel_loop3A_997 = vector.broadcast %parallel_loop3A_996 : i32 to vector<16xi32>
        %parallel_loop3A_998 = arith.addi %parallel_loop3A_871, %parallel_loop3A_997 : vector<16xi32>
        %parallel_loop3A_999 = tpu.vector_load_idx %arg12[%parallel_loop3A_998] : memref<128xi32, #tpu.memory_space<vmem>>[vector<16xi32>], vector<16xi32>,
        %parallel_loop3A_1000 = arith.constant 64 : i32
        %parallel_loop3A_1001 = vector.broadcast %parallel_loop3A_1000 : i32 to vector<16xi32>
        %parallel_loop3A_1002 = arith.muli %parallel_loop3A_999, %parallel_loop3A_1001 : vector<16xi32>
        %parallel_loop3A_1003 = arith.addi %parallel_loop3A_1002, %add3A_5 : vector<16xi32>
        %parallel_loop3A_1004 = tpu.vector_load_idx %arg7[%parallel_loop3A_998, %parallel_loop3A_1003] : memref<128x128xf32, #tpu.memory_space<vmem>>[vector<16xi32>, vector<16xi32>], vector<16xf32>,
        %parallel_loop3A_1005 = arith.addi %mul3A_20, %parallel_loop3A_998 : vector<16xi32>
        %parallel_loop3A_1006 = arith.constant 8.000000e+00 : f32
        %parallel_loop3A_1007 = vector.broadcast %parallel_loop3A_1006 : f32 to vector<16xf32>
        %parallel_loop3A_1008 = arith.mulf %parallel_loop3A_1004, %parallel_loop3A_1007 : vector<16xf32>
        tpu.vector_store_idx %arg9[%parallel_loop3A_1005], %parallel_loop3A_1008 : memref<8192xf32, #tpu.memory_space<vmem>>[vector<16xi32>], vector<16xf32>,
        %parallel_loop3A_1009 = arith.addi %parallel_loop3A_1002, %add3A_8 : vector<16xi32>
        %parallel_loop3A_1010 = tpu.vector_load_idx %arg7[%parallel_loop3A_998, %parallel_loop3A_1009] : memref<128x128xf32, #tpu.memory_space<vmem>>[vector<16xi32>, vector<16xi32>], vector<16xf32>,
        %parallel_loop3A_1011 = arith.addi %mul3A_26, %parallel_loop3A_998 : vector<16xi32>
        %parallel_loop3A_1012 = arith.constant 8.000000e+00 : f32
        %parallel_loop3A_1013 = vector.broadcast %parallel_loop3A_1012 : f32 to vector<16xf32>
        %parallel_loop3A_1014 = arith.mulf %parallel_loop3A_1010, %parallel_loop3A_1013 : vector<16xf32>
        tpu.vector_store_idx %arg9[%parallel_loop3A_1011], %parallel_loop3A_1014 : memref<8192xf32, #tpu.memory_space<vmem>>[vector<16xi32>], vector<16xf32>,
        %parallel_loop3A_1015 = arith.addi %parallel_loop3A_1002, %add3A_11 : vector<16xi32>
        %parallel_loop3A_1016 = tpu.vector_load_idx %arg7[%parallel_loop3A_998, %parallel_loop3A_1015] : memref<128x128xf32, #tpu.memory_space<vmem>>[vector<16xi32>, vector<16xi32>], vector<16xf32>,
        %parallel_loop3A_1017 = arith.addi %mul3A_32, %parallel_loop3A_998 : vector<16xi32>
        %parallel_loop3A_1018 = arith.constant 8.000000e+00 : f32
        %parallel_loop3A_1019 = vector.broadcast %parallel_loop3A_1018 : f32 to vector<16xf32>
        %parallel_loop3A_1020 = arith.mulf %parallel_loop3A_1016, %parallel_loop3A_1019 : vector<16xf32>
        tpu.vector_store_idx %arg9[%parallel_loop3A_1017], %parallel_loop3A_1020 : memref<8192xf32, #tpu.memory_space<vmem>>[vector<16xi32>], vector<16xf32>,
        %parallel_loop3A_1021 = arith.addi %parallel_loop3A_1002, %add3A_14 : vector<16xi32>
        %parallel_loop3A_1022 = tpu.vector_load_idx %arg7[%parallel_loop3A_998, %parallel_loop3A_1021] : memref<128x128xf32, #tpu.memory_space<vmem>>[vector<16xi32>, vector<16xi32>], vector<16xf32>,
        %parallel_loop3A_1023 = arith.addi %mul3A_38, %parallel_loop3A_998 : vector<16xi32>
        %parallel_loop3A_1024 = arith.constant 8.000000e+00 : f32
        %parallel_loop3A_1025 = vector.broadcast %parallel_loop3A_1024 : f32 to vector<16xf32>
        %parallel_loop3A_1026 = arith.mulf %parallel_loop3A_1022, %parallel_loop3A_1025 : vector<16xf32>
        tpu.vector_store_idx %arg9[%parallel_loop3A_1023], %parallel_loop3A_1026 : memref<8192xf32, #tpu.memory_space<vmem>>[vector<16xi32>], vector<16xf32>,
        %parallel_loop3A_1027 = arith.constant 80 : i32
        %parallel_loop3A_1028 = vector.broadcast %parallel_loop3A_1027 : i32 to vector<16xi32>
        %parallel_loop3A_1029 = arith.addi %parallel_loop3A_871, %parallel_loop3A_1028 : vector<16xi32>
        %parallel_loop3A_1030 = tpu.vector_load_idx %arg12[%parallel_loop3A_1029] : memref<128xi32, #tpu.memory_space<vmem>>[vector<16xi32>], vector<16xi32>,
        %parallel_loop3A_1031 = arith.constant 64 : i32
        %parallel_loop3A_1032 = vector.broadcast %parallel_loop3A_1031 : i32 to vector<16xi32>
        %parallel_loop3A_1033 = arith.muli %parallel_loop3A_1030, %parallel_loop3A_1032 : vector<16xi32>
        %parallel_loop3A_1034 = arith.addi %parallel_loop3A_1033, %add3A_5 : vector<16xi32>
        %parallel_loop3A_1035 = tpu.vector_load_idx %arg7[%parallel_loop3A_1029, %parallel_loop3A_1034] : memref<128x128xf32, #tpu.memory_space<vmem>>[vector<16xi32>, vector<16xi32>], vector<16xf32>,
        %parallel_loop3A_1036 = arith.addi %mul3A_20, %parallel_loop3A_1029 : vector<16xi32>
        %parallel_loop3A_1037 = arith.constant 8.000000e+00 : f32
        %parallel_loop3A_1038 = vector.broadcast %parallel_loop3A_1037 : f32 to vector<16xf32>
        %parallel_loop3A_1039 = arith.mulf %parallel_loop3A_1035, %parallel_loop3A_1038 : vector<16xf32>
        tpu.vector_store_idx %arg9[%parallel_loop3A_1036], %parallel_loop3A_1039 : memref<8192xf32, #tpu.memory_space<vmem>>[vector<16xi32>], vector<16xf32>,
        %parallel_loop3A_1040 = arith.addi %parallel_loop3A_1033, %add3A_8 : vector<16xi32>
        %parallel_loop3A_1041 = tpu.vector_load_idx %arg7[%parallel_loop3A_1029, %parallel_loop3A_1040] : memref<128x128xf32, #tpu.memory_space<vmem>>[vector<16xi32>, vector<16xi32>], vector<16xf32>,
        %parallel_loop3A_1042 = arith.addi %mul3A_26, %parallel_loop3A_1029 : vector<16xi32>
        %parallel_loop3A_1043 = arith.constant 8.000000e+00 : f32
        %parallel_loop3A_1044 = vector.broadcast %parallel_loop3A_1043 : f32 to vector<16xf32>
        %parallel_loop3A_1045 = arith.mulf %parallel_loop3A_1041, %parallel_loop3A_1044 : vector<16xf32>
        tpu.vector_store_idx %arg9[%parallel_loop3A_1042], %parallel_loop3A_1045 : memref<8192xf32, #tpu.memory_space<vmem>>[vector<16xi32>], vector<16xf32>,
        %parallel_loop3A_1046 = arith.addi %parallel_loop3A_1033, %add3A_11 : vector<16xi32>
        %parallel_loop3A_1047 = tpu.vector_load_idx %arg7[%parallel_loop3A_1029, %parallel_loop3A_1046] : memref<128x128xf32, #tpu.memory_space<vmem>>[vector<16xi32>, vector<16xi32>], vector<16xf32>,
        %parallel_loop3A_1048 = arith.addi %mul3A_32, %parallel_loop3A_1029 : vector<16xi32>
        %parallel_loop3A_1049 = arith.constant 8.000000e+00 : f32
        %parallel_loop3A_1050 = vector.broadcast %parallel_loop3A_1049 : f32 to vector<16xf32>
        %parallel_loop3A_1051 = arith.mulf %parallel_loop3A_1047, %parallel_loop3A_1050 : vector<16xf32>
        tpu.vector_store_idx %arg9[%parallel_loop3A_1048], %parallel_loop3A_1051 : memref<8192xf32, #tpu.memory_space<vmem>>[vector<16xi32>], vector<16xf32>,
        %parallel_loop3A_1052 = arith.addi %parallel_loop3A_1033, %add3A_14 : vector<16xi32>
        %parallel_loop3A_1053 = tpu.vector_load_idx %arg7[%parallel_loop3A_1029, %parallel_loop3A_1052] : memref<128x128xf32, #tpu.memory_space<vmem>>[vector<16xi32>, vector<16xi32>], vector<16xf32>,
        %parallel_loop3A_1054 = arith.addi %mul3A_38, %parallel_loop3A_1029 : vector<16xi32>
        %parallel_loop3A_1055 = arith.constant 8.000000e+00 : f32
        %parallel_loop3A_1056 = vector.broadcast %parallel_loop3A_1055 : f32 to vector<16xf32>
        %parallel_loop3A_1057 = arith.mulf %parallel_loop3A_1053, %parallel_loop3A_1056 : vector<16xf32>
        tpu.vector_store_idx %arg9[%parallel_loop3A_1054], %parallel_loop3A_1057 : memref<8192xf32, #tpu.memory_space<vmem>>[vector<16xi32>], vector<16xf32>,
        %parallel_loop3A_1058 = arith.constant 96 : i32
        %parallel_loop3A_1059 = vector.broadcast %parallel_loop3A_1058 : i32 to vector<16xi32>
        %parallel_loop3A_1060 = arith.addi %parallel_loop3A_871, %parallel_loop3A_1059 : vector<16xi32>
        %parallel_loop3A_1061 = tpu.vector_load_idx %arg12[%parallel_loop3A_1060] : memref<128xi32, #tpu.memory_space<vmem>>[vector<16xi32>], vector<16xi32>,
        %parallel_loop3A_1062 = arith.constant 64 : i32
        %parallel_loop3A_1063 = vector.broadcast %parallel_loop3A_1062 : i32 to vector<16xi32>
        %parallel_loop3A_1064 = arith.muli %parallel_loop3A_1061, %parallel_loop3A_1063 : vector<16xi32>
        %parallel_loop3A_1065 = arith.addi %parallel_loop3A_1064, %add3A_5 : vector<16xi32>
        %parallel_loop3A_1066 = tpu.vector_load_idx %arg7[%parallel_loop3A_1060, %parallel_loop3A_1065] : memref<128x128xf32, #tpu.memory_space<vmem>>[vector<16xi32>, vector<16xi32>], vector<16xf32>,
        %parallel_loop3A_1067 = arith.addi %mul3A_20, %parallel_loop3A_1060 : vector<16xi32>
        %parallel_loop3A_1068 = arith.constant 8.000000e+00 : f32
        %parallel_loop3A_1069 = vector.broadcast %parallel_loop3A_1068 : f32 to vector<16xf32>
        %parallel_loop3A_1070 = arith.mulf %parallel_loop3A_1066, %parallel_loop3A_1069 : vector<16xf32>
        tpu.vector_store_idx %arg9[%parallel_loop3A_1067], %parallel_loop3A_1070 : memref<8192xf32, #tpu.memory_space<vmem>>[vector<16xi32>], vector<16xf32>,
        %parallel_loop3A_1071 = arith.addi %parallel_loop3A_1064, %add3A_8 : vector<16xi32>
        %parallel_loop3A_1072 = tpu.vector_load_idx %arg7[%parallel_loop3A_1060, %parallel_loop3A_1071] : memref<128x128xf32, #tpu.memory_space<vmem>>[vector<16xi32>, vector<16xi32>], vector<16xf32>,
        %parallel_loop3A_1073 = arith.addi %mul3A_26, %parallel_loop3A_1060 : vector<16xi32>
        %parallel_loop3A_1074 = arith.constant 8.000000e+00 : f32
        %parallel_loop3A_1075 = vector.broadcast %parallel_loop3A_1074 : f32 to vector<16xf32>
        %parallel_loop3A_1076 = arith.mulf %parallel_loop3A_1072, %parallel_loop3A_1075 : vector<16xf32>
        tpu.vector_store_idx %arg9[%parallel_loop3A_1073], %parallel_loop3A_1076 : memref<8192xf32, #tpu.memory_space<vmem>>[vector<16xi32>], vector<16xf32>,
        %parallel_loop3A_1077 = arith.addi %parallel_loop3A_1064, %add3A_11 : vector<16xi32>
        %parallel_loop3A_1078 = tpu.vector_load_idx %arg7[%parallel_loop3A_1060, %parallel_loop3A_1077] : memref<128x128xf32, #tpu.memory_space<vmem>>[vector<16xi32>, vector<16xi32>], vector<16xf32>,
        %parallel_loop3A_1079 = arith.addi %mul3A_32, %parallel_loop3A_1060 : vector<16xi32>
        %parallel_loop3A_1080 = arith.constant 8.000000e+00 : f32
        %parallel_loop3A_1081 = vector.broadcast %parallel_loop3A_1080 : f32 to vector<16xf32>
        %parallel_loop3A_1082 = arith.mulf %parallel_loop3A_1078, %parallel_loop3A_1081 : vector<16xf32>
        tpu.vector_store_idx %arg9[%parallel_loop3A_1079], %parallel_loop3A_1082 : memref<8192xf32, #tpu.memory_space<vmem>>[vector<16xi32>], vector<16xf32>,
        %parallel_loop3A_1083 = arith.addi %parallel_loop3A_1064, %add3A_14 : vector<16xi32>
        %parallel_loop3A_1084 = tpu.vector_load_idx %arg7[%parallel_loop3A_1060, %parallel_loop3A_1083] : memref<128x128xf32, #tpu.memory_space<vmem>>[vector<16xi32>, vector<16xi32>], vector<16xf32>,
        %parallel_loop3A_1085 = arith.addi %mul3A_38, %parallel_loop3A_1060 : vector<16xi32>
        %parallel_loop3A_1086 = arith.constant 8.000000e+00 : f32
        %parallel_loop3A_1087 = vector.broadcast %parallel_loop3A_1086 : f32 to vector<16xf32>
        %parallel_loop3A_1088 = arith.mulf %parallel_loop3A_1084, %parallel_loop3A_1087 : vector<16xf32>
        tpu.vector_store_idx %arg9[%parallel_loop3A_1085], %parallel_loop3A_1088 : memref<8192xf32, #tpu.memory_space<vmem>>[vector<16xi32>], vector<16xf32>,
        %parallel_loop3A_1089 = arith.constant 112 : i32
        %parallel_loop3A_1090 = vector.broadcast %parallel_loop3A_1089 : i32 to vector<16xi32>
        %parallel_loop3A_1091 = arith.addi %parallel_loop3A_871, %parallel_loop3A_1090 : vector<16xi32>
        %parallel_loop3A_1092 = tpu.vector_load_idx %arg12[%parallel_loop3A_1091] : memref<128xi32, #tpu.memory_space<vmem>>[vector<16xi32>], vector<16xi32>,
        %parallel_loop3A_1093 = arith.constant 64 : i32
        %parallel_loop3A_1094 = vector.broadcast %parallel_loop3A_1093 : i32 to vector<16xi32>
        %parallel_loop3A_1095 = arith.muli %parallel_loop3A_1092, %parallel_loop3A_1094 : vector<16xi32>
        %parallel_loop3A_1096 = arith.addi %parallel_loop3A_1095, %add3A_5 : vector<16xi32>
        %parallel_loop3A_1097 = tpu.vector_load_idx %arg7[%parallel_loop3A_1091, %parallel_loop3A_1096] : memref<128x128xf32, #tpu.memory_space<vmem>>[vector<16xi32>, vector<16xi32>], vector<16xf32>,
        %parallel_loop3A_1098 = arith.addi %mul3A_20, %parallel_loop3A_1091 : vector<16xi32>
        %parallel_loop3A_1099 = arith.constant 8.000000e+00 : f32
        %parallel_loop3A_1100 = vector.broadcast %parallel_loop3A_1099 : f32 to vector<16xf32>
        %parallel_loop3A_1101 = arith.mulf %parallel_loop3A_1097, %parallel_loop3A_1100 : vector<16xf32>
        tpu.vector_store_idx %arg9[%parallel_loop3A_1098], %parallel_loop3A_1101 : memref<8192xf32, #tpu.memory_space<vmem>>[vector<16xi32>], vector<16xf32>,
        %parallel_loop3A_1102 = arith.addi %parallel_loop3A_1095, %add3A_8 : vector<16xi32>
        %parallel_loop3A_1103 = tpu.vector_load_idx %arg7[%parallel_loop3A_1091, %parallel_loop3A_1102] : memref<128x128xf32, #tpu.memory_space<vmem>>[vector<16xi32>, vector<16xi32>], vector<16xf32>,
        %parallel_loop3A_1104 = arith.addi %mul3A_26, %parallel_loop3A_1091 : vector<16xi32>
        %parallel_loop3A_1105 = arith.constant 8.000000e+00 : f32
        %parallel_loop3A_1106 = vector.broadcast %parallel_loop3A_1105 : f32 to vector<16xf32>
        %parallel_loop3A_1107 = arith.mulf %parallel_loop3A_1103, %parallel_loop3A_1106 : vector<16xf32>
        tpu.vector_store_idx %arg9[%parallel_loop3A_1104], %parallel_loop3A_1107 : memref<8192xf32, #tpu.memory_space<vmem>>[vector<16xi32>], vector<16xf32>,
        %parallel_loop3A_1108 = arith.addi %parallel_loop3A_1095, %add3A_11 : vector<16xi32>
        %parallel_loop3A_1109 = tpu.vector_load_idx %arg7[%parallel_loop3A_1091, %parallel_loop3A_1108] : memref<128x128xf32, #tpu.memory_space<vmem>>[vector<16xi32>, vector<16xi32>], vector<16xf32>,
        %parallel_loop3A_1110 = arith.addi %mul3A_32, %parallel_loop3A_1091 : vector<16xi32>
        %parallel_loop3A_1111 = arith.constant 8.000000e+00 : f32
        %parallel_loop3A_1112 = vector.broadcast %parallel_loop3A_1111 : f32 to vector<16xf32>
        %parallel_loop3A_1113 = arith.mulf %parallel_loop3A_1109, %parallel_loop3A_1112 : vector<16xf32>
        tpu.vector_store_idx %arg9[%parallel_loop3A_1110], %parallel_loop3A_1113 : memref<8192xf32, #tpu.memory_space<vmem>>[vector<16xi32>], vector<16xf32>,
        %parallel_loop3A_1114 = arith.addi %parallel_loop3A_1095, %add3A_14 : vector<16xi32>
        %parallel_loop3A_1115 = tpu.vector_load_idx %arg7[%parallel_loop3A_1091, %parallel_loop3A_1114] : memref<128x128xf32, #tpu.memory_space<vmem>>[vector<16xi32>, vector<16xi32>], vector<16xf32>,
        %parallel_loop3A_1116 = arith.addi %mul3A_38, %parallel_loop3A_1091 : vector<16xi32>
        %parallel_loop3A_1117 = arith.constant 8.000000e+00 : f32
        %parallel_loop3A_1118 = vector.broadcast %parallel_loop3A_1117 : f32 to vector<16xf32>
        %parallel_loop3A_1119 = arith.mulf %parallel_loop3A_1115, %parallel_loop3A_1118 : vector<16xf32>
        tpu.vector_store_idx %arg9[%parallel_loop3A_1116], %parallel_loop3A_1119 : memref<8192xf32, #tpu.memory_space<vmem>>[vector<16xi32>], vector<16xf32>,
      } {sc.loop_unroll_factor = 1 : i64, sc.parallel_access}
      %dma_start3A_771 = arith.constant 0 : i32
      %dma_start3A_772 = arith.constant 0 : i32
      %dma_start3A_773 = tpu.memref_slice %arg9[%dma_start3A_772] : memref<8192xf32, #tpu.memory_space<vmem>> -> memref<1024xf32, #tpu.memory_space<vmem>>
      %dma_start3A_774 = arith.constant 0 : i32
      %dma_start3A_775 = tpu.memref_slice %arg4[%add3A_655, %dma_start3A_771, %add3A, %dma_start3A_774] : memref<200x8x32x1024xf32, #tpu.memory_space<hbm>> -> memref<1x1x1x1024xf32, #tpu.memory_space<hbm>>
      %dma_start3A_776 = tpu.memref_squeeze %dma_start3A_775 : memref<1x1x1x1024xf32, #tpu.memory_space<hbm>> -> memref<1024xf32, #tpu.memory_space<hbm>>
      %dma_start3A_777 = arith.constant 0 : i32
      %dma_start3A_778 = tpu.memref_slice %arg4[%add3A_655, %dma_start3A_771, %add3A, %dma_start3A_777] : memref<200x8x32x1024xf32, #tpu.memory_space<hbm>> -> memref<1x1x1x1024xf32, #tpu.memory_space<hbm>>
      %dma_start3A_779 = tpu.memref_squeeze %dma_start3A_778 : memref<1x1x1x1024xf32, #tpu.memory_space<hbm>> -> memref<1024xf32, #tpu.memory_space<hbm>>
      %dma_start3A_780 = arith.constant 0 : i32
      %dma_start3A_781 = tpu.memref_slice %arg9[%dma_start3A_780] : memref<8192xf32, #tpu.memory_space<vmem>> -> memref<1024xf32, #tpu.memory_space<vmem>>
      tpu.enqueue_dma source(%dma_start3A_781 : memref<1024xf32, #tpu.memory_space<vmem>>) target(%dma_start3A_779 : memref<1024xf32, #tpu.memory_space<hbm>>) target_semaphore(%arg16 : memref<!tpu.dma_semaphore, #tpu.memory_space<semaphore_mem>>)
      %dma_start3A_782 = arith.constant 1 : i32
      %dma_start3A_783 = arith.constant 1024 : i32
      %dma_start3A_784 = tpu.memref_slice %arg9[%dma_start3A_783] : memref<8192xf32, #tpu.memory_space<vmem>> -> memref<1024xf32, #tpu.memory_space<vmem>>
      %dma_start3A_785 = arith.constant 0 : i32
      %dma_start3A_786 = tpu.memref_slice %arg4[%add3A_655, %dma_start3A_782, %add3A, %dma_start3A_785] : memref<200x8x32x1024xf32, #tpu.memory_space<hbm>> -> memref<1x1x1x1024xf32, #tpu.memory_space<hbm>>
      %dma_start3A_787 = tpu.memref_squeeze %dma_start3A_786 : memref<1x1x1x1024xf32, #tpu.memory_space<hbm>> -> memref<1024xf32, #tpu.memory_space<hbm>>
      %dma_start3A_788 = arith.constant 0 : i32
      %dma_start3A_789 = tpu.memref_slice %arg4[%add3A_655, %dma_start3A_782, %add3A, %dma_start3A_788] : memref<200x8x32x1024xf32, #tpu.memory_space<hbm>> -> memref<1x1x1x1024xf32, #tpu.memory_space<hbm>>
      %dma_start3A_790 = tpu.memref_squeeze %dma_start3A_789 : memref<1x1x1x1024xf32, #tpu.memory_space<hbm>> -> memref<1024xf32, #tpu.memory_space<hbm>>
      %dma_start3A_791 = arith.constant 1024 : i32
      %dma_start3A_792 = tpu.memref_slice %arg9[%dma_start3A_791] : memref<8192xf32, #tpu.memory_space<vmem>> -> memref<1024xf32, #tpu.memory_space<vmem>>
      tpu.enqueue_dma source(%dma_start3A_792 : memref<1024xf32, #tpu.memory_space<vmem>>) target(%dma_start3A_790 : memref<1024xf32, #tpu.memory_space<hbm>>) target_semaphore(%arg16 : memref<!tpu.dma_semaphore, #tpu.memory_space<semaphore_mem>>)
      %dma_start3A_793 = arith.constant 2 : i32
      %dma_start3A_794 = arith.constant 2048 : i32
      %dma_start3A_795 = tpu.memref_slice %arg9[%dma_start3A_794] : memref<8192xf32, #tpu.memory_space<vmem>> -> memref<1024xf32, #tpu.memory_space<vmem>>
      %dma_start3A_796 = arith.constant 0 : i32
      %dma_start3A_797 = tpu.memref_slice %arg4[%add3A_655, %dma_start3A_793, %add3A, %dma_start3A_796] : memref<200x8x32x1024xf32, #tpu.memory_space<hbm>> -> memref<1x1x1x1024xf32, #tpu.memory_space<hbm>>
      %dma_start3A_798 = tpu.memref_squeeze %dma_start3A_797 : memref<1x1x1x1024xf32, #tpu.memory_space<hbm>> -> memref<1024xf32, #tpu.memory_space<hbm>>
      %dma_start3A_799 = arith.constant 0 : i32
      %dma_start3A_800 = tpu.memref_slice %arg4[%add3A_655, %dma_start3A_793, %add3A, %dma_start3A_799] : memref<200x8x32x1024xf32, #tpu.memory_space<hbm>> -> memref<1x1x1x1024xf32, #tpu.memory_space<hbm>>
      %dma_start3A_801 = tpu.memref_squeeze %dma_start3A_800 : memref<1x1x1x1024xf32, #tpu.memory_space<hbm>> -> memref<1024xf32, #tpu.memory_space<hbm>>
      %dma_start3A_802 = arith.constant 2048 : i32
      %dma_start3A_803 = tpu.memref_slice %arg9[%dma_start3A_802] : memref<8192xf32, #tpu.memory_space<vmem>> -> memref<1024xf32, #tpu.memory_space<vmem>>
      tpu.enqueue_dma source(%dma_start3A_803 : memref<1024xf32, #tpu.memory_space<vmem>>) target(%dma_start3A_801 : memref<1024xf32, #tpu.memory_space<hbm>>) target_semaphore(%arg16 : memref<!tpu.dma_semaphore, #tpu.memory_space<semaphore_mem>>)
      %dma_start3A_804 = arith.constant 3 : i32
      %dma_start3A_805 = arith.constant 3072 : i32
      %dma_start3A_806 = tpu.memref_slice %arg9[%dma_start3A_805] : memref<8192xf32, #tpu.memory_space<vmem>> -> memref<1024xf32, #tpu.memory_space<vmem>>
      %dma_start3A_807 = arith.constant 0 : i32
      %dma_start3A_808 = tpu.memref_slice %arg4[%add3A_655, %dma_start3A_804, %add3A, %dma_start3A_807] : memref<200x8x32x1024xf32, #tpu.memory_space<hbm>> -> memref<1x1x1x1024xf32, #tpu.memory_space<hbm>>
      %dma_start3A_809 = tpu.memref_squeeze %dma_start3A_808 : memref<1x1x1x1024xf32, #tpu.memory_space<hbm>> -> memref<1024xf32, #tpu.memory_space<hbm>>
      %dma_start3A_810 = arith.constant 0 : i32
      %dma_start3A_811 = tpu.memref_slice %arg4[%add3A_655, %dma_start3A_804, %add3A, %dma_start3A_810] : memref<200x8x32x1024xf32, #tpu.memory_space<hbm>> -> memref<1x1x1x1024xf32, #tpu.memory_space<hbm>>
      %dma_start3A_812 = tpu.memref_squeeze %dma_start3A_811 : memref<1x1x1x1024xf32, #tpu.memory_space<hbm>> -> memref<1024xf32, #tpu.memory_space<hbm>>
      %dma_start3A_813 = arith.constant 3072 : i32
      %dma_start3A_814 = tpu.memref_slice %arg9[%dma_start3A_813] : memref<8192xf32, #tpu.memory_space<vmem>> -> memref<1024xf32, #tpu.memory_space<vmem>>
      tpu.enqueue_dma source(%dma_start3A_814 : memref<1024xf32, #tpu.memory_space<vmem>>) target(%dma_start3A_812 : memref<1024xf32, #tpu.memory_space<hbm>>) target_semaphore(%arg16 : memref<!tpu.dma_semaphore, #tpu.memory_space<semaphore_mem>>)
      %dma_start3A_815 = arith.constant 4 : i32
      %dma_start3A_816 = arith.constant 4096 : i32
      %dma_start3A_817 = tpu.memref_slice %arg9[%dma_start3A_816] : memref<8192xf32, #tpu.memory_space<vmem>> -> memref<1024xf32, #tpu.memory_space<vmem>>
      %dma_start3A_818 = arith.constant 0 : i32
      %dma_start3A_819 = tpu.memref_slice %arg4[%add3A_655, %dma_start3A_815, %add3A, %dma_start3A_818] : memref<200x8x32x1024xf32, #tpu.memory_space<hbm>> -> memref<1x1x1x1024xf32, #tpu.memory_space<hbm>>
      %dma_start3A_820 = tpu.memref_squeeze %dma_start3A_819 : memref<1x1x1x1024xf32, #tpu.memory_space<hbm>> -> memref<1024xf32, #tpu.memory_space<hbm>>
      %dma_start3A_821 = arith.constant 0 : i32
      %dma_start3A_822 = tpu.memref_slice %arg4[%add3A_655, %dma_start3A_815, %add3A, %dma_start3A_821] : memref<200x8x32x1024xf32, #tpu.memory_space<hbm>> -> memref<1x1x1x1024xf32, #tpu.memory_space<hbm>>
      %dma_start3A_823 = tpu.memref_squeeze %dma_start3A_822 : memref<1x1x1x1024xf32, #tpu.memory_space<hbm>> -> memref<1024xf32, #tpu.memory_space<hbm>>
      %dma_start3A_824 = arith.constant 4096 : i32
      %dma_start3A_825 = tpu.memref_slice %arg9[%dma_start3A_824] : memref<8192xf32, #tpu.memory_space<vmem>> -> memref<1024xf32, #tpu.memory_space<vmem>>
      tpu.enqueue_dma source(%dma_start3A_825 : memref<1024xf32, #tpu.memory_space<vmem>>) target(%dma_start3A_823 : memref<1024xf32, #tpu.memory_space<hbm>>) target_semaphore(%arg16 : memref<!tpu.dma_semaphore, #tpu.memory_space<semaphore_mem>>)
      %dma_start3A_826 = arith.constant 5 : i32
      %dma_start3A_827 = arith.constant 5120 : i32
      %dma_start3A_828 = tpu.memref_slice %arg9[%dma_start3A_827] : memref<8192xf32, #tpu.memory_space<vmem>> -> memref<1024xf32, #tpu.memory_space<vmem>>
      %dma_start3A_829 = arith.constant 0 : i32
      %dma_start3A_830 = tpu.memref_slice %arg4[%add3A_655, %dma_start3A_826, %add3A, %dma_start3A_829] : memref<200x8x32x1024xf32, #tpu.memory_space<hbm>> -> memref<1x1x1x1024xf32, #tpu.memory_space<hbm>>
      %dma_start3A_831 = tpu.memref_squeeze %dma_start3A_830 : memref<1x1x1x1024xf32, #tpu.memory_space<hbm>> -> memref<1024xf32, #tpu.memory_space<hbm>>
      %dma_start3A_832 = arith.constant 0 : i32
      %dma_start3A_833 = tpu.memref_slice %arg4[%add3A_655, %dma_start3A_826, %add3A, %dma_start3A_832] : memref<200x8x32x1024xf32, #tpu.memory_space<hbm>> -> memref<1x1x1x1024xf32, #tpu.memory_space<hbm>>
      %dma_start3A_834 = tpu.memref_squeeze %dma_start3A_833 : memref<1x1x1x1024xf32, #tpu.memory_space<hbm>> -> memref<1024xf32, #tpu.memory_space<hbm>>
      %dma_start3A_835 = arith.constant 5120 : i32
      %dma_start3A_836 = tpu.memref_slice %arg9[%dma_start3A_835] : memref<8192xf32, #tpu.memory_space<vmem>> -> memref<1024xf32, #tpu.memory_space<vmem>>
      tpu.enqueue_dma source(%dma_start3A_836 : memref<1024xf32, #tpu.memory_space<vmem>>) target(%dma_start3A_834 : memref<1024xf32, #tpu.memory_space<hbm>>) target_semaphore(%arg16 : memref<!tpu.dma_semaphore, #tpu.memory_space<semaphore_mem>>)
      %dma_start3A_837 = arith.constant 6 : i32
      %dma_start3A_838 = arith.constant 6144 : i32
      %dma_start3A_839 = tpu.memref_slice %arg9[%dma_start3A_838] : memref<8192xf32, #tpu.memory_space<vmem>> -> memref<1024xf32, #tpu.memory_space<vmem>>
      %dma_start3A_840 = arith.constant 0 : i32
      %dma_start3A_841 = tpu.memref_slice %arg4[%add3A_655, %dma_start3A_837, %add3A, %dma_start3A_840] : memref<200x8x32x1024xf32, #tpu.memory_space<hbm>> -> memref<1x1x1x1024xf32, #tpu.memory_space<hbm>>
      %dma_start3A_842 = tpu.memref_squeeze %dma_start3A_841 : memref<1x1x1x1024xf32, #tpu.memory_space<hbm>> -> memref<1024xf32, #tpu.memory_space<hbm>>
      %dma_start3A_843 = arith.constant 0 : i32
      %dma_start3A_844 = tpu.memref_slice %arg4[%add3A_655, %dma_start3A_837, %add3A, %dma_start3A_843] : memref<200x8x32x1024xf32, #tpu.memory_space<hbm>> -> memref<1x1x1x1024xf32, #tpu.memory_space<hbm>>
      %dma_start3A_845 = tpu.memref_squeeze %dma_start3A_844 : memref<1x1x1x1024xf32, #tpu.memory_space<hbm>> -> memref<1024xf32, #tpu.memory_space<hbm>>
      %dma_start3A_846 = arith.constant 6144 : i32
      %dma_start3A_847 = tpu.memref_slice %arg9[%dma_start3A_846] : memref<8192xf32, #tpu.memory_space<vmem>> -> memref<1024xf32, #tpu.memory_space<vmem>>
      tpu.enqueue_dma source(%dma_start3A_847 : memref<1024xf32, #tpu.memory_space<vmem>>) target(%dma_start3A_845 : memref<1024xf32, #tpu.memory_space<hbm>>) target_semaphore(%arg16 : memref<!tpu.dma_semaphore, #tpu.memory_space<semaphore_mem>>)
      %dma_start3A_848 = arith.constant 7 : i32
      %dma_start3A_849 = arith.constant 7168 : i32
      %dma_start3A_850 = tpu.memref_slice %arg9[%dma_start3A_849] : memref<8192xf32, #tpu.memory_space<vmem>> -> memref<1024xf32, #tpu.memory_space<vmem>>
      %dma_start3A_851 = arith.constant 0 : i32
      %dma_start3A_852 = tpu.memref_slice %arg4[%add3A_655, %dma_start3A_848, %add3A, %dma_start3A_851] : memref<200x8x32x1024xf32, #tpu.memory_space<hbm>> -> memref<1x1x1x1024xf32, #tpu.memory_space<hbm>>
      %dma_start3A_853 = tpu.memref_squeeze %dma_start3A_852 : memref<1x1x1x1024xf32, #tpu.memory_space<hbm>> -> memref<1024xf32, #tpu.memory_space<hbm>>
      %dma_start3A_854 = arith.constant 0 : i32
      %dma_start3A_855 = tpu.memref_slice %arg4[%add3A_655, %dma_start3A_848, %add3A, %dma_start3A_854] : memref<200x8x32x1024xf32, #tpu.memory_space<hbm>> -> memref<1x1x1x1024xf32, #tpu.memory_space<hbm>>
      %dma_start3A_856 = tpu.memref_squeeze %dma_start3A_855 : memref<1x1x1x1024xf32, #tpu.memory_space<hbm>> -> memref<1024xf32, #tpu.memory_space<hbm>>
      %dma_start3A_857 = arith.constant 7168 : i32
      %dma_start3A_858 = tpu.memref_slice %arg9[%dma_start3A_857] : memref<8192xf32, #tpu.memory_space<vmem>> -> memref<1024xf32, #tpu.memory_space<vmem>>
      tpu.enqueue_dma source(%dma_start3A_858 : memref<1024xf32, #tpu.memory_space<vmem>>) target(%dma_start3A_856 : memref<1024xf32, #tpu.memory_space<hbm>>) target_semaphore(%arg16 : memref<!tpu.dma_semaphore, #tpu.memory_space<semaphore_mem>>)
      %add3A_859 = arith.constant 2 : i32
      %add3A_860 = arith.addi %add3A_655, %add3A_859 : i32
      %lt3A_861 = arith.constant 200 : i32
      %lt3A_862 = arith.cmpi slt, %add3A_860, %lt3A_861 : i32
      %convert_element_type3A_863 = arith.extui %lt3A_862 : i1 to i32
      %cond3A_864 = arith.constant 0 : i32
      %cond3A_865 = arith.cmpi ne, %convert_element_type3A_863, %cond3A_864 : i32
      scf.if %cond3A_865 {
        %add3A_866 = arith.constant 2 : i32
        %add3A_867 = arith.addi %add3A_655, %add3A_866 : i32
        %get3A_868 = arith.index_cast %add3A_867 : i32 to index
        %get3A_869 = arith.constant 0 : index
        %get3A_870 = tpu.vector_load %arg5[%get3A_868, %get3A_869] {strides = array<i32>} : memref<200x128xi32, #tpu.memory_space<vmem>>, vector<16xi32>,
        %ge3A_871 = arith.constant 500096 : i32
        %ge3A_872 = vector.broadcast %ge3A_871 : i32 to vector<16xi32>
        %ge3A_873 = arith.cmpi sge, %get3A_870, %ge3A_872 : vector<16xi32>
        %sub3A_874 = arith.constant 500096 : i32
        %sub3A_875 = vector.broadcast %sub3A_874 : i32 to vector<16xi32>
        %sub3A_876 = arith.subi %get3A_870, %sub3A_875 : vector<16xi32>
        %select_n3A_877 = arith.select %ge3A_873, %sub3A_876, %get3A_870 : vector<16xi1>, vector<16xi32>
        %swap3A_878 = arith.constant 0 : index
        %swap3A_879 = tpu.vector_load %arg11[%swap3A_878] {strides = array<i32>} : memref<128xi32, #tpu.memory_space<vmem>>, vector<16xi32>,
        tpu.vector_store %arg11[%swap3A_878], %select_n3A_877 {strides = array<i32>} : memref<128xi32, #tpu.memory_space<vmem>>, vector<16xi32>,
        %get3A_880 = arith.index_cast %add3A_867 : i32 to index
        %get3A_881 = arith.constant 16 : index
        %get3A_882 = tpu.vector_load %arg5[%get3A_880, %get3A_881] {strides = array<i32>} : memref<200x128xi32, #tpu.memory_space<vmem>>, vector<16xi32>,
        %ge3A_883 = arith.constant 500096 : i32
        %ge3A_884 = vector.broadcast %ge3A_883 : i32 to vector<16xi32>
        %ge3A_885 = arith.cmpi sge, %get3A_882, %ge3A_884 : vector<16xi32>
        %sub3A_886 = arith.constant 500096 : i32
        %sub3A_887 = vector.broadcast %sub3A_886 : i32 to vector<16xi32>
        %sub3A_888 = arith.subi %get3A_882, %sub3A_887 : vector<16xi32>
        %select_n3A_889 = arith.select %ge3A_885, %sub3A_888, %get3A_882 : vector<16xi1>, vector<16xi32>
        %swap3A_890 = arith.constant 16 : index
        %swap3A_891 = tpu.vector_load %arg11[%swap3A_890] {strides = array<i32>} : memref<128xi32, #tpu.memory_space<vmem>>, vector<16xi32>,
        tpu.vector_store %arg11[%swap3A_890], %select_n3A_889 {strides = array<i32>} : memref<128xi32, #tpu.memory_space<vmem>>, vector<16xi32>,
        %get3A_892 = arith.index_cast %add3A_867 : i32 to index
        %get3A_893 = arith.constant 32 : index
        %get3A_894 = tpu.vector_load %arg5[%get3A_892, %get3A_893] {strides = array<i32>} : memref<200x128xi32, #tpu.memory_space<vmem>>, vector<16xi32>,
        %ge3A_895 = arith.constant 500096 : i32
        %ge3A_896 = vector.broadcast %ge3A_895 : i32 to vector<16xi32>
        %ge3A_897 = arith.cmpi sge, %get3A_894, %ge3A_896 : vector<16xi32>
        %sub3A_898 = arith.constant 500096 : i32
        %sub3A_899 = vector.broadcast %sub3A_898 : i32 to vector<16xi32>
        %sub3A_900 = arith.subi %get3A_894, %sub3A_899 : vector<16xi32>
        %select_n3A_901 = arith.select %ge3A_897, %sub3A_900, %get3A_894 : vector<16xi1>, vector<16xi32>
        %swap3A_902 = arith.constant 32 : index
        %swap3A_903 = tpu.vector_load %arg11[%swap3A_902] {strides = array<i32>} : memref<128xi32, #tpu.memory_space<vmem>>, vector<16xi32>,
        tpu.vector_store %arg11[%swap3A_902], %select_n3A_901 {strides = array<i32>} : memref<128xi32, #tpu.memory_space<vmem>>, vector<16xi32>,
        %get3A_904 = arith.index_cast %add3A_867 : i32 to index
        %get3A_905 = arith.constant 48 : index
        %get3A_906 = tpu.vector_load %arg5[%get3A_904, %get3A_905] {strides = array<i32>} : memref<200x128xi32, #tpu.memory_space<vmem>>, vector<16xi32>,
        %ge3A_907 = arith.constant 500096 : i32
        %ge3A_908 = vector.broadcast %ge3A_907 : i32 to vector<16xi32>
        %ge3A_909 = arith.cmpi sge, %get3A_906, %ge3A_908 : vector<16xi32>
        %sub3A_910 = arith.constant 500096 : i32
        %sub3A_911 = vector.broadcast %sub3A_910 : i32 to vector<16xi32>
        %sub3A_912 = arith.subi %get3A_906, %sub3A_911 : vector<16xi32>
        %select_n3A_913 = arith.select %ge3A_909, %sub3A_912, %get3A_906 : vector<16xi1>, vector<16xi32>
        %swap3A_914 = arith.constant 48 : index
        %swap3A_915 = tpu.vector_load %arg11[%swap3A_914] {strides = array<i32>} : memref<128xi32, #tpu.memory_space<vmem>>, vector<16xi32>,
        tpu.vector_store %arg11[%swap3A_914], %select_n3A_913 {strides = array<i32>} : memref<128xi32, #tpu.memory_space<vmem>>, vector<16xi32>,
        %get3A_916 = arith.index_cast %add3A_867 : i32 to index
        %get3A_917 = arith.constant 64 : index
        %get3A_918 = tpu.vector_load %arg5[%get3A_916, %get3A_917] {strides = array<i32>} : memref<200x128xi32, #tpu.memory_space<vmem>>, vector<16xi32>,
        %ge3A_919 = arith.constant 500096 : i32
        %ge3A_920 = vector.broadcast %ge3A_919 : i32 to vector<16xi32>
        %ge3A_921 = arith.cmpi sge, %get3A_918, %ge3A_920 : vector<16xi32>
        %sub3A_922 = arith.constant 500096 : i32
        %sub3A_923 = vector.broadcast %sub3A_922 : i32 to vector<16xi32>
        %sub3A_924 = arith.subi %get3A_918, %sub3A_923 : vector<16xi32>
        %select_n3A_925 = arith.select %ge3A_921, %sub3A_924, %get3A_918 : vector<16xi1>, vector<16xi32>
        %swap3A_926 = arith.constant 64 : index
        %swap3A_927 = tpu.vector_load %arg11[%swap3A_926] {strides = array<i32>} : memref<128xi32, #tpu.memory_space<vmem>>, vector<16xi32>,
        tpu.vector_store %arg11[%swap3A_926], %select_n3A_925 {strides = array<i32>} : memref<128xi32, #tpu.memory_space<vmem>>, vector<16xi32>,
        %get3A_928 = arith.index_cast %add3A_867 : i32 to index
        %get3A_929 = arith.constant 80 : index
        %get3A_930 = tpu.vector_load %arg5[%get3A_928, %get3A_929] {strides = array<i32>} : memref<200x128xi32, #tpu.memory_space<vmem>>, vector<16xi32>,
        %ge3A_931 = arith.constant 500096 : i32
        %ge3A_932 = vector.broadcast %ge3A_931 : i32 to vector<16xi32>
        %ge3A_933 = arith.cmpi sge, %get3A_930, %ge3A_932 : vector<16xi32>
        %sub3A_934 = arith.constant 500096 : i32
        %sub3A_935 = vector.broadcast %sub3A_934 : i32 to vector<16xi32>
        %sub3A_936 = arith.subi %get3A_930, %sub3A_935 : vector<16xi32>
        %select_n3A_937 = arith.select %ge3A_933, %sub3A_936, %get3A_930 : vector<16xi1>, vector<16xi32>
        %swap3A_938 = arith.constant 80 : index
        %swap3A_939 = tpu.vector_load %arg11[%swap3A_938] {strides = array<i32>} : memref<128xi32, #tpu.memory_space<vmem>>, vector<16xi32>,
        tpu.vector_store %arg11[%swap3A_938], %select_n3A_937 {strides = array<i32>} : memref<128xi32, #tpu.memory_space<vmem>>, vector<16xi32>,
        %get3A_940 = arith.index_cast %add3A_867 : i32 to index
        %get3A_941 = arith.constant 96 : index
        %get3A_942 = tpu.vector_load %arg5[%get3A_940, %get3A_941] {strides = array<i32>} : memref<200x128xi32, #tpu.memory_space<vmem>>, vector<16xi32>,
        %ge3A_943 = arith.constant 500096 : i32
        %ge3A_944 = vector.broadcast %ge3A_943 : i32 to vector<16xi32>
        %ge3A_945 = arith.cmpi sge, %get3A_942, %ge3A_944 : vector<16xi32>
        %sub3A_946 = arith.constant 500096 : i32
        %sub3A_947 = vector.broadcast %sub3A_946 : i32 to vector<16xi32>
        %sub3A_948 = arith.subi %get3A_942, %sub3A_947 : vector<16xi32>
        %select_n3A_949 = arith.select %ge3A_945, %sub3A_948, %get3A_942 : vector<16xi1>, vector<16xi32>
        %swap3A_950 = arith.constant 96 : index
        %swap3A_951 = tpu.vector_load %arg11[%swap3A_950] {strides = array<i32>} : memref<128xi32, #tpu.memory_space<vmem>>, vector<16xi32>,
        tpu.vector_store %arg11[%swap3A_950], %select_n3A_949 {strides = array<i32>} : memref<128xi32, #tpu.memory_space<vmem>>, vector<16xi32>,
        %get3A_952 = arith.index_cast %add3A_867 : i32 to index
        %get3A_953 = arith.constant 112 : index
        %get3A_954 = tpu.vector_load %arg5[%get3A_952, %get3A_953] {strides = array<i32>} : memref<200x128xi32, #tpu.memory_space<vmem>>, vector<16xi32>,
        %ge3A_955 = arith.constant 500096 : i32
        %ge3A_956 = vector.broadcast %ge3A_955 : i32 to vector<16xi32>
        %ge3A_957 = arith.cmpi sge, %get3A_954, %ge3A_956 : vector<16xi32>
        %sub3A_958 = arith.constant 500096 : i32
        %sub3A_959 = vector.broadcast %sub3A_958 : i32 to vector<16xi32>
        %sub3A_960 = arith.subi %get3A_954, %sub3A_959 : vector<16xi32>
        %select_n3A_961 = arith.select %ge3A_957, %sub3A_960, %get3A_954 : vector<16xi1>, vector<16xi32>
        %swap3A_962 = arith.constant 112 : index
        %swap3A_963 = tpu.vector_load %arg11[%swap3A_962] {strides = array<i32>} : memref<128xi32, #tpu.memory_space<vmem>>, vector<16xi32>,
        tpu.vector_store %arg11[%swap3A_962], %select_n3A_961 {strides = array<i32>} : memref<128xi32, #tpu.memory_space<vmem>>, vector<16xi32>,
        %dma_start3A_964 = arith.constant 0 : i32
        %dma_start3A_965 = arith.constant 0 : i32
        %dma_start3A_966 = tpu.memref_slice %arg3[%dma_start3A_964, %dma_start3A_965] : memref<500096x128xf32, #tpu.memory_space<hbm>> -> memref<500096x128xf32, #tpu.memory_space<hbm>>
        tpu.enqueue_indirect_dma source(%dma_start3A_966 : memref<500096x128xf32, #tpu.memory_space<hbm>>) target(%arg7 : memref<128x128xf32, #tpu.memory_space<vmem>>) offsets(%arg11 : memref<128xi32, #tpu.memory_space<vmem>>) semaphore(%arg14 : memref<!tpu.dma_semaphore, #tpu.memory_space<semaphore_mem>>)
      } else {
      }
    }
    %scan3A_251 = arith.constant 100 : i32
    %dma_wait3A = arith.constant 198 : i32
    %dma_wait3A_252 = arith.constant 0 : i32
    %dma_wait3A_253 = arith.constant 0 : i32
    %dma_wait3A_254 = tpu.memref_slice %arg8[%dma_wait3A_253] : memref<8192xf32, #tpu.memory_space<vmem>> -> memref<1024xf32, #tpu.memory_space<vmem>>
    %dma_wait3A_255 = arith.constant 0 : i32
    %dma_wait3A_256 = tpu.memref_slice %arg4[%dma_wait3A, %dma_wait3A_252, %add3A, %dma_wait3A_255] : memref<200x8x32x1024xf32, #tpu.memory_space<hbm>> -> memref<1x1x1x1024xf32, #tpu.memory_space<hbm>>
    %dma_wait3A_257 = tpu.memref_squeeze %dma_wait3A_256 : memref<1x1x1x1024xf32, #tpu.memory_space<hbm>> -> memref<1024xf32, #tpu.memory_space<hbm>>
    %dma_wait3A_258 = arith.constant 0 : i32
    %dma_wait3A_259 = tpu.memref_slice %arg4[%dma_wait3A, %dma_wait3A_252, %add3A, %dma_wait3A_258] : memref<200x8x32x1024xf32, #tpu.memory_space<hbm>> -> memref<1x1x1x1024xf32, #tpu.memory_space<hbm>>
    %dma_wait3A_260 = tpu.memref_squeeze %dma_wait3A_259 : memref<1x1x1x1024xf32, #tpu.memory_space<hbm>> -> memref<1024xf32, #tpu.memory_space<hbm>>
    %dma_wait3A_261 = arith.constant 0 : i32
    %dma_wait3A_262 = tpu.memref_slice %arg8[%dma_wait3A_261] : memref<8192xf32, #tpu.memory_space<vmem>> -> memref<1024xf32, #tpu.memory_space<vmem>>
    tpu.wait_dma2 semaphore(%arg15 : memref<!tpu.dma_semaphore, #tpu.memory_space<semaphore_mem>>) src(%dma_wait3A_262 : memref<1024xf32, #tpu.memory_space<vmem>>) dst(%dma_wait3A_260 : memref<1024xf32, #tpu.memory_space<hbm>>)
    %dma_wait3A_263 = arith.constant 198 : i32
    %dma_wait3A_264 = arith.constant 1 : i32
    %dma_wait3A_265 = arith.constant 1024 : i32
    %dma_wait3A_266 = tpu.memref_slice %arg8[%dma_wait3A_265] : memref<8192xf32, #tpu.memory_space<vmem>> -> memref<1024xf32, #tpu.memory_space<vmem>>
    %dma_wait3A_267 = arith.constant 0 : i32
    %dma_wait3A_268 = tpu.memref_slice %arg4[%dma_wait3A_263, %dma_wait3A_264, %add3A, %dma_wait3A_267] : memref<200x8x32x1024xf32, #tpu.memory_space<hbm>> -> memref<1x1x1x1024xf32, #tpu.memory_space<hbm>>
    %dma_wait3A_269 = tpu.memref_squeeze %dma_wait3A_268 : memref<1x1x1x1024xf32, #tpu.memory_space<hbm>> -> memref<1024xf32, #tpu.memory_space<hbm>>
    %dma_wait3A_270 = arith.constant 0 : i32
    %dma_wait3A_271 = tpu.memref_slice %arg4[%dma_wait3A_263, %dma_wait3A_264, %add3A, %dma_wait3A_270] : memref<200x8x32x1024xf32, #tpu.memory_space<hbm>> -> memref<1x1x1x1024xf32, #tpu.memory_space<hbm>>
    %dma_wait3A_272 = tpu.memref_squeeze %dma_wait3A_271 : memref<1x1x1x1024xf32, #tpu.memory_space<hbm>> -> memref<1024xf32, #tpu.memory_space<hbm>>
    %dma_wait3A_273 = arith.constant 1024 : i32
    %dma_wait3A_274 = tpu.memref_slice %arg8[%dma_wait3A_273] : memref<8192xf32, #tpu.memory_space<vmem>> -> memref<1024xf32, #tpu.memory_space<vmem>>
    tpu.wait_dma2 semaphore(%arg15 : memref<!tpu.dma_semaphore, #tpu.memory_space<semaphore_mem>>) src(%dma_wait3A_274 : memref<1024xf32, #tpu.memory_space<vmem>>) dst(%dma_wait3A_272 : memref<1024xf32, #tpu.memory_space<hbm>>)
    %dma_wait3A_275 = arith.constant 198 : i32
    %dma_wait3A_276 = arith.constant 2 : i32
    %dma_wait3A_277 = arith.constant 2048 : i32
    %dma_wait3A_278 = tpu.memref_slice %arg8[%dma_wait3A_277] : memref<8192xf32, #tpu.memory_space<vmem>> -> memref<1024xf32, #tpu.memory_space<vmem>>
    %dma_wait3A_279 = arith.constant 0 : i32
    %dma_wait3A_280 = tpu.memref_slice %arg4[%dma_wait3A_275, %dma_wait3A_276, %add3A, %dma_wait3A_279] : memref<200x8x32x1024xf32, #tpu.memory_space<hbm>> -> memref<1x1x1x1024xf32, #tpu.memory_space<hbm>>
    %dma_wait3A_281 = tpu.memref_squeeze %dma_wait3A_280 : memref<1x1x1x1024xf32, #tpu.memory_space<hbm>> -> memref<1024xf32, #tpu.memory_space<hbm>>
    %dma_wait3A_282 = arith.constant 0 : i32
    %dma_wait3A_283 = tpu.memref_slice %arg4[%dma_wait3A_275, %dma_wait3A_276, %add3A, %dma_wait3A_282] : memref<200x8x32x1024xf32, #tpu.memory_space<hbm>> -> memref<1x1x1x1024xf32, #tpu.memory_space<hbm>>
    %dma_wait3A_284 = tpu.memref_squeeze %dma_wait3A_283 : memref<1x1x1x1024xf32, #tpu.memory_space<hbm>> -> memref<1024xf32, #tpu.memory_space<hbm>>
    %dma_wait3A_285 = arith.constant 2048 : i32
    %dma_wait3A_286 = tpu.memref_slice %arg8[%dma_wait3A_285] : memref<8192xf32, #tpu.memory_space<vmem>> -> memref<1024xf32, #tpu.memory_space<vmem>>
    tpu.wait_dma2 semaphore(%arg15 : memref<!tpu.dma_semaphore, #tpu.memory_space<semaphore_mem>>) src(%dma_wait3A_286 : memref<1024xf32, #tpu.memory_space<vmem>>) dst(%dma_wait3A_284 : memref<1024xf32, #tpu.memory_space<hbm>>)
    %dma_wait3A_287 = arith.constant 198 : i32
    %dma_wait3A_288 = arith.constant 3 : i32
    %dma_wait3A_289 = arith.constant 3072 : i32
    %dma_wait3A_290 = tpu.memref_slice %arg8[%dma_wait3A_289] : memref<8192xf32, #tpu.memory_space<vmem>> -> memref<1024xf32, #tpu.memory_space<vmem>>
    %dma_wait3A_291 = arith.constant 0 : i32
    %dma_wait3A_292 = tpu.memref_slice %arg4[%dma_wait3A_287, %dma_wait3A_288, %add3A, %dma_wait3A_291] : memref<200x8x32x1024xf32, #tpu.memory_space<hbm>> -> memref<1x1x1x1024xf32, #tpu.memory_space<hbm>>
    %dma_wait3A_293 = tpu.memref_squeeze %dma_wait3A_292 : memref<1x1x1x1024xf32, #tpu.memory_space<hbm>> -> memref<1024xf32, #tpu.memory_space<hbm>>
    %dma_wait3A_294 = arith.constant 0 : i32
    %dma_wait3A_295 = tpu.memref_slice %arg4[%dma_wait3A_287, %dma_wait3A_288, %add3A, %dma_wait3A_294] : memref<200x8x32x1024xf32, #tpu.memory_space<hbm>> -> memref<1x1x1x1024xf32, #tpu.memory_space<hbm>>
    %dma_wait3A_296 = tpu.memref_squeeze %dma_wait3A_295 : memref<1x1x1x1024xf32, #tpu.memory_space<hbm>> -> memref<1024xf32, #tpu.memory_space<hbm>>
    %dma_wait3A_297 = arith.constant 3072 : i32
    %dma_wait3A_298 = tpu.memref_slice %arg8[%dma_wait3A_297] : memref<8192xf32, #tpu.memory_space<vmem>> -> memref<1024xf32, #tpu.memory_space<vmem>>
    tpu.wait_dma2 semaphore(%arg15 : memref<!tpu.dma_semaphore, #tpu.memory_space<semaphore_mem>>) src(%dma_wait3A_298 : memref<1024xf32, #tpu.memory_space<vmem>>) dst(%dma_wait3A_296 : memref<1024xf32, #tpu.memory_space<hbm>>)
    %dma_wait3A_299 = arith.constant 198 : i32
    %dma_wait3A_300 = arith.constant 4 : i32
    %dma_wait3A_301 = arith.constant 4096 : i32
    %dma_wait3A_302 = tpu.memref_slice %arg8[%dma_wait3A_301] : memref<8192xf32, #tpu.memory_space<vmem>> -> memref<1024xf32, #tpu.memory_space<vmem>>
    %dma_wait3A_303 = arith.constant 0 : i32
    %dma_wait3A_304 = tpu.memref_slice %arg4[%dma_wait3A_299, %dma_wait3A_300, %add3A, %dma_wait3A_303] : memref<200x8x32x1024xf32, #tpu.memory_space<hbm>> -> memref<1x1x1x1024xf32, #tpu.memory_space<hbm>>
    %dma_wait3A_305 = tpu.memref_squeeze %dma_wait3A_304 : memref<1x1x1x1024xf32, #tpu.memory_space<hbm>> -> memref<1024xf32, #tpu.memory_space<hbm>>
    %dma_wait3A_306 = arith.constant 0 : i32
    %dma_wait3A_307 = tpu.memref_slice %arg4[%dma_wait3A_299, %dma_wait3A_300, %add3A, %dma_wait3A_306] : memref<200x8x32x1024xf32, #tpu.memory_space<hbm>> -> memref<1x1x1x1024xf32, #tpu.memory_space<hbm>>
    %dma_wait3A_308 = tpu.memref_squeeze %dma_wait3A_307 : memref<1x1x1x1024xf32, #tpu.memory_space<hbm>> -> memref<1024xf32, #tpu.memory_space<hbm>>
    %dma_wait3A_309 = arith.constant 4096 : i32
    %dma_wait3A_310 = tpu.memref_slice %arg8[%dma_wait3A_309] : memref<8192xf32, #tpu.memory_space<vmem>> -> memref<1024xf32, #tpu.memory_space<vmem>>
    tpu.wait_dma2 semaphore(%arg15 : memref<!tpu.dma_semaphore, #tpu.memory_space<semaphore_mem>>) src(%dma_wait3A_310 : memref<1024xf32, #tpu.memory_space<vmem>>) dst(%dma_wait3A_308 : memref<1024xf32, #tpu.memory_space<hbm>>)
    %dma_wait3A_311 = arith.constant 198 : i32
    %dma_wait3A_312 = arith.constant 5 : i32
    %dma_wait3A_313 = arith.constant 5120 : i32
    %dma_wait3A_314 = tpu.memref_slice %arg8[%dma_wait3A_313] : memref<8192xf32, #tpu.memory_space<vmem>> -> memref<1024xf32, #tpu.memory_space<vmem>>
    %dma_wait3A_315 = arith.constant 0 : i32
    %dma_wait3A_316 = tpu.memref_slice %arg4[%dma_wait3A_311, %dma_wait3A_312, %add3A, %dma_wait3A_315] : memref<200x8x32x1024xf32, #tpu.memory_space<hbm>> -> memref<1x1x1x1024xf32, #tpu.memory_space<hbm>>
    %dma_wait3A_317 = tpu.memref_squeeze %dma_wait3A_316 : memref<1x1x1x1024xf32, #tpu.memory_space<hbm>> -> memref<1024xf32, #tpu.memory_space<hbm>>
    %dma_wait3A_318 = arith.constant 0 : i32
    %dma_wait3A_319 = tpu.memref_slice %arg4[%dma_wait3A_311, %dma_wait3A_312, %add3A, %dma_wait3A_318] : memref<200x8x32x1024xf32, #tpu.memory_space<hbm>> -> memref<1x1x1x1024xf32, #tpu.memory_space<hbm>>
    %dma_wait3A_320 = tpu.memref_squeeze %dma_wait3A_319 : memref<1x1x1x1024xf32, #tpu.memory_space<hbm>> -> memref<1024xf32, #tpu.memory_space<hbm>>
    %dma_wait3A_321 = arith.constant 5120 : i32
    %dma_wait3A_322 = tpu.memref_slice %arg8[%dma_wait3A_321] : memref<8192xf32, #tpu.memory_space<vmem>> -> memref<1024xf32, #tpu.memory_space<vmem>>
    tpu.wait_dma2 semaphore(%arg15 : memref<!tpu.dma_semaphore, #tpu.memory_space<semaphore_mem>>) src(%dma_wait3A_322 : memref<1024xf32, #tpu.memory_space<vmem>>) dst(%dma_wait3A_320 : memref<1024xf32, #tpu.memory_space<hbm>>)
    %dma_wait3A_323 = arith.constant 198 : i32
    %dma_wait3A_324 = arith.constant 6 : i32
    %dma_wait3A_325 = arith.constant 6144 : i32
    %dma_wait3A_326 = tpu.memref_slice %arg8[%dma_wait3A_325] : memref<8192xf32, #tpu.memory_space<vmem>> -> memref<1024xf32, #tpu.memory_space<vmem>>
    %dma_wait3A_327 = arith.constant 0 : i32
    %dma_wait3A_328 = tpu.memref_slice %arg4[%dma_wait3A_323, %dma_wait3A_324, %add3A, %dma_wait3A_327] : memref<200x8x32x1024xf32, #tpu.memory_space<hbm>> -> memref<1x1x1x1024xf32, #tpu.memory_space<hbm>>
    %dma_wait3A_329 = tpu.memref_squeeze %dma_wait3A_328 : memref<1x1x1x1024xf32, #tpu.memory_space<hbm>> -> memref<1024xf32, #tpu.memory_space<hbm>>
    %dma_wait3A_330 = arith.constant 0 : i32
    %dma_wait3A_331 = tpu.memref_slice %arg4[%dma_wait3A_323, %dma_wait3A_324, %add3A, %dma_wait3A_330] : memref<200x8x32x1024xf32, #tpu.memory_space<hbm>> -> memref<1x1x1x1024xf32, #tpu.memory_space<hbm>>
    %dma_wait3A_332 = tpu.memref_squeeze %dma_wait3A_331 : memref<1x1x1x1024xf32, #tpu.memory_space<hbm>> -> memref<1024xf32, #tpu.memory_space<hbm>>
    %dma_wait3A_333 = arith.constant 6144 : i32
    %dma_wait3A_334 = tpu.memref_slice %arg8[%dma_wait3A_333] : memref<8192xf32, #tpu.memory_space<vmem>> -> memref<1024xf32, #tpu.memory_space<vmem>>
    tpu.wait_dma2 semaphore(%arg15 : memref<!tpu.dma_semaphore, #tpu.memory_space<semaphore_mem>>) src(%dma_wait3A_334 : memref<1024xf32, #tpu.memory_space<vmem>>) dst(%dma_wait3A_332 : memref<1024xf32, #tpu.memory_space<hbm>>)
    %dma_wait3A_335 = arith.constant 198 : i32
    %dma_wait3A_336 = arith.constant 7 : i32
    %dma_wait3A_337 = arith.constant 7168 : i32
    %dma_wait3A_338 = tpu.memref_slice %arg8[%dma_wait3A_337] : memref<8192xf32, #tpu.memory_space<vmem>> -> memref<1024xf32, #tpu.memory_space<vmem>>
    %dma_wait3A_339 = arith.constant 0 : i32
    %dma_wait3A_340 = tpu.memref_slice %arg4[%dma_wait3A_335, %dma_wait3A_336, %add3A, %dma_wait3A_339] : memref<200x8x32x1024xf32, #tpu.memory_space<hbm>> -> memref<1x1x1x1024xf32, #tpu.memory_space<hbm>>
    %dma_wait3A_341 = tpu.memref_squeeze %dma_wait3A_340 : memref<1x1x1x1024xf32, #tpu.memory_space<hbm>> -> memref<1024xf32, #tpu.memory_space<hbm>>
    %dma_wait3A_342 = arith.constant 0 : i32
    %dma_wait3A_343 = tpu.memref_slice %arg4[%dma_wait3A_335, %dma_wait3A_336, %add3A, %dma_wait3A_342] : memref<200x8x32x1024xf32, #tpu.memory_space<hbm>> -> memref<1x1x1x1024xf32, #tpu.memory_space<hbm>>
    %dma_wait3A_344 = tpu.memref_squeeze %dma_wait3A_343 : memref<1x1x1x1024xf32, #tpu.memory_space<hbm>> -> memref<1024xf32, #tpu.memory_space<hbm>>
    %dma_wait3A_345 = arith.constant 7168 : i32
    %dma_wait3A_346 = tpu.memref_slice %arg8[%dma_wait3A_345] : memref<8192xf32, #tpu.memory_space<vmem>> -> memref<1024xf32, #tpu.memory_space<vmem>>
    tpu.wait_dma2 semaphore(%arg15 : memref<!tpu.dma_semaphore, #tpu.memory_space<semaphore_mem>>) src(%dma_wait3A_346 : memref<1024xf32, #tpu.memory_space<vmem>>) dst(%dma_wait3A_344 : memref<1024xf32, #tpu.memory_space<hbm>>)
    %dma_wait3A_347 = arith.constant 199 : i32
    %dma_wait3A_348 = arith.constant 0 : i32
    %dma_wait3A_349 = arith.constant 0 : i32
    %dma_wait3A_350 = tpu.memref_slice %arg9[%dma_wait3A_349] : memref<8192xf32, #tpu.memory_space<vmem>> -> memref<1024xf32, #tpu.memory_space<vmem>>
    %dma_wait3A_351 = arith.constant 0 : i32
    %dma_wait3A_352 = tpu.memref_slice %arg4[%dma_wait3A_347, %dma_wait3A_348, %add3A, %dma_wait3A_351] : memref<200x8x32x1024xf32, #tpu.memory_space<hbm>> -> memref<1x1x1x1024xf32, #tpu.memory_space<hbm>>
    %dma_wait3A_353 = tpu.memref_squeeze %dma_wait3A_352 : memref<1x1x1x1024xf32, #tpu.memory_space<hbm>> -> memref<1024xf32, #tpu.memory_space<hbm>>
    %dma_wait3A_354 = arith.constant 0 : i32
    %dma_wait3A_355 = tpu.memref_slice %arg4[%dma_wait3A_347, %dma_wait3A_348, %add3A, %dma_wait3A_354] : memref<200x8x32x1024xf32, #tpu.memory_space<hbm>> -> memref<1x1x1x1024xf32, #tpu.memory_space<hbm>>
    %dma_wait3A_356 = tpu.memref_squeeze %dma_wait3A_355 : memref<1x1x1x1024xf32, #tpu.memory_space<hbm>> -> memref<1024xf32, #tpu.memory_space<hbm>>
    %dma_wait3A_357 = arith.constant 0 : i32
    %dma_wait3A_358 = tpu.memref_slice %arg9[%dma_wait3A_357] : memref<8192xf32, #tpu.memory_space<vmem>> -> memref<1024xf32, #tpu.memory_space<vmem>>
    tpu.wait_dma2 semaphore(%arg16 : memref<!tpu.dma_semaphore, #tpu.memory_space<semaphore_mem>>) src(%dma_wait3A_358 : memref<1024xf32, #tpu.memory_space<vmem>>) dst(%dma_wait3A_356 : memref<1024xf32, #tpu.memory_space<hbm>>)
    %dma_wait3A_359 = arith.constant 199 : i32
    %dma_wait3A_360 = arith.constant 1 : i32
    %dma_wait3A_361 = arith.constant 1024 : i32
    %dma_wait3A_362 = tpu.memref_slice %arg9[%dma_wait3A_361] : memref<8192xf32, #tpu.memory_space<vmem>> -> memref<1024xf32, #tpu.memory_space<vmem>>
    %dma_wait3A_363 = arith.constant 0 : i32
    %dma_wait3A_364 = tpu.memref_slice %arg4[%dma_wait3A_359, %dma_wait3A_360, %add3A, %dma_wait3A_363] : memref<200x8x32x1024xf32, #tpu.memory_space<hbm>> -> memref<1x1x1x1024xf32, #tpu.memory_space<hbm>>
    %dma_wait3A_365 = tpu.memref_squeeze %dma_wait3A_364 : memref<1x1x1x1024xf32, #tpu.memory_space<hbm>> -> memref<1024xf32, #tpu.memory_space<hbm>>
    %dma_wait3A_366 = arith.constant 0 : i32
    %dma_wait3A_367 = tpu.memref_slice %arg4[%dma_wait3A_359, %dma_wait3A_360, %add3A, %dma_wait3A_366] : memref<200x8x32x1024xf32, #tpu.memory_space<hbm>> -> memref<1x1x1x1024xf32, #tpu.memory_space<hbm>>
    %dma_wait3A_368 = tpu.memref_squeeze %dma_wait3A_367 : memref<1x1x1x1024xf32, #tpu.memory_space<hbm>> -> memref<1024xf32, #tpu.memory_space<hbm>>
    %dma_wait3A_369 = arith.constant 1024 : i32
    %dma_wait3A_370 = tpu.memref_slice %arg9[%dma_wait3A_369] : memref<8192xf32, #tpu.memory_space<vmem>> -> memref<1024xf32, #tpu.memory_space<vmem>>
    tpu.wait_dma2 semaphore(%arg16 : memref<!tpu.dma_semaphore, #tpu.memory_space<semaphore_mem>>) src(%dma_wait3A_370 : memref<1024xf32, #tpu.memory_space<vmem>>) dst(%dma_wait3A_368 : memref<1024xf32, #tpu.memory_space<hbm>>)
    %dma_wait3A_371 = arith.constant 199 : i32
    %dma_wait3A_372 = arith.constant 2 : i32
    %dma_wait3A_373 = arith.constant 2048 : i32
    %dma_wait3A_374 = tpu.memref_slice %arg9[%dma_wait3A_373] : memref<8192xf32, #tpu.memory_space<vmem>> -> memref<1024xf32, #tpu.memory_space<vmem>>
    %dma_wait3A_375 = arith.constant 0 : i32
    %dma_wait3A_376 = tpu.memref_slice %arg4[%dma_wait3A_371, %dma_wait3A_372, %add3A, %dma_wait3A_375] : memref<200x8x32x1024xf32, #tpu.memory_space<hbm>> -> memref<1x1x1x1024xf32, #tpu.memory_space<hbm>>
    %dma_wait3A_377 = tpu.memref_squeeze %dma_wait3A_376 : memref<1x1x1x1024xf32, #tpu.memory_space<hbm>> -> memref<1024xf32, #tpu.memory_space<hbm>>
    %dma_wait3A_378 = arith.constant 0 : i32
    %dma_wait3A_379 = tpu.memref_slice %arg4[%dma_wait3A_371, %dma_wait3A_372, %add3A, %dma_wait3A_378] : memref<200x8x32x1024xf32, #tpu.memory_space<hbm>> -> memref<1x1x1x1024xf32, #tpu.memory_space<hbm>>
    %dma_wait3A_380 = tpu.memref_squeeze %dma_wait3A_379 : memref<1x1x1x1024xf32, #tpu.memory_space<hbm>> -> memref<1024xf32, #tpu.memory_space<hbm>>
    %dma_wait3A_381 = arith.constant 2048 : i32
    %dma_wait3A_382 = tpu.memref_slice %arg9[%dma_wait3A_381] : memref<8192xf32, #tpu.memory_space<vmem>> -> memref<1024xf32, #tpu.memory_space<vmem>>
    tpu.wait_dma2 semaphore(%arg16 : memref<!tpu.dma_semaphore, #tpu.memory_space<semaphore_mem>>) src(%dma_wait3A_382 : memref<1024xf32, #tpu.memory_space<vmem>>) dst(%dma_wait3A_380 : memref<1024xf32, #tpu.memory_space<hbm>>)
    %dma_wait3A_383 = arith.constant 199 : i32
    %dma_wait3A_384 = arith.constant 3 : i32
    %dma_wait3A_385 = arith.constant 3072 : i32
    %dma_wait3A_386 = tpu.memref_slice %arg9[%dma_wait3A_385] : memref<8192xf32, #tpu.memory_space<vmem>> -> memref<1024xf32, #tpu.memory_space<vmem>>
    %dma_wait3A_387 = arith.constant 0 : i32
    %dma_wait3A_388 = tpu.memref_slice %arg4[%dma_wait3A_383, %dma_wait3A_384, %add3A, %dma_wait3A_387] : memref<200x8x32x1024xf32, #tpu.memory_space<hbm>> -> memref<1x1x1x1024xf32, #tpu.memory_space<hbm>>
    %dma_wait3A_389 = tpu.memref_squeeze %dma_wait3A_388 : memref<1x1x1x1024xf32, #tpu.memory_space<hbm>> -> memref<1024xf32, #tpu.memory_space<hbm>>
    %dma_wait3A_390 = arith.constant 0 : i32
    %dma_wait3A_391 = tpu.memref_slice %arg4[%dma_wait3A_383, %dma_wait3A_384, %add3A, %dma_wait3A_390] : memref<200x8x32x1024xf32, #tpu.memory_space<hbm>> -> memref<1x1x1x1024xf32, #tpu.memory_space<hbm>>
    %dma_wait3A_392 = tpu.memref_squeeze %dma_wait3A_391 : memref<1x1x1x1024xf32, #tpu.memory_space<hbm>> -> memref<1024xf32, #tpu.memory_space<hbm>>
    %dma_wait3A_393 = arith.constant 3072 : i32
    %dma_wait3A_394 = tpu.memref_slice %arg9[%dma_wait3A_393] : memref<8192xf32, #tpu.memory_space<vmem>> -> memref<1024xf32, #tpu.memory_space<vmem>>
    tpu.wait_dma2 semaphore(%arg16 : memref<!tpu.dma_semaphore, #tpu.memory_space<semaphore_mem>>) src(%dma_wait3A_394 : memref<1024xf32, #tpu.memory_space<vmem>>) dst(%dma_wait3A_392 : memref<1024xf32, #tpu.memory_space<hbm>>)
    %dma_wait3A_395 = arith.constant 199 : i32
    %dma_wait3A_396 = arith.constant 4 : i32
    %dma_wait3A_397 = arith.constant 4096 : i32
    %dma_wait3A_398 = tpu.memref_slice %arg9[%dma_wait3A_397] : memref<8192xf32, #tpu.memory_space<vmem>> -> memref<1024xf32, #tpu.memory_space<vmem>>
    %dma_wait3A_399 = arith.constant 0 : i32
    %dma_wait3A_400 = tpu.memref_slice %arg4[%dma_wait3A_395, %dma_wait3A_396, %add3A, %dma_wait3A_399] : memref<200x8x32x1024xf32, #tpu.memory_space<hbm>> -> memref<1x1x1x1024xf32, #tpu.memory_space<hbm>>
    %dma_wait3A_401 = tpu.memref_squeeze %dma_wait3A_400 : memref<1x1x1x1024xf32, #tpu.memory_space<hbm>> -> memref<1024xf32, #tpu.memory_space<hbm>>
    %dma_wait3A_402 = arith.constant 0 : i32
    %dma_wait3A_403 = tpu.memref_slice %arg4[%dma_wait3A_395, %dma_wait3A_396, %add3A, %dma_wait3A_402] : memref<200x8x32x1024xf32, #tpu.memory_space<hbm>> -> memref<1x1x1x1024xf32, #tpu.memory_space<hbm>>
    %dma_wait3A_404 = tpu.memref_squeeze %dma_wait3A_403 : memref<1x1x1x1024xf32, #tpu.memory_space<hbm>> -> memref<1024xf32, #tpu.memory_space<hbm>>
    %dma_wait3A_405 = arith.constant 4096 : i32
    %dma_wait3A_406 = tpu.memref_slice %arg9[%dma_wait3A_405] : memref<8192xf32, #tpu.memory_space<vmem>> -> memref<1024xf32, #tpu.memory_space<vmem>>
    tpu.wait_dma2 semaphore(%arg16 : memref<!tpu.dma_semaphore, #tpu.memory_space<semaphore_mem>>) src(%dma_wait3A_406 : memref<1024xf32, #tpu.memory_space<vmem>>) dst(%dma_wait3A_404 : memref<1024xf32, #tpu.memory_space<hbm>>)
    %dma_wait3A_407 = arith.constant 199 : i32
    %dma_wait3A_408 = arith.constant 5 : i32
    %dma_wait3A_409 = arith.constant 5120 : i32
    %dma_wait3A_410 = tpu.memref_slice %arg9[%dma_wait3A_409] : memref<8192xf32, #tpu.memory_space<vmem>> -> memref<1024xf32, #tpu.memory_space<vmem>>
    %dma_wait3A_411 = arith.constant 0 : i32
    %dma_wait3A_412 = tpu.memref_slice %arg4[%dma_wait3A_407, %dma_wait3A_408, %add3A, %dma_wait3A_411] : memref<200x8x32x1024xf32, #tpu.memory_space<hbm>> -> memref<1x1x1x1024xf32, #tpu.memory_space<hbm>>
    %dma_wait3A_413 = tpu.memref_squeeze %dma_wait3A_412 : memref<1x1x1x1024xf32, #tpu.memory_space<hbm>> -> memref<1024xf32, #tpu.memory_space<hbm>>
    %dma_wait3A_414 = arith.constant 0 : i32
    %dma_wait3A_415 = tpu.memref_slice %arg4[%dma_wait3A_407, %dma_wait3A_408, %add3A, %dma_wait3A_414] : memref<200x8x32x1024xf32, #tpu.memory_space<hbm>> -> memref<1x1x1x1024xf32, #tpu.memory_space<hbm>>
    %dma_wait3A_416 = tpu.memref_squeeze %dma_wait3A_415 : memref<1x1x1x1024xf32, #tpu.memory_space<hbm>> -> memref<1024xf32, #tpu.memory_space<hbm>>
    %dma_wait3A_417 = arith.constant 5120 : i32
    %dma_wait3A_418 = tpu.memref_slice %arg9[%dma_wait3A_417] : memref<8192xf32, #tpu.memory_space<vmem>> -> memref<1024xf32, #tpu.memory_space<vmem>>
    tpu.wait_dma2 semaphore(%arg16 : memref<!tpu.dma_semaphore, #tpu.memory_space<semaphore_mem>>) src(%dma_wait3A_418 : memref<1024xf32, #tpu.memory_space<vmem>>) dst(%dma_wait3A_416 : memref<1024xf32, #tpu.memory_space<hbm>>)
    %dma_wait3A_419 = arith.constant 199 : i32
    %dma_wait3A_420 = arith.constant 6 : i32
    %dma_wait3A_421 = arith.constant 6144 : i32
    %dma_wait3A_422 = tpu.memref_slice %arg9[%dma_wait3A_421] : memref<8192xf32, #tpu.memory_space<vmem>> -> memref<1024xf32, #tpu.memory_space<vmem>>
    %dma_wait3A_423 = arith.constant 0 : i32
    %dma_wait3A_424 = tpu.memref_slice %arg4[%dma_wait3A_419, %dma_wait3A_420, %add3A, %dma_wait3A_423] : memref<200x8x32x1024xf32, #tpu.memory_space<hbm>> -> memref<1x1x1x1024xf32, #tpu.memory_space<hbm>>
    %dma_wait3A_425 = tpu.memref_squeeze %dma_wait3A_424 : memref<1x1x1x1024xf32, #tpu.memory_space<hbm>> -> memref<1024xf32, #tpu.memory_space<hbm>>
    %dma_wait3A_426 = arith.constant 0 : i32
    %dma_wait3A_427 = tpu.memref_slice %arg4[%dma_wait3A_419, %dma_wait3A_420, %add3A, %dma_wait3A_426] : memref<200x8x32x1024xf32, #tpu.memory_space<hbm>> -> memref<1x1x1x1024xf32, #tpu.memory_space<hbm>>
    %dma_wait3A_428 = tpu.memref_squeeze %dma_wait3A_427 : memref<1x1x1x1024xf32, #tpu.memory_space<hbm>> -> memref<1024xf32, #tpu.memory_space<hbm>>
    %dma_wait3A_429 = arith.constant 6144 : i32
    %dma_wait3A_430 = tpu.memref_slice %arg9[%dma_wait3A_429] : memref<8192xf32, #tpu.memory_space<vmem>> -> memref<1024xf32, #tpu.memory_space<vmem>>
    tpu.wait_dma2 semaphore(%arg16 : memref<!tpu.dma_semaphore, #tpu.memory_space<semaphore_mem>>) src(%dma_wait3A_430 : memref<1024xf32, #tpu.memory_space<vmem>>) dst(%dma_wait3A_428 : memref<1024xf32, #tpu.memory_space<hbm>>)
    %dma_wait3A_431 = arith.constant 199 : i32
    %dma_wait3A_432 = arith.constant 7 : i32
    %dma_wait3A_433 = arith.constant 7168 : i32
    %dma_wait3A_434 = tpu.memref_slice %arg9[%dma_wait3A_433] : memref<8192xf32, #tpu.memory_space<vmem>> -> memref<1024xf32, #tpu.memory_space<vmem>>
    %dma_wait3A_435 = arith.constant 0 : i32
    %dma_wait3A_436 = tpu.memref_slice %arg4[%dma_wait3A_431, %dma_wait3A_432, %add3A, %dma_wait3A_435] : memref<200x8x32x1024xf32, #tpu.memory_space<hbm>> -> memref<1x1x1x1024xf32, #tpu.memory_space<hbm>>
    %dma_wait3A_437 = tpu.memref_squeeze %dma_wait3A_436 : memref<1x1x1x1024xf32, #tpu.memory_space<hbm>> -> memref<1024xf32, #tpu.memory_space<hbm>>
    %dma_wait3A_438 = arith.constant 0 : i32
    %dma_wait3A_439 = tpu.memref_slice %arg4[%dma_wait3A_431, %dma_wait3A_432, %add3A, %dma_wait3A_438] : memref<200x8x32x1024xf32, #tpu.memory_space<hbm>> -> memref<1x1x1x1024xf32, #tpu.memory_space<hbm>>
    %dma_wait3A_440 = tpu.memref_squeeze %dma_wait3A_439 : memref<1x1x1x1024xf32, #tpu.memory_space<hbm>> -> memref<1024xf32, #tpu.memory_space<hbm>>
    %dma_wait3A_441 = arith.constant 7168 : i32
    %dma_wait3A_442 = tpu.memref_slice %arg9[%dma_wait3A_441] : memref<8192xf32, #tpu.memory_space<vmem>> -> memref<1024xf32, #tpu.memory_space<vmem>>
    tpu.wait_dma2 semaphore(%arg16 : memref<!tpu.dma_semaphore, #tpu.memory_space<semaphore_mem>>) src(%dma_wait3A_442 : memref<1024xf32, #tpu.memory_space<vmem>>) dst(%dma_wait3A_440 : memref<1024xf32, #tpu.memory_space<hbm>>)
    return
  }
}

module attributes {stable_mosaic.version = 14 : i64} {
  func.func @body(%arg0: i32, %arg1: memref<64x128xf32, #tpu.memory_space<vmem>>, %arg2: memref<64x128xf32, #tpu.memory_space<vmem>>, %arg3: memref<128x128xf32, #tpu.memory_space<vmem>>) attributes {dimension_semantics = [#tpu.dimension_semantics<arbitrary>], iteration_bounds = array<i64: 3907>, scalar_prefetch = 0 : i64, scratch_operands = 0 : i64, tpu.core_type = #tpu.core_type<tc>, window_params = [{transform_indices = @transform_0, window_bounds = array<i64: 64, 128>}, {transform_indices = @transform_1, window_bounds = array<i64: 64, 128>}, {transform_indices = @transform_2, window_bounds = array<i64: 128, 128>}]} {
    %get3A = arith.constant 0 : index
    %get3A_0 = arith.constant 0 : index
    %get3A_1 = vector.load %arg1[%get3A, %get3A_0] : memref<64x128xf32, #tpu.memory_space<vmem>>, vector<64x128xf32>
    %transpose3A = tpu.transpose %get3A_1, [1, 0] : vector<64x128xf32> -> vector<128x64xf32>
    %swap3A = arith.constant 0 : index
    %swap3A_2 = arith.constant 0 : index
    %swap3A_3 = vector.load %arg3[%swap3A, %swap3A_2] : memref<128x128xf32, #tpu.memory_space<vmem>>, vector<128x64xf32>
    tpu.vector_store %arg3[%swap3A, %swap3A_2], %transpose3A {strides = array<i32>} : memref<128x128xf32, #tpu.memory_space<vmem>>, vector<128x64xf32>,
    %get3A_4 = arith.constant 0 : index
    %get3A_5 = arith.constant 0 : index
    %get3A_6 = vector.load %arg2[%get3A_4, %get3A_5] : memref<64x128xf32, #tpu.memory_space<vmem>>, vector<64x128xf32>
    %transpose3A_7 = tpu.transpose %get3A_6, [1, 0] : vector<64x128xf32> -> vector<128x64xf32>
    %swap3A_8 = arith.constant 0 : index
    %swap3A_9 = arith.constant 64 : index
    %swap3A_10 = vector.load %arg3[%swap3A_8, %swap3A_9] : memref<128x128xf32, #tpu.memory_space<vmem>>, vector<128x64xf32>
    tpu.vector_store %arg3[%swap3A_8, %swap3A_9], %transpose3A_7 {strides = array<i32>} : memref<128x128xf32, #tpu.memory_space<vmem>>, vector<128x64xf32>,
    return
  }
  func.func @transform_0(%arg0: i32) -> (i32, i32) {
    %c0_i32 = arith.constant 0 : i32
    %c0_i32_0 = arith.constant 0 : i32
    return %c0_i32, %arg0 : i32, i32
  }
  func.func @transform_1(%arg0: i32) -> (i32, i32) {
    %add3A = arith.constant 3907 : i32
    %add3A_0 = arith.addi %add3A, %arg0 : i32
    %c0_i32 = arith.constant 0 : i32
    %c0_i32_1 = arith.constant 0 : i32
    return %c0_i32, %add3A_0 : i32, i32
  }
  func.func @transform_2(%arg0: i32) -> (i32, i32) {
    %c0_i32 = arith.constant 0 : i32
    %c0_i32_0 = arith.constant 0 : i32
    return %arg0, %c0_i32 : i32, i32
  }
}

</mosaic_0001>

<sc_bundles>
// kernel: kernel.4.cloned.1.call-start
scs
__scs_entry_jumppad:
0x0: {  	(pc) =	sbr.rel $0x88, $3  }
0x1: {  	(tag) =	ssettag $0x0;
	lr =	simm.s32 $0x1  }
0x2: {  	[smem:$0x3F9F] =	sst lr;
	_ =	strace $0xD0000000  }
0x3: {  	_ = 	snop  }
0x4: {  	_ = 	snop  }
0x5: {  	_ = 	snop  }
0x6: {  	_ = 	snop  }
0x7: {  	_ = 	snop  }
__scs_overlays_trampoline_lowered:
0x8: {  	[smem:$0x3FAE] =	sst s0  }
0x9: {  	[smem:$0x3FAF] =	sst s1  }
0xa: {  	[smem:$0x3FB0] =	sst s2  }
0xb: {  	[smem:$0x3FB1] =	sst s3  }
0xc: {  	[smem:$0x3FB2] =	sst s4  }
0xd: {  	[smem:$0x3FB3] =	sst s5  }
0xe: {  	[smem:$0x3FB4] =	sst s6  }
0xf: {  	[smem:$0x3FB5] =	sst s7  }
0x10: {  	[smem:$0x3FB6] =	sst s8  }
0x11: {  	[smem:$0x3FB7] =	sst s9;
	s0 =	simm.s32 @!p0 $0x0  }
0x12: {  	s1 =	sld [smem:$0x3F9D];
	s0 =	simm.s32 @p0 $0x1  }
0x13: {  	[smem:$0x3FB8] =	sst s0;
	s0 =	simm.s32 @!p1 $0x0  }
0x14: {  	s2 =	sld [smem:$0x3F9C];
	s0 =	simm.s32 @p1 $0x1  }
0x15: {  	[smem:$0x3FB9] =	sst s0;
	s0 =	simm.s32 @!p2 $0x0  }
0x16: {  	s3 =	sld [smem:$0x3FDB];
	s0 =	simm.s32 @p2 $0x1  }
0x17: {  	s4 =	simm.s32 $0x1BF5;
	[smem:$0x3FBB] =	sst s0  }
0x18: {  	s0 =	sld [smem:$0x3F9E];
	_ =	swait.ge [sflag:s4], $0x0  }
0x19: {  	s7 =	sld [smem:$0x3F9F]  }
0x1a: {  	s8 =	sadd.s32 $0xFFFFE003, lr  }
0x1b: {  	s9 =	sadd.s32 $0xFFFFFEF7, lr;
	s5 =	simm.s32 $0xFFFFFFFF;
	p2 =	slt.u32 s8, $0xFFFFF086  }
0x1c: {  	p1 =	slt.u32 s9, $0xF7A;
	s5 =	simm.s32 @!p2 $0x0  }
0x1d: {  	s5 =	simm.s32 @p1 $0x1;
	p0 =	seq.s32 s7, s2  }
0x1e: {  	s7 =	smul.u32 @!p0 $0xF7A, s2;
	p2 =	seq.s32 @!p0 s5, $0x0  }
0x1f: {  	s9 =	smul.u32 $0xF7A, s1;
	s8 =	simm.s32 @!p0 $0x1BF5;
	p2 =	por !p2, p0  }
0x20: {  	[sflag:s8] =	ssyncset.s32 @!p0 $0xFFFFF086;
	s6 =	sadd.s32 @!p0 s3, s7;
	s7 =	simm.s32 @!p0 $0x108  }
0x21: {  	s3 =	sadd.s32 s3, s9;
	s6 =	sadd.s32 @!p0 $0x88, s6;
	s7 =	simm.s32 @p2 $0x1082  }
0x22: {  	[simem:s7], [sflag:s8] =	dma.local @!p0 [hbm:s6], $0xF7A  }
0x23: {  	s9 =	sor.u32 $0xD0000000, s2;
	s6 =	simm.s32 $0x108;
	_ =	swait.ge @!p0 [sflag:s8], $0x0  }
0x24: {  	s3 =	sadd.s32 $0x88, s3;
	s6 =	simm.s32 @!p1 $0x1082;
	[sflag:s4] =	ssyncset.s32 $0xFFFFF086  }
0x25: {  	[simem:s6], [sflag:s4] =	dma.local [hbm:s3], $0xF7A  }
0x26: {  	[smem:$0x3F9F] =	sst s1;
	(tag) =	ssettag s2;
	_ =	strace s9  }
0x27: {  	s1 =	sld [smem:$0x3FAF]  }
0x28: {  	s2 =	sld [smem:$0x3FB0]  }
0x29: {  	s4 =	sld [smem:$0x3FB2]  }
0x2a: {  	p0 =	seq.s32 s5, $0x0;
	s5 =	sld [smem:$0x3FB3]  }
0x2b: {  	s6 =	sld [smem:$0x3FB4]  }
0x2c: {  	s7 =	sld [smem:$0x3FB5]  }
0x2d: {  	s3 =	simm.s32 $0x108;
	s8 =	sld [smem:$0x3FB6]  }
0x2e: {  	s3 =	simm.s32 @!p0 $0x1082;
	s9 =	sld [smem:$0x3FB7]  }
0x2f: {  	lr =	sadd.s32 s0, s3;
	s0 =	sld [smem:$0x3FAE]  }
0x30: {  	s3 =	sld [smem:$0x3FB1]  }
0x31: {  	[smem:$0x3FBA] =	sst s10  }
0x32: {  	s10 =	sld [smem:$0x3FB8];
	_ =	sdelay $0x3  }
0x33: {  	p0 =	seq.s32 s10, $0x1;
	s10 =	sld [smem:$0x3FBA];
	_ =	sdelay $0x3  }
0x34: {  	[smem:$0x3FBA] =	sst s10  }
0x35: {  	s10 =	sld [smem:$0x3FB9];
	_ =	sdelay $0x3  }
0x36: {  	p1 =	seq.s32 s10, $0x1;
	s10 =	sld [smem:$0x3FBA];
	_ =	sdelay $0x3  }
0x37: {  	[smem:$0x3FBA] =	sst s10  }
0x38: {  	s10 =	sld [smem:$0x3FBB]  }
0x39: {  	_ = 	snop;
	(pc) =	sbr.ind lr, $3  }
0x3a: {  	_ = 	snop  }
0x3b: {  	_ = 	snop  }
0x3c: {  	p2 =	seq.s32 s10, $0x1;
	s10 =	sld [smem:$0x3FBA]  }
0x3d: {  	_ =	shalt  }
0x3e: {  	_ =	shalt  }
0x3f: {  	_ =	shalt  }
0x40: {  	_ =	shalt  }
0x41: {  	_ =	shalt  }
0x42: {  	_ =	shalt  }
0x43: {  	_ =	shalt  }
0x44: {  	_ =	shalt  }
0x45: {  	_ =	shalt  }
0x46: {  	_ =	shalt  }
0x47: {  	_ =	shalt  }
0x48: {  	_ =	shalt  }
0x49: {  	_ =	shalt  }
0x4a: {  	_ =	shalt  }
0x4b: {  	_ =	shalt  }
0x4c: {  	_ =	shalt  }
0x4d: {  	_ =	shalt  }
0x4e: {  	_ =	shalt  }
0x4f: {  	_ =	shalt  }
0x50: {  	_ =	shalt  }
0x51: {  	_ =	shalt  }
0x52: {  	_ =	shalt  }
0x53: {  	_ =	shalt  }
0x54: {  	_ =	shalt  }
0x55: {  	_ =	shalt  }
0x56: {  	_ =	shalt  }
0x57: {  	_ =	shalt  }
0x58: {  	_ =	shalt  }
0x59: {  	_ =	shalt  }
0x5a: {  	_ =	shalt  }
0x5b: {  	_ =	shalt  }
0x5c: {  	_ =	shalt  }
0x5d: {  	_ =	shalt  }
0x5e: {  	_ =	shalt  }
0x5f: {  	_ =	shalt  }
0x60: {  	_ =	shalt  }
0x61: {  	_ =	shalt  }
0x62: {  	_ =	shalt  }
0x63: {  	_ =	shalt  }
0x64: {  	_ =	shalt  }
0x65: {  	_ =	shalt  }
0x66: {  	_ =	shalt  }
0x67: {  	_ =	shalt  }
0x68: {  	_ =	shalt  }
0x69: {  	_ =	shalt  }
0x6a: {  	_ =	shalt  }
0x6b: {  	_ =	shalt  }
0x6c: {  	_ =	shalt  }
0x6d: {  	_ =	shalt  }
0x6e: {  	_ =	shalt  }
0x6f: {  	_ =	shalt  }
0x70: {  	_ =	shalt  }
0x71: {  	_ =	shalt  }
0x72: {  	_ =	shalt  }
0x73: {  	_ =	shalt  }
0x74: {  	_ =	shalt  }
0x75: {  	_ =	shalt  }
0x76: {  	_ =	shalt  }
0x77: {  	_ =	shalt  }
0x78: {  	_ =	shalt  }
0x79: {  	_ =	shalt  }
0x7a: {  	_ =	shalt  }
0x7b: {  	_ =	shalt  }
0x7c: {  	_ =	shalt  }
0x7d: {  	_ =	shalt  }
0x7e: {  	_ =	shalt  }
0x7f: {  	_ =	shalt  }
0x80: {  	_ =	shalt  }
0x81: {  	_ =	shalt  }
0x82: {  	_ =	shalt  }
0x83: {  	_ =	shalt  }
0x84: {  	_ =	shalt  }
0x85: {  	_ =	shalt  }
0x86: {  	_ =	shalt  }
0x87: {  	_ =	shalt  }
.Lfunc_end0:
.L_simem_size_0:
called_computation_lowered:
.L_overlay_start_0:
0x88: {  	s2 =	sld [smem:$0x3FD9]  }
0x89: {  	s3 =	sld [smem:$0x3FFE];
	_ =	sdelay $0x1  }
0x8a: {  	s1 =	srdreg.scid  }
0x8b: {  	s0 =	sand.u32 $0x1, s1  }
0x8c: {  	s17 =	sshll.u32 s0, $0xA;
	s2 =	sadd.s32 s3, s2  }
0x8d: {  	s2 =	sadd.s32 s2, s17  }
0x8e: {  	[smem:$0x3FC6] =	sst s2  }
0x8f: {  	_ = 	snop  }
0x90: {  	s2 =	sld [smem:$0x3FD0];
	(tm) =	ssettm $0x1  }
0x91: {  	s18 =	sld [smem:$0x3FFB];
	_ =	sdelay $0x3  }
0x92: {  	_ =	strace s18  }
0x93: {  	s3 =	sld [smem:$0x3FFC];
	_ =	sdelay $0x3  }
0x94: {  	_ =	strace s3  }
0x95: {  	s3 =	sld [smem:$0x3FFD];
	_ =	sdelay $0x3  }
0x96: {  	_ =	strace s3  }
0x97: {  	_ =	strace $0x8FFFFFFF  }
0x98: {  	s19 =	sld [smem:$0x3FDB];
	_ =	sdelay $0x1  }
0x99: {  	s4 =	simm.s32 $_scs_section_size  }
0x9a: {  	s5 =	simm.s32 $_size__tile_overlayer_lowered;
	s6 =	simm.s32 $_tile_overlayer_lowered  }
0x9b: {  	s22 =	simm.s32 $0x1BFF;
	s21 =	sshll.u32 s6, $0x1;
	s3 =	sadd.s32 s4, s19  }
0x9c: {  	s7 =	simm.s32 $0x0;
	s20 =	sshll.u32 s5, $0x1;
	s5 =	sadd.s32 s21, s3  }
0x9d: {  	[timem:s7], [sflag:s22] =	dma.local [hbm:s5], s20  }
0x9e: {  	_ =	swait.ge [sflag:s22], s20  }
0x9f: {  	s4 =	ssub.s32 $0x0, s20;
	[sflag:s22] =	ssyncset.done $0x0  }
0xa0: {  	[sflag:s22] =	ssyncadd.s32 s4;
	_ =	sdelay $0x1  }
0xa1: {  	s23 =	simm.s32 $0x1B8B  }
0xa2: {  	_ =	swait.ge [sflag:s23], $0x1  }
0xa3: {  	[sflag:s23] =	ssyncset.done $0x0  }
0xa4: {  	s25 =	simm.s32 $0x1B8E;
	s24 =	sld [smem:$0x3FFE];
	[sflag:s23] =	ssyncadd.s32 $0xFFFFFFFF  }
0xa5: {  	s26 =	simm.s32 $execute0_lowered;
	[smem:$0x3FD2] =	sst s25  }
0xa6: {  	s5 =	sshll.u32 s26, $0x1;
	_ =	strace $0x80000046;
	[dreg:$0x1] =	wrdreg $0xFFFFFFFF  }
0xa7: {  	s28 =	simm.s32 $_size_execute0_lowered;
	s3 =	sadd.s32 s3, s5;
	[dreg:$0x0] =	wrdreg $0x0  }
0xa8: {  	s5 =	sshll.u32 s28, $0x1;
	[dreg:$0x2] =	wrdreg s3  }
0xa9: {  	[dreg:$0x3] =	wrdreg s5  }
0xaa: {  	[dreg:$0x4] =	wrdreg $0xC0  }
0xab: {  	_ =	task [dreg:s7], $0x5FFFF  }
0xac: {  	[dreg:$0x1] =	wrdreg $0xFFFFFFFF  }
0xad: {  	[dreg:$0x0] =	wrdreg $0x60  }
0xae: {  	[dreg:$0x2] =	wrdreg s24  }
0xaf: {  	[dreg:$0x3] =	wrdreg s2  }
0xb0: {  	[dreg:$0x4] =	wrdreg $0x9  }
0xb1: {  	_ =	task.clear_ibuf [dreg:s7], $0x5FFFF;
	_ =	strace $0x90000046  }
0xb2: {  	s29 =	simm.s32 $0x9;
	_ =	strace $0x80000048  }
0xb3: {  	_ =	swait.ge [sflag:s29], $0x1  }
0xb4: {  	[sflag:s29] =	ssyncadd.s32 $0xFFFFFFFF  }
0xb5: {  	_ =	strace $0x90000048  }
0xb6: {  	_ =	sfence  }
0xb7: {  	s30 =	sld [smem:$0x0];
	_ =	sdelay $0x2  }
0xb8: {  	s31 =	sshll.u32 s1, $0xD;
	s1 =	sshrl.u32 s1, $0x2  }
0xb9: {  	s3 =	sand.u32 $0x4000, s31;
	s1 =	sadd.s32 s1, s30  }
0xba: {  	s0 =	sor.u32 s3, s0;
	s1 =	sshll.u32 s1, $0x11  }
0xbb: {  	s0 =	sor.u32 s1, s0  }
0xbc: {  	s0 =	sadd.s32 $0x8F2B, s0  }
0xbd: {  	[sflag:s0] =	ssyncadd.remote.s32 $0x1  }
0xbe: {  	_ =	sfence.sel $0xFFFF  }
0xbf: {  	[dreg:$0x0] =	wrdreg $0xFFFFFFFF;
	(pc) =	sbr.abs _section_cstart, $3  }
0xc0: {  	[dreg:$0x1] =	wrdreg $0xFFFFFFFF  }
0xc1: {  	_ =	task.clear_ibuf [dreg:s7], $0x2FFFF;
	_ =	strace $0x9FFFFFFF  }
0xc2: {  	(tm) =	ssettm $0x7FFFFFFF  }
0xc3: {  	_ =	shalt  }
tec
execute0_lowered:
.L_overlay_start_1:
0x0: {  	(tag) =	ssettag $0x1  }
0x1: {  	v0 =	vlaneseq.u32  }
0x2: {  	s0 =	rddreg [dreg:$0x0];
	s3 =	simm.s32 $0x0;
	v25 =	vmul.u32 $0x81, v0  }
0x3: {  	[smem:$0x7FF] =	sst s3  }
0x4: {  	s2 =	rddreg [dreg:$0x1];
	_ =	strace $0x80000047;
	v2 =	vadd.s32 $0x60, v25;
	[tilespmem:$0x1FE30] =	vst v25  }
0x5: {  	v26 =	vor.u32 $0x800, v25;
	[tilespmem:$0x1FE10] =	vst v2  }
0x6: {  	v1 =	vmul.u32 $0x80, v0;
	v27 =	vor.u32 $0x1000, v25;
	[tilespmem:$0x1FE40] =	vst v26  }
0x7: {  	v28 =	vor.u32 $0x1800, v25;
	[tilespmem:$0x1FE50] =	vst v27  }
0x8: {  	v30 =	vor.u32 $0x10, v1;
	[tilespmem:$0x1FE60] =	vst v28  }
0x9: {  	v31 =	vor.u32 $0x810, v1;
	[tilespmem:$0x1FE70] =	vst v30  }
0xa: {  	v35 =	vor.u32 $0x1010, v1;
	[tilespmem:$0x1FE80] =	vst v31  }
0xb: {  	v34 =	vadd.s32 $0x20, v25;
	[tilespmem:$0x1FE90] =	vst v35  }
0xc: {  	v23 =	vadd.s32 $0x820, v25;
	[tilespmem:$0x1FEA0] =	vst v34  }
0xd: {  	v20 =	vadd.s32 $0x1020, v25;
	[tilespmem:$0x1FEB0] =	vst v23  }
0xe: {  	v15 =	vadd.s32 $0x1820, v25;
	[tilespmem:$0x1FEC0] =	vst v20  }
0xf: {  	v12 =	vor.u32 $0x30, v1;
	[tilespmem:$0x1FED0] =	vst v15  }
0x10: {  	v13 =	vor.u32 $0x830, v1;
	[tilespmem:$0x1FEE0] =	vst v12  }
0x11: {  	v14 =	vor.u32 $0x1030, v1;
	[tilespmem:$0x1FEF0] =	vst v13  }
0x12: {  	v29 =	vor.u32 $0x1830, v1;
	[tilespmem:$0x1FF00] =	vst v14  }
0x13: {  	v4 =	vor.u32 $0x70, v1;
	[tilespmem:$0x1FF10] =	vst v29  }
0x14: {  	v32 =	vor.u32 $0x1810, v1;
	v6 =	vor.u32 $0x870, v1;
	[tilespmem:$0x1FF30] =	vst v4  }
0x15: {  	v24 =	vor.u32 $0x50, v1;
	v59 =	vor.u32 $0x850, v1;
	v8 =	vor.u32 $0x1070, v1;
	[tilespmem:$0x1FF40] =	vst v6  }
0x16: {  	v57 =	vor.u32 $0x1050, v1;
	v58 =	vor.u32 $0x1850, v1;
	v1 =	vor.u32 $0x1870, v1;
	[tilespmem:$0x1FF50] =	vst v8  }
0x17: {  	s1 =	srdreg.scid;
	v18 =	vadd.s32 $0x1040, v25;
	[tilespmem:$0x1FF60] =	vst v1  }
0x18: {  	s4 =	stileid.u32;
	s15 =	simm.s32 $0x80;
	s19 =	simm.s32 $0x6400;
	v17 =	vadd.s32 $0x840, v25;
	[tilespmem:$0x1FF70] =	vst v18  }
0x19: {  	s21 =	simm.s32 $0xA400;
	s22 =	simm.s32 $0x1;
	s23 =	simm.s32 $0x12500;
	v19 =	vadd.s32 $0x1840, v25;
	[tilespmem:$0x1FF80] =	vst v17  }
0x1a: {  	s24 =	simm.s32 $0xE400;
	s16 =	simm.s32 $0x10400;
	s26 =	simm.s32 $0x12000;
	v16 =	vadd.s32 $0x40, v25;
	[tilespmem:$0x1FF90] =	vst v19  }
0x1b: {  	s14 =	simm.s32 $0x0;
	s1 =	sand.u32 $0x1, s1;
	s4 =	sshll.u32 s4, $0x1;
	v45 =	vadd.s32 $0x1060, v25;
	[tilespmem:$0x1FFA0] =	vst v16  }
0x1c: {  	s8 =	sadd.s32 $0x2000, s2;
	s9 =	sadd.s32 $0x3000, s2;
	s10 =	sadd.s32 $0x4000, s2;
	[tilespmem:$0x1FFB0] =	vst v45  }
0x1d: {  	s11 =	sadd.s32 $0x5000, s2;
	s12 =	sadd.s32 $0x6000, s2;
	s5 =	sor.u32 s1, s4;
	[tilespmem:$0x1FFC0] =	vst v58  }
.Ltmp0:
0x1e: {  	s1 =	ssub.s32 $0x2, s1;
	s4 =	sshll.u32 s5, $0x4;
	[tilespmem:$0x1FFD0] =	vst v57;
	(pc) =	sbr.rel .LBB2_1-.Ltmp0, $4  }
0x1f: {  	s13 =	sadd.s32 $0x7000, s2;
	s6 =	sshrl.u32 s1, $0x1;
	s7 =	sadd.s32 s4, s0;
	[tilespmem:$0x1FFE0] =	vst v59  }
0x20: {  	s4 =	sadd.s32 $0x19400, s0;
	s30 =	ssub.s32 s1, s6;
	v2 =	vadd.s32 $0x860, v25;
	[tilespmem:$0x1FFF0] =	vst v24;
	s31 =	sadd.s32 $0x400, s7  }
0x21: {  	s6 =	sshll.u32 s5, $0xA;
	s0 =	smax.u32 s30, $0x1;
	[tilespmem:$0x1FE20] =	vst v2;
	v2 =	vadd.s32 $0x1860, v25;
	[dreg:$0x3] =	wrdreg s31  }
0x22: {  	v3 =	vor.u32 $0x10, v0;
	v5 =	vor.u32 $0x20, v0;
	v7 =	vor.u32 $0x30, v0;
	s1 =	simm.s32 $0x2;
	s7 =	sadd.s32 $0x1000, s2;
	[dreg:$0x4] =	wrdreg s0;
	[tilespmem:$0x1FF20] =	vst v2  }
.LBB2_8:
0x23: {  	s0 =	simm.s32 $0x3  }
0x24: {  	_ =	swait.ge [sflag:s0], $0x400  }
0x25: {  	[sflag:s0] =	ssyncset.done $0x0  }
0x26: {  	[sflag:s0] =	ssyncadd.s32 $0xFFFFFC00  }
0x27: {  	_ =	swait.ge [sflag:s0], $0x400  }
0x28: {  	[sflag:s0] =	ssyncset.done $0x0  }
0x29: {  	[sflag:s0] =	ssyncadd.s32 $0xFFFFFC00  }
0x2a: {  	_ =	swait.ge [sflag:s0], $0x400  }
0x2b: {  	[sflag:s0] =	ssyncset.done $0x0  }
0x2c: {  	[sflag:s0] =	ssyncadd.s32 $0xFFFFFC00  }
0x2d: {  	_ =	swait.ge [sflag:s0], $0x400  }
0x2e: {  	[sflag:s0] =	ssyncset.done $0x0  }
0x2f: {  	[sflag:s0] =	ssyncadd.s32 $0xFFFFFC00  }
0x30: {  	_ =	swait.ge [sflag:s0], $0x400  }
0x31: {  	[sflag:s0] =	ssyncset.done $0x0  }
0x32: {  	[sflag:s0] =	ssyncadd.s32 $0xFFFFFC00  }
0x33: {  	_ =	swait.ge [sflag:s0], $0x400  }
0x34: {  	[sflag:s0] =	ssyncset.done $0x0  }
0x35: {  	[sflag:s0] =	ssyncadd.s32 $0xFFFFFC00  }
0x36: {  	_ =	swait.ge [sflag:s0], $0x400  }
0x37: {  	[sflag:s0] =	ssyncset.done $0x0  }
0x38: {  	[sflag:s0] =	ssyncadd.s32 $0xFFFFFC00  }
0x39: {  	_ =	swait.ge [sflag:s0], $0x400  }
0x3a: {  	[sflag:s0] =	ssyncset.done $0x0  }
0x3b: {  	s5 =	simm.s32 $0x4;
	[sflag:s0] =	ssyncadd.s32 $0xFFFFFC00  }
0x3c: {  	_ =	swait.ge [sflag:s5], $0x400  }
0x3d: {  	[sflag:s5] =	ssyncset.done $0x0  }
0x3e: {  	[sflag:s5] =	ssyncadd.s32 $0xFFFFFC00  }
0x3f: {  	_ =	swait.ge [sflag:s5], $0x400  }
0x40: {  	[sflag:s5] =	ssyncset.done $0x0  }
0x41: {  	[sflag:s5] =	ssyncadd.s32 $0xFFFFFC00  }
0x42: {  	_ =	swait.ge [sflag:s5], $0x400  }
0x43: {  	[sflag:s5] =	ssyncset.done $0x0  }
0x44: {  	[sflag:s5] =	ssyncadd.s32 $0xFFFFFC00  }
0x45: {  	_ =	swait.ge [sflag:s5], $0x400  }
0x46: {  	[sflag:s5] =	ssyncset.done $0x0  }
0x47: {  	[sflag:s5] =	ssyncadd.s32 $0xFFFFFC00  }
0x48: {  	_ =	swait.ge [sflag:s5], $0x400  }
0x49: {  	[sflag:s5] =	ssyncset.done $0x0  }
0x4a: {  	[sflag:s5] =	ssyncadd.s32 $0xFFFFFC00  }
0x4b: {  	_ =	swait.ge [sflag:s5], $0x400  }
0x4c: {  	[sflag:s5] =	ssyncset.done $0x0  }
0x4d: {  	[sflag:s5] =	ssyncadd.s32 $0xFFFFFC00  }
0x4e: {  	_ =	swait.ge [sflag:s5], $0x400  }
0x4f: {  	[sflag:s5] =	ssyncset.done $0x0  }
0x50: {  	[sflag:s5] =	ssyncadd.s32 $0xFFFFFC00  }
0x51: {  	_ =	swait.ge [sflag:s5], $0x400  }
0x52: {  	v25 =	vld [tilespmem:$0x1FE30]  }
0x53: {  	v26 =	vld [tilespmem:$0x1FE40]  }
0x54: {  	v27 =	vld [tilespmem:$0x1FE50]  }
0x55: {  	v28 =	vld [tilespmem:$0x1FE60]  }
0x56: {  	v30 =	vld [tilespmem:$0x1FE70]  }
0x57: {  	v31 =	vld [tilespmem:$0x1FE80]  }
0x58: {  	v35 =	vld [tilespmem:$0x1FE90]  }
0x59: {  	s14 =	rddreg [dreg:$0x5];
	v34 =	vld [tilespmem:$0x1FEA0]  }
0x5a: {  	s31 =	rddreg [dreg:$0x4];
	v23 =	vld [tilespmem:$0x1FEB0];
	s14 =	sadd.s32 $0x1, s14  }
0x5b: {  	v20 =	vld [tilespmem:$0x1FEC0];
	p0 =	sne.s32 s14, s31  }
.Ltmp1:
0x5c: {  	v15 =	vld [tilespmem:$0x1FED0];
	(pc) =	sbr.rel @!p0 .LBB2_9-.Ltmp1, $4  }
0x5d: {  	v12 =	vld [tilespmem:$0x1FEE0]  }
0x5e: {  	v13 =	vld [tilespmem:$0x1FEF0]  }
0x5f: {  	[sflag:s5] =	ssyncset.done $0x0;
	v14 =	vld [tilespmem:$0x1FF00]  }
0x60: {  	v24 =	vmov v36;
	v29 =	vld [tilespmem:$0x1FF10];
	[sflag:s5] =	ssyncadd.s32 $0xFFFFFC00  }
.LBB2_1:
0x61: {  	[dreg:$0x5] =	wrdreg s14  }
0x62: {  	s0 =	rddreg [dreg:$0x3];
	s5 =	simm.s32 $0x1000;
	s29 =	simm.s32 $0x5  }
0x63: {  	[tilespmem:s3], [sflag:$0x5] =	stream.strided.gather [hbm4b:s0+s15], $0x6400, s5, s15, $0x38;
	[tilespmem:$0x12580] =	vst v63  }
0x64: {  	_ =	swait.ge [sflag:s29], $0x6400  }
0x65: {  	[sflag:s29] =	ssyncset.done $0x0  }
0x66: {  	[sflag:s29] =	ssyncadd.s32 $0xFFFF9C00  }
0x67: {  	v1 =	vld [tilespmem:$0x0]  }
0x68: {  	v2 =	vld [tilespmem:$0x10]  }
0x69: {  	v4 =	vld [tilespmem:$0x20]  }
0x6a: {  	v6 =	vld [tilespmem:$0x30]  }
0x6b: {  	v8 =	vld [tilespmem:$0x40]  }
0x6c: {  	v10 =	vld [tilespmem:$0x50];
	vm0 =	vgt.s32 v1, $0x7A17F;
	v9 =	vadd.s32 $0xFFF85E80, v1  }
0x6d: {  	v11 =	vld [tilespmem:$0x60];
	vm13 =	vgt.s32 v2, $0x7A17F;
	v54 =	vadd.s32 $0xFFF85E80, v2;
	v1 =	vsel vm0, v9, v1  }
0x6e: {  	v55 =	vld [tilespmem:$0x70];
	vm14 =	vgt.s32 v4, $0x7A17F;
	[tilespmem:$0x12400] =	vst v1;
	v1 =	vsel vm13, v54, v2;
	v2 =	vadd.s32 $0xFFF85E80, v4  }
0x6f: {  	vm15 =	vgt.s32 v6, $0x7A17F;
	[tilespmem:$0x12410] =	vst v1;
	v1 =	vsel vm14, v2, v4;
	v2 =	vadd.s32 $0xFFF85E80, v6  }
0x70: {  	vm4 =	vgt.s32 v8, $0x7A17F;
	[tilespmem:$0x12420] =	vst v1;
	v1 =	vsel vm15, v2, v6;
	v2 =	vadd.s32 $0xFFF85E80, v8  }
0x71: {  	vm5 =	vgt.s32 v10, $0x7A17F;
	[tilespmem:$0x12430] =	vst v1;
	v1 =	vsel vm4, v2, v8;
	v2 =	vadd.s32 $0xFFF85E80, v10  }
0x72: {  	vm6 =	vgt.s32 v11, $0x7A17F;
	[tilespmem:$0x12440] =	vst v1;
	v1 =	vsel vm5, v2, v10;
	v2 =	vadd.s32 $0xFFF85E80, v11  }
0x73: {  	vm7 =	vgt.s32 v55, $0x7A17F;
	[tilespmem:$0x12450] =	vst v1;
	v1 =	vsel vm6, v2, v11;
	v2 =	vadd.s32 $0xFFF85E80, v55  }
0x74: {  	[tilespmem:$0x12460] =	vst v1;
	v1 =	vsel vm7, v2, v55  }
0x75: {  	s30 =	simm.s32 $0x12400;
	[tilespmem:$0x12470] =	vst v1  }
0x76: {  	[tilespmem:s19], [sflag:$0x1] =	stream.indirect.gather [hbm4b:s4+s15], $0x80, s30, s15, $0xb8;
	[tilespmem:$0x12580] =	vst v63  }
0x77: {  	v1 =	vld [tilespmem:$0x80]  }
0x78: {  	v2 =	vld [tilespmem:$0x90]  }
0x79: {  	v4 =	vld [tilespmem:$0xA0]  }
0x7a: {  	v6 =	vld [tilespmem:$0xB0]  }
0x7b: {  	v8 =	vld [tilespmem:$0xC0]  }
0x7c: {  	v60 =	vld [tilespmem:$0xD0];
	vm8 =	vgt.s32 v1, $0x7A17F;
	v56 =	vadd.s32 $0xFFF85E80, v1  }
0x7d: {  	v62 =	vld [tilespmem:$0xE0];
	vm9 =	vgt.s32 v2, $0x7A17F;
	v61 =	vadd.s32 $0xFFF85E80, v2;
	v1 =	vsel vm8, v56, v1  }
0x7e: {  	v63 =	vld [tilespmem:$0xF0];
	vm10 =	vgt.s32 v4, $0x7A17F;
	[tilespmem:$0x12480] =	vst v1;
	v1 =	vsel vm9, v61, v2;
	v2 =	vadd.s32 $0xFFF85E80, v4  }
0x7f: {  	vm11 =	vgt.s32 v6, $0x7A17F;
	[tilespmem:$0x12490] =	vst v1;
	v1 =	vsel vm10, v2, v4;
	v2 =	vadd.s32 $0xFFF85E80, v6  }
0x80: {  	vm12 =	vgt.s32 v8, $0x7A17F;
	[tilespmem:$0x124A0] =	vst v1;
	v1 =	vsel vm11, v2, v6;
	v2 =	vadd.s32 $0xFFF85E80, v8  }
0x81: {  	vm13 =	vgt.s32 v60, $0x7A17F;
	[tilespmem:$0x124B0] =	vst v1;
	v1 =	vsel vm12, v2, v8;
	v2 =	vadd.s32 $0xFFF85E80, v60  }
0x82: {  	vm14 =	vgt.s32 v62, $0x7A17F;
	[tilespmem:$0x124C0] =	vst v1;
	v1 =	vsel vm13, v2, v60;
	v2 =	vadd.s32 $0xFFF85E80, v62  }
0x83: {  	vm15 =	vgt.s32 v63, $0x7A17F;
	[tilespmem:$0x124D0] =	vst v1;
	v1 =	vsel vm14, v2, v62;
	v2 =	vadd.s32 $0xFFF85E80, v63  }
0x84: {  	[tilespmem:$0x124E0] =	vst v1;
	v1 =	vsel vm15, v2, v63  }
0x85: {  	s31 =	simm.s32 $0x12480;
	s28 =	simm.s32 $0x0;
	[tilespmem:$0x124F0] =	vst v1  }
0x86: {  	[tilespmem:s21], [sflag:$0x2] =	stream.indirect.gather [hbm4b:s4+s15], $0x80, s31, s15, $0xb8;
	[tilespmem:$0x12580] =	vst v63  }
.LBB2_2:
0x87: {  	_ =	swait.ge [sflag:s22], $0x4000  }
0x88: {  	s0 =	sshll.u32 s28, $0xA;
	[sflag:s22] =	ssyncset.done $0x0  }
0x89: {  	s29 =	sshra.s32 s0, $0x2;
	[sflag:s22] =	ssyncadd.s32 $0xFFFFC000  }
0x8a: {  	v1 =	vld [tilespmem:s29+$0x0];
	_ =	sdelay $0x4  }
0x8b: {  	v2 =	vimm.s32 $0x0;
	vm0 =	vgt.s32 v1, $0x7A17F  }
0x8c: {  	v1 =	vsel vm0, $0x1, v2  }
0x8d: {  	[tilespmem:$0x12500] =	vst v1  }
0x8e: {  	v1 =	vld [tilespmem:s29+$0x10];
	_ =	sdelay $0x4  }
0x8f: {  	vm9 =	vgt.s32 v1, $0x7A17F  }
0x90: {  	v1 =	vsel vm9, $0x1, v2  }
0x91: {  	[tilespmem:$0x12510] =	vst v1  }
0x92: {  	v1 =	vld [tilespmem:s29+$0x20];
	_ =	sdelay $0x4  }
0x93: {  	vm10 =	vgt.s32 v1, $0x7A17F  }
0x94: {  	v1 =	vsel vm10, $0x1, v2  }
0x95: {  	[tilespmem:$0x12520] =	vst v1  }
0x96: {  	v1 =	vld [tilespmem:s29+$0x30];
	_ =	sdelay $0x4  }
0x97: {  	vm11 =	vgt.s32 v1, $0x7A17F  }
0x98: {  	v1 =	vsel vm11, $0x1, v2  }
0x99: {  	[tilespmem:$0x12530] =	vst v1  }
0x9a: {  	v1 =	vld [tilespmem:s29+$0x40];
	_ =	sdelay $0x4  }
0x9b: {  	vm12 =	vgt.s32 v1, $0x7A17F  }
0x9c: {  	v1 =	vsel vm12, $0x1, v2  }
0x9d: {  	[tilespmem:$0x12540] =	vst v1  }
0x9e: {  	v1 =	vld [tilespmem:s29+$0x50];
	_ =	sdelay $0x4  }
0x9f: {  	vm13 =	vgt.s32 v1, $0x7A17F  }
0xa0: {  	v1 =	vsel vm13, $0x1, v2  }
0xa1: {  	[tilespmem:$0x12550] =	vst v1  }
0xa2: {  	v1 =	vld [tilespmem:s29+$0x60];
	_ =	sdelay $0x4  }
0xa3: {  	vm14 =	vgt.s32 v1, $0x7A17F  }
0xa4: {  	v1 =	vsel vm14, $0x1, v2  }
0xa5: {  	[tilespmem:$0x12560] =	vst v1  }
0xa6: {  	v1 =	vld [tilespmem:s29+$0x70];
	_ =	sdelay $0x4  }
0xa7: {  	vm15 =	vgt.s32 v1, $0x7A17F  }
0xa8: {  	p0 =	seq.s32 s28, $0x0;
	v1 =	vsel vm15, $0x1, v2  }
0xa9: {  	s0 =	simm.s32 @!p0 $0x3;
	[tilespmem:$0x12570] =	vst v1  }
0xaa: {  	_ =	swait.ge @!p0 [sflag:s0], $0x400  }
0xab: {  	[sflag:s0] =	ssyncset.done @!p0 $0x0  }
0xac: {  	[sflag:s0] =	ssyncadd.s32 @!p0 $0xFFFFFC00  }
0xad: {  	_ =	swait.ge @!p0 [sflag:s0], $0x400  }
0xae: {  	[sflag:s0] =	ssyncset.done @!p0 $0x0  }
0xaf: {  	[sflag:s0] =	ssyncadd.s32 @!p0 $0xFFFFFC00  }
0xb0: {  	_ =	swait.ge @!p0 [sflag:s0], $0x400  }
0xb1: {  	[sflag:s0] =	ssyncset.done @!p0 $0x0  }
0xb2: {  	[sflag:s0] =	ssyncadd.s32 @!p0 $0xFFFFFC00  }
0xb3: {  	_ =	swait.ge @!p0 [sflag:s0], $0x400  }
0xb4: {  	[sflag:s0] =	ssyncset.done @!p0 $0x0  }
0xb5: {  	[sflag:s0] =	ssyncadd.s32 @!p0 $0xFFFFFC00  }
0xb6: {  	_ =	swait.ge @!p0 [sflag:s0], $0x400  }
0xb7: {  	[sflag:s0] =	ssyncset.done @!p0 $0x0  }
0xb8: {  	[sflag:s0] =	ssyncadd.s32 @!p0 $0xFFFFFC00  }
0xb9: {  	_ =	swait.ge @!p0 [sflag:s0], $0x400  }
0xba: {  	[sflag:s0] =	ssyncset.done @!p0 $0x0  }
0xbb: {  	s14 =	simm.s32 $0x0;
	[sflag:s0] =	ssyncadd.s32 @!p0 $0xFFFFFC00  }
0xbc: {  	v44 =	vadd.s32 s14, v0;
	_ =	swait.ge @!p0 [sflag:s0], $0x400  }
0xbd: {  	v48 =	vand.u32 $0xF, v44;
	[sflag:s0] =	ssyncset.done @!p0 $0x0  }
0xbe: {  	[sflag:s0] =	ssyncadd.s32 @!p0 $0xFFFFFC00  }
0xbf: {  	_ =	swait.ge @!p0 [sflag:s0], $0x400  }
0xc0: {  	[sflag:s0] =	ssyncset.done @!p0 $0x0  }
0xc1: {  	[sflag:s0] =	ssyncadd.s32 @!p0 $0xFFFFFC00  }
0xc2: {  	v1 =	vld.idx.msk [tilespmem:v48+s23+$0x0], $0xffff;
	_ =	sdelay $0x4  }
0xc3: {  	v2 =	vshll.u32 v48, $0x7;
	v1 =	vshll.u32 v1, $0x6  }
0xc4: {  	v1 =	vadd.s32 v2, v1  }
0xc5: {  	v2 =	vor.u32 v0, v1;
	_ =	sdelay $0x4  }
0xc6: {  	v2 =	vld.idx.msk [tilespmem:v2+s19+$0x0], $0xffff  }
0xc7: {  	v4 =	vadd.s32 s14, v25  }
0xc8: {  	v4 =	vand.u32 $0x78F, v4  }
0xc9: {  	v6 =	vor.u32 v3, v1;
	_ =	sdelay $0x1  }
0xca: {  	v2 =	vmul.f32 $8.000000000e+00, v2;
	_ =	sdelay $0x1  }
0xcb: {  	[tilespmem:v4+s24+$0x0] =	vst.idx.msk $0xffff, v2  }
0xcc: {  	v2 =	vld.idx.msk [tilespmem:v6+s19+$0x0], $0xffff  }
0xcd: {  	v4 =	vadd.s32 s14, v26  }
0xce: {  	v4 =	vand.u32 $0xF8F, v4  }
0xcf: {  	v6 =	vor.u32 v5, v1;
	_ =	sdelay $0x1  }
0xd0: {  	v2 =	vmul.f32 $8.000000000e+00, v2;
	_ =	sdelay $0x1  }
0xd1: {  	[tilespmem:v4+s24+$0x0] =	vst.idx.msk $0xffff, v2  }
0xd2: {  	v2 =	vld.idx.msk [tilespmem:v6+s19+$0x0], $0xffff  }
0xd3: {  	v4 =	vadd.s32 s14, v27  }
0xd4: {  	v4 =	vand.u32 $0x178F, v4  }
0xd5: {  	v1 =	vor.u32 v7, v1;
	_ =	sdelay $0x1  }
0xd6: {  	v2 =	vmul.f32 $8.000000000e+00, v2;
	_ =	sdelay $0x1  }
0xd7: {  	[tilespmem:v4+s24+$0x0] =	vst.idx.msk $0xffff, v2  }
0xd8: {  	s17 =	simm.s32 $0x1;
	v1 =	vld.idx.msk [tilespmem:v1+s19+$0x0], $0xffff  }
0xd9: {  	v43 =	vadd.s32 s17, v0;
	v2 =	vadd.s32 s14, v28  }
0xda: {  	v22 =	vand.u32 $0xF, v43;
	v2 =	vand.u32 $0x1F8F, v2  }
0xdb: {  	v4 =	vor.u32 $0x10, v44;
	_ =	sdelay $0x1  }
0xdc: {  	v1 =	vmul.f32 $8.000000000e+00, v1;
	_ =	sdelay $0x1  }
0xdd: {  	[tilespmem:v2+s24+$0x0] =	vst.idx.msk $0xffff, v1;
	v2 =	vld.idx.msk [tilespmem:v22+s23+$0x0], $0xffff  }
0xde: {  	v1 =	vld.idx.msk [tilespmem:v4+s23+$0x0], $0xffff;
	_ =	sdelay $0x3  }
0xdf: {  	v6 =	vshll.u32 v22, $0x7;
	v2 =	vshll.u32 v2, $0x6  }
0xe0: {  	v4 =	vshll.u32 v4, $0x7;
	v1 =	vshll.u32 v1, $0x6;
	v2 =	vadd.s32 v6, v2  }
0xe1: {  	v1 =	vadd.s32 v4, v1;
	v6 =	vor.u32 v0, v2  }
0xe2: {  	v4 =	vor.u32 v0, v1;
	_ =	sdelay $0x3  }
0xe3: {  	v6 =	vld.idx.msk [tilespmem:v6+s19+$0x0], $0xffff  }
0xe4: {  	v8 =	vadd.s32 s17, v25;
	v4 =	vld.idx.msk [tilespmem:v4+s19+$0x0], $0xffff  }
0xe5: {  	v8 =	vand.u32 $0x78F, v8  }
0xe6: {  	v9 =	vor.u32 v30, v44;
	v11 =	vor.u32 v3, v2  }
0xe7: {  	v10 =	vor.u32 v3, v1  }
0xe8: {  	v6 =	vmul.f32 $8.000000000e+00, v6  }
0xe9: {  	v4 =	vmul.f32 $8.000000000e+00, v4  }
0xea: {  	[tilespmem:v8+s24+$0x0] =	vst.idx.msk $0xffff, v6  }
0xeb: {  	[tilespmem:v9+s24+$0x0] =	vst.idx.msk $0xffff, v4;
	v6 =	vld.idx.msk [tilespmem:v11+s19+$0x0], $0xffff  }
0xec: {  	v8 =	vadd.s32 s17, v26;
	v4 =	vld.idx.msk [tilespmem:v10+s19+$0x0], $0xffff  }
0xed: {  	v8 =	vand.u32 $0xF8F, v8  }
0xee: {  	v9 =	vor.u32 v31, v44;
	v11 =	vor.u32 v5, v2  }
0xef: {  	v10 =	vor.u32 v5, v1  }
0xf0: {  	v6 =	vmul.f32 $8.000000000e+00, v6  }
0xf1: {  	v4 =	vmul.f32 $8.000000000e+00, v4  }
0xf2: {  	[tilespmem:v8+s24+$0x0] =	vst.idx.msk $0xffff, v6  }
0xf3: {  	[tilespmem:v9+s24+$0x0] =	vst.idx.msk $0xffff, v4;
	v6 =	vld.idx.msk [tilespmem:v11+s19+$0x0], $0xffff  }
0xf4: {  	v8 =	vadd.s32 s17, v27;
	v4 =	vld.idx.msk [tilespmem:v10+s19+$0x0], $0xffff  }
0xf5: {  	v8 =	vand.u32 $0x178F, v8  }
0xf6: {  	v2 =	vor.u32 v7, v2;
	v9 =	vor.u32 v35, v44  }
0xf7: {  	v1 =	vor.u32 v7, v1  }
0xf8: {  	v6 =	vmul.f32 $8.000000000e+00, v6  }
0xf9: {  	v4 =	vmul.f32 $8.000000000e+00, v4  }
0xfa: {  	[tilespmem:v8+s24+$0x0] =	vst.idx.msk $0xffff, v6  }
0xfb: {  	s5 =	simm.s32 $0x2;
	[tilespmem:v9+s24+$0x0] =	vst.idx.msk $0xffff, v4;
	v2 =	vld.idx.msk [tilespmem:v2+s19+$0x0], $0xffff  }
0xfc: {  	v37 =	vadd.s32 s5, v0;
	v4 =	vadd.s32 s17, v28;
	v1 =	vld.idx.msk [tilespmem:v1+s19+$0x0], $0xffff  }
0xfd: {  	v53 =	vand.u32 $0x7, v44;
	v6 =	vor.u32 $0x20, v48;
	v4 =	vand.u32 $0x1F8F, v4  }
0xfe: {  	v50 =	vand.u32 $0xF, v37;
	v8 =	vor.u32 v32, v44;
	v9 =	vand.u32 $0x28, v6  }
0xff: {  	v9 =	vor.u32 v53, v9  }
0x100: {  	v10 =	vor.u32 $0x10, v43;
	v2 =	vmul.f32 $8.000000000e+00, v2  }
0x101: {  	v1 =	vmul.f32 $8.000000000e+00, v1  }
0x102: {  	[tilespmem:v4+s24+$0x0] =	vst.idx.msk $0xffff, v2  }
0x103: {  	v4 =	vld.idx.msk [tilespmem:v50+s23+$0x0], $0xffff;
	[tilespmem:v8+s24+$0x0] =	vst.idx.msk $0xffff, v1  }
0x104: {  	v1 =	vld.idx.msk [tilespmem:v9+s23+$0x0], $0xffff  }
0x105: {  	v2 =	vld.idx.msk [tilespmem:v10+s23+$0x0], $0xffff;
	_ =	sdelay $0x3  }
0x106: {  	v6 =	vshll.u32 v6, $0x7;
	v8 =	vshll.u32 v10, $0x7;
	v1 =	vshll.u32 v1, $0x6  }
0x107: {  	v4 =	vshll.u32 v4, $0x6;
	v2 =	vshll.u32 v2, $0x6;
	v1 =	vadd.s32 v6, v1  }
0x108: {  	v2 =	vadd.s32 v8, v2;
	v8 =	vshll.u32 v50, $0x7;
	v6 =	vor.u32 v0, v1  }
0x109: {  	v9 =	vor.u32 v0, v2;
	v4 =	vadd.s32 v8, v4  }
0x10a: {  	v8 =	vor.u32 v0, v4;
	_ =	sdelay $0x2  }
0x10b: {  	v6 =	vld.idx.msk [tilespmem:v6+s19+$0x0], $0xffff  }
0x10c: {  	v10 =	vadd.s32 s14, v34;
	v9 =	vld.idx.msk [tilespmem:v9+s19+$0x0], $0xffff  }
0x10d: {  	v10 =	vand.u32 $0x7AF, v10;
	v8 =	vld.idx.msk [tilespmem:v8+s19+$0x0], $0xffff  }
0x10e: {  	v39 =	vadd.s32 s5, v25;
	v38 =	vor.u32 v30, v43;
	v11 =	vor.u32 v3, v1  }
0x10f: {  	v39 =	vand.u32 $0x78F, v39;
	v40 =	vor.u32 v3, v2  }
0x110: {  	v41 =	vor.u32 v3, v4;
	v6 =	vmul.f32 $8.000000000e+00, v6  }
0x111: {  	v9 =	vmul.f32 $8.000000000e+00, v9  }
0x112: {  	v8 =	vmul.f32 $8.000000000e+00, v8;
	[tilespmem:v10+s24+$0x0] =	vst.idx.msk $0xffff, v6  }
0x113: {  	[tilespmem:v38+s24+$0x0] =	vst.idx.msk $0xffff, v9;
	v6 =	vld.idx.msk [tilespmem:v11+s19+$0x0], $0xffff  }
0x114: {  	v9 =	vld.idx.msk [tilespmem:v40+s19+$0x0], $0xffff;
	v10 =	vadd.s32 s14, v23;
	[tilespmem:v39+s24+$0x0] =	vst.idx.msk $0xffff, v8  }
0x115: {  	v8 =	vand.u32 $0xFAF, v10;
	v10 =	vld.idx.msk [tilespmem:v41+s19+$0x0], $0xffff  }
0x116: {  	v54 =	vadd.s32 s5, v26;
	v52 =	vor.u32 v31, v43;
	v11 =	vor.u32 v5, v1  }
0x117: {  	v55 =	vor.u32 v5, v2;
	v39 =	vand.u32 $0xF8F, v54  }
0x118: {  	v56 =	vor.u32 v5, v4;
	v6 =	vmul.f32 $8.000000000e+00, v6  }
0x119: {  	v9 =	vmul.f32 $8.000000000e+00, v9  }
0x11a: {  	[tilespmem:v8+s24+$0x0] =	vst.idx.msk $0xffff, v6;
	v8 =	vmul.f32 $8.000000000e+00, v10  }
0x11b: {  	[tilespmem:v52+s24+$0x0] =	vst.idx.msk $0xffff, v9;
	v6 =	vld.idx.msk [tilespmem:v11+s19+$0x0], $0xffff  }
0x11c: {  	v9 =	vadd.s32 s14, v20;
	v10 =	vld.idx.msk [tilespmem:v55+s19+$0x0], $0xffff;
	[tilespmem:v39+s24+$0x0] =	vst.idx.msk $0xffff, v8  }
0x11d: {  	v8 =	vand.u32 $0x17AF, v9;
	v9 =	vld.idx.msk [tilespmem:v56+s19+$0x0], $0xffff  }
0x11e: {  	v60 =	vadd.s32 s5, v27;
	v1 =	vor.u32 v7, v1;
	v11 =	vor.u32 v35, v43  }
0x11f: {  	v38 =	vand.u32 $0x178F, v60  }
0x120: {  	v2 =	vor.u32 v7, v2;
	v6 =	vmul.f32 $8.000000000e+00, v6  }
0x121: {  	v4 =	vor.u32 v7, v4;
	v10 =	vmul.f32 $8.000000000e+00, v10  }
0x122: {  	[tilespmem:v8+s24+$0x0] =	vst.idx.msk $0xffff, v6;
	v6 =	vmul.f32 $8.000000000e+00, v9  }
0x123: {  	[tilespmem:v11+s24+$0x0] =	vst.idx.msk $0xffff, v10;
	v1 =	vld.idx.msk [tilespmem:v1+s19+$0x0], $0xffff  }
0x124: {  	v8 =	vadd.s32 s14, v15;
	[tilespmem:v38+s24+$0x0] =	vst.idx.msk $0xffff, v6  }
0x125: {  	v2 =	vld.idx.msk [tilespmem:v2+s19+$0x0], $0xffff;
	v6 =	vand.u32 $0x1FAF, v8;
	[tilespmem:$0x1FDF0] =	vst v22  }
0x126: {  	v61 =	vadd.s32 s5, v28;
	v9 =	vor.u32 $0x30, v44;
	v8 =	vor.u32 $0x20, v22;
	v4 =	vld.idx.msk [tilespmem:v4+s19+$0x0], $0xffff  }
0x127: {  	v36 =	vand.u32 $0x7, v43;
	v10 =	vor.u32 v32, v43;
	v11 =	vand.u32 $0x28, v8  }
0x128: {  	v62 =	vand.u32 $0x1F8F, v61;
	v11 =	vor.u32 v36, v11;
	v1 =	vmul.f32 $8.000000000e+00, v1  }
0x129: {  	s30 =	simm.s32 $0x3;
	v63 =	vor.u32 $0x10, v37;
	[tilespmem:$0x1FE00] =	vst v36  }
0x12a: {  	v38 =	vadd.s32 s30, v0;
	v2 =	vmul.f32 $8.000000000e+00, v2;
	[tilespmem:v6+s24+$0x0] =	vst.idx.msk $0xffff, v1  }
0x12b: {  	v46 =	vand.u32 $0xF, v38;
	v1 =	vld.idx.msk [tilespmem:v9+s23+$0x0], $0xffff;
	v4 =	vmul.f32 $8.000000000e+00, v4  }
0x12c: {  	[tilespmem:v10+s24+$0x0] =	vst.idx.msk $0xffff, v2  }
0x12d: {  	v2 =	vld.idx.msk [tilespmem:v11+s23+$0x0], $0xffff;
	[tilespmem:v62+s24+$0x0] =	vst.idx.msk $0xffff, v4  }
0x12e: {  	v4 =	vld.idx.msk [tilespmem:v63+s23+$0x0], $0xffff;
	_ =	sdelay $0x1  }
0x12f: {  	v6 =	vld.idx.msk [tilespmem:v46+s23+$0x0], $0xffff;
	v9 =	vshll.u32 v9, $0x7;
	v1 =	vshll.u32 v1, $0x6  }
0x130: {  	v1 =	vadd.s32 v9, v1  }
0x131: {  	v8 =	vshll.u32 v8, $0x7;
	v2 =	vshll.u32 v2, $0x6;
	v9 =	vor.u32 v0, v1  }
0x132: {  	v2 =	vadd.s32 v8, v2;
	v8 =	vshll.u32 v63, $0x7;
	v4 =	vshll.u32 v4, $0x6  }
0x133: {  	v10 =	vor.u32 v0, v2;
	v4 =	vadd.s32 v8, v4  }
0x134: {  	v11 =	vshll.u32 v46, $0x7;
	v6 =	vshll.u32 v6, $0x6;
	v8 =	vor.u32 v0, v4  }
0x135: {  	v6 =	vadd.s32 v11, v6  }
0x136: {  	v11 =	vor.u32 v0, v6;
	v9 =	vld.idx.msk [tilespmem:v9+s19+$0x0], $0xffff;
	_ =	sdelay $0x1  }
0x137: {  	v33 =	vor.u32 v12, v44;
	v10 =	vld.idx.msk [tilespmem:v10+s19+$0x0], $0xffff  }
0x138: {  	v21 =	vadd.s32 s17, v34;
	v56 =	vor.u32 v3, v1;
	v8 =	vld.idx.msk [tilespmem:v8+s19+$0x0], $0xffff  }
0x139: {  	v39 =	vand.u32 $0x7AF, v21  }
0x13a: {  	v51 =	vor.u32 v30, v37;
	v45 =	vor.u32 v3, v2;
	v11 =	vld.idx.msk [tilespmem:v11+s19+$0x0], $0xffff;
	v9 =	vmul.f32 $8.000000000e+00, v9  }
0x13b: {  	v49 =	vadd.s32 s30, v25  }
0x13c: {  	v49 =	vand.u32 $0x78F, v49;
	v52 =	vor.u32 v3, v4;
	v10 =	vmul.f32 $8.000000000e+00, v10;
	[tilespmem:v33+s24+$0x0] =	vst.idx.msk $0xffff, v9  }
0x13d: {  	v9 =	vor.u32 v3, v6;
	v40 =	vld.idx.msk [tilespmem:v56+s19+$0x0], $0xffff;
	v8 =	vmul.f32 $8.000000000e+00, v8  }
0x13e: {  	[tilespmem:v39+s24+$0x0] =	vst.idx.msk $0xffff, v10  }
0x13f: {  	v11 =	vmul.f32 $8.000000000e+00, v11;
	v10 =	vld.idx.msk [tilespmem:v45+s19+$0x0], $0xffff;
	[tilespmem:v51+s24+$0x0] =	vst.idx.msk $0xffff, v8;
	v8 =	vor.u32 v13, v44  }
0x140: {  	v60 =	vadd.s32 s17, v23;
	v62 =	vor.u32 v5, v1  }
0x141: {  	[tilespmem:v49+s24+$0x0] =	vst.idx.msk $0xffff, v11;
	v11 =	vand.u32 $0xFAF, v60;
	v61 =	vld.idx.msk [tilespmem:v52+s19+$0x0], $0xffff  }
0x142: {  	v63 =	vor.u32 v5, v2;
	v9 =	vld.idx.msk [tilespmem:v9+s19+$0x0], $0xffff;
	v40 =	vmul.f32 $8.000000000e+00, v40  }
0x143: {  	v21 =	vadd.s32 s30, v26;
	v33 =	vor.u32 v31, v37  }
0x144: {  	v47 =	vor.u32 v5, v4;
	v49 =	vand.u32 $0xF8F, v21;
	v10 =	vmul.f32 $8.000000000e+00, v10;
	[tilespmem:v8+s24+$0x0] =	vst.idx.msk $0xffff, v40  }
0x145: {  	v8 =	vor.u32 v5, v6;
	v40 =	vld.idx.msk [tilespmem:v62+s19+$0x0], $0xffff  }
0x146: {  	[tilespmem:v11+s24+$0x0] =	vst.idx.msk $0xffff, v10;
	v41 =	vmul.f32 $8.000000000e+00, v61  }
0x147: {  	v56 =	vor.u32 v14, v44;
	v10 =	vld.idx.msk [tilespmem:v63+s19+$0x0], $0xffff;
	v9 =	vmul.f32 $8.000000000e+00, v9  }
0x148: {  	v1 =	vor.u32 v7, v1;
	v11 =	vadd.s32 s17, v20;
	[tilespmem:v33+s24+$0x0] =	vst.idx.msk $0xffff, v41  }
0x149: {  	v41 =	vld.idx.msk [tilespmem:v47+s19+$0x0], $0xffff;
	[tilespmem:v49+s24+$0x0] =	vst.idx.msk $0xffff, v9;
	v9 =	vand.u32 $0x17AF, v11  }
0x14a: {  	v2 =	vor.u32 v7, v2;
	v8 =	vld.idx.msk [tilespmem:v8+s19+$0x0], $0xffff;
	v11 =	vmul.f32 $8.000000000e+00, v40  }
0x14b: {  	v60 =	vadd.s32 s30, v27;
	v61 =	vor.u32 v35, v37  }
0x14c: {  	v4 =	vor.u32 v7, v4;
	v10 =	vmul.f32 $8.000000000e+00, v10;
	[tilespmem:v56+s24+$0x0] =	vst.idx.msk $0xffff, v11;
	v11 =	vand.u32 $0x178F, v60  }
0x14d: {  	v6 =	vor.u32 v7, v6;
	v1 =	vld.idx.msk [tilespmem:v1+s19+$0x0], $0xffff  }
0x14e: {  	[tilespmem:v9+s24+$0x0] =	vst.idx.msk $0xffff, v10;
	v9 =	vmul.f32 $8.000000000e+00, v41;
	v10 =	vor.u32 $0x40, v48  }
0x14f: {  	v39 =	vor.u32 v29, v44;
	v2 =	vld.idx.msk [tilespmem:v2+s19+$0x0], $0xffff;
	v8 =	vmul.f32 $8.000000000e+00, v8;
	v62 =	vand.u32 $0x48, v10  }
0x150: {  	v63 =	vadd.s32 s17, v15;
	[tilespmem:v61+s24+$0x0] =	vst.idx.msk $0xffff, v9;
	v9 =	vor.u32 v53, v62  }
0x151: {  	v52 =	vand.u32 $0x7, v37;
	v21 =	vand.u32 $0x1FAF, v63;
	v4 =	vld.idx.msk [tilespmem:v4+s19+$0x0], $0xffff;
	[tilespmem:v11+s24+$0x0] =	vst.idx.msk $0xffff, v8  }
0x152: {  	v33 =	vor.u32 $0x20, v50;
	v11 =	vor.u32 $0x30, v43;
	v6 =	vld.idx.msk [tilespmem:v6+s19+$0x0], $0xffff;
	v1 =	vmul.f32 $8.000000000e+00, v1  }
0x153: {  	v56 =	vor.u32 v32, v37;
	v60 =	vand.u32 $0x28, v33;
	v8 =	vadd.s32 s30, v28  }
0x154: {  	v61 =	vor.u32 v52, v60;
	v8 =	vand.u32 $0x1F8F, v8;
	v2 =	vmul.f32 $8.000000000e+00, v2;
	[tilespmem:v39+s24+$0x0] =	vst.idx.msk $0xffff, v1  }
0x155: {  	s31 =	simm.s32 $0x4;
	v1 =	vld.idx.msk [tilespmem:v9+s23+$0x0], $0xffff;
	v9 =	vor.u32 $0x10, v38  }
0x156: {  	v39 =	vadd.s32 s31, v0;
	[tilespmem:v21+s24+$0x0] =	vst.idx.msk $0xffff, v2;
	v2 =	vmul.f32 $8.000000000e+00, v4  }
0x157: {  	v41 =	vand.u32 $0xF, v39;
	v4 =	vld.idx.msk [tilespmem:v11+s23+$0x0], $0xffff;
	v6 =	vmul.f32 $8.000000000e+00, v6  }
0x158: {  	[tilespmem:v56+s24+$0x0] =	vst.idx.msk $0xffff, v2  }
0x159: {  	v2 =	vld.idx.msk [tilespmem:v61+s23+$0x0], $0xffff;
	[tilespmem:v8+s24+$0x0] =	vst.idx.msk $0xffff, v6  }
0x15a: {  	v8 =	vshll.u32 v10, $0x7;
	v6 =	vld.idx.msk [tilespmem:v9+s23+$0x0], $0xffff;
	v1 =	vshll.u32 v1, $0x6  }
0x15b: {  	v1 =	vadd.s32 v8, v1  }
0x15c: {  	v10 =	vld.idx.msk [tilespmem:v41+s23+$0x0], $0xffff;
	v4 =	vshll.u32 v4, $0x6;
	v8 =	vshll.u32 v11, $0x7;
	v11 =	vor.u32 v0, v1  }
0x15d: {  	v4 =	vadd.s32 v8, v4  }
0x15e: {  	v62 =	vshll.u32 v33, $0x7;
	v8 =	vor.u32 v0, v4;
	v2 =	vshll.u32 v2, $0x6  }
0x15f: {  	v9 =	vshll.u32 v9, $0x7;
	v2 =	vadd.s32 v62, v2;
	v6 =	vshll.u32 v6, $0x6  }
0x160: {  	v40 =	vor.u32 v0, v2;
	v6 =	vadd.s32 v9, v6  }
0x161: {  	v63 =	vshll.u32 v41, $0x7;
	v10 =	vshll.u32 v10, $0x6;
	v9 =	vld.idx.msk [tilespmem:v11+s19+$0x0], $0xffff;
	v11 =	vor.u32 v0, v6  }
0x162: {  	v21 =	vadd.s32 s14, v16;
	v10 =	vadd.s32 v63, v10  }
0x163: {  	v45 =	vand.u32 $0x7CF, v21;
	v33 =	vor.u32 v0, v10;
	v8 =	vld.idx.msk [tilespmem:v8+s19+$0x0], $0xffff  }
0x164: {  	v47 =	vor.u32 v3, v1  }
0x165: {  	v54 =	vor.u32 v12, v43;
	v40 =	vld.idx.msk [tilespmem:v40+s19+$0x0], $0xffff  }
0x166: {  	v56 =	vadd.s32 s5, v34;
	v55 =	vor.u32 v3, v4;
	v11 =	vld.idx.msk [tilespmem:v11+s19+$0x0], $0xffff;
	v9 =	vmul.f32 $8.000000000e+00, v9  }
0x167: {  	v56 =	vand.u32 $0x7AF, v56;
	v21 =	vmovc v29;
	v29 =	vmov v58;
	v58 =	vor.u32 v3, v2  }
0x168: {  	v49 =	vld.idx.msk [tilespmem:v33+s19+$0x0], $0xffff;
	v8 =	vmul.f32 $8.000000000e+00, v8;
	[tilespmem:v45+s24+$0x0] =	vst.idx.msk $0xffff, v9;
	v9 =	vor.u32 v30, v38  }
0x169: {  	v42 =	vadd.s32 s31, v25;
	v60 =	vor.u32 v3, v6;
	v45 =	vld.idx.msk [tilespmem:v47+s19+$0x0], $0xffff  }
0x16a: {  	v61 =	vadd.s32 s14, v17;
	[tilespmem:v54+s24+$0x0] =	vst.idx.msk $0xffff, v8;
	v8 =	vand.u32 $0x78F, v42;
	v40 =	vmul.f32 $8.000000000e+00, v40  }
0x16b: {  	v62 =	vor.u32 v3, v10;
	v54 =	vand.u32 $0xFCF, v61;
	v55 =	vld.idx.msk [tilespmem:v55+s19+$0x0], $0xffff;
	v11 =	vmul.f32 $8.000000000e+00, v11  }
0x16c: {  	[tilespmem:v56+s24+$0x0] =	vst.idx.msk $0xffff, v40;
	v40 =	vor.u32 v5, v1  }
0x16d: {  	v49 =	vmul.f32 $8.000000000e+00, v49;
	v56 =	vor.u32 v13, v43;
	v58 =	vld.idx.msk [tilespmem:v58+s19+$0x0], $0xffff;
	[tilespmem:v9+s24+$0x0] =	vst.idx.msk $0xffff, v11  }
0x16e: {  	v9 =	vor.u32 v5, v4;
	v11 =	vld.idx.msk [tilespmem:v60+s19+$0x0], $0xffff;
	v60 =	vadd.s32 s5, v23;
	v45 =	vmul.f32 $8.000000000e+00, v45  }
0x16f: {  	v33 =	vmov v57;
	v57 =	vor.u32 v5, v2;
	[tilespmem:v8+s24+$0x0] =	vst.idx.msk $0xffff, v49;
	v8 =	vand.u32 $0xFAF, v60  }
0x170: {  	v49 =	vld.idx.msk [tilespmem:v62+s19+$0x0], $0xffff;
	v61 =	vmul.f32 $8.000000000e+00, v55;
	[tilespmem:v54+s24+$0x0] =	vst.idx.msk $0xffff, v45;
	v45 =	vor.u32 v31, v38  }
0x171: {  	v42 =	vor.u32 v5, v6;
	v62 =	vadd.s32 s31, v26;
	v40 =	vld.idx.msk [tilespmem:v40+s19+$0x0], $0xffff  }
0x172: {  	v47 =	vadd.s32 s14, v18;
	v51 =	vand.u32 $0xF8F, v62;
	[tilespmem:v56+s24+$0x0] =	vst.idx.msk $0xffff, v61;
	v60 =	vmul.f32 $8.000000000e+00, v58  }
0x173: {  	v55 =	vand.u32 $0x17CF, v47;
	v61 =	vor.u32 v5, v10;
	v9 =	vld.idx.msk [tilespmem:v9+s19+$0x0], $0xffff;
	v11 =	vmul.f32 $8.000000000e+00, v11  }
0x174: {  	v1 =	vor.u32 v7, v1;
	[tilespmem:v8+s24+$0x0] =	vst.idx.msk $0xffff, v60  }
0x175: {  	v62 =	vor.u32 v14, v43;
	v8 =	vmul.f32 $8.000000000e+00, v49;
	v56 =	vld.idx.msk [tilespmem:v57+s19+$0x0], $0xffff;
	[tilespmem:v45+s24+$0x0] =	vst.idx.msk $0xffff, v11  }
0x176: {  	v11 =	vadd.s32 s5, v20;
	v45 =	vld.idx.msk [tilespmem:v42+s19+$0x0], $0xffff;
	v40 =	vmul.f32 $8.000000000e+00, v40  }
0x177: {  	v2 =	vor.u32 v7, v2;
	v4 =	vor.u32 v7, v4;
	[tilespmem:v51+s24+$0x0] =	vst.idx.msk $0xffff, v8;
	v8 =	vand.u32 $0x17AF, v11  }
0x178: {  	v58 =	vor.u32 v35, v38;
	v11 =	vld.idx.msk [tilespmem:v61+s19+$0x0], $0xffff;
	v9 =	vmul.f32 $8.000000000e+00, v9;
	[tilespmem:v55+s24+$0x0] =	vst.idx.msk $0xffff, v40  }
0x179: {  	v6 =	vor.u32 v7, v6;
	v60 =	vadd.s32 s31, v27;
	v1 =	vld.idx.msk [tilespmem:v1+s19+$0x0], $0xffff  }
0x17a: {  	v51 =	vand.u32 $0x178F, v60;
	[tilespmem:v62+s24+$0x0] =	vst.idx.msk $0xffff, v9;
	v9 =	vadd.s32 s14, v19;
	v61 =	vmul.f32 $8.000000000e+00, v56  }
0x17b: {  	v10 =	vor.u32 v7, v10;
	v9 =	vand.u32 $0x1FCF, v9;
	v45 =	vmul.f32 $8.000000000e+00, v45  }
0x17c: {  	v49 =	vor.u32 $0x50, v44;
	v40 =	vor.u32 v21, v43;
	v4 =	vld.idx.msk [tilespmem:v4+s19+$0x0], $0xffff;
	[tilespmem:v8+s24+$0x0] =	vst.idx.msk $0xffff, v61  }
0x17d: {  	v8 =	vor.u32 $0x40, v22;
	v11 =	vmul.f32 $8.000000000e+00, v11;
	v22 =	vadd.s32 s5, v15;
	v2 =	vld.idx.msk [tilespmem:v2+s19+$0x0], $0xffff;
	[tilespmem:v58+s24+$0x0] =	vst.idx.msk $0xffff, v45  }
0x17e: {  	v62 =	vand.u32 $0x48, v8;
	v54 =	vand.u32 $0x1FAF, v22;
	v6 =	vld.idx.msk [tilespmem:v6+s19+$0x0], $0xffff;
	v1 =	vmul.f32 $8.000000000e+00, v1  }
0x17f: {  	v45 =	vor.u32 v36, v62;
	[tilespmem:v51+s24+$0x0] =	vst.idx.msk $0xffff, v11;
	v11 =	vor.u32 $0x20, v46;
	v36 =	vor.u32 $0x30, v37  }
0x180: {  	v51 =	vand.u32 $0x7, v38;
	v10 =	vld.idx.msk [tilespmem:v10+s19+$0x0], $0xffff;
	[tilespmem:v9+s24+$0x0] =	vst.idx.msk $0xffff, v1;
	v1 =	vor.u32 v32, v38;
	v9 =	vand.u32 $0x28, v11  }
0x181: {  	v60 =	vadd.s32 s31, v28;
	v4 =	vmul.f32 $8.000000000e+00, v4;
	v61 =	vld.idx.msk [tilespmem:v49+s23+$0x0], $0xffff;
	v9 =	vor.u32 v51, v9  }
0x182: {  	v56 =	vand.u32 $0x1F8F, v60;
	v2 =	vmul.f32 $8.000000000e+00, v2  }
0x183: {  	v62 =	vor.u32 $0x10, v39;
	[tilespmem:v40+s24+$0x0] =	vst.idx.msk $0xffff, v4;
	v6 =	vmul.f32 $8.000000000e+00, v6  }
0x184: {  	s0 =	simm.s32 $0x5;
	v4 =	vld.idx.msk [tilespmem:v45+s23+$0x0], $0xffff;
	[tilespmem:v54+s24+$0x0] =	vst.idx.msk $0xffff, v2  }
0x185: {  	v40 =	vadd.s32 s0, v0;
	v10 =	vmul.f32 $8.000000000e+00, v10;
	v2 =	vld.idx.msk [tilespmem:v36+s23+$0x0], $0xffff;
	[tilespmem:v1+s24+$0x0] =	vst.idx.msk $0xffff, v6  }
0x186: {  	v45 =	vand.u32 $0xF, v40;
	v1 =	vld.idx.msk [tilespmem:v9+s23+$0x0], $0xffff;
	v6 =	vshll.u32 v61, $0x6;
	v9 =	vshll.u32 v49, $0x7  }
0x187: {  	[tilespmem:v56+s24+$0x0] =	vst.idx.msk $0xffff, v10;
	v6 =	vadd.s32 v9, v6  }
0x188: {  	v9 =	vld.idx.msk [tilespmem:v62+s23+$0x0], $0xffff;
	v10 =	vor.u32 v0, v6  }
0x189: {  	v8 =	vshll.u32 v8, $0x7;
	v22 =	vshll.u32 v36, $0x7;
	v4 =	vshll.u32 v4, $0x6  }
0x18a: {  	v11 =	vshll.u32 v11, $0x7;
	v4 =	vadd.s32 v8, v4;
	v2 =	vshll.u32 v2, $0x6  }
0x18b: {  	v8 =	vld.idx.msk [tilespmem:v45+s23+$0x0], $0xffff;
	v36 =	vor.u32 v0, v4;
	v42 =	vadd.s32 v22, v2;
	v1 =	vshll.u32 v1, $0x6  }
0x18c: {  	v49 =	vor.u32 v0, v42;
	v47 =	vadd.s32 v11, v1  }
0x18d: {  	v11 =	vshll.u32 v62, $0x7;
	v9 =	vshll.u32 v9, $0x6;
	v10 =	vld.idx.msk [tilespmem:v10+s19+$0x0], $0xffff;
	v60 =	vor.u32 v0, v47  }
0x18e: {  	v9 =	vadd.s32 v11, v9  }
0x18f: {  	v57 =	vor.u32 v24, v44;
	v11 =	vor.u32 v0, v9  }
0x190: {  	v61 =	vshll.u32 v45, $0x7;
	v8 =	vshll.u32 v8, $0x6;
	v54 =	vld.idx.msk [tilespmem:v36+s19+$0x0], $0xffff  }
0x191: {  	v56 =	vor.u32 v3, v6;
	v62 =	vadd.s32 s17, v16;
	v8 =	vadd.s32 v61, v8;
	v49 =	vld.idx.msk [tilespmem:v49+s19+$0x0], $0xffff  }
0x192: {  	v63 =	vmovc v12;
	v22 =	vmovc v59;
	v58 =	vand.u32 $0x7CF, v62;
	v59 =	vor.u32 v0, v8;
	v55 =	vld.idx.msk [tilespmem:v60+s19+$0x0], $0xffff;
	v10 =	vmul.f32 $8.000000000e+00, v10  }
0x193: {  	v62 =	vor.u32 v63, v37;
	v61 =	vor.u32 v3, v4;
	v60 =	vadd.s32 s30, v34  }
0x194: {  	v34 =	vmov v63;
	v63 =	vor.u32 v3, v42;
	v11 =	vld.idx.msk [tilespmem:v11+s19+$0x0], $0xffff;
	[tilespmem:v57+s24+$0x0] =	vst.idx.msk $0xffff, v10;
	v10 =	vand.u32 $0x7AF, v60  }
0x195: {  	v54 =	vmul.f32 $8.000000000e+00, v54;
	v57 =	vor.u32 v3, v47  }
0x196: {  	v1 =	vor.u32 v30, v39;
	v56 =	vld.idx.msk [tilespmem:v56+s19+$0x0], $0xffff;
	v49 =	vmul.f32 $8.000000000e+00, v49  }
0x197: {  	v60 =	vadd.s32 s0, v25;
	v59 =	vld.idx.msk [tilespmem:v59+s19+$0x0], $0xffff;
	[tilespmem:v58+s24+$0x0] =	vst.idx.msk $0xffff, v54;
	v54 =	vor.u32 v3, v9;
	v55 =	vmul.f32 $8.000000000e+00, v55  }
0x198: {  	v58 =	vor.u32 v22, v44;
	v61 =	vld.idx.msk [tilespmem:v61+s19+$0x0], $0xffff;
	[tilespmem:v62+s24+$0x0] =	vst.idx.msk $0xffff, v49;
	v49 =	vand.u32 $0x78F, v60  }
0x199: {  	v60 =	vor.u32 v5, v6;
	v62 =	vadd.s32 s17, v17;
	v11 =	vmul.f32 $8.000000000e+00, v11;
	v63 =	vld.idx.msk [tilespmem:v63+s19+$0x0], $0xffff;
	[tilespmem:v10+s24+$0x0] =	vst.idx.msk $0xffff, v55  }
0x19a: {  	v2 =	vor.u32 v3, v8;
	v10 =	vand.u32 $0xFCF, v62;
	v55 =	vld.idx.msk [tilespmem:v57+s19+$0x0], $0xffff  }
0x19b: {  	v57 =	vor.u32 v5, v4;
	v56 =	vmul.f32 $8.000000000e+00, v56;
	[tilespmem:v1+s24+$0x0] =	vst.idx.msk $0xffff, v11;
	v1 =	vor.u32 v13, v37  }
0x19c: {  	v62 =	vor.u32 v5, v42;
	v59 =	vmul.f32 $8.000000000e+00, v59;
	v11 =	vadd.s32 s30, v23;
	v54 =	vld.idx.msk [tilespmem:v54+s19+$0x0], $0xffff  }
0x19d: {  	v12 =	vmovc v13;
	v6 =	vor.u32 v7, v6;
	v11 =	vand.u32 $0xFAF, v11;
	[tilespmem:v58+s24+$0x0] =	vst.idx.msk $0xffff, v56;
	v13 =	vmul.f32 $8.000000000e+00, v61  }
0x19e: {  	v61 =	vor.u32 v31, v39;
	[tilespmem:v49+s24+$0x0] =	vst.idx.msk $0xffff, v59;
	v49 =	vld.idx.msk [tilespmem:v60+s19+$0x0], $0xffff;
	v60 =	vmul.f32 $8.000000000e+00, v63  }
0x19f: {  	v58 =	vor.u32 v5, v47;
	v2 =	vld.idx.msk [tilespmem:v2+s19+$0x0], $0xffff;
	[tilespmem:v10+s24+$0x0] =	vst.idx.msk $0xffff, v13;
	v10 =	vor.u32 v5, v9  }
0x1a0: {  	v59 =	vadd.s32 s0, v26;
	v13 =	vor.u32 v33, v44;
	v55 =	vmul.f32 $8.000000000e+00, v55;
	v57 =	vld.idx.msk [tilespmem:v57+s19+$0x0], $0xffff;
	[tilespmem:v1+s24+$0x0] =	vst.idx.msk $0xffff, v60  }
0x1a1: {  	v33 =	vadd.s32 s17, v18;
	v1 =	vand.u32 $0xF8F, v59;
	v54 =	vmul.f32 $8.000000000e+00, v54;
	v60 =	vld.idx.msk [tilespmem:v62+s19+$0x0], $0xffff  }
0x1a2: {  	v62 =	vor.u32 v5, v8;
	[tilespmem:v11+s24+$0x0] =	vst.idx.msk $0xffff, v55;
	v11 =	vand.u32 $0x17CF, v33  }
0x1a3: {  	v49 =	vmul.f32 $8.000000000e+00, v49;
	[tilespmem:v61+s24+$0x0] =	vst.idx.msk $0xffff, v54;
	v61 =	vor.u32 v14, v37  }
0x1a4: {  	v48 =	vor.u32 $0x60, v48;
	v4 =	vor.u32 v7, v4;
	v55 =	vld.idx.msk [tilespmem:v58+s19+$0x0], $0xffff;
	v2 =	vmul.f32 $8.000000000e+00, v2  }
0x1a5: {  	v42 =	vor.u32 v7, v42;
	v63 =	vadd.s32 s30, v20;
	v10 =	vld.idx.msk [tilespmem:v10+s19+$0x0], $0xffff;
	[tilespmem:v13+s24+$0x0] =	vst.idx.msk $0xffff, v49;
	v57 =	vmul.f32 $8.000000000e+00, v57  }
0x1a6: {  	v47 =	vor.u32 v7, v47;
	[tilespmem:v1+s24+$0x0] =	vst.idx.msk $0xffff, v2;
	v1 =	vld.idx.msk [tilespmem:v6+s19+$0x0], $0xffff;
	v2 =	vand.u32 $0x17AF, v63;
	v60 =	vmul.f32 $8.000000000e+00, v60  }
0x1a7: {  	v9 =	vor.u32 v7, v9;
	v14 =	vld.idx.msk [tilespmem:v62+s19+$0x0], $0xffff;
	[tilespmem:v11+s24+$0x0] =	vst.idx.msk $0xffff, v57;
	v11 =	vor.u32 v35, v39  }
0x1a8: {  	v13 =	vadd.s32 s0, v27;
	v6 =	vor.u32 v29, v44;
	[tilespmem:v61+s24+$0x0] =	vst.idx.msk $0xffff, v60;
	v61 =	vand.u32 $0x68, v48  }
0x1a9: {  	v56 =	vand.u32 $0x178F, v13;
	v4 =	vld.idx.msk [tilespmem:v4+s19+$0x0], $0xffff;
	v55 =	vmul.f32 $8.000000000e+00, v55;
	v54 =	vor.u32 v53, v61  }
0x1aa: {  	v8 =	vor.u32 v7, v8;
	v58 =	vadd.s32 s17, v19;
	v10 =	vmul.f32 $8.000000000e+00, v10  }
0x1ab: {  	v62 =	vand.u32 $0x1FCF, v58;
	v42 =	vld.idx.msk [tilespmem:v42+s19+$0x0], $0xffff;
	[tilespmem:v2+s24+$0x0] =	vst.idx.msk $0xffff, v55;
	v1 =	vmul.f32 $8.000000000e+00, v1  }
0x1ac: {  	v49 =	vmul.f32 $8.000000000e+00, v14;
	v47 =	vld.idx.msk [tilespmem:v47+s19+$0x0], $0xffff;
	[tilespmem:v11+s24+$0x0] =	vst.idx.msk $0xffff, v10  }
0x1ad: {  	v9 =	vld.idx.msk [tilespmem:v9+s19+$0x0], $0xffff;
	[tilespmem:v6+s24+$0x0] =	vst.idx.msk $0xffff, v1  }
0x1ae: {  	v10 =	vor.u32 v21, v37;
	v14 =	vadd.s32 s30, v15;
	v4 =	vmul.f32 $8.000000000e+00, v4;
	[tilespmem:v56+s24+$0x0] =	vst.idx.msk $0xffff, v49;
	v6 =	vld.idx.msk [tilespmem:v54+s23+$0x0], $0xffff  }
0x1af: {  	v63 =	vor.u32 $0x40, v50;
	v60 =	vadd.s32 s0, v28;
	v1 =	vand.u32 $0x1FAF, v14;
	v8 =	vld.idx.msk [tilespmem:v8+s19+$0x0], $0xffff  }
0x1b0: {  	v2 =	vor.u32 $0x50, v43;
	v11 =	vand.u32 $0x48, v63;
	[tilespmem:v62+s24+$0x0] =	vst.idx.msk $0xffff, v4;
	v4 =	vor.u32 v32, v39  }
0x1b1: {  	v57 =	vand.u32 $0x1F8F, v60;
	v11 =	vor.u32 v52, v11;
	v42 =	vmul.f32 $8.000000000e+00, v42  }
0x1b2: {  	v55 =	vor.u32 $0x30, v38;
	v54 =	vor.u32 $0x20, v41;
	v47 =	vmul.f32 $8.000000000e+00, v47  }
0x1b3: {  	v49 =	vand.u32 $0x7, v39;
	v53 =	vand.u32 $0x28, v54;
	[tilespmem:v10+s24+$0x0] =	vst.idx.msk $0xffff, v42;
	v9 =	vmul.f32 $8.000000000e+00, v9  }
0x1b4: {  	[tilespmem:v1+s24+$0x0] =	vst.idx.msk $0xffff, v47;
	v1 =	vshll.u32 v6, $0x6;
	v6 =	vshll.u32 v48, $0x7;
	v8 =	vmul.f32 $8.000000000e+00, v8  }
0x1b5: {  	v61 =	vld.idx.msk [tilespmem:v2+s23+$0x0], $0xffff;
	v56 =	vor.u32 v49, v53;
	[tilespmem:v4+s24+$0x0] =	vst.idx.msk $0xffff, v9;
	v53 =	vadd.s32 v6, v1  }
0x1b6: {  	v10 =	vld.idx.msk [tilespmem:v11+s23+$0x0], $0xffff;
	v9 =	vor.u32 v0, v53;
	[tilespmem:v57+s24+$0x0] =	vst.idx.msk $0xffff, v8  }
0x1b7: {  	v36 =	vmov v17;
	v17 =	vld [tilespmem:$0x1FE10]  }
0x1b8: {  	s18 =	simm.s32 $0x6;
	v11 =	vor.u32 $0x10, v40  }
0x1b9: {  	v42 =	vadd.s32 s18, v0;
	v47 =	vld.idx.msk [tilespmem:v55+s23+$0x0], $0xffff  }
0x1ba: {  	v2 =	vshll.u32 v2, $0x7;
	v48 =	vand.u32 $0xF, v42;
	v6 =	vshll.u32 v61, $0x6;
	v4 =	vld.idx.msk [tilespmem:v56+s23+$0x0], $0xffff  }
0x1bb: {  	v14 =	vadd.s32 v2, v6;
	v8 =	vshll.u32 v10, $0x6;
	v10 =	vshll.u32 v63, $0x7;
	v9 =	vld.idx.msk [tilespmem:v9+s19+$0x0], $0xffff  }
0x1bc: {  	v62 =	vor.u32 v0, v14;
	v13 =	vadd.s32 v10, v8;
	v10 =	vadd.s32 s14, v17  }
0x1bd: {  	v6 =	vld.idx.msk [tilespmem:v11+s23+$0x0], $0xffff;
	v10 =	vand.u32 $0x7EF, v10  }
0x1be: {  	v54 =	vshll.u32 v54, $0x7  }
0x1bf: {  	v55 =	vshll.u32 v55, $0x7;
	v63 =	vld.idx.msk [tilespmem:v48+s23+$0x0], $0xffff;
	v47 =	vshll.u32 v47, $0x6;
	v58 =	vor.u32 v0, v13  }
0x1c0: {  	v47 =	vadd.s32 v55, v47;
	v4 =	vshll.u32 v4, $0x6;
	v9 =	vmul.f32 $8.000000000e+00, v9  }
0x1c1: {  	v11 =	vshll.u32 v11, $0x7;
	v55 =	vor.u32 v0, v47;
	v15 =	vadd.s32 v54, v4;
	v54 =	vld.idx.msk [tilespmem:v62+s19+$0x0], $0xffff  }
0x1c2: {  	v6 =	vshll.u32 v6, $0x6;
	v62 =	vadd.s32 s5, v16;
	v16 =	vld [tilespmem:$0x1FE20];
	v56 =	vor.u32 v0, v15;
	[tilespmem:v10+s24+$0x0] =	vst.idx.msk $0xffff, v9  }
0x1c3: {  	v33 =	vmovc v29;
	v59 =	vshll.u32 v48, $0x7;
	v29 =	vadd.s32 v11, v6;
	v11 =	vor.u32 v3, v53;
	v2 =	vld [tilespmem:$0x1FEA0]  }
0x1c4: {  	v61 =	vor.u32 v24, v43;
	v57 =	vshll.u32 v63, $0x6;
	v60 =	vor.u32 v0, v29  }
0x1c5: {  	v58 =	vld.idx.msk [tilespmem:v58+s19+$0x0], $0xffff;
	v57 =	vadd.s32 v59, v57;
	v59 =	vor.u32 v3, v14  }
0x1c6: {  	v55 =	vld.idx.msk [tilespmem:v55+s19+$0x0], $0xffff;
	v63 =	vor.u32 v0, v57  }
0x1c7: {  	v62 =	vand.u32 $0x7CF, v62;
	v54 =	vmul.f32 $8.000000000e+00, v54;
	v56 =	vld.idx.msk [tilespmem:v56+s19+$0x0], $0xffff  }
0x1c8: {  	v10 =	vor.u32 v3, v13;
	v11 =	vld.idx.msk [tilespmem:v11+s19+$0x0], $0xffff;
	v9 =	vadd.s32 s31, v2;
	v2 =	vor.u32 v34, v38  }
0x1c9: {  	v6 =	vor.u32 v3, v47;
	v1 =	vadd.s32 s14, v16;
	v60 =	vld.idx.msk [tilespmem:v60+s19+$0x0], $0xffff;
	[tilespmem:v61+s24+$0x0] =	vst.idx.msk $0xffff, v54;
	v9 =	vand.u32 $0x7AF, v9  }
0x1ca: {  	v1 =	vand.u32 $0xFEF, v1;
	v34 =	vmul.f32 $8.000000000e+00, v58;
	v58 =	vld.idx.msk [tilespmem:v59+s19+$0x0], $0xffff;
	v59 =	vor.u32 v3, v15  }
0x1cb: {  	v61 =	vld.idx.msk [tilespmem:v63+s19+$0x0], $0xffff;
	v55 =	vmul.f32 $8.000000000e+00, v55;
	v63 =	vor.u32 v30, v40  }
0x1cc: {  	v56 =	vmul.f32 $8.000000000e+00, v56;
	[tilespmem:v62+s24+$0x0] =	vst.idx.msk $0xffff, v34;
	v34 =	vor.u32 v22, v43  }
0x1cd: {  	v4 =	vadd.s32 s18, v25;
	v11 =	vmul.f32 $8.000000000e+00, v11;
	[tilespmem:v2+s24+$0x0] =	vst.idx.msk $0xffff, v55;
	v2 =	vld.idx.msk [tilespmem:v10+s19+$0x0], $0xffff  }
0x1ce: {  	v4 =	vand.u32 $0x78F, v4;
	v60 =	vmul.f32 $8.000000000e+00, v60;
	[tilespmem:v9+s24+$0x0] =	vst.idx.msk $0xffff, v56;
	v9 =	vadd.s32 s5, v36;
	v6 =	vld.idx.msk [tilespmem:v6+s19+$0x0], $0xffff  }
0x1cf: {  	[tilespmem:v1+s24+$0x0] =	vst.idx.msk $0xffff, v11;
	v11 =	vmul.f32 $8.000000000e+00, v58;
	v1 =	vand.u32 $0xFCF, v9;
	v9 =	vld.idx.msk [tilespmem:v59+s19+$0x0], $0xffff  }
0x1d0: {  	v54 =	vor.u32 v3, v29;
	[tilespmem:v63+s24+$0x0] =	vst.idx.msk $0xffff, v60;
	v56 =	vor.u32 v12, v38;
	v12 =	vadd.s32 s31, v23  }
0x1d1: {  	v8 =	vor.u32 v5, v53;
	v58 =	vmul.f32 $8.000000000e+00, v61;
	v22 =	vld [tilespmem:$0x1FF20];
	[tilespmem:v34+s24+$0x0] =	vst.idx.msk $0xffff, v11;
	v59 =	vand.u32 $0xFAF, v12  }
0x1d2: {  	v23 =	vld [tilespmem:$0x1FFB0];
	v2 =	vmul.f32 $8.000000000e+00, v2  }
0x1d3: {  	[tilespmem:v4+s24+$0x0] =	vst.idx.msk $0xffff, v58;
	v6 =	vmul.f32 $8.000000000e+00, v6  }
0x1d4: {  	[tilespmem:v1+s24+$0x0] =	vst.idx.msk $0xffff, v2;
	v9 =	vmul.f32 $8.000000000e+00, v9  }
0x1d5: {  	v54 =	vld.idx.msk [tilespmem:v54+s19+$0x0], $0xffff;
	v10 =	vor.u32 v5, v14;
	[tilespmem:v56+s24+$0x0] =	vst.idx.msk $0xffff, v6  }
0x1d6: {  	v8 =	vld.idx.msk [tilespmem:v8+s19+$0x0], $0xffff;
	v55 =	vor.u32 v3, v57;
	[tilespmem:v59+s24+$0x0] =	vst.idx.msk $0xffff, v9  }
0x1d7: {  	v11 =	vor.u32 v5, v13;
	v2 =	vor.u32 v31, v40;
	v34 =	vadd.s32 s14, v23;
	v9 =	vld [tilespmem:$0x1FFD0]  }
0x1d8: {  	v61 =	vand.u32 $0x17EF, v34;
	_ =	sdelay $0x1  }
0x1d9: {  	v54 =	vmul.f32 $8.000000000e+00, v54;
	v10 =	vld.idx.msk [tilespmem:v10+s19+$0x0], $0xffff  }
0x1da: {  	v4 =	vor.u32 v5, v47;
	v8 =	vmul.f32 $8.000000000e+00, v8;
	v55 =	vld.idx.msk [tilespmem:v55+s19+$0x0], $0xffff;
	v1 =	vor.u32 v5, v15  }
0x1db: {  	v6 =	vadd.s32 s18, v26;
	v11 =	vld.idx.msk [tilespmem:v11+s19+$0x0], $0xffff;
	[tilespmem:v2+s24+$0x0] =	vst.idx.msk $0xffff, v54;
	v9 =	vor.u32 v9, v43  }
0x1dc: {  	v53 =	vor.u32 v7, v53;
	v36 =	vadd.s32 s5, v18;
	v6 =	vand.u32 $0xF8F, v6;
	[tilespmem:v61+s24+$0x0] =	vst.idx.msk $0xffff, v8  }
0x1dd: {  	v12 =	vor.u32 v5, v29;
	v58 =	vand.u32 $0x17CF, v36;
	v8 =	vld [tilespmem:$0x1FF00]  }
0x1de: {  	v10 =	vmul.f32 $8.000000000e+00, v10  }
0x1df: {  	v60 =	vadd.s32 s14, v22;
	v22 =	vor.u32 v5, v57;
	v4 =	vld.idx.msk [tilespmem:v4+s19+$0x0], $0xffff;
	v55 =	vmul.f32 $8.000000000e+00, v55  }
0x1e0: {  	v1 =	vld.idx.msk [tilespmem:v1+s19+$0x0], $0xffff;
	[tilespmem:v9+s24+$0x0] =	vst.idx.msk $0xffff, v10;
	v10 =	vmul.f32 $8.000000000e+00, v11  }
0x1e1: {  	v53 =	vld.idx.msk [tilespmem:v53+s19+$0x0], $0xffff;
	[tilespmem:v6+s24+$0x0] =	vst.idx.msk $0xffff, v55  }
0x1e2: {  	v2 =	vadd.s32 s31, v20;
	v54 =	vor.u32 v8, v38;
	v9 =	vld.idx.msk [tilespmem:v12+s19+$0x0], $0xffff;
	[tilespmem:v58+s24+$0x0] =	vst.idx.msk $0xffff, v10  }
0x1e3: {  	v8 =	vand.u32 $0x17AF, v2;
	v10 =	vand.u32 $0x1FEF, v60;
	v2 =	vld [tilespmem:$0x1FDF0]  }
0x1e4: {  	v14 =	vor.u32 v7, v14;
	v36 =	vld.idx.msk [tilespmem:v22+s19+$0x0], $0xffff;
	v22 =	vor.u32 v35, v40  }
0x1e5: {  	v4 =	vmul.f32 $8.000000000e+00, v4  }
0x1e6: {  	v53 =	vmul.f32 $8.000000000e+00, v53  }
0x1e7: {  	[tilespmem:v54+s24+$0x0] =	vst.idx.msk $0xffff, v4;
	v9 =	vmul.f32 $8.000000000e+00, v9  }
0x1e8: {  	v23 =	vor.u32 v7, v13;
	v4 =	vld [tilespmem:$0x1FE00];
	[tilespmem:v10+s24+$0x0] =	vst.idx.msk $0xffff, v53;
	v13 =	vor.u32 $0x60, v2;
	v2 =	vmul.f32 $8.000000000e+00, v1  }
0x1e9: {  	v47 =	vor.u32 v7, v47;
	v6 =	vld.idx.msk [tilespmem:v14+s19+$0x0], $0xffff;
	[tilespmem:v22+s24+$0x0] =	vst.idx.msk $0xffff, v9  }
0x1ea: {  	v19 =	vadd.s32 s5, v19;
	v34 =	vor.u32 v7, v15;
	[tilespmem:v8+s24+$0x0] =	vst.idx.msk $0xffff, v2  }
0x1eb: {  	v19 =	vand.u32 $0x1FCF, v19;
	v18 =	vor.u32 v33, v43;
	v14 =	vor.u32 $0x70, v44;
	v8 =	vld [tilespmem:$0x1FED0]  }
0x1ec: {  	v33 =	vor.u32 v7, v29;
	v15 =	vor.u32 v7, v57;
	v1 =	vand.u32 $0x68, v13  }
0x1ed: {  	v57 =	vor.u32 v21, v38;
	v61 =	vadd.s32 s18, v27;
	v23 =	vld.idx.msk [tilespmem:v23+s19+$0x0], $0xffff;
	v4 =	vor.u32 v4, v1  }
0x1ee: {  	s20 =	simm.s32 $0x7;
	v21 =	vadd.s32 s18, v28;
	v54 =	vand.u32 $0x178F, v61;
	v11 =	vld.idx.msk [tilespmem:v47+s19+$0x0], $0xffff;
	v6 =	vmul.f32 $8.000000000e+00, v6  }
0x1ef: {  	v47 =	vadd.s32 s20, v0;
	v10 =	vmul.f32 $8.000000000e+00, v36;
	v2 =	vor.u32 $0x40, v46;
	v62 =	vld.idx.msk [tilespmem:v34+s19+$0x0], $0xffff  }
0x1f0: {  	v36 =	vld.idx.msk [tilespmem:v14+s23+$0x0], $0xffff;
	v1 =	vor.u32 $0x50, v37;
	v34 =	vand.u32 $0x48, v2;
	v9 =	vadd.s32 s31, v8  }
0x1f1: {  	v53 =	vand.u32 $0xF, v47;
	v20 =	vld.idx.msk [tilespmem:v33+s19+$0x0], $0xffff;
	[tilespmem:v18+s24+$0x0] =	vst.idx.msk $0xffff, v6;
	v55 =	vor.u32 v51, v34;
	v22 =	vand.u32 $0x1FAF, v9  }
0x1f2: {  	v12 =	vmul.f32 $8.000000000e+00, v23;
	v6 =	vor.u32 $0x30, v39;
	v23 =	vld.idx.msk [tilespmem:v4+s23+$0x0], $0xffff;
	v4 =	vor.u32 $0x20, v45  }
0x1f3: {  	v29 =	vmovc v30;
	v33 =	vmul.f32 $8.000000000e+00, v11;
	[tilespmem:v54+s24+$0x0] =	vst.idx.msk $0xffff, v10;
	v54 =	vand.u32 $0x7, v40;
	v8 =	vand.u32 $0x28, v4  }
0x1f4: {  	v63 =	vshll.u32 v13, $0x7;
	[tilespmem:v19+s24+$0x0] =	vst.idx.msk $0xffff, v12;
	v10 =	vld.idx.msk [tilespmem:v15+s19+$0x0], $0xffff;
	v59 =	vor.u32 v54, v8;
	v8 =	vmul.f32 $8.000000000e+00, v62  }
0x1f5: {  	v11 =	vor.u32 v32, v40;
	[tilespmem:v57+s24+$0x0] =	vst.idx.msk $0xffff, v33;
	v34 =	vshll.u32 v36, $0x6;
	v36 =	vshll.u32 v14, $0x7;
	v58 =	vld.idx.msk [tilespmem:v1+s23+$0x0], $0xffff  }
0x1f6: {  	v60 =	vmul.f32 $8.000000000e+00, v20;
	v9 =	vand.u32 $0x1F8F, v21;
	v56 =	vld.idx.msk [tilespmem:v55+s23+$0x0], $0xffff;
	v55 =	vadd.s32 v36, v34;
	[tilespmem:v22+s24+$0x0] =	vst.idx.msk $0xffff, v8  }
0x1f7: {  	s25 =	simm.s32 $0x8;
	v30 =	vmovc v31;
	v31 =	vmovc v35;
	s14 =	sshll.u32 s28, $0x1;
	v62 =	vor.u32 v0, v55;
	v61 =	vshll.u32 v23, $0x6;
	v8 =	vor.u32 $0x10, v42;
	v57 =	vld.idx.msk [tilespmem:v6+s23+$0x0], $0xffff  }
.LBB2_3:
0x1f8: {  	_ =	sdelay $0x2  }
0x1f9: {  	v1 =	vshll.u32 v1, $0x7;
	[tilespmem:v11+s24+$0x0] =	vst.idx.msk $0xffff, v60;
	v58 =	vshll.u32 v58, $0x6  }
0x1fa: {  	v11 =	vld.idx.msk [tilespmem:v59+s23+$0x0], $0xffff;
	v60 =	vadd.s32 v1, v58  }
0x1fb: {  	v10 =	vmul.f32 $8.000000000e+00, v10;
	v13 =	vor.u32 v0, v60  }
0x1fc: {  	v61 =	vadd.s32 v63, v61;
	v14 =	vld [tilespmem:$0x1FF30]  }
0x1fd: {  	v2 =	vshll.u32 v2, $0x7;
	v4 =	vshll.u32 v4, $0x7;
	v12 =	vld.idx.msk [tilespmem:v53+s23+$0x0], $0xffff;
	[tilespmem:v9+s24+$0x0] =	vst.idx.msk $0xffff, v10;
	v56 =	vshll.u32 v56, $0x6  }
0x1fe: {  	v63 =	vor.u32 v0, v61;
	v10 =	vld.idx.msk [tilespmem:v8+s23+$0x0], $0xffff;
	v59 =	vadd.s32 v2, v56;
	v2 =	vadd.s32 s17, v17  }
0x1ff: {  	v62 =	vld.idx.msk [tilespmem:v62+s19+$0x0], $0xffff;
	v15 =	vor.u32 v0, v59;
	v36 =	vand.u32 $0x7EF, v2;
	v2 =	vshll.u32 v11, $0x6  }
0x200: {  	v6 =	vshll.u32 v6, $0x7;
	v35 =	vshll.u32 v57, $0x6;
	v57 =	vadd.s32 v4, v2;
	v4 =	vld.idx.msk [tilespmem:v13+s19+$0x0], $0xffff  }
0x201: {  	v58 =	vadd.s32 v6, v35  }
0x202: {  	v17 =	vld [tilespmem:$0x1FFA0];
	v14 =	vor.u32 v14, v44;
	v11 =	vor.u32 v0, v58  }
0x203: {  	v22 =	vor.u32 v3, v55;
	v8 =	vshll.u32 v8, $0x7;
	v6 =	vld.idx.msk [tilespmem:v63+s19+$0x0], $0xffff;
	v10 =	vshll.u32 v10, $0x6  }
0x204: {  	v23 =	vor.u32 v0, v57;
	v56 =	vadd.s32 v8, v10;
	v8 =	vld.idx.msk [tilespmem:v15+s19+$0x0], $0xffff  }
0x205: {  	v15 =	vmul.f32 $8.000000000e+00, v62;
	v21 =	vmul.f32 $8.000000000e+00, v4;
	v4 =	vld [tilespmem:$0x1FEE0]  }
0x206: {  	v19 =	vld [tilespmem:$0x1FEA0]  }
0x207: {  	v9 =	vadd.s32 s17, v16;
	v16 =	vshll.u32 v53, $0x7;
	v11 =	vld.idx.msk [tilespmem:v11+s19+$0x0], $0xffff;
	[tilespmem:v14+s24+$0x0] =	vst.idx.msk $0xffff, v15  }
0x208: {  	v2 =	vshll.u32 v12, $0x6;
	v10 =	vor.u32 v3, v61;
	v6 =	vmul.f32 $8.000000000e+00, v6;
	v13 =	vld.idx.msk [tilespmem:v22+s19+$0x0], $0xffff  }
0x209: {  	v33 =	vor.u32 v24, v37;
	v2 =	vadd.s32 v16, v2;
	v16 =	vor.u32 v0, v56;
	v12 =	vld.idx.msk [tilespmem:v23+s19+$0x0], $0xffff  }
0x20a: {  	v18 =	vor.u32 v3, v60;
	v17 =	vadd.s32 s30, v17;
	[tilespmem:v36+s24+$0x0] =	vst.idx.msk $0xffff, v6;
	v6 =	vor.u32 v4, v39;
	v4 =	vld [tilespmem:$0x1FF40]  }
0x20b: {  	v34 =	vor.u32 v0, v2;
	v15 =	vand.u32 $0x7CF, v17;
	v17 =	vld [tilespmem:$0x1FF80]  }
0x20c: {  	v20 =	vor.u32 v3, v59;
	v36 =	vld [tilespmem:$0x1FF50]  }
0x20d: {  	v10 =	vld.idx.msk [tilespmem:v10+s19+$0x0], $0xffff  }
0x20e: {  	v8 =	vmul.f32 $8.000000000e+00, v8;
	v16 =	vld.idx.msk [tilespmem:v16+s19+$0x0], $0xffff;
	[tilespmem:v33+s24+$0x0] =	vst.idx.msk $0xffff, v21  }
0x20f: {  	v19 =	vadd.s32 s0, v19;
	v23 =	vor.u32 v3, v58;
	v18 =	vld.idx.msk [tilespmem:v18+s19+$0x0], $0xffff;
	v35 =	vor.u32 v4, v44  }
0x210: {  	v19 =	vand.u32 $0x7AF, v19;
	v14 =	vld.idx.msk [tilespmem:v34+s19+$0x0], $0xffff;
	[tilespmem:v15+s24+$0x0] =	vst.idx.msk $0xffff, v8  }
0x211: {  	v21 =	vor.u32 v5, v55;
	v11 =	vmul.f32 $8.000000000e+00, v11;
	v15 =	vld.idx.msk [tilespmem:v20+s19+$0x0], $0xffff  }
0x212: {  	v13 =	vmul.f32 $8.000000000e+00, v13;
	v62 =	vor.u32 v36, v44;
	v36 =	vmovc v24;
	v24 =	vor.u32 v3, v57;
	v4 =	vld [tilespmem:$0x1FF60]  }
0x213: {  	v22 =	vadd.s32 s20, v25;
	v8 =	vand.u32 $0xFEF, v9;
	v12 =	vmul.f32 $8.000000000e+00, v12;
	[tilespmem:v6+s24+$0x0] =	vst.idx.msk $0xffff, v11;
	v6 =	vld [tilespmem:$0x1FFE0]  }
0x214: {  	v9 =	vor.u32 v29, v42;
	v11 =	vand.u32 $0x78F, v22;
	v22 =	vld.idx.msk [tilespmem:v23+s19+$0x0], $0xffff;
	[tilespmem:v35+s24+$0x0] =	vst.idx.msk $0xffff, v13  }
0x215: {  	v1 =	vld [tilespmem:$0x1FF20];
	v17 =	vadd.s32 s30, v17;
	[tilespmem:v19+s24+$0x0] =	vst.idx.msk $0xffff, v12  }
0x216: {  	v10 =	vmul.f32 $8.000000000e+00, v10;
	v12 =	vand.u32 $0xFCF, v17;
	v17 =	vld.idx.msk [tilespmem:v21+s19+$0x0], $0xffff  }
0x217: {  	v33 =	vor.u32 v5, v61;
	v16 =	vmul.f32 $8.000000000e+00, v16;
	v19 =	vld.idx.msk [tilespmem:v24+s19+$0x0], $0xffff  }
0x218: {  	v4 =	vor.u32 v4, v44;
	v44 =	vmov v43;
	v43 =	vmov v37;
	[tilespmem:v8+s24+$0x0] =	vst.idx.msk $0xffff, v10;
	v8 =	vld [tilespmem:$0x1FFB0]  }
0x219: {  	v34 =	vor.u32 v3, v56;
	v6 =	vor.u32 v6, v43;
	[tilespmem:v9+s24+$0x0] =	vst.idx.msk $0xffff, v16;
	v9 =	vld [tilespmem:$0x1FEF0]  }
0x21a: {  	v24 =	vld [tilespmem:$0x1FEB0]  }
0x21b: {  	v23 =	vor.u32 v5, v60  }
0x21c: {  	v1 =	vadd.s32 s17, v1;
	v18 =	vmul.f32 $8.000000000e+00, v18;
	v35 =	vor.u32 v3, v2  }
0x21d: {  	v21 =	vor.u32 v5, v59;
	v10 =	vmul.f32 $8.000000000e+00, v14;
	v16 =	vld.idx.msk [tilespmem:v33+s19+$0x0], $0xffff;
	v8 =	vadd.s32 s17, v8;
	s17 =	smov.u32 s5  }
0x21e: {  	v33 =	vld.idx.msk [tilespmem:v34+s19+$0x0], $0xffff;
	[tilespmem:v6+s24+$0x0] =	vst.idx.msk $0xffff, v18;
	s5 =	smov.u32 s30;
	s30 =	smov.u32 s31;
	s31 =	smov.u32 s0;
	v9 =	vor.u32 v9, v39  }
0x21f: {  	v63 =	vld [tilespmem:$0x1FF70];
	v15 =	vmul.f32 $8.000000000e+00, v15;
	v34 =	vor.u32 v5, v58;
	[tilespmem:v11+s24+$0x0] =	vst.idx.msk $0xffff, v10;
	v24 =	vadd.s32 s31, v24  }
0x220: {  	v11 =	vld.idx.msk [tilespmem:v23+s19+$0x0], $0xffff;
	v10 =	vand.u32 $0xFAF, v24  }
0x221: {  	v22 =	vmul.f32 $8.000000000e+00, v22;
	v18 =	vor.u32 v7, v55;
	v13 =	vld.idx.msk [tilespmem:v35+s19+$0x0], $0xffff;
	[tilespmem:v12+s24+$0x0] =	vst.idx.msk $0xffff, v15  }
0x222: {  	v17 =	vmul.f32 $8.000000000e+00, v17;
	v35 =	vor.u32 v5, v57;
	v15 =	vld.idx.msk [tilespmem:v21+s19+$0x0], $0xffff  }
0x223: {  	v19 =	vmul.f32 $8.000000000e+00, v19;
	[tilespmem:v9+s24+$0x0] =	vst.idx.msk $0xffff, v22;
	v9 =	vld [tilespmem:$0x1FFD0]  }
0x224: {  	v22 =	vld.idx.msk [tilespmem:v34+s19+$0x0], $0xffff;
	[tilespmem:v62+s24+$0x0] =	vst.idx.msk $0xffff, v17  }
0x225: {  	v14 =	vadd.s32 s5, v63;
	[tilespmem:v10+s24+$0x0] =	vst.idx.msk $0xffff, v19  }
0x226: {  	v8 =	vand.u32 $0x17EF, v8;
	v10 =	vand.u32 $0x17CF, v14;
	v14 =	vld.idx.msk [tilespmem:v18+s19+$0x0], $0xffff  }
0x227: {  	v55 =	vor.u32 v30, v42;
	s0 =	smov.u32 s18;
	s18 =	smov.u32 s20;
	v18 =	vld.idx.msk [tilespmem:v35+s19+$0x0], $0xffff  }
0x228: {  	v61 =	vor.u32 v7, v61;
	v6 =	vadd.s32 s18, v26;
	v35 =	vld [tilespmem:$0x1FF00]  }
0x229: {  	v24 =	vor.u32 v5, v56;
	v16 =	vmul.f32 $8.000000000e+00, v16;
	v34 =	vld [tilespmem:$0x1FEC0];
	v9 =	vor.u32 v9, v43  }
0x22a: {  	v6 =	vand.u32 $0xF8F, v6;
	v20 =	vmul.f32 $8.000000000e+00, v33  }
0x22b: {  	v17 =	vor.u32 v5, v2;
	[tilespmem:v8+s24+$0x0] =	vst.idx.msk $0xffff, v16  }
0x22c: {  	v63 =	vor.u32 v7, v60;
	v33 =	vld [tilespmem:$0x1FF90];
	v11 =	vmul.f32 $8.000000000e+00, v11;
	[tilespmem:v55+s24+$0x0] =	vst.idx.msk $0xffff, v20  }
0x22d: {  	v19 =	vor.u32 v7, v59;
	v8 =	vmul.f32 $8.000000000e+00, v13;
	v16 =	vld.idx.msk [tilespmem:v61+s19+$0x0], $0xffff;
	v13 =	vor.u32 v35, v39  }
0x22e: {  	v59 =	vld.idx.msk [tilespmem:v24+s19+$0x0], $0xffff;
	v24 =	vor.u32 v7, v58;
	v12 =	vadd.s32 s31, v34;
	[tilespmem:v9+s24+$0x0] =	vst.idx.msk $0xffff, v11  }
0x22f: {  	v15 =	vmul.f32 $8.000000000e+00, v15;
	v9 =	vld [tilespmem:$0x1FFC0];
	[tilespmem:v6+s24+$0x0] =	vst.idx.msk $0xffff, v8;
	v6 =	vand.u32 $0x17AF, v12  }
0x230: {  	v22 =	vmul.f32 $8.000000000e+00, v22;
	v11 =	vld.idx.msk [tilespmem:v17+s19+$0x0], $0xffff;
	v17 =	vor.u32 v7, v57  }
0x231: {  	v8 =	vld.idx.msk [tilespmem:v63+s19+$0x0], $0xffff;
	[tilespmem:v10+s24+$0x0] =	vst.idx.msk $0xffff, v15;
	v10 =	vand.u32 $0x1FEF, v1;
	v1 =	vmul.f32 $8.000000000e+00, v14  }
0x232: {  	v18 =	vmul.f32 $8.000000000e+00, v18;
	v19 =	vld.idx.msk [tilespmem:v19+s19+$0x0], $0xffff;
	[tilespmem:v13+s24+$0x0] =	vst.idx.msk $0xffff, v22  }
0x233: {  	v23 =	vadd.s32 s5, v33;
	v22 =	vld.idx.msk [tilespmem:v24+s19+$0x0], $0xffff;
	[tilespmem:v4+s24+$0x0] =	vst.idx.msk $0xffff, v1  }
0x234: {  	v62 =	vor.u32 $0x60, v50;
	v16 =	vmul.f32 $8.000000000e+00, v16;
	v15 =	vor.u32 v31, v42;
	[tilespmem:v6+s24+$0x0] =	vst.idx.msk $0xffff, v18  }
0x235: {  	v33 =	vand.u32 $0x68, v62;
	v55 =	vadd.s32 s18, v27;
	v12 =	vor.u32 $0x70, v44;
	v17 =	vld.idx.msk [tilespmem:v17+s19+$0x0], $0xffff  }
0x236: {  	v21 =	vmul.f32 $8.000000000e+00, v59;
	v63 =	vor.u32 v7, v56;
	v9 =	vor.u32 v9, v43;
	[tilespmem:v10+s24+$0x0] =	vst.idx.msk $0xffff, v16;
	v10 =	vld [tilespmem:$0x1FF10]  }
0x237: {  	v20 =	vand.u32 $0x178F, v55;
	v6 =	vmul.f32 $8.000000000e+00, v8;
	v8 =	vmul.f32 $8.000000000e+00, v11;
	v11 =	vld [tilespmem:$0x1FED0]  }
0x238: {  	v13 =	vor.u32 v52, v33  }
0x239: {  	v37 =	vmov v38;
	v4 =	vor.u32 v7, v2;
	v18 =	vand.u32 $0x1FCF, v23;
	[tilespmem:v15+s24+$0x0] =	vst.idx.msk $0xffff, v21  }
0x23a: {  	v38 =	vmov v39;
	v2 =	vor.u32 $0x40, v41;
	v1 =	vor.u32 $0x50, v37;
	v16 =	vld.idx.msk [tilespmem:v12+s23+$0x0], $0xffff  }
0x23b: {  	v50 =	vmov v46;
	v14 =	vld.idx.msk [tilespmem:v63+s19+$0x0], $0xffff;
	[tilespmem:v9+s24+$0x0] =	vst.idx.msk $0xffff, v6;
	v15 =	vor.u32 v10, v38;
	v10 =	vand.u32 $0x48, v2  }
0x23c: {  	v39 =	vmovc v40;
	v19 =	vmul.f32 $8.000000000e+00, v19;
	[tilespmem:v20+s24+$0x0] =	vst.idx.msk $0xffff, v8;
	v11 =	vadd.s32 s31, v11;
	v34 =	vor.u32 v49, v10  }
0x23d: {  	v40 =	vmovc v42;
	v42 =	vmovc v47;
	v47 =	vadd.s32 s25, v0;
	v22 =	vmul.f32 $8.000000000e+00, v22;
	v13 =	vld.idx.msk [tilespmem:v13+s23+$0x0], $0xffff;
	v35 =	vand.u32 $0x1FAF, v11  }
0x23e: {  	p1 =	sne.s32 s25, $0xF;
	v46 =	vmovc v41;
	v12 =	vshll.u32 v12, $0x7;
	v6 =	vor.u32 $0x30, v39;
	v8 =	vadd.s32 s18, v28;
	v10 =	vld.idx.msk [tilespmem:v4+s19+$0x0], $0xffff;
	[tilespmem:v18+s24+$0x0] =	vst.idx.msk $0xffff, v19  }
.Ltmp2:
0x23f: {  	v52 =	vmovc v51;
	v51 =	vmovc v49;
	v63 =	vshll.u32 v62, $0x7;
	v9 =	vand.u32 $0x1F8F, v8;
	v17 =	vmul.f32 $8.000000000e+00, v17;
	v58 =	vld.idx.msk [tilespmem:v1+s23+$0x0], $0xffff;
	(pc) =	sbr.rel @p1 .LBB2_3-.Ltmp2, $4  }
0x240: {  	v41 =	vmovc v45;
	v45 =	vmovc v48;
	v8 =	vor.u32 $0x10, v42;
	v4 =	vor.u32 $0x20, v48;
	[tilespmem:v15+s24+$0x0] =	vst.idx.msk $0xffff, v22;
	v15 =	vshll.u32 v16, $0x6;
	v16 =	vld [tilespmem:$0x1FE20]  }
0x241: {  	v49 =	vmovc v54;
	v11 =	vor.u32 v32, v40;
	v54 =	vand.u32 $0x7, v40;
	v48 =	vmovc v53;
	v53 =	vand.u32 $0xF, v47;
	v56 =	vld.idx.msk [tilespmem:v34+s23+$0x0], $0xffff  }
0x242: {  	v18 =	vand.u32 $0x28, v4;
	v60 =	vmul.f32 $8.000000000e+00, v14;
	[tilespmem:v35+s24+$0x0] =	vst.idx.msk $0xffff, v17;
	v17 =	vld [tilespmem:$0x1FE10];
	v55 =	vadd.s32 v12, v15  }
0x243: {  	s20 =	smov.u32 s25;
	s25 =	sadd.s32 $0x1, s25;
	v24 =	vmovc v36;
	v59 =	vor.u32 v54, v18;
	v61 =	vshll.u32 v13, $0x6;
	v57 =	vld.idx.msk [tilespmem:v6+s23+$0x0], $0xffff;
	v62 =	vor.u32 v0, v55  }
0x244: {  	_ =	sdelay $0x2  }
0x245: {  	v10 =	vmul.f32 $8.000000000e+00, v10  }
0x246: {  	[tilespmem:v11+s24+$0x0] =	vst.idx.msk $0xffff, v60;
	v12 =	vshll.u32 v58, $0x6;
	v1 =	vshll.u32 v1, $0x7  }
0x247: {  	v12 =	vadd.s32 v1, v12;
	v1 =	vld.idx.msk [tilespmem:v53+s23+$0x0], $0xffff;
	[tilespmem:v9+s24+$0x0] =	vst.idx.msk $0xffff, v10  }
0x248: {  	v11 =	vadd.s32 v63, v61;
	v61 =	vld [tilespmem:$0x1FF30];
	_ =	sdelay $0x2  }
0x249: {  	v2 =	vshll.u32 v2, $0x7;
	v18 =	vld.idx.msk [tilespmem:v62+s19+$0x0], $0xffff;
	v14 =	vor.u32 v0, v11;
	v9 =	vshll.u32 v56, $0x6  }
0x24a: {  	v21 =	vshll.u32 v53, $0x7;
	v9 =	vadd.s32 v2, v9;
	v1 =	vshll.u32 v1, $0x6  }
0x24b: {  	v2 =	vadd.s32 s17, v17;
	v21 =	vadd.s32 v21, v1;
	v1 =	vld [tilespmem:$0x1FFA0];
	v17 =	vor.u32 v61, v44;
	_ =	sdelay $0x1  }
0x24c: {  	v13 =	vld.idx.msk [tilespmem:v59+s23+$0x0], $0xffff  }
0x24d: {  	v18 =	vmul.f32 $8.000000000e+00, v18;
	v14 =	vld.idx.msk [tilespmem:v14+s19+$0x0], $0xffff  }
0x24e: {  	v10 =	vor.u32 v0, v12  }
0x24f: {  	v6 =	vshll.u32 v6, $0x7;
	v60 =	vld.idx.msk [tilespmem:v8+s23+$0x0], $0xffff;
	v2 =	vand.u32 $0x7EF, v2;
	v1 =	vadd.s32 s30, v1;
	[tilespmem:v17+s24+$0x0] =	vst.idx.msk $0xffff, v18  }
0x250: {  	v4 =	vshll.u32 v4, $0x7;
	v19 =	vshll.u32 v57, $0x6;
	v35 =	vand.u32 $0x7CF, v1;
	v1 =	vld [tilespmem:$0x1FEA0]  }
0x251: {  	v20 =	vor.u32 v0, v9;
	v6 =	vadd.s32 v6, v19;
	v13 =	vshll.u32 v13, $0x6  }
0x252: {  	v19 =	vor.u32 v0, v6;
	v4 =	vadd.s32 v4, v13;
	v14 =	vmul.f32 $8.000000000e+00, v14  }
0x253: {  	v10 =	vld.idx.msk [tilespmem:v10+s19+$0x0], $0xffff;
	v22 =	vor.u32 v0, v4  }
0x254: {  	v15 =	vadd.s32 s17, v16;
	v63 =	vor.u32 v3, v11;
	v34 =	vor.u32 v0, v21;
	v17 =	vld [tilespmem:$0x1FF20];
	[tilespmem:v2+s24+$0x0] =	vst.idx.msk $0xffff, v14  }
0x255: {  	v8 =	vshll.u32 v8, $0x7;
	v16 =	vshll.u32 v60, $0x6;
	v33 =	vadd.s32 s0, v1;
	v1 =	vld [tilespmem:$0x1FEE0]  }
0x256: {  	v24 =	vor.u32 v24, v37;
	v8 =	vadd.s32 v8, v16;
	v20 =	vld.idx.msk [tilespmem:v20+s19+$0x0], $0xffff  }
0x257: {  	v23 =	vor.u32 v0, v8;
	v19 =	vld.idx.msk [tilespmem:v19+s19+$0x0], $0xffff  }
0x258: {  	v62 =	vor.u32 v3, v55;
	v22 =	vld.idx.msk [tilespmem:v22+s19+$0x0], $0xffff  }
0x259: {  	v56 =	vor.u32 v3, v12;
	v10 =	vmul.f32 $8.000000000e+00, v10;
	v18 =	vld.idx.msk [tilespmem:v34+s19+$0x0], $0xffff  }
0x25a: {  	v16 =	vld.idx.msk [tilespmem:v63+s19+$0x0], $0xffff;
	v14 =	vor.u32 v1, v39  }
0x25b: {  	v63 =	vld [tilespmem:$0x1FF40];
	[tilespmem:v24+s24+$0x0] =	vst.idx.msk $0xffff, v10;
	v10 =	vand.u32 $0x7AF, v33  }
0x25c: {  	v15 =	vand.u32 $0xFEF, v15;
	v59 =	vor.u32 v3, v9;
	v20 =	vmul.f32 $8.000000000e+00, v20;
	v23 =	vld.idx.msk [tilespmem:v23+s19+$0x0], $0xffff  }
0x25d: {  	v58 =	vor.u32 v29, v42;
	v13 =	vld.idx.msk [tilespmem:v62+s19+$0x0], $0xffff;
	v19 =	vmul.f32 $8.000000000e+00, v19  }
0x25e: {  	v62 =	vor.u32 v5, v11;
	v22 =	vmul.f32 $8.000000000e+00, v22;
	[tilespmem:v35+s24+$0x0] =	vst.idx.msk $0xffff, v20;
	v24 =	vld.idx.msk [tilespmem:v56+s19+$0x0], $0xffff  }
0x25f: {  	v34 =	vld [tilespmem:$0x1FFE0];
	v16 =	vmul.f32 $8.000000000e+00, v16;
	[tilespmem:v14+s24+$0x0] =	vst.idx.msk $0xffff, v19  }
0x260: {  	v35 =	vld [tilespmem:$0x1FF80];
	[tilespmem:v10+s24+$0x0] =	vst.idx.msk $0xffff, v22  }
0x261: {  	v59 =	vld.idx.msk [tilespmem:v59+s19+$0x0], $0xffff;
	v22 =	vmul.f32 $8.000000000e+00, v23;
	[tilespmem:v15+s24+$0x0] =	vst.idx.msk $0xffff, v16  }
0x262: {  	v61 =	vor.u32 v3, v6;
	v16 =	vld [tilespmem:$0x1FFB0]  }
0x263: {  	v56 =	vor.u32 v3, v4;
	[tilespmem:v58+s24+$0x0] =	vst.idx.msk $0xffff, v22;
	v22 =	vld.idx.msk [tilespmem:v62+s19+$0x0], $0xffff  }
0x264: {  	v33 =	vld [tilespmem:$0x1FEF0]  }
0x265: {  	v60 =	vadd.s32 s20, v25;
	v20 =	vor.u32 v3, v8;
	v57 =	vor.u32 v34, v37;
	v62 =	vld [tilespmem:$0x1FEB0]  }
0x266: {  	v14 =	vand.u32 $0x78F, v60;
	v34 =	vadd.s32 s30, v35  }
0x267: {  	v61 =	vld.idx.msk [tilespmem:v61+s19+$0x0], $0xffff;
	v23 =	vand.u32 $0xFCF, v34  }
0x268: {  	v24 =	vmul.f32 $8.000000000e+00, v24;
	v19 =	vor.u32 v5, v12;
	v56 =	vld.idx.msk [tilespmem:v56+s19+$0x0], $0xffff;
	v16 =	vadd.s32 s17, v16  }
0x269: {  	v18 =	vmul.f32 $8.000000000e+00, v18;
	v10 =	vor.u32 v3, v21;
	v60 =	vld [tilespmem:$0x1FF70];
	v16 =	vand.u32 $0x17EF, v16  }
0x26a: {  	v20 =	vld.idx.msk [tilespmem:v20+s19+$0x0], $0xffff;
	[tilespmem:v57+s24+$0x0] =	vst.idx.msk $0xffff, v24;
	v34 =	vmul.f32 $8.000000000e+00, v59;
	v58 =	vor.u32 v33, v39;
	v33 =	vadd.s32 s0, v62  }
0x26b: {  	v15 =	vor.u32 v5, v9;
	[tilespmem:v14+s24+$0x0] =	vst.idx.msk $0xffff, v18;
	v14 =	vand.u32 $0xFAF, v33  }
0x26c: {  	v22 =	vmul.f32 $8.000000000e+00, v22;
	[tilespmem:v23+s24+$0x0] =	vst.idx.msk $0xffff, v34;
	v23 =	vor.u32 v30, v42  }
0x26d: {  	v18 =	vld.idx.msk [tilespmem:v19+s19+$0x0], $0xffff;
	v61 =	vmul.f32 $8.000000000e+00, v61  }
0x26e: {  	v56 =	vmul.f32 $8.000000000e+00, v56;
	v62 =	vld [tilespmem:$0x1FFD0];
	[tilespmem:v16+s24+$0x0] =	vst.idx.msk $0xffff, v22  }
0x26f: {  	v10 =	vld.idx.msk [tilespmem:v10+s19+$0x0], $0xffff;
	v20 =	vmul.f32 $8.000000000e+00, v20;
	[tilespmem:v58+s24+$0x0] =	vst.idx.msk $0xffff, v61  }
0x270: {  	v11 =	vor.u32 v7, v11;
	v15 =	vld.idx.msk [tilespmem:v15+s19+$0x0], $0xffff;
	[tilespmem:v14+s24+$0x0] =	vst.idx.msk $0xffff, v56  }
0x271: {  	v24 =	vor.u32 v5, v6;
	v22 =	vld [tilespmem:$0x1FF90];
	[tilespmem:v23+s24+$0x0] =	vst.idx.msk $0xffff, v20  }
0x272: {  	v19 =	vadd.s32 s20, v26;
	v59 =	vor.u32 v5, v4;
	v58 =	vld [tilespmem:$0x1FEC0]  }
0x273: {  	v57 =	vor.u32 v5, v8;
	v19 =	vand.u32 $0xF8F, v19;
	v61 =	vld [tilespmem:$0x1FF00]  }
0x274: {  	v60 =	vadd.s32 s30, v60;
	v33 =	vor.u32 v62, v37  }
0x275: {  	v34 =	vand.u32 $0x17CF, v60;
	v11 =	vld.idx.msk [tilespmem:v11+s19+$0x0], $0xffff  }
0x276: {  	v17 =	vadd.s32 s17, v17;
	v10 =	vmul.f32 $8.000000000e+00, v10;
	v14 =	vld.idx.msk [tilespmem:v24+s19+$0x0], $0xffff  }
0x277: {  	v17 =	vand.u32 $0x1FEF, v17;
	v18 =	vmul.f32 $8.000000000e+00, v18;
	v24 =	vor.u32 v5, v21;
	v16 =	vld.idx.msk [tilespmem:v59+s19+$0x0], $0xffff  }
0x278: {  	v57 =	vld.idx.msk [tilespmem:v57+s19+$0x0], $0xffff;
	v15 =	vmul.f32 $8.000000000e+00, v15;
	[tilespmem:v19+s24+$0x0] =	vst.idx.msk $0xffff, v10;
	v20 =	vadd.s32 s0, v58;
	v23 =	vor.u32 v61, v39  }
0x279: {  	v12 =	vor.u32 v7, v12;
	[tilespmem:v33+s24+$0x0] =	vst.idx.msk $0xffff, v18;
	v10 =	vand.u32 $0x17AF, v20  }
0x27a: {  	v9 =	vor.u32 v7, v9;
	v11 =	vmul.f32 $8.000000000e+00, v11;
	v19 =	vld [tilespmem:$0x1FFC0];
	[tilespmem:v34+s24+$0x0] =	vst.idx.msk $0xffff, v15;
	v34 =	vor.u32 v31, v42  }
0x27b: {  	v14 =	vmul.f32 $8.000000000e+00, v14  }
0x27c: {  	v16 =	vmul.f32 $8.000000000e+00, v16;
	[tilespmem:v17+s24+$0x0] =	vst.idx.msk $0xffff, v11  }
0x27d: {  	v24 =	vld.idx.msk [tilespmem:v24+s19+$0x0], $0xffff;
	[tilespmem:v23+s24+$0x0] =	vst.idx.msk $0xffff, v14;
	v23 =	vmul.f32 $8.000000000e+00, v57  }
0x27e: {  	v12 =	vld.idx.msk [tilespmem:v12+s19+$0x0], $0xffff;
	[tilespmem:v10+s24+$0x0] =	vst.idx.msk $0xffff, v16  }
0x27f: {  	v6 =	vor.u32 v7, v6;
	v9 =	vld.idx.msk [tilespmem:v9+s19+$0x0], $0xffff;
	[tilespmem:v34+s24+$0x0] =	vst.idx.msk $0xffff, v23  }
0x280: {  	v4 =	vor.u32 v7, v4;
	v33 =	vadd.s32 s20, v27;
	v15 =	vld [tilespmem:$0x1FF10]  }
0x281: {  	v8 =	vor.u32 v7, v8;
	v20 =	vor.u32 $0x70, v43;
	v18 =	vand.u32 $0x178F, v33;
	v62 =	vld [tilespmem:$0x1FED0]  }
0x282: {  	v56 =	vor.u32 $0x60, v50;
	v22 =	vadd.s32 s30, v22;
	v19 =	vor.u32 v19, v37  }
0x283: {  	v21 =	vor.u32 v7, v21;
	v50 =	vand.u32 $0x68, v56;
	v10 =	vand.u32 $0x1FCF, v22  }
0x284: {  	v11 =	vmul.f32 $8.000000000e+00, v24;
	v14 =	vor.u32 v52, v50;
	v6 =	vld.idx.msk [tilespmem:v6+s19+$0x0], $0xffff  }
0x285: {  	v1 =	vor.u32 v63, v44;
	v12 =	vmul.f32 $8.000000000e+00, v12;
	v4 =	vld.idx.msk [tilespmem:v4+s19+$0x0], $0xffff  }
0x286: {  	v23 =	vld.idx.msk [tilespmem:v20+s23+$0x0], $0xffff;
	v9 =	vmul.f32 $8.000000000e+00, v9;
	[tilespmem:v18+s24+$0x0] =	vst.idx.msk $0xffff, v11;
	v15 =	vor.u32 v15, v39;
	v24 =	vadd.s32 s0, v62  }
0x287: {  	v8 =	vld.idx.msk [tilespmem:v8+s19+$0x0], $0xffff;
	[tilespmem:v19+s24+$0x0] =	vst.idx.msk $0xffff, v12;
	v57 =	vand.u32 $0x1FAF, v24  }
0x288: {  	v13 =	vmul.f32 $8.000000000e+00, v13;
	v59 =	vld.idx.msk [tilespmem:v21+s19+$0x0], $0xffff;
	v21 =	vand.u32 $0x7, v42;
	[tilespmem:v10+s24+$0x0] =	vst.idx.msk $0xffff, v9  }
0x289: {  	v6 =	vmul.f32 $8.000000000e+00, v6;
	v11 =	vld.idx.msk [tilespmem:v14+s23+$0x0], $0xffff;
	[tilespmem:$0x1FDC0] =	vst v21  }
0x28a: {  	v22 =	vor.u32 $0x50, v38;
	v4 =	vmul.f32 $8.000000000e+00, v4;
	[tilespmem:v1+s24+$0x0] =	vst.idx.msk $0xffff, v13  }
0x28b: {  	v2 =	vor.u32 v5, v55;
	v16 =	vor.u32 $0x40, v41;
	[tilespmem:v15+s24+$0x0] =	vst.idx.msk $0xffff, v6  }
0x28c: {  	v52 =	vand.u32 $0x48, v16;
	[tilespmem:v57+s24+$0x0] =	vst.idx.msk $0xffff, v4  }
0x28d: {  	v17 =	vor.u32 v49, v52;
	v14 =	vor.u32 $0x20, v48;
	v33 =	vld [tilespmem:$0x1FF50]  }
0x28e: {  	v9 =	vor.u32 v32, v42;
	v10 =	vand.u32 $0x28, v14;
	v1 =	vadd.s32 s20, v28  }
0x28f: {  	v60 =	vld.idx.msk [tilespmem:v22+s23+$0x0], $0xffff;
	v10 =	vor.u32 v21, v10;
	v1 =	vand.u32 $0x1F8F, v1  }
0x290: {  	v34 =	vshll.u32 v20, $0x7;
	v2 =	vld.idx.msk [tilespmem:v2+s19+$0x0], $0xffff;
	v6 =	vshll.u32 v23, $0x6  }
0x291: {  	v8 =	vmul.f32 $8.000000000e+00, v8;
	v4 =	vadd.s32 v34, v6  }
0x292: {  	v19 =	vmul.f32 $8.000000000e+00, v59;
	v17 =	vld.idx.msk [tilespmem:v17+s23+$0x0], $0xffff;
	v21 =	vor.u32 v0, v4;
	v6 =	vor.u32 v33, v44  }
0x293: {  	v18 =	vor.u32 $0x30, v40;
	v11 =	vshll.u32 v11, $0x6;
	v23 =	vshll.u32 v56, $0x7;
	[tilespmem:v9+s24+$0x0] =	vst.idx.msk $0xffff, v8  }
0x294: {  	v8 =	vadd.s32 v23, v11;
	v11 =	vshll.u32 v22, $0x7;
	[tilespmem:v1+s24+$0x0] =	vst.idx.msk $0xffff, v19;
	v9 =	vld.idx.msk [tilespmem:v10+s23+$0x0], $0xffff;
	v10 =	vshll.u32 v60, $0x6  }
0x295: {  	v20 =	vor.u32 $0x10, v47;
	v2 =	vmul.f32 $8.000000000e+00, v2;
	v19 =	vld [tilespmem:$0x1FF30];
	v1 =	vadd.s32 v11, v10  }
0x296: {  	v50 =	vor.u32 v7, v55;
	v56 =	vor.u32 v0, v1  }
0x297: {  	v16 =	vshll.u32 v16, $0x7;
	v55 =	vor.u32 v0, v8;
	v11 =	vshll.u32 v17, $0x6;
	v57 =	vld.idx.msk [tilespmem:v21+s19+$0x0], $0xffff;
	[tilespmem:v6+s24+$0x0] =	vst.idx.msk $0xffff, v2  }
0x298: {  	v11 =	vadd.s32 v16, v11;
	v59 =	vld [tilespmem:$0x1FE10]  }
0x299: {  	v52 =	vld.idx.msk [tilespmem:v18+s23+$0x0], $0xffff;
	v21 =	vor.u32 v0, v11  }
0x29a: {  	v10 =	vld.idx.msk [tilespmem:v20+s23+$0x0], $0xffff;
	v19 =	vor.u32 v19, v43  }
0x29b: {  	v17 =	vld.idx.msk [tilespmem:v56+s19+$0x0], $0xffff  }
0x29c: {  	v14 =	vshll.u32 v14, $0x7;
	v2 =	vld.idx.msk [tilespmem:v55+s19+$0x0], $0xffff  }
0x29d: {  	v9 =	vshll.u32 v9, $0x6;
	v16 =	vmul.f32 $8.000000000e+00, v57;
	v34 =	vld.idx.msk [tilespmem:v50+s19+$0x0], $0xffff;
	v60 =	vadd.s32 s5, v59  }
0x29e: {  	v6 =	vadd.s32 v14, v9;
	v14 =	vld.idx.msk [tilespmem:v21+s19+$0x0], $0xffff;
	v13 =	vand.u32 $0x7EF, v60  }
0x29f: {  	v18 =	vshll.u32 v18, $0x7;
	v15 =	vshll.u32 v52, $0x6;
	v60 =	vld [tilespmem:$0x1FF60];
	[tilespmem:v19+s24+$0x0] =	vst.idx.msk $0xffff, v16  }
0x2a0: {  	v15 =	vadd.s32 v18, v15;
	v9 =	vor.u32 v3, v4;
	v52 =	vld [tilespmem:$0x1FFF0]  }
0x2a1: {  	v18 =	vor.u32 v0, v15;
	v2 =	vmul.f32 $8.000000000e+00, v2;
	v55 =	vld [tilespmem:$0x1FFA0]  }
0x2a2: {  	v21 =	vor.u32 v3, v8;
	v57 =	vld [tilespmem:$0x1FE20]  }
0x2a3: {  	v10 =	vshll.u32 v10, $0x6;
	v50 =	vshll.u32 v20, $0x7;
	v20 =	vor.u32 v0, v6;
	v22 =	vld [tilespmem:$0x1FEA0];
	[tilespmem:v13+s24+$0x0] =	vst.idx.msk $0xffff, v2  }
0x2a4: {  	v10 =	vadd.s32 v50, v10;
	v50 =	vld [tilespmem:$0x1FEE0]  }
0x2a5: {  	v9 =	vld.idx.msk [tilespmem:v9+s19+$0x0], $0xffff  }
0x2a6: {  	v18 =	vld.idx.msk [tilespmem:v18+s19+$0x0], $0xffff;
	v23 =	vor.u32 v0, v10;
	v16 =	vor.u32 v52, v38  }
0x2a7: {  	v13 =	vmul.f32 $8.000000000e+00, v17;
	v56 =	vadd.s32 s31, v55;
	v17 =	vld.idx.msk [tilespmem:v21+s19+$0x0], $0xffff;
	v21 =	vor.u32 v63, v43  }
0x2a8: {  	v20 =	vld.idx.msk [tilespmem:v20+s19+$0x0], $0xffff;
	v59 =	vor.u32 v60, v44;
	v44 =	vor.u32 v3, v1;
	v19 =	vand.u32 $0x7CF, v56  }
0x2a9: {  	v52 =	vadd.s32 s18, v22;
	v55 =	vor.u32 v3, v11;
	v2 =	vor.u32 v50, v40  }
0x2aa: {  	v9 =	vmul.f32 $8.000000000e+00, v9;
	v52 =	vand.u32 $0x7AF, v52  }
0x2ab: {  	v14 =	vmul.f32 $8.000000000e+00, v14;
	v63 =	vor.u32 v3, v6;
	[tilespmem:v16+s24+$0x0] =	vst.idx.msk $0xffff, v13  }
0x2ac: {  	v18 =	vmul.f32 $8.000000000e+00, v18;
	v23 =	vld.idx.msk [tilespmem:v23+s19+$0x0], $0xffff;
	v24 =	vadd.s32 s5, v57;
	v56 =	vor.u32 v3, v15;
	[tilespmem:v21+s24+$0x0] =	vst.idx.msk $0xffff, v9  }
0x2ad: {  	v13 =	vor.u32 v33, v43;
	v33 =	vmul.f32 $8.000000000e+00, v20;
	v44 =	vld.idx.msk [tilespmem:v44+s19+$0x0], $0xffff;
	[tilespmem:v19+s24+$0x0] =	vst.idx.msk $0xffff, v14;
	v14 =	vand.u32 $0xFEF, v24  }
0x2ae: {  	v19 =	vor.u32 v29, v47;
	v55 =	vld.idx.msk [tilespmem:v55+s19+$0x0], $0xffff;
	[tilespmem:v2+s24+$0x0] =	vst.idx.msk $0xffff, v18  }
0x2af: {  	v9 =	vld [tilespmem:$0x1FFE0];
	[tilespmem:v52+s24+$0x0] =	vst.idx.msk $0xffff, v33  }
0x2b0: {  	v57 =	vor.u32 v5, v4;
	v17 =	vmul.f32 $8.000000000e+00, v17;
	v16 =	vld.idx.msk [tilespmem:v63+s19+$0x0], $0xffff  }
0x2b1: {  	v23 =	vmul.f32 $8.000000000e+00, v23;
	v63 =	vld [tilespmem:$0x1FEF0]  }
0x2b2: {  	v21 =	vld.idx.msk [tilespmem:v56+s19+$0x0], $0xffff;
	[tilespmem:v14+s24+$0x0] =	vst.idx.msk $0xffff, v17  }
0x2b3: {  	v24 =	vadd.s32 s31, v35;
	v12 =	vld [tilespmem:$0x1FEB0];
	[tilespmem:v19+s24+$0x0] =	vst.idx.msk $0xffff, v23  }
0x2b4: {  	v20 =	vor.u32 v3, v10;
	v18 =	vand.u32 $0xFCF, v24;
	v23 =	vld [tilespmem:$0x1FFB0]  }
0x2b5: {  	v2 =	vor.u32 v5, v8;
	v24 =	vld.idx.msk [tilespmem:v57+s19+$0x0], $0xffff;
	v9 =	vor.u32 v9, v38  }
0x2b6: {  	v56 =	vor.u32 v5, v1;
	v57 =	vor.u32 v63, v40  }
0x2b7: {  	v33 =	vmul.f32 $8.000000000e+00, v55  }
0x2b8: {  	v44 =	vmul.f32 $8.000000000e+00, v44  }
0x2b9: {  	v20 =	vld.idx.msk [tilespmem:v20+s19+$0x0], $0xffff;
	[tilespmem:v18+s24+$0x0] =	vst.idx.msk $0xffff, v33;
	v21 =	vmul.f32 $8.000000000e+00, v21;
	v23 =	vadd.s32 s5, v23  }
0x2ba: {  	v2 =	vld.idx.msk [tilespmem:v2+s19+$0x0], $0xffff;
	v18 =	vand.u32 $0x17EF, v23;
	v23 =	vmul.f32 $8.000000000e+00, v24;
	[tilespmem:v9+s24+$0x0] =	vst.idx.msk $0xffff, v44  }
0x2bb: {  	v44 =	vld.idx.msk [tilespmem:v56+s19+$0x0], $0xffff;
	[tilespmem:v57+s24+$0x0] =	vst.idx.msk $0xffff, v21  }
0x2bc: {  	v52 =	vor.u32 v5, v11;
	v35 =	vadd.s32 s18, v12;
	v55 =	vld [tilespmem:$0x1FFD0];
	[tilespmem:v13+s24+$0x0] =	vst.idx.msk $0xffff, v23  }
0x2bd: {  	v17 =	vor.u32 v5, v15;
	v14 =	vand.u32 $0xFAF, v35;
	v56 =	vld [tilespmem:$0x1FF70]  }
0x2be: {  	v9 =	vor.u32 v5, v6  }
0x2bf: {  	v19 =	vor.u32 v30, v47  }
0x2c0: {  	v33 =	vmul.f32 $8.000000000e+00, v34;
	v16 =	vmul.f32 $8.000000000e+00, v16  }
0x2c1: {  	v24 =	vld.idx.msk [tilespmem:v52+s19+$0x0], $0xffff;
	v2 =	vmul.f32 $8.000000000e+00, v2;
	v21 =	vor.u32 v5, v10;
	v34 =	vor.u32 v55, v38  }
0x2c2: {  	v17 =	vld.idx.msk [tilespmem:v17+s19+$0x0], $0xffff;
	[tilespmem:v14+s24+$0x0] =	vst.idx.msk $0xffff, v16;
	v14 =	vor.u32 v60, v43;
	v43 =	vmul.f32 $8.000000000e+00, v20;
	v35 =	vadd.s32 s31, v56  }
0x2c3: {  	v4 =	vor.u32 v7, v4;
	[tilespmem:v18+s24+$0x0] =	vst.idx.msk $0xffff, v2;
	v9 =	vld.idx.msk [tilespmem:v9+s19+$0x0], $0xffff;
	v13 =	vand.u32 $0x17CF, v35  }
0x2c4: {  	v8 =	vor.u32 v7, v8;
	v57 =	vld [tilespmem:$0x1FF20];
	[tilespmem:v19+s24+$0x0] =	vst.idx.msk $0xffff, v43;
	v20 =	vmul.f32 $8.000000000e+00, v44  }
0x2c5: {  	v1 =	vor.u32 v7, v1;
	v18 =	vor.u32 v61, v40;
	v43 =	vld [tilespmem:$0x1FF90]  }
0x2c6: {  	v11 =	vor.u32 v7, v11;
	v2 =	vadd.s32 s18, v58;
	v19 =	vld.idx.msk [tilespmem:v21+s19+$0x0], $0xffff;
	v21 =	vmul.f32 $8.000000000e+00, v24;
	[tilespmem:v34+s24+$0x0] =	vst.idx.msk $0xffff, v20  }
0x2c7: {  	v20 =	vand.u32 $0x17AF, v2;
	v2 =	vld [tilespmem:$0x1FFC0]  }
0x2c8: {  	v4 =	vld.idx.msk [tilespmem:v4+s19+$0x0], $0xffff;
	v17 =	vmul.f32 $8.000000000e+00, v17;
	[tilespmem:v13+s24+$0x0] =	vst.idx.msk $0xffff, v21;
	v13 =	vor.u32 v31, v47  }
0x2c9: {  	v8 =	vld.idx.msk [tilespmem:v8+s19+$0x0], $0xffff  }
0x2ca: {  	v10 =	vor.u32 v7, v10;
	v23 =	vadd.s32 s5, v57;
	v9 =	vmul.f32 $8.000000000e+00, v9;
	v1 =	vld.idx.msk [tilespmem:v1+s19+$0x0], $0xffff;
	[tilespmem:v18+s24+$0x0] =	vst.idx.msk $0xffff, v17  }
0x2cb: {  	v19 =	vmul.f32 $8.000000000e+00, v19;
	v34 =	vand.u32 $0x1FEF, v23;
	[tilespmem:v59+s24+$0x0] =	vst.idx.msk $0xffff, v33;
	v11 =	vld.idx.msk [tilespmem:v11+s19+$0x0], $0xffff  }
0x2cc: {  	v16 =	vadd.s32 s31, v43;
	[tilespmem:v20+s24+$0x0] =	vst.idx.msk $0xffff, v9;
	v24 =	vor.u32 v2, v38  }
0x2cd: {  	v44 =	vor.u32 $0x60, v46;
	v4 =	vmul.f32 $8.000000000e+00, v4;
	v9 =	vand.u32 $0x1FCF, v16;
	[tilespmem:v13+s24+$0x0] =	vst.idx.msk $0xffff, v19  }
0x2ce: {  	v52 =	vand.u32 $0x68, v44;
	v8 =	vmul.f32 $8.000000000e+00, v8;
	v21 =	vld [tilespmem:$0x1FF10]  }
0x2cf: {  	v17 =	vor.u32 v51, v52;
	v51 =	vadd.s32 s18, v62;
	v1 =	vmul.f32 $8.000000000e+00, v1;
	[tilespmem:v14+s24+$0x0] =	vst.idx.msk $0xffff, v4;
	v4 =	vld.idx.msk [tilespmem:v10+s19+$0x0], $0xffff  }
0x2d0: {  	v59 =	vor.u32 v32, v47;
	v11 =	vmul.f32 $8.000000000e+00, v11;
	[tilespmem:v34+s24+$0x0] =	vst.idx.msk $0xffff, v8;
	v8 =	vor.u32 $0x20, v53  }
0x2d1: {  	v14 =	vand.u32 $0x1FAF, v51;
	v51 =	vand.u32 $0x7, v47;
	[tilespmem:v24+s24+$0x0] =	vst.idx.msk $0xffff, v1;
	v1 =	vand.u32 $0x28, v8  }
0x2d2: {  	[tilespmem:v9+s24+$0x0] =	vst.idx.msk $0xffff, v11;
	v9 =	vor.u32 v51, v1;
	_ =	sdelay $0x1  }
0x2d3: {  	v4 =	vmul.f32 $8.000000000e+00, v4;
	_ =	sdelay $0x1  }
0x2d4: {  	[tilespmem:v59+s24+$0x0] =	vst.idx.msk $0xffff, v4  }
0x2d5: {  	v4 =	vld.idx.msk [tilespmem:v9+s23+$0x0], $0xffff;
	_ =	sdelay $0x4  }
0x2d6: {  	v8 =	vshll.u32 v8, $0x7;
	v4 =	vshll.u32 v4, $0x6  }
0x2d7: {  	v4 =	vadd.s32 v8, v4  }
0x2d8: {  	v8 =	vor.u32 v0, v4;
	_ =	sdelay $0x4  }
0x2d9: {  	v8 =	vld.idx.msk [tilespmem:v8+s19+$0x0], $0xffff  }
0x2da: {  	v9 =	vadd.s32 s20, v22  }
0x2db: {  	v9 =	vand.u32 $0x7AF, v9  }
0x2dc: {  	v11 =	vor.u32 v3, v4;
	_ =	sdelay $0x1  }
0x2dd: {  	v8 =	vmul.f32 $8.000000000e+00, v8;
	_ =	sdelay $0x1  }
0x2de: {  	[tilespmem:v9+s24+$0x0] =	vst.idx.msk $0xffff, v8  }
0x2df: {  	v8 =	vld.idx.msk [tilespmem:v11+s19+$0x0], $0xffff  }
0x2e0: {  	v9 =	vadd.s32 s20, v12  }
0x2e1: {  	v9 =	vand.u32 $0xFAF, v9  }
0x2e2: {  	v11 =	vor.u32 v5, v4;
	_ =	sdelay $0x1  }
0x2e3: {  	v8 =	vmul.f32 $8.000000000e+00, v8;
	_ =	sdelay $0x1  }
0x2e4: {  	[tilespmem:v9+s24+$0x0] =	vst.idx.msk $0xffff, v8  }
0x2e5: {  	v8 =	vld.idx.msk [tilespmem:v11+s19+$0x0], $0xffff  }
0x2e6: {  	v9 =	vadd.s32 s20, v58  }
0x2e7: {  	v6 =	vor.u32 v7, v6;
	v9 =	vand.u32 $0x17AF, v9  }
0x2e8: {  	v4 =	vor.u32 v7, v4;
	_ =	sdelay $0x1  }
0x2e9: {  	v8 =	vmul.f32 $8.000000000e+00, v8;
	_ =	sdelay $0x1  }
0x2ea: {  	v6 =	vld.idx.msk [tilespmem:v6+s19+$0x0], $0xffff;
	[tilespmem:v9+s24+$0x0] =	vst.idx.msk $0xffff, v8  }
0x2eb: {  	v4 =	vld.idx.msk [tilespmem:v4+s19+$0x0], $0xffff  }
0x2ec: {  	v8 =	vadd.s32 s20, v62  }
0x2ed: {  	v16 =	vor.u32 $0x30, v42;
	v8 =	vand.u32 $0x1FAF, v8  }
0x2ee: {  	v9 =	vor.u32 $0x30, v47  }
0x2ef: {  	v6 =	vmul.f32 $8.000000000e+00, v6  }
0x2f0: {  	v4 =	vmul.f32 $8.000000000e+00, v4  }
0x2f1: {  	[tilespmem:v14+s24+$0x0] =	vst.idx.msk $0xffff, v6  }
0x2f2: {  	v6 =	vld.idx.msk [tilespmem:v16+s23+$0x0], $0xffff;
	[tilespmem:v8+s24+$0x0] =	vst.idx.msk $0xffff, v4  }
0x2f3: {  	v4 =	vld.idx.msk [tilespmem:v9+s23+$0x0], $0xffff;
	_ =	sdelay $0x3  }
0x2f4: {  	v6 =	vshll.u32 v6, $0x6;
	v8 =	vshll.u32 v16, $0x7  }
0x2f5: {  	v6 =	vadd.s32 v8, v6;
	v8 =	vshll.u32 v9, $0x7;
	v4 =	vshll.u32 v4, $0x6  }
0x2f6: {  	v9 =	vor.u32 v0, v6;
	v4 =	vadd.s32 v8, v4  }
0x2f7: {  	v8 =	vor.u32 v0, v4;
	_ =	sdelay $0x1  }
0x2f8: {  	v35 =	vor.u32 $0x70, v37;
	_ =	sdelay $0x1  }
0x2f9: {  	v9 =	vld.idx.msk [tilespmem:v9+s19+$0x0], $0xffff  }
0x2fa: {  	v8 =	vld.idx.msk [tilespmem:v8+s19+$0x0], $0xffff  }
0x2fb: {  	v11 =	vor.u32 v50, v42  }
0x2fc: {  	v23 =	vmov v35;
	v34 =	vld.idx.msk [tilespmem:v35+s23+$0x0], $0xffff;
	v35 =	vor.u32 v50, v47;
	v33 =	vor.u32 v3, v6  }
0x2fd: {  	v59 =	vor.u32 v3, v4  }
0x2fe: {  	v9 =	vmul.f32 $8.000000000e+00, v9  }
0x2ff: {  	v8 =	vmul.f32 $8.000000000e+00, v8  }
0x300: {  	[tilespmem:v11+s24+$0x0] =	vst.idx.msk $0xffff, v9  }
0x301: {  	v9 =	vld.idx.msk [tilespmem:v33+s19+$0x0], $0xffff;
	[tilespmem:v35+s24+$0x0] =	vst.idx.msk $0xffff, v8  }
0x302: {  	v8 =	vld.idx.msk [tilespmem:v59+s19+$0x0], $0xffff  }
0x303: {  	v15 =	vor.u32 v7, v15;
	v11 =	vor.u32 v63, v42  }
0x304: {  	v62 =	vor.u32 v5, v6;
	v59 =	vmov v63;
	v63 =	vor.u32 v63, v47  }
0x305: {  	v18 =	vor.u32 v5, v4  }
0x306: {  	v9 =	vmul.f32 $8.000000000e+00, v9  }
0x307: {  	v8 =	vmul.f32 $8.000000000e+00, v8  }
0x308: {  	v15 =	vld.idx.msk [tilespmem:v15+s19+$0x0], $0xffff;
	[tilespmem:v11+s24+$0x0] =	vst.idx.msk $0xffff, v9  }
0x309: {  	v9 =	vld.idx.msk [tilespmem:v62+s19+$0x0], $0xffff;
	[tilespmem:v63+s24+$0x0] =	vst.idx.msk $0xffff, v8  }
0x30a: {  	v13 =	vor.u32 v21, v40;
	v8 =	vld.idx.msk [tilespmem:v18+s19+$0x0], $0xffff  }
0x30b: {  	v11 =	vor.u32 v61, v42  }
0x30c: {  	v19 =	vor.u32 v61, v47;
	v6 =	vor.u32 v7, v6  }
0x30d: {  	v15 =	vmul.f32 $8.000000000e+00, v15  }
0x30e: {  	v20 =	vor.u32 $0x40, v45;
	v4 =	vor.u32 v7, v4;
	v9 =	vmul.f32 $8.000000000e+00, v9  }
0x30f: {  	v46 =	vand.u32 $0x48, v20;
	[tilespmem:v13+s24+$0x0] =	vst.idx.msk $0xffff, v15;
	v8 =	vmul.f32 $8.000000000e+00, v8  }
0x310: {  	v10 =	vor.u32 v54, v46;
	[tilespmem:v11+s24+$0x0] =	vst.idx.msk $0xffff, v9  }
0x311: {  	v6 =	vld.idx.msk [tilespmem:v6+s19+$0x0], $0xffff;
	[tilespmem:v19+s24+$0x0] =	vst.idx.msk $0xffff, v8  }
0x312: {  	v22 =	vld [tilespmem:$0x1FDC0]  }
0x313: {  	v4 =	vld.idx.msk [tilespmem:v4+s19+$0x0], $0xffff  }
0x314: {  	v9 =	vor.u32 v21, v42  }
0x315: {  	v10 =	vld.idx.msk [tilespmem:v10+s23+$0x0], $0xffff;
	v35 =	vor.u32 v21, v47;
	v8 =	vor.u32 $0x40, v48  }
0x316: {  	v33 =	vor.u32 $0x40, v53;
	v11 =	vand.u32 $0x48, v8  }
0x317: {  	v61 =	vand.u32 $0x48, v33;
	v6 =	vmul.f32 $8.000000000e+00, v6;
	v11 =	vor.u32 v22, v11  }
0x318: {  	v15 =	vor.u32 v51, v61;
	v4 =	vmul.f32 $8.000000000e+00, v4  }
0x319: {  	[tilespmem:v9+s24+$0x0] =	vst.idx.msk $0xffff, v6  }
0x31a: {  	v9 =	vshll.u32 v20, $0x7;
	[tilespmem:v35+s24+$0x0] =	vst.idx.msk $0xffff, v4;
	v4 =	vshll.u32 v10, $0x6  }
0x31b: {  	v52 =	vor.u32 $0x50, v39;
	v4 =	vadd.s32 v9, v4  }
0x31c: {  	v9 =	vor.u32 v0, v4;
	v6 =	vld.idx.msk [tilespmem:v11+s23+$0x0], $0xffff  }
0x31d: {  	v10 =	vld.idx.msk [tilespmem:v15+s23+$0x0], $0xffff;
	_ =	sdelay $0x1  }
0x31e: {  	v46 =	vld.idx.msk [tilespmem:v17+s23+$0x0], $0xffff  }
0x31f: {  	v1 =	vld.idx.msk [tilespmem:v52+s23+$0x0], $0xffff  }
0x320: {  	v8 =	vshll.u32 v8, $0x7;
	v9 =	vld.idx.msk [tilespmem:v9+s19+$0x0], $0xffff;
	v6 =	vshll.u32 v6, $0x6  }
0x321: {  	v6 =	vadd.s32 v8, v6;
	v8 =	vshll.u32 v10, $0x6;
	v10 =	vshll.u32 v33, $0x7;
	v33 =	vld [tilespmem:$0x1FFA0];
	_ =	sdelay $0x4  }
0x322: {  	v62 =	vadd.s32 s0, v33  }
0x323: {  	v12 =	vand.u32 $0x7CF, v62;
	_ =	sdelay $0x1  }
0x324: {  	v11 =	vor.u32 v0, v6;
	v8 =	vadd.s32 v10, v8  }
0x325: {  	v10 =	vor.u32 v0, v8;
	v9 =	vmul.f32 $8.000000000e+00, v9;
	_ =	sdelay $0x1  }
0x326: {  	v63 =	vor.u32 v3, v4;
	[tilespmem:v12+s24+$0x0] =	vst.idx.msk $0xffff, v9  }
0x327: {  	v61 =	vld [tilespmem:$0x1FF80]  }
0x328: {  	v11 =	vld.idx.msk [tilespmem:v11+s19+$0x0], $0xffff  }
0x329: {  	v18 =	vadd.s32 s18, v33;
	v10 =	vld.idx.msk [tilespmem:v10+s19+$0x0], $0xffff  }
0x32a: {  	v19 =	vadd.s32 s20, v33;
	v14 =	vand.u32 $0x7CF, v18  }
0x32b: {  	v9 =	vor.u32 v3, v6;
	v12 =	vand.u32 $0x7CF, v19;
	v13 =	vld.idx.msk [tilespmem:v63+s19+$0x0], $0xffff  }
0x32c: {  	v35 =	vor.u32 v3, v8;
	v62 =	vadd.s32 s0, v61  }
0x32d: {  	v11 =	vmul.f32 $8.000000000e+00, v11;
	v16 =	vand.u32 $0xFCF, v62  }
0x32e: {  	v10 =	vmul.f32 $8.000000000e+00, v10;
	v63 =	vor.u32 v5, v4  }
0x32f: {  	[tilespmem:v14+s24+$0x0] =	vst.idx.msk $0xffff, v11  }
0x330: {  	v9 =	vld.idx.msk [tilespmem:v9+s19+$0x0], $0xffff;
	[tilespmem:v12+s24+$0x0] =	vst.idx.msk $0xffff, v10;
	v10 =	vmul.f32 $8.000000000e+00, v13  }
0x331: {  	v11 =	vadd.s32 s18, v61;
	v12 =	vld.idx.msk [tilespmem:v35+s19+$0x0], $0xffff  }
0x332: {  	v35 =	vadd.s32 s20, v61;
	v11 =	vand.u32 $0xFCF, v11;
	[tilespmem:v16+s24+$0x0] =	vst.idx.msk $0xffff, v10  }
0x333: {  	v13 =	vand.u32 $0xFCF, v35;
	v10 =	vor.u32 v5, v6;
	v61 =	vld.idx.msk [tilespmem:v63+s19+$0x0], $0xffff  }
0x334: {  	v62 =	vor.u32 v5, v8;
	v63 =	vadd.s32 s0, v56  }
0x335: {  	v9 =	vmul.f32 $8.000000000e+00, v9;
	v16 =	vand.u32 $0x17CF, v63  }
0x336: {  	v4 =	vor.u32 v7, v4;
	v12 =	vmul.f32 $8.000000000e+00, v12  }
0x337: {  	[tilespmem:v11+s24+$0x0] =	vst.idx.msk $0xffff, v9  }
0x338: {  	[tilespmem:v13+s24+$0x0] =	vst.idx.msk $0xffff, v12;
	v9 =	vld.idx.msk [tilespmem:v10+s19+$0x0], $0xffff;
	v10 =	vmul.f32 $8.000000000e+00, v61  }
0x339: {  	v11 =	vadd.s32 s18, v56;
	v12 =	vld.idx.msk [tilespmem:v62+s19+$0x0], $0xffff  }
0x33a: {  	v19 =	vadd.s32 s20, v56;
	v11 =	vand.u32 $0x17CF, v11;
	[tilespmem:v16+s24+$0x0] =	vst.idx.msk $0xffff, v10  }
0x33b: {  	v6 =	vor.u32 v7, v6;
	v10 =	vand.u32 $0x17CF, v19;
	v4 =	vld.idx.msk [tilespmem:v4+s19+$0x0], $0xffff  }
0x33c: {  	v8 =	vor.u32 v7, v8;
	v35 =	vmov v56;
	v56 =	vadd.s32 s0, v43  }
0x33d: {  	v13 =	vand.u32 $0x1FCF, v56;
	v9 =	vmul.f32 $8.000000000e+00, v9  }
0x33e: {  	v61 =	vor.u32 $0x50, v40;
	v12 =	vmul.f32 $8.000000000e+00, v12  }
0x33f: {  	[tilespmem:v11+s24+$0x0] =	vst.idx.msk $0xffff, v9  }
0x340: {  	v6 =	vld.idx.msk [tilespmem:v6+s19+$0x0], $0xffff;
	[tilespmem:v10+s24+$0x0] =	vst.idx.msk $0xffff, v12;
	v4 =	vmul.f32 $8.000000000e+00, v4  }
0x341: {  	v9 =	vadd.s32 s18, v43;
	v8 =	vld.idx.msk [tilespmem:v8+s19+$0x0], $0xffff  }
0x342: {  	v9 =	vand.u32 $0x1FCF, v9;
	v10 =	vadd.s32 s20, v43;
	[tilespmem:v13+s24+$0x0] =	vst.idx.msk $0xffff, v4  }
0x343: {  	v10 =	vand.u32 $0x1FCF, v10;
	v11 =	vld.idx.msk [tilespmem:v61+s23+$0x0], $0xffff  }
0x344: {  	v4 =	vor.u32 $0x50, v42  }
0x345: {  	v62 =	vor.u32 $0x50, v47;
	v6 =	vmul.f32 $8.000000000e+00, v6  }
0x346: {  	v8 =	vmul.f32 $8.000000000e+00, v8  }
0x347: {  	v1 =	vshll.u32 v1, $0x6;
	[tilespmem:v9+s24+$0x0] =	vst.idx.msk $0xffff, v6;
	v6 =	vshll.u32 v52, $0x7  }
0x348: {  	[tilespmem:v10+s24+$0x0] =	vst.idx.msk $0xffff, v8;
	v1 =	vadd.s32 v6, v1;
	v8 =	vshll.u32 v61, $0x7;
	v6 =	vshll.u32 v11, $0x6  }
0x349: {  	v9 =	vld.idx.msk [tilespmem:v4+s23+$0x0], $0xffff;
	v11 =	vor.u32 v0, v1;
	v6 =	vadd.s32 v8, v6  }
0x34a: {  	v10 =	vld.idx.msk [tilespmem:v62+s23+$0x0], $0xffff;
	v8 =	vor.u32 v0, v6  }
0x34b: {  	v56 =	vld [tilespmem:$0x1FFF0];
	_ =	sdelay $0x2  }
0x34c: {  	v11 =	vld.idx.msk [tilespmem:v11+s19+$0x0], $0xffff  }
0x34d: {  	v4 =	vshll.u32 v4, $0x7;
	v9 =	vshll.u32 v9, $0x6;
	v8 =	vld.idx.msk [tilespmem:v8+s19+$0x0], $0xffff  }
0x34e: {  	v4 =	vadd.s32 v4, v9;
	v9 =	vshll.u32 v10, $0x6;
	v43 =	vor.u32 v56, v39  }
0x34f: {  	v10 =	vshll.u32 v62, $0x7;
	v61 =	vor.u32 v56, v40;
	v63 =	vor.u32 v0, v4  }
0x350: {  	v9 =	vadd.s32 v10, v9  }
0x351: {  	v10 =	vor.u32 v0, v9;
	v11 =	vmul.f32 $8.000000000e+00, v11  }
0x352: {  	v8 =	vmul.f32 $8.000000000e+00, v8  }
0x353: {  	v52 =	vor.u32 v3, v1;
	[tilespmem:v43+s24+$0x0] =	vst.idx.msk $0xffff, v11  }
0x354: {  	v62 =	vor.u32 v3, v6;
	v12 =	vld.idx.msk [tilespmem:v63+s19+$0x0], $0xffff;
	[tilespmem:v61+s24+$0x0] =	vst.idx.msk $0xffff, v8  }
0x355: {  	v21 =	vld [tilespmem:$0x1FFE0]  }
0x356: {  	v10 =	vld.idx.msk [tilespmem:v10+s19+$0x0], $0xffff  }
0x357: {  	v11 =	vor.u32 v56, v42  }
0x358: {  	v63 =	vor.u32 v56, v47;
	v13 =	vld.idx.msk [tilespmem:v52+s19+$0x0], $0xffff;
	v8 =	vor.u32 v3, v4  }
0x359: {  	v43 =	vor.u32 v3, v9;
	v15 =	vld.idx.msk [tilespmem:v62+s19+$0x0], $0xffff  }
0x35a: {  	v12 =	vmul.f32 $8.000000000e+00, v12;
	v52 =	vor.u32 v21, v39  }
0x35b: {  	v61 =	vor.u32 v5, v1;
	v10 =	vmul.f32 $8.000000000e+00, v10;
	v62 =	vor.u32 v21, v40  }
0x35c: {  	v20 =	vor.u32 v5, v6;
	[tilespmem:v11+s24+$0x0] =	vst.idx.msk $0xffff, v12  }
0x35d: {  	v11 =	vmul.f32 $8.000000000e+00, v13;
	v8 =	vld.idx.msk [tilespmem:v8+s19+$0x0], $0xffff;
	[tilespmem:v63+s24+$0x0] =	vst.idx.msk $0xffff, v10  }
0x35e: {  	v10 =	vmul.f32 $8.000000000e+00, v15;
	v12 =	vld.idx.msk [tilespmem:v43+s19+$0x0], $0xffff  }
0x35f: {  	[tilespmem:v52+s24+$0x0] =	vst.idx.msk $0xffff, v11;
	v11 =	vor.u32 v21, v42  }
0x360: {  	v63 =	vor.u32 v21, v47;
	[tilespmem:v62+s24+$0x0] =	vst.idx.msk $0xffff, v10;
	v10 =	vor.u32 v5, v4;
	v13 =	vld.idx.msk [tilespmem:v61+s19+$0x0], $0xffff  }
0x361: {  	v52 =	vor.u32 v5, v9;
	v43 =	vld.idx.msk [tilespmem:v20+s19+$0x0], $0xffff  }
0x362: {  	v8 =	vmul.f32 $8.000000000e+00, v8;
	v61 =	vor.u32 v55, v39  }
0x363: {  	v1 =	vor.u32 v7, v1;
	v62 =	vor.u32 v55, v40;
	v12 =	vmul.f32 $8.000000000e+00, v12  }
0x364: {  	[tilespmem:v11+s24+$0x0] =	vst.idx.msk $0xffff, v8  }
0x365: {  	[tilespmem:v63+s24+$0x0] =	vst.idx.msk $0xffff, v12;
	v8 =	vmul.f32 $8.000000000e+00, v13;
	v10 =	vld.idx.msk [tilespmem:v10+s19+$0x0], $0xffff  }
0x366: {  	v12 =	vld.idx.msk [tilespmem:v52+s19+$0x0], $0xffff;
	v11 =	vmul.f32 $8.000000000e+00, v43  }
0x367: {  	v6 =	vor.u32 v7, v6;
	[tilespmem:v61+s24+$0x0] =	vst.idx.msk $0xffff, v8;
	v8 =	vor.u32 v55, v42  }
0x368: {  	v4 =	vor.u32 v7, v4;
	[tilespmem:v62+s24+$0x0] =	vst.idx.msk $0xffff, v11;
	v11 =	vor.u32 v55, v47;
	v1 =	vld.idx.msk [tilespmem:v1+s19+$0x0], $0xffff  }
0x369: {  	v9 =	vor.u32 v7, v9;
	v63 =	vor.u32 $0x60, v41  }
0x36a: {  	v41 =	vand.u32 $0x68, v63;
	v43 =	vor.u32 v2, v39;
	v10 =	vmul.f32 $8.000000000e+00, v10  }
0x36b: {  	v14 =	vor.u32 v49, v41;
	v12 =	vmul.f32 $8.000000000e+00, v12  }
0x36c: {  	v6 =	vld.idx.msk [tilespmem:v6+s19+$0x0], $0xffff;
	[tilespmem:v8+s24+$0x0] =	vst.idx.msk $0xffff, v10  }
0x36d: {  	[tilespmem:v11+s24+$0x0] =	vst.idx.msk $0xffff, v12;
	v1 =	vmul.f32 $8.000000000e+00, v1;
	v4 =	vld.idx.msk [tilespmem:v4+s19+$0x0], $0xffff  }
0x36e: {  	v49 =	vor.u32 $0x60, v45;
	v8 =	vor.u32 v2, v40;
	v9 =	vld.idx.msk [tilespmem:v9+s19+$0x0], $0xffff  }
0x36f: {  	v52 =	vor.u32 v2, v42;
	v10 =	vand.u32 $0x68, v49;
	[tilespmem:v43+s24+$0x0] =	vst.idx.msk $0xffff, v1  }
0x370: {  	v61 =	vor.u32 v2, v47;
	v10 =	vor.u32 v54, v10;
	v14 =	vld.idx.msk [tilespmem:v14+s23+$0x0], $0xffff  }
0x371: {  	v55 =	vor.u32 $0x60, v53;
	v6 =	vmul.f32 $8.000000000e+00, v6  }
0x372: {  	v20 =	vand.u32 $0x68, v55;
	v11 =	vor.u32 $0x60, v48;
	v4 =	vmul.f32 $8.000000000e+00, v4  }
0x373: {  	v2 =	vshll.u32 v44, $0x7;
	v54 =	vand.u32 $0x68, v11;
	[tilespmem:v8+s24+$0x0] =	vst.idx.msk $0xffff, v6;
	v8 =	vmul.f32 $8.000000000e+00, v9  }
0x374: {  	v17 =	vor.u32 v22, v54;
	v1 =	vor.u32 v51, v20;
	[tilespmem:v52+s24+$0x0] =	vst.idx.msk $0xffff, v4;
	v4 =	vshll.u32 v46, $0x6  }
0x375: {  	v6 =	vld.idx.msk [tilespmem:v10+s23+$0x0], $0xffff;
	v10 =	vshll.u32 v63, $0x7;
	[tilespmem:v61+s24+$0x0] =	vst.idx.msk $0xffff, v8;
	v2 =	vadd.s32 v2, v4;
	v8 =	vshll.u32 v14, $0x6  }
0x376: {  	v4 =	vor.u32 v0, v2;
	v8 =	vadd.s32 v10, v8  }
0x377: {  	v21 =	vld [tilespmem:$0x1FE10];
	v62 =	vor.u32 v0, v8;
	_ =	sdelay $0x1  }
0x378: {  	v9 =	vld.idx.msk [tilespmem:v17+s23+$0x0], $0xffff  }
0x379: {  	v1 =	vld.idx.msk [tilespmem:v1+s23+$0x0], $0xffff  }
0x37a: {  	v4 =	vld.idx.msk [tilespmem:v4+s19+$0x0], $0xffff  }
0x37b: {  	v11 =	vshll.u32 v11, $0x7;
	v10 =	vshll.u32 v49, $0x7;
	v19 =	vadd.s32 s30, v21;
	v12 =	vld.idx.msk [tilespmem:v62+s19+$0x0], $0xffff  }
0x37c: {  	v6 =	vshll.u32 v6, $0x6;
	v41 =	vadd.s32 s31, v21;
	v14 =	vand.u32 $0x7EF, v19  }
0x37d: {  	v6 =	vadd.s32 v10, v6;
	v9 =	vshll.u32 v9, $0x6;
	v15 =	vand.u32 $0x7EF, v41  }
0x37e: {  	v1 =	vshll.u32 v1, $0x6;
	v9 =	vadd.s32 v11, v9;
	v11 =	vshll.u32 v55, $0x7  }
0x37f: {  	v10 =	vor.u32 v0, v6;
	v1 =	vadd.s32 v11, v1;
	v4 =	vmul.f32 $8.000000000e+00, v4  }
0x380: {  	v11 =	vor.u32 v0, v1;
	v12 =	vmul.f32 $8.000000000e+00, v12  }
0x381: {  	v63 =	vor.u32 v0, v9;
	[tilespmem:v14+s24+$0x0] =	vst.idx.msk $0xffff, v4  }
0x382: {  	v43 =	vor.u32 v3, v2;
	[tilespmem:v15+s24+$0x0] =	vst.idx.msk $0xffff, v12  }
0x383: {  	v45 =	vor.u32 v3, v8;
	v22 =	vld [tilespmem:$0x1FE20]  }
0x384: {  	v10 =	vld.idx.msk [tilespmem:v10+s19+$0x0], $0xffff  }
0x385: {  	v44 =	vadd.s32 s0, v21;
	v11 =	vld.idx.msk [tilespmem:v11+s19+$0x0], $0xffff  }
0x386: {  	v20 =	vadd.s32 s18, v21;
	v21 =	vadd.s32 s20, v21;
	v17 =	vand.u32 $0x7EF, v44;
	v13 =	vld.idx.msk [tilespmem:v63+s19+$0x0], $0xffff  }
0x387: {  	v48 =	vand.u32 $0x7EF, v21;
	v16 =	vld.idx.msk [tilespmem:v43+s19+$0x0], $0xffff  }
0x388: {  	v20 =	vand.u32 $0x7EF, v20;
	v18 =	vld.idx.msk [tilespmem:v45+s19+$0x0], $0xffff;
	v51 =	vadd.s32 s30, v22  }
0x389: {  	v4 =	vmul.f32 $8.000000000e+00, v10;
	v53 =	vadd.s32 s31, v22;
	v52 =	vand.u32 $0xFEF, v51  }
0x38a: {  	v46 =	vor.u32 v3, v6;
	v11 =	vmul.f32 $8.000000000e+00, v11;
	v15 =	vand.u32 $0xFEF, v53  }
0x38b: {  	[tilespmem:v17+s24+$0x0] =	vst.idx.msk $0xffff, v4;
	v4 =	vmul.f32 $8.000000000e+00, v13  }
0x38c: {  	v10 =	vor.u32 v3, v9;
	[tilespmem:v48+s24+$0x0] =	vst.idx.msk $0xffff, v11;
	v11 =	vmul.f32 $8.000000000e+00, v16  }
0x38d: {  	v49 =	vor.u32 v3, v1;
	[tilespmem:v20+s24+$0x0] =	vst.idx.msk $0xffff, v4;
	v18 =	vmul.f32 $8.000000000e+00, v18  }
0x38e: {  	v21 =	vadd.s32 s0, v22;
	[tilespmem:v52+s24+$0x0] =	vst.idx.msk $0xffff, v11  }
0x38f: {  	v54 =	vor.u32 v5, v2;
	v17 =	vld.idx.msk [tilespmem:v46+s19+$0x0], $0xffff;
	v20 =	vand.u32 $0xFEF, v21;
	v21 =	vadd.s32 s20, v22;
	[tilespmem:v15+s24+$0x0] =	vst.idx.msk $0xffff, v18  }
0x390: {  	v4 =	vor.u32 v5, v8;
	v63 =	vand.u32 $0xFEF, v21;
	v21 =	vld [tilespmem:$0x1FFB0]  }
0x391: {  	v10 =	vld.idx.msk [tilespmem:v10+s19+$0x0], $0xffff  }
0x392: {  	v55 =	vor.u32 v5, v6;
	v61 =	vadd.s32 s18, v22;
	v12 =	vld.idx.msk [tilespmem:v49+s19+$0x0], $0xffff  }
0x393: {  	v16 =	vand.u32 $0xFEF, v61  }
0x394: {  	v62 =	vor.u32 v5, v9;
	v11 =	vmul.f32 $8.000000000e+00, v17;
	v19 =	vld.idx.msk [tilespmem:v54+s19+$0x0], $0xffff  }
0x395: {  	v41 =	vor.u32 v5, v1;
	v4 =	vld.idx.msk [tilespmem:v4+s19+$0x0], $0xffff;
	v43 =	vadd.s32 s30, v21  }
0x396: {  	v10 =	vmul.f32 $8.000000000e+00, v10;
	[tilespmem:v20+s24+$0x0] =	vst.idx.msk $0xffff, v11;
	v44 =	vadd.s32 s31, v21;
	v11 =	vand.u32 $0x17EF, v43  }
0x397: {  	v2 =	vor.u32 v7, v2;
	v12 =	vmul.f32 $8.000000000e+00, v12;
	v14 =	vld.idx.msk [tilespmem:v55+s19+$0x0], $0xffff;
	v18 =	vand.u32 $0x17EF, v44  }
0x398: {  	v8 =	vor.u32 v7, v8;
	[tilespmem:v16+s24+$0x0] =	vst.idx.msk $0xffff, v10;
	v20 =	vadd.s32 s0, v21  }
0x399: {  	v13 =	vld.idx.msk [tilespmem:v62+s19+$0x0], $0xffff;
	[tilespmem:v63+s24+$0x0] =	vst.idx.msk $0xffff, v12;
	v45 =	vmul.f32 $8.000000000e+00, v19;
	v10 =	vand.u32 $0x17EF, v20  }
0x39a: {  	v6 =	vor.u32 v7, v6;
	v15 =	vld.idx.msk [tilespmem:v41+s19+$0x0], $0xffff;
	v46 =	vadd.s32 s18, v21;
	v4 =	vmul.f32 $8.000000000e+00, v4  }
0x39b: {  	v48 =	vadd.s32 s20, v21;
	v16 =	vand.u32 $0x17EF, v46;
	[tilespmem:v11+s24+$0x0] =	vst.idx.msk $0xffff, v45  }
0x39c: {  	v9 =	vor.u32 v7, v9;
	v49 =	vand.u32 $0x17EF, v48;
	v11 =	vmul.f32 $8.000000000e+00, v14;
	[tilespmem:v18+s24+$0x0] =	vst.idx.msk $0xffff, v4;
	v2 =	vld.idx.msk [tilespmem:v2+s19+$0x0], $0xffff  }
0x39d: {  	v1 =	vor.u32 v7, v1;
	v4 =	vadd.s32 s30, v57;
	v8 =	vld.idx.msk [tilespmem:v8+s19+$0x0], $0xffff  }
0x39e: {  	v4 =	vand.u32 $0x1FEF, v4;
	[tilespmem:v10+s24+$0x0] =	vst.idx.msk $0xffff, v11;
	v10 =	vmul.f32 $8.000000000e+00, v13;
	v11 =	vadd.s32 s31, v57  }
0x39f: {  	v52 =	vor.u32 $0x70, v38;
	v51 =	vmul.f32 $8.000000000e+00, v15;
	v6 =	vld.idx.msk [tilespmem:v6+s19+$0x0], $0xffff;
	v11 =	vand.u32 $0x1FEF, v11  }
0x3a0: {  	v53 =	vadd.s32 s0, v57;
	[tilespmem:v16+s24+$0x0] =	vst.idx.msk $0xffff, v10;
	v10 =	vor.u32 $0x70, v39  }
0x3a1: {  	v15 =	vand.u32 $0x1FEF, v53;
	[tilespmem:v49+s24+$0x0] =	vst.idx.msk $0xffff, v51;
	v9 =	vld.idx.msk [tilespmem:v9+s19+$0x0], $0xffff;
	v2 =	vmul.f32 $8.000000000e+00, v2  }
0x3a2: {  	v55 =	vadd.s32 s18, v57;
	v1 =	vld.idx.msk [tilespmem:v1+s19+$0x0], $0xffff;
	v8 =	vmul.f32 $8.000000000e+00, v8  }
0x3a3: {  	v13 =	vand.u32 $0x1FEF, v55;
	v57 =	vadd.s32 s20, v57;
	[tilespmem:v4+s24+$0x0] =	vst.idx.msk $0xffff, v2  }
0x3a4: {  	v2 =	vmul.f32 $8.000000000e+00, v6;
	v6 =	vand.u32 $0x1FEF, v57;
	[tilespmem:v11+s24+$0x0] =	vst.idx.msk $0xffff, v8;
	v61 =	vld.idx.msk [tilespmem:v52+s23+$0x0], $0xffff  }
0x3a5: {  	v11 =	vld.idx.msk [tilespmem:v10+s23+$0x0], $0xffff  }
0x3a6: {  	v54 =	vor.u32 $0x70, v40;
	[tilespmem:v15+s24+$0x0] =	vst.idx.msk $0xffff, v2;
	v2 =	vmul.f32 $8.000000000e+00, v9  }
0x3a7: {  	v62 =	vshll.u32 v34, $0x6;
	v63 =	vshll.u32 v23, $0x7;
	v1 =	vmul.f32 $8.000000000e+00, v1  }
0x3a8: {  	v14 =	vshll.u32 v52, $0x7;
	v4 =	vor.u32 $0x70, v42;
	v8 =	vor.u32 $0x70, v47;
	[tilespmem:v13+s24+$0x0] =	vst.idx.msk $0xffff, v2  }
0x3a9: {  	v10 =	vshll.u32 v10, $0x7;
	v2 =	vadd.s32 v63, v62;
	[tilespmem:v6+s24+$0x0] =	vst.idx.msk $0xffff, v1;
	v6 =	vshll.u32 v61, $0x6  }
0x3aa: {  	v1 =	vor.u32 v0, v2;
	v11 =	vshll.u32 v11, $0x6;
	v6 =	vadd.s32 v14, v6  }
0x3ab: {  	v9 =	vld.idx.msk [tilespmem:v54+s23+$0x0], $0xffff;
	v10 =	vadd.s32 v10, v11;
	v19 =	vor.u32 v0, v6  }
0x3ac: {  	v45 =	vld [tilespmem:$0x1FF30];
	v34 =	vor.u32 v0, v10  }
0x3ad: {  	v13 =	vld.idx.msk [tilespmem:v4+s23+$0x0], $0xffff  }
0x3ae: {  	v18 =	vld.idx.msk [tilespmem:v8+s23+$0x0], $0xffff  }
0x3af: {  	v1 =	vld.idx.msk [tilespmem:v1+s19+$0x0], $0xffff  }
0x3b0: {  	v4 =	vshll.u32 v4, $0x7;
	v12 =	vld.idx.msk [tilespmem:v19+s19+$0x0], $0xffff  }
0x3b1: {  	v11 =	vshll.u32 v54, $0x7;
	v9 =	vshll.u32 v9, $0x6;
	v46 =	vor.u32 v45, v37;
	v14 =	vld.idx.msk [tilespmem:v34+s19+$0x0], $0xffff  }
0x3b2: {  	v8 =	vshll.u32 v8, $0x7;
	v9 =	vadd.s32 v11, v9;
	v48 =	vor.u32 v45, v38  }
0x3b3: {  	v11 =	vor.u32 v0, v9;
	v43 =	vshll.u32 v18, $0x6;
	v20 =	vor.u32 v45, v39  }
0x3b4: {  	v13 =	vshll.u32 v13, $0x6;
	v8 =	vadd.s32 v8, v43;
	v1 =	vmul.f32 $8.000000000e+00, v1  }
0x3b5: {  	v4 =	vadd.s32 v4, v13;
	v13 =	vor.u32 v0, v8;
	v12 =	vmul.f32 $8.000000000e+00, v12  }
0x3b6: {  	v44 =	vor.u32 v0, v4;
	[tilespmem:v46+s24+$0x0] =	vst.idx.msk $0xffff, v1;
	v1 =	vmul.f32 $8.000000000e+00, v14  }
0x3b7: {  	v17 =	vor.u32 v3, v2;
	[tilespmem:v48+s24+$0x0] =	vst.idx.msk $0xffff, v12  }
0x3b8: {  	v49 =	vor.u32 v3, v6;
	v11 =	vld.idx.msk [tilespmem:v11+s19+$0x0], $0xffff;
	[tilespmem:v20+s24+$0x0] =	vst.idx.msk $0xffff, v1  }
0x3b9: {  	v21 =	vor.u32 v3, v10;
	v54 =	vld [tilespmem:$0x1FF40]  }
0x3ba: {  	v22 =	vor.u32 v45, v40;
	v13 =	vld.idx.msk [tilespmem:v13+s19+$0x0], $0xffff  }
0x3bb: {  	v15 =	vld.idx.msk [tilespmem:v44+s19+$0x0], $0xffff  }
0x3bc: {  	v23 =	vor.u32 v3, v9;
	v52 =	vor.u32 v45, v47;
	v17 =	vld.idx.msk [tilespmem:v17+s19+$0x0], $0xffff  }
0x3bd: {  	v24 =	vor.u32 v45, v42;
	v11 =	vmul.f32 $8.000000000e+00, v11;
	v18 =	vld.idx.msk [tilespmem:v49+s19+$0x0], $0xffff  }
0x3be: {  	v57 =	vld.idx.msk [tilespmem:v21+s19+$0x0], $0xffff;
	v55 =	vor.u32 v54, v37  }
0x3bf: {  	v51 =	vor.u32 v3, v4;
	[tilespmem:v22+s24+$0x0] =	vst.idx.msk $0xffff, v11;
	v11 =	vmul.f32 $8.000000000e+00, v13;
	v20 =	vor.u32 v54, v38  }
0x3c0: {  	v53 =	vor.u32 v3, v8;
	v1 =	vmul.f32 $8.000000000e+00, v15;
	v22 =	vor.u32 v54, v39  }
0x3c1: {  	v21 =	vld.idx.msk [tilespmem:v23+s19+$0x0], $0xffff;
	[tilespmem:v52+s24+$0x0] =	vst.idx.msk $0xffff, v11;
	v11 =	vmul.f32 $8.000000000e+00, v17  }
0x3c2: {  	[tilespmem:v24+s24+$0x0] =	vst.idx.msk $0xffff, v1;
	v18 =	vmul.f32 $8.000000000e+00, v18  }
0x3c3: {  	[tilespmem:v55+s24+$0x0] =	vst.idx.msk $0xffff, v11;
	v11 =	vmul.f32 $8.000000000e+00, v57  }
0x3c4: {  	v61 =	vor.u32 v5, v2;
	v14 =	vld.idx.msk [tilespmem:v51+s19+$0x0], $0xffff;
	[tilespmem:v20+s24+$0x0] =	vst.idx.msk $0xffff, v18  }
0x3c5: {  	v1 =	vor.u32 v5, v6;
	v12 =	vld.idx.msk [tilespmem:v53+s19+$0x0], $0xffff;
	[tilespmem:v22+s24+$0x0] =	vst.idx.msk $0xffff, v11  }
0x3c6: {  	v62 =	vor.u32 v5, v10;
	v63 =	vor.u32 v54, v40;
	v44 =	vmul.f32 $8.000000000e+00, v21;
	v21 =	vld [tilespmem:$0x1FF50]  }
0x3c7: {  	v23 =	vor.u32 v5, v9;
	v24 =	vor.u32 v54, v42  }
0x3c8: {  	v34 =	vor.u32 v5, v4;
	v43 =	vor.u32 v54, v47  }
0x3c9: {  	v20 =	vor.u32 v5, v8;
	v13 =	vld.idx.msk [tilespmem:v61+s19+$0x0], $0xffff  }
0x3ca: {  	v1 =	vld.idx.msk [tilespmem:v1+s19+$0x0], $0xffff;
	v11 =	vmul.f32 $8.000000000e+00, v14  }
0x3cb: {  	v12 =	vmul.f32 $8.000000000e+00, v12;
	v16 =	vld.idx.msk [tilespmem:v62+s19+$0x0], $0xffff;
	[tilespmem:v63+s24+$0x0] =	vst.idx.msk $0xffff, v44;
	v45 =	vor.u32 v21, v37  }
0x3cc: {  	v2 =	vor.u32 v7, v2;
	v18 =	vld.idx.msk [tilespmem:v23+s19+$0x0], $0xffff;
	[tilespmem:v24+s24+$0x0] =	vst.idx.msk $0xffff, v11;
	v46 =	vor.u32 v21, v38  }
0x3cd: {  	v6 =	vor.u32 v7, v6;
	[tilespmem:v43+s24+$0x0] =	vst.idx.msk $0xffff, v12;
	v15 =	vld.idx.msk [tilespmem:v34+s19+$0x0], $0xffff;
	v11 =	vor.u32 v21, v39  }
0x3ce: {  	v10 =	vor.u32 v7, v10;
	v19 =	vld.idx.msk [tilespmem:v20+s19+$0x0], $0xffff;
	v48 =	vmul.f32 $8.000000000e+00, v13;
	v49 =	vor.u32 v21, v40  }
0x3cf: {  	v9 =	vor.u32 v7, v9;
	v1 =	vmul.f32 $8.000000000e+00, v1;
	v20 =	vor.u32 v21, v42  }
0x3d0: {  	v4 =	vor.u32 v7, v4;
	v51 =	vmul.f32 $8.000000000e+00, v16;
	v52 =	vor.u32 v21, v47;
	[tilespmem:v45+s24+$0x0] =	vst.idx.msk $0xffff, v48  }
0x3d1: {  	v8 =	vor.u32 v7, v8;
	[tilespmem:v46+s24+$0x0] =	vst.idx.msk $0xffff, v1;
	v1 =	vmul.f32 $8.000000000e+00, v18;
	v2 =	vld.idx.msk [tilespmem:v2+s19+$0x0], $0xffff  }
0x3d2: {  	[tilespmem:v11+s24+$0x0] =	vst.idx.msk $0xffff, v51;
	v11 =	vmul.f32 $8.000000000e+00, v15;
	v6 =	vld.idx.msk [tilespmem:v6+s19+$0x0], $0xffff  }
0x3d3: {  	v53 =	vor.u32 v60, v37;
	v10 =	vld.idx.msk [tilespmem:v10+s19+$0x0], $0xffff;
	[tilespmem:v49+s24+$0x0] =	vst.idx.msk $0xffff, v1;
	v1 =	vmul.f32 $8.000000000e+00, v19  }
0x3d4: {  	v54 =	vor.u32 v60, v38;
	[tilespmem:v20+s24+$0x0] =	vst.idx.msk $0xffff, v11;
	v9 =	vld.idx.msk [tilespmem:v9+s19+$0x0], $0xffff  }
0x3d5: {  	v11 =	vor.u32 v60, v39;
	v4 =	vld.idx.msk [tilespmem:v4+s19+$0x0], $0xffff;
	[tilespmem:v52+s24+$0x0] =	vst.idx.msk $0xffff, v1  }
0x3d6: {  	v8 =	vld.idx.msk [tilespmem:v8+s19+$0x0], $0xffff;
	v1 =	vmul.f32 $8.000000000e+00, v2;
	v2 =	vor.u32 v60, v40  }
0x3d7: {  	v55 =	vor.u32 v60, v42;
	v6 =	vmul.f32 $8.000000000e+00, v6  }
0x3d8: {  	[tilespmem:v53+s24+$0x0] =	vst.idx.msk $0xffff, v1;
	v1 =	vmul.f32 $8.000000000e+00, v10;
	v10 =	vor.u32 v60, v47  }
0x3d9: {  	[tilespmem:v54+s24+$0x0] =	vst.idx.msk $0xffff, v6;
	v6 =	vmul.f32 $8.000000000e+00, v9  }
0x3da: {  	s20 =	sshll.u32 s28, $0x13;
	[tilespmem:v11+s24+$0x0] =	vst.idx.msk $0xffff, v1;
	v1 =	vmul.f32 $8.000000000e+00, v4  }
0x3db: {  	s0 =	sor.u32 s6, s20;
	[tilespmem:v2+s24+$0x0] =	vst.idx.msk $0xffff, v6;
	v2 =	vmul.f32 $8.000000000e+00, v8  }
0x3dc: {  	s0 =	sshrl.u32 s0, $0x3;
	[tilespmem:v55+s24+$0x0] =	vst.idx.msk $0xffff, v1  }
0x3dd: {  	s25 =	sadd.s32 s2, s0;
	[tilespmem:v10+s24+$0x0] =	vst.idx.msk $0xffff, v2  }
0x3de: {  	[hbm4b:s25+s3] =	stream.linear.scatter [tilespmem:s24], [sflag:$0x3], $0x400, $0x38;
	[tilespmem:$0x12580] =	vst v63  }
0x3df: {  	s18 =	simm.s32 $0xE800;
	s17 =	sadd.s32 s0, s7  }
0x3e0: {  	[hbm4b:s17+s3] =	stream.linear.scatter [tilespmem:s18], [sflag:$0x3], $0x400, $0x38;
	[tilespmem:$0x12580] =	vst v63  }
0x3e1: {  	s20 =	sadd.s32 s0, s8;
	s25 =	simm.s32 $0xEC00  }
0x3e2: {  	[hbm4b:s20+s3] =	stream.linear.scatter [tilespmem:s25], [sflag:$0x3], $0x400, $0x38;
	[tilespmem:$0x12580] =	vst v63  }
0x3e3: {  	s17 =	sadd.s32 s0, s9;
	s18 =	simm.s32 $0xF000  }
0x3e4: {  	[hbm4b:s17+s3] =	stream.linear.scatter [tilespmem:s18], [sflag:$0x3], $0x400, $0x38;
	[tilespmem:$0x12580] =	vst v63  }
0x3e5: {  	s20 =	sadd.s32 s0, s10;
	s25 =	simm.s32 $0xF400  }
0x3e6: {  	[hbm4b:s20+s3] =	stream.linear.scatter [tilespmem:s25], [sflag:$0x3], $0x400, $0x38;
	[tilespmem:$0x12580] =	vst v63  }
0x3e7: {  	s17 =	sadd.s32 s0, s11;
	s18 =	simm.s32 $0xF800  }
0x3e8: {  	[hbm4b:s17+s3] =	stream.linear.scatter [tilespmem:s18], [sflag:$0x3], $0x400, $0x38;
	[tilespmem:$0x12580] =	vst v63  }
0x3e9: {  	s20 =	sadd.s32 s0, s12;
	s25 =	simm.s32 $0xFC00  }
0x3ea: {  	[hbm4b:s20+s3] =	stream.linear.scatter [tilespmem:s25], [sflag:$0x3], $0x400, $0x38;
	[tilespmem:$0x12580] =	vst v63  }
0x3eb: {  	p1 =	seq.s32 s28, $0x63;
	s0 =	sadd.s32 s0, s13;
	s18 =	simm.s32 $0x10000  }
0x3ec: {  	[hbm4b:s0+s3] =	stream.linear.scatter [tilespmem:s18], [sflag:$0x3], $0x400, $0x38;
	[tilespmem:$0x12580] =	vst v63  }
0x3ed: {  	v1 =	vld @!p1 [tilespmem:s29+$0x100];
	_ =	sdelay $0x4  }
0x3ee: {  	vm0 =	vgt.s32 @!p1 v1, $0x7A17F;
	v2 =	vadd.s32 @!p1 $0xFFF85E80, v1  }
0x3ef: {  	v1 =	vsel @!p1 vm0, v2, v1  }
0x3f0: {  	[tilespmem:$0x12400] =	vst @!p1 v1  }
0x3f1: {  	v1 =	vld @!p1 [tilespmem:s29+$0x110];
	_ =	sdelay $0x4  }
0x3f2: {  	vm0 =	vgt.s32 @!p1 v1, $0x7A17F;
	v2 =	vadd.s32 @!p1 $0xFFF85E80, v1  }
0x3f3: {  	v1 =	vsel @!p1 vm0, v2, v1  }
0x3f4: {  	[tilespmem:$0x12410] =	vst @!p1 v1  }
0x3f5: {  	v1 =	vld @!p1 [tilespmem:s29+$0x120];
	_ =	sdelay $0x4  }
0x3f6: {  	vm0 =	vgt.s32 @!p1 v1, $0x7A17F;
	v2 =	vadd.s32 @!p1 $0xFFF85E80, v1  }
0x3f7: {  	v1 =	vsel @!p1 vm0, v2, v1  }
0x3f8: {  	[tilespmem:$0x12420] =	vst @!p1 v1  }
0x3f9: {  	v1 =	vld @!p1 [tilespmem:s29+$0x130];
	_ =	sdelay $0x4  }
0x3fa: {  	vm0 =	vgt.s32 @!p1 v1, $0x7A17F;
	v2 =	vadd.s32 @!p1 $0xFFF85E80, v1  }
0x3fb: {  	v1 =	vsel @!p1 vm0, v2, v1  }
0x3fc: {  	[tilespmem:$0x12430] =	vst @!p1 v1  }
0x3fd: {  	v1 =	vld @!p1 [tilespmem:s29+$0x140];
	_ =	sdelay $0x4  }
0x3fe: {  	vm0 =	vgt.s32 @!p1 v1, $0x7A17F;
	v2 =	vadd.s32 @!p1 $0xFFF85E80, v1  }
0x3ff: {  	v1 =	vsel @!p1 vm0, v2, v1  }
0x400: {  	[tilespmem:$0x12440] =	vst @!p1 v1  }
0x401: {  	v1 =	vld @!p1 [tilespmem:s29+$0x150];
	_ =	sdelay $0x4  }
0x402: {  	vm0 =	vgt.s32 @!p1 v1, $0x7A17F;
	v2 =	vadd.s32 @!p1 $0xFFF85E80, v1  }
0x403: {  	v1 =	vsel @!p1 vm0, v2, v1  }
0x404: {  	[tilespmem:$0x12450] =	vst @!p1 v1  }
0x405: {  	v1 =	vld @!p1 [tilespmem:s29+$0x160];
	_ =	sdelay $0x4  }
0x406: {  	vm0 =	vgt.s32 @!p1 v1, $0x7A17F;
	v2 =	vadd.s32 @!p1 $0xFFF85E80, v1  }
0x407: {  	v1 =	vsel @!p1 vm0, v2, v1  }
0x408: {  	[tilespmem:$0x12460] =	vst @!p1 v1  }
0x409: {  	v1 =	vld @!p1 [tilespmem:s29+$0x170];
	_ =	sdelay $0x4  }
0x40a: {  	vm0 =	vgt.s32 @!p1 v1, $0x7A17F;
	v2 =	vadd.s32 @!p1 $0xFFF85E80, v1  }
0x40b: {  	v1 =	vsel @!p1 vm0, v2, v1  }
0x40c: {  	s5 =	simm.s32 @!p1 $0x12400;
	s17 =	simm.s32 @!p1 $0x6400;
	s0 =	simm.s32 @!p1 $0x80;
	[tilespmem:$0x12470] =	vst @!p1 v1  }
0x40d: {  	[tilespmem:s17], [sflag:$0x1] =	stream.indirect.gather @!p1 [hbm4b:s4+s0], $0x80, s5, s0, $0xb8;
	[tilespmem:$0x12580] =	vst v63  }
0x40e: {  	s30 =	sor.u32 $0x1, s14;
	_ =	swait.ge [sflag:s1], $0x4000  }
0x40f: {  	s20 =	sshll.u32 s30, $0x7;
	[sflag:s1] =	ssyncset.done $0x0  }
0x410: {  	s0 =	sand.u32 $0x3FFFFF80, s20;
	[sflag:s1] =	ssyncadd.s32 $0xFFFFC000  }
0x411: {  	v1 =	vld [tilespmem:s0+$0x0];
	_ =	sdelay $0x4  }
0x412: {  	v2 =	vimm.s32 $0x0;
	vm8 =	vgt.s32 v1, $0x7A17F  }
0x413: {  	v1 =	vsel vm8, $0x1, v2  }
0x414: {  	[tilespmem:$0x12500] =	vst v1  }
0x415: {  	v1 =	vld [tilespmem:s0+$0x10];
	_ =	sdelay $0x4  }
0x416: {  	vm9 =	vgt.s32 v1, $0x7A17F  }
0x417: {  	v1 =	vsel vm9, $0x1, v2  }
0x418: {  	[tilespmem:$0x12510] =	vst v1  }
0x419: {  	v1 =	vld [tilespmem:s0+$0x20];
	_ =	sdelay $0x4  }
0x41a: {  	vm10 =	vgt.s32 v1, $0x7A17F  }
0x41b: {  	v1 =	vsel vm10, $0x1, v2  }
0x41c: {  	[tilespmem:$0x12520] =	vst v1  }
0x41d: {  	v1 =	vld [tilespmem:s0+$0x30];
	_ =	sdelay $0x4  }
0x41e: {  	vm11 =	vgt.s32 v1, $0x7A17F  }
0x41f: {  	v1 =	vsel vm11, $0x1, v2  }
0x420: {  	[tilespmem:$0x12530] =	vst v1  }
0x421: {  	v1 =	vld [tilespmem:s0+$0x40];
	_ =	sdelay $0x4  }
0x422: {  	vm12 =	vgt.s32 v1, $0x7A17F  }
0x423: {  	v1 =	vsel vm12, $0x1, v2  }
0x424: {  	[tilespmem:$0x12540] =	vst v1  }
0x425: {  	v1 =	vld [tilespmem:s0+$0x50];
	_ =	sdelay $0x4  }
0x426: {  	vm13 =	vgt.s32 v1, $0x7A17F  }
0x427: {  	v1 =	vsel vm13, $0x1, v2  }
0x428: {  	[tilespmem:$0x12550] =	vst v1  }
0x429: {  	v1 =	vld [tilespmem:s0+$0x60];
	_ =	sdelay $0x4  }
0x42a: {  	vm14 =	vgt.s32 v1, $0x7A17F  }
0x42b: {  	v1 =	vsel vm14, $0x1, v2  }
0x42c: {  	[tilespmem:$0x12560] =	vst v1  }
0x42d: {  	v1 =	vld [tilespmem:s0+$0x70];
	_ =	sdelay $0x4  }
0x42e: {  	vm15 =	vgt.s32 v1, $0x7A17F  }
0x42f: {  	v1 =	vsel vm15, $0x1, v2  }
0x430: {  	s0 =	simm.s32 @!p0 $0x4;
	[tilespmem:$0x12570] =	vst v1  }
0x431: {  	_ =	swait.ge @!p0 [sflag:s0], $0x400  }
0x432: {  	[sflag:s0] =	ssyncset.done @!p0 $0x0  }
0x433: {  	[sflag:s0] =	ssyncadd.s32 @!p0 $0xFFFFFC00  }
0x434: {  	_ =	swait.ge @!p0 [sflag:s0], $0x400  }
0x435: {  	[sflag:s0] =	ssyncset.done @!p0 $0x0  }
0x436: {  	[sflag:s0] =	ssyncadd.s32 @!p0 $0xFFFFFC00  }
0x437: {  	_ =	swait.ge @!p0 [sflag:s0], $0x400  }
0x438: {  	[sflag:s0] =	ssyncset.done @!p0 $0x0  }
0x439: {  	[sflag:s0] =	ssyncadd.s32 @!p0 $0xFFFFFC00  }
0x43a: {  	_ =	swait.ge @!p0 [sflag:s0], $0x400  }
0x43b: {  	[sflag:s0] =	ssyncset.done @!p0 $0x0  }
0x43c: {  	[sflag:s0] =	ssyncadd.s32 @!p0 $0xFFFFFC00  }
0x43d: {  	_ =	swait.ge @!p0 [sflag:s0], $0x400  }
0x43e: {  	[sflag:s0] =	ssyncset.done @!p0 $0x0  }
0x43f: {  	[sflag:s0] =	ssyncadd.s32 @!p0 $0xFFFFFC00  }
0x440: {  	_ =	swait.ge @!p0 [sflag:s0], $0x400  }
0x441: {  	[sflag:s0] =	ssyncset.done @!p0 $0x0  }
0x442: {  	s25 =	simm.s32 $0x0;
	[sflag:s0] =	ssyncadd.s32 @!p0 $0xFFFFFC00  }
0x443: {  	v37 =	vadd.s32 s25, v0;
	_ =	swait.ge @!p0 [sflag:s0], $0x400  }
0x444: {  	v51 =	vand.u32 $0xF, v37;
	[sflag:s0] =	ssyncset.done @!p0 $0x0  }
0x445: {  	[sflag:s0] =	ssyncadd.s32 @!p0 $0xFFFFFC00  }
0x446: {  	_ =	swait.ge @!p0 [sflag:s0], $0x400  }
0x447: {  	[sflag:s0] =	ssyncset.done @!p0 $0x0  }
0x448: {  	[sflag:s0] =	ssyncadd.s32 @!p0 $0xFFFFFC00  }
0x449: {  	v1 =	vld.idx.msk [tilespmem:v51+s23+$0x0], $0xffff;
	_ =	sdelay $0x4  }
0x44a: {  	v2 =	vshll.u32 v51, $0x7;
	v1 =	vshll.u32 v1, $0x6  }
0x44b: {  	v1 =	vadd.s32 v2, v1  }
0x44c: {  	v2 =	vor.u32 v0, v1;
	_ =	sdelay $0x4  }
0x44d: {  	v2 =	vld.idx.msk [tilespmem:v2+s21+$0x0], $0xffff  }
0x44e: {  	v4 =	vadd.s32 s25, v25  }
0x44f: {  	v4 =	vand.u32 $0x78F, v4  }
0x450: {  	v6 =	vor.u32 v3, v1;
	_ =	sdelay $0x1  }
0x451: {  	v2 =	vmul.f32 $8.000000000e+00, v2;
	_ =	sdelay $0x1  }
0x452: {  	[tilespmem:v4+s16+$0x0] =	vst.idx.msk $0xffff, v2  }
0x453: {  	v2 =	vld.idx.msk [tilespmem:v6+s21+$0x0], $0xffff  }
0x454: {  	v4 =	vadd.s32 s25, v26  }
0x455: {  	v4 =	vand.u32 $0xF8F, v4  }
0x456: {  	v6 =	vor.u32 v5, v1;
	_ =	sdelay $0x1  }
0x457: {  	v2 =	vmul.f32 $8.000000000e+00, v2;
	_ =	sdelay $0x1  }
0x458: {  	[tilespmem:v4+s16+$0x0] =	vst.idx.msk $0xffff, v2  }
0x459: {  	v2 =	vld.idx.msk [tilespmem:v6+s21+$0x0], $0xffff  }
0x45a: {  	v4 =	vadd.s32 s25, v27  }
0x45b: {  	v4 =	vand.u32 $0x178F, v4  }
0x45c: {  	v1 =	vor.u32 v7, v1;
	_ =	sdelay $0x1  }
0x45d: {  	v2 =	vmul.f32 $8.000000000e+00, v2;
	_ =	sdelay $0x1  }
0x45e: {  	[tilespmem:v4+s16+$0x0] =	vst.idx.msk $0xffff, v2  }
0x45f: {  	s0 =	simm.s32 $0x1;
	v1 =	vld.idx.msk [tilespmem:v1+s21+$0x0], $0xffff  }
0x460: {  	v38 =	vadd.s32 s0, v0;
	v2 =	vadd.s32 s25, v28  }
0x461: {  	v57 =	vand.u32 $0xF, v38;
	v2 =	vand.u32 $0x1F8F, v2  }
0x462: {  	v4 =	vor.u32 $0x10, v37;
	_ =	sdelay $0x1  }
0x463: {  	v1 =	vmul.f32 $8.000000000e+00, v1;
	_ =	sdelay $0x1  }
0x464: {  	[tilespmem:v2+s16+$0x0] =	vst.idx.msk $0xffff, v1;
	v2 =	vld.idx.msk [tilespmem:v57+s23+$0x0], $0xffff  }
0x465: {  	v1 =	vld.idx.msk [tilespmem:v4+s23+$0x0], $0xffff;
	_ =	sdelay $0x3  }
0x466: {  	v6 =	vshll.u32 v57, $0x7;
	v2 =	vshll.u32 v2, $0x6  }
0x467: {  	v4 =	vshll.u32 v4, $0x7;
	v1 =	vshll.u32 v1, $0x6;
	v2 =	vadd.s32 v6, v2  }
0x468: {  	v1 =	vadd.s32 v4, v1;
	v6 =	vor.u32 v0, v2  }
0x469: {  	v4 =	vor.u32 v0, v1;
	_ =	sdelay $0x3  }
0x46a: {  	v6 =	vld.idx.msk [tilespmem:v6+s21+$0x0], $0xffff  }
0x46b: {  	v8 =	vadd.s32 s0, v25;
	v4 =	vld.idx.msk [tilespmem:v4+s21+$0x0], $0xffff  }
0x46c: {  	v8 =	vand.u32 $0x78F, v8  }
0x46d: {  	v9 =	vor.u32 v29, v37;
	v11 =	vor.u32 v3, v2  }
0x46e: {  	v10 =	vor.u32 v3, v1  }
0x46f: {  	v6 =	vmul.f32 $8.000000000e+00, v6  }
0x470: {  	v4 =	vmul.f32 $8.000000000e+00, v4  }
0x471: {  	[tilespmem:v8+s16+$0x0] =	vst.idx.msk $0xffff, v6  }
0x472: {  	[tilespmem:v9+s16+$0x0] =	vst.idx.msk $0xffff, v4;
	v6 =	vld.idx.msk [tilespmem:v11+s21+$0x0], $0xffff  }
0x473: {  	v8 =	vadd.s32 s0, v26;
	v4 =	vld.idx.msk [tilespmem:v10+s21+$0x0], $0xffff  }
0x474: {  	v8 =	vand.u32 $0xF8F, v8  }
0x475: {  	v9 =	vor.u32 v30, v37;
	v11 =	vor.u32 v5, v2  }
0x476: {  	v10 =	vor.u32 v5, v1  }
0x477: {  	v6 =	vmul.f32 $8.000000000e+00, v6  }
0x478: {  	v4 =	vmul.f32 $8.000000000e+00, v4  }
0x479: {  	[tilespmem:v8+s16+$0x0] =	vst.idx.msk $0xffff, v6  }
0x47a: {  	[tilespmem:v9+s16+$0x0] =	vst.idx.msk $0xffff, v4;
	v6 =	vld.idx.msk [tilespmem:v11+s21+$0x0], $0xffff  }
0x47b: {  	v8 =	vadd.s32 s0, v27;
	v4 =	vld.idx.msk [tilespmem:v10+s21+$0x0], $0xffff  }
0x47c: {  	v8 =	vand.u32 $0x178F, v8  }
0x47d: {  	v2 =	vor.u32 v7, v2;
	v9 =	vor.u32 v31, v37  }
0x47e: {  	v1 =	vor.u32 v7, v1  }
0x47f: {  	v6 =	vmul.f32 $8.000000000e+00, v6  }
0x480: {  	v4 =	vmul.f32 $8.000000000e+00, v4  }
0x481: {  	[tilespmem:v8+s16+$0x0] =	vst.idx.msk $0xffff, v6  }
0x482: {  	[tilespmem:v9+s16+$0x0] =	vst.idx.msk $0xffff, v4;
	v2 =	vld.idx.msk [tilespmem:v2+s21+$0x0], $0xffff  }
0x483: {  	v4 =	vadd.s32 s0, v28;
	v1 =	vld.idx.msk [tilespmem:v1+s21+$0x0], $0xffff  }
0x484: {  	v52 =	vand.u32 $0x7, v37;
	v6 =	vor.u32 $0x20, v51;
	v4 =	vand.u32 $0x1F8F, v4  }
0x485: {  	v10 =	vor.u32 $0x10, v38;
	v8 =	vor.u32 v32, v37;
	v9 =	vand.u32 $0x28, v6  }
0x486: {  	v9 =	vor.u32 v52, v9  }
0x487: {  	v2 =	vmul.f32 $8.000000000e+00, v2  }
0x488: {  	v1 =	vmul.f32 $8.000000000e+00, v1  }
0x489: {  	[tilespmem:v4+s16+$0x0] =	vst.idx.msk $0xffff, v2  }
0x48a: {  	s31 =	simm.s32 $0x2;
	[tilespmem:v8+s16+$0x0] =	vst.idx.msk $0xffff, v1;
	v2 =	vld.idx.msk [tilespmem:v10+s23+$0x0], $0xffff  }
0x48b: {  	v39 =	vadd.s32 s31, v0;
	v1 =	vld.idx.msk [tilespmem:v9+s23+$0x0], $0xffff  }
0x48c: {  	v45 =	vand.u32 $0xF, v39;
	_ =	sdelay $0x2  }
0x48d: {  	v8 =	vshll.u32 v10, $0x7;
	v2 =	vshll.u32 v2, $0x6  }
0x48e: {  	v6 =	vshll.u32 v6, $0x7;
	v1 =	vshll.u32 v1, $0x6;
	v2 =	vadd.s32 v8, v2  }
0x48f: {  	v4 =	vld.idx.msk [tilespmem:v45+s23+$0x0], $0xffff;
	v1 =	vadd.s32 v6, v1;
	v9 =	vor.u32 v0, v2  }
0x490: {  	v6 =	vor.u32 v0, v1  }
0x491: {  	v54 =	vld [tilespmem:$0x1FEA0];
	_ =	sdelay $0x2  }
0x492: {  	v4 =	vshll.u32 v4, $0x6;
	v8 =	vshll.u32 v45, $0x7;
	v9 =	vld.idx.msk [tilespmem:v9+s21+$0x0], $0xffff  }
0x493: {  	v4 =	vadd.s32 v8, v4;
	v6 =	vld.idx.msk [tilespmem:v6+s21+$0x0], $0xffff  }
0x494: {  	v34 =	vor.u32 v29, v38;
	v10 =	vadd.s32 s25, v54;
	v8 =	vor.u32 v0, v4  }
0x495: {  	v10 =	vand.u32 $0x7AF, v10;
	_ =	sdelay $0x1  }
0x496: {  	v9 =	vmul.f32 $8.000000000e+00, v9  }
0x497: {  	v6 =	vmul.f32 $8.000000000e+00, v6  }
0x498: {  	v41 =	vor.u32 v3, v2;
	v8 =	vld.idx.msk [tilespmem:v8+s21+$0x0], $0xffff;
	[tilespmem:v34+s16+$0x0] =	vst.idx.msk $0xffff, v9  }
0x499: {  	v40 =	vadd.s32 s31, v25;
	v11 =	vor.u32 v3, v1;
	[tilespmem:v10+s16+$0x0] =	vst.idx.msk $0xffff, v6  }
0x49a: {  	v13 =	vand.u32 $0x78F, v40;
	v60 =	vld [tilespmem:$0x1FEB0]  }
0x49b: {  	v42 =	vor.u32 v3, v4;
	_ =	sdelay $0x1  }
0x49c: {  	v8 =	vmul.f32 $8.000000000e+00, v8;
	v9 =	vld.idx.msk [tilespmem:v41+s21+$0x0], $0xffff  }
0x49d: {  	v6 =	vld.idx.msk [tilespmem:v11+s21+$0x0], $0xffff  }
0x49e: {  	v43 =	vor.u32 v30, v38;
	[tilespmem:v13+s16+$0x0] =	vst.idx.msk $0xffff, v8;
	v10 =	vadd.s32 s25, v60  }
0x49f: {  	v46 =	vor.u32 v5, v2;
	v8 =	vand.u32 $0xFAF, v10;
	v10 =	vld.idx.msk [tilespmem:v42+s21+$0x0], $0xffff  }
0x4a0: {  	v44 =	vadd.s32 s31, v26;
	v11 =	vor.u32 v5, v1  }
0x4a1: {  	v13 =	vand.u32 $0xF8F, v44;
	v9 =	vmul.f32 $8.000000000e+00, v9  }
0x4a2: {  	v47 =	vor.u32 v5, v4;
	v6 =	vmul.f32 $8.000000000e+00, v6  }
0x4a3: {  	[tilespmem:v43+s16+$0x0] =	vst.idx.msk $0xffff, v9  }
0x4a4: {  	[tilespmem:v8+s16+$0x0] =	vst.idx.msk $0xffff, v6;
	v8 =	vmul.f32 $8.000000000e+00, v10;
	v10 =	vld.idx.msk [tilespmem:v46+s21+$0x0], $0xffff  }
0x4a5: {  	v6 =	vld.idx.msk [tilespmem:v11+s21+$0x0], $0xffff  }
0x4a6: {  	v9 =	vadd.s32 s25, v58;
	v11 =	vor.u32 v31, v38;
	[tilespmem:v13+s16+$0x0] =	vst.idx.msk $0xffff, v8  }
0x4a7: {  	v8 =	vand.u32 $0x17AF, v9;
	v9 =	vld.idx.msk [tilespmem:v47+s21+$0x0], $0xffff  }
0x4a8: {  	v48 =	vadd.s32 s31, v27  }
0x4a9: {  	v12 =	vand.u32 $0x178F, v48;
	v2 =	vor.u32 v7, v2;
	v10 =	vmul.f32 $8.000000000e+00, v10  }
0x4aa: {  	v1 =	vor.u32 v7, v1;
	v6 =	vmul.f32 $8.000000000e+00, v6  }
0x4ab: {  	v4 =	vor.u32 v7, v4;
	[tilespmem:v11+s16+$0x0] =	vst.idx.msk $0xffff, v10  }
0x4ac: {  	[tilespmem:v8+s16+$0x0] =	vst.idx.msk $0xffff, v6;
	v6 =	vmul.f32 $8.000000000e+00, v9  }
0x4ad: {  	v63 =	vld [tilespmem:$0x1FED0]  }
0x4ae: {  	v2 =	vld.idx.msk [tilespmem:v2+s21+$0x0], $0xffff;
	[tilespmem:v12+s16+$0x0] =	vst.idx.msk $0xffff, v6  }
0x4af: {  	v1 =	vld.idx.msk [tilespmem:v1+s21+$0x0], $0xffff;
	[tilespmem:$0x1FDD0] =	vst v57  }
0x4b0: {  	v4 =	vld.idx.msk [tilespmem:v4+s21+$0x0], $0xffff  }
0x4b1: {  	v49 =	vadd.s32 s31, v28  }
0x4b2: {  	v53 =	vor.u32 $0x10, v39;
	v12 =	vand.u32 $0x1F8F, v49;
	v8 =	vadd.s32 s25, v63  }
0x4b3: {  	v22 =	vand.u32 $0x7, v38;
	v6 =	vand.u32 $0x1FAF, v8;
	v8 =	vor.u32 $0x20, v57  }
0x4b4: {  	v10 =	vor.u32 v32, v38;
	v9 =	vor.u32 $0x30, v37;
	v11 =	vand.u32 $0x28, v8  }
0x4b5: {  	v11 =	vor.u32 v22, v11;
	v4 =	vmul.f32 $8.000000000e+00, v4  }
0x4b6: {  	s18 =	simm.s32 $0x3;
	[tilespmem:$0x1FDE0] =	vst v22;
	v1 =	vmul.f32 $8.000000000e+00, v1  }
0x4b7: {  	v40 =	vadd.s32 s18, v0;
	v2 =	vmul.f32 $8.000000000e+00, v2;
	[tilespmem:v12+s16+$0x0] =	vst.idx.msk $0xffff, v4  }
0x4b8: {  	v43 =	vand.u32 $0xF, v40;
	[tilespmem:v6+s16+$0x0] =	vst.idx.msk $0xffff, v1;
	v4 =	vld.idx.msk [tilespmem:v53+s23+$0x0], $0xffff  }
0x4b9: {  	[tilespmem:v10+s16+$0x0] =	vst.idx.msk $0xffff, v2;
	v1 =	vld.idx.msk [tilespmem:v9+s23+$0x0], $0xffff  }
0x4ba: {  	v2 =	vld.idx.msk [tilespmem:v11+s23+$0x0], $0xffff;
	_ =	sdelay $0x2  }
0x4bb: {  	v6 =	vld.idx.msk [tilespmem:v43+s23+$0x0], $0xffff  }
0x4bc: {  	v8 =	vshll.u32 v8, $0x7;
	v9 =	vshll.u32 v9, $0x7;
	v1 =	vshll.u32 v1, $0x6  }
0x4bd: {  	v4 =	vshll.u32 v4, $0x6;
	v1 =	vadd.s32 v9, v1;
	v2 =	vshll.u32 v2, $0x6  }
0x4be: {  	v9 =	vor.u32 v0, v1;
	v2 =	vadd.s32 v8, v2;
	v8 =	vshll.u32 v53, $0x7  }
0x4bf: {  	v10 =	vor.u32 v0, v2;
	v4 =	vadd.s32 v8, v4  }
0x4c0: {  	v11 =	vshll.u32 v43, $0x7;
	v6 =	vshll.u32 v6, $0x6;
	v8 =	vor.u32 v0, v4  }
0x4c1: {  	v6 =	vadd.s32 v11, v6  }
0x4c2: {  	v11 =	vor.u32 v0, v6  }
0x4c3: {  	v9 =	vld.idx.msk [tilespmem:v9+s21+$0x0], $0xffff  }
0x4c4: {  	v10 =	vld.idx.msk [tilespmem:v10+s21+$0x0], $0xffff  }
0x4c5: {  	v23 =	vmov v57;
	v55 =	vadd.s32 s0, v54;
	v57 =	vor.u32 v50, v37;
	v8 =	vld.idx.msk [tilespmem:v8+s21+$0x0], $0xffff  }
0x4c6: {  	v12 =	vand.u32 $0x7AF, v55;
	v62 =	vor.u32 v3, v1  }
0x4c7: {  	v42 =	vor.u32 v29, v39;
	v34 =	vor.u32 v3, v2;
	v11 =	vld.idx.msk [tilespmem:v11+s21+$0x0], $0xffff  }
0x4c8: {  	v41 =	vadd.s32 s18, v25;
	v44 =	vor.u32 v3, v4;
	v9 =	vmul.f32 $8.000000000e+00, v9  }
0x4c9: {  	v16 =	vand.u32 $0x78F, v41;
	v10 =	vmul.f32 $8.000000000e+00, v10  }
0x4ca: {  	[tilespmem:v57+s16+$0x0] =	vst.idx.msk $0xffff, v9;
	v8 =	vmul.f32 $8.000000000e+00, v8  }
0x4cb: {  	v13 =	vld.idx.msk [tilespmem:v62+s21+$0x0], $0xffff;
	[tilespmem:v12+s16+$0x0] =	vst.idx.msk $0xffff, v10  }
0x4cc: {  	v11 =	vmul.f32 $8.000000000e+00, v11;
	v10 =	vld.idx.msk [tilespmem:v34+s21+$0x0], $0xffff;
	[tilespmem:v42+s16+$0x0] =	vst.idx.msk $0xffff, v8  }
0x4cd: {  	v46 =	vadd.s32 s0, v60;
	v9 =	vor.u32 v3, v6;
	v8 =	vor.u32 v59, v37;
	v47 =	vld.idx.msk [tilespmem:v44+s21+$0x0], $0xffff  }
0x4ce: {  	[tilespmem:v16+s16+$0x0] =	vst.idx.msk $0xffff, v11;
	v11 =	vand.u32 $0xFAF, v46  }
0x4cf: {  	v55 =	vor.u32 v30, v39  }
0x4d0: {  	v13 =	vmul.f32 $8.000000000e+00, v13  }
0x4d1: {  	v10 =	vmul.f32 $8.000000000e+00, v10  }
0x4d2: {  	v49 =	vor.u32 v5, v2;
	v9 =	vld.idx.msk [tilespmem:v9+s21+$0x0], $0xffff;
	[tilespmem:v8+s16+$0x0] =	vst.idx.msk $0xffff, v13;
	v14 =	vmul.f32 $8.000000000e+00, v47  }
0x4d3: {  	v48 =	vor.u32 v5, v1;
	v53 =	vadd.s32 s18, v26;
	[tilespmem:v11+s16+$0x0] =	vst.idx.msk $0xffff, v10  }
0x4d4: {  	v16 =	vand.u32 $0xF8F, v53;
	[tilespmem:v55+s16+$0x0] =	vst.idx.msk $0xffff, v14  }
0x4d5: {  	v62 =	vld [tilespmem:$0x1FF00];
	_ =	sdelay $0x1  }
0x4d6: {  	v10 =	vld.idx.msk [tilespmem:v49+s21+$0x0], $0xffff;
	v9 =	vmul.f32 $8.000000000e+00, v9  }
0x4d7: {  	v13 =	vld.idx.msk [tilespmem:v48+s21+$0x0], $0xffff;
	v11 =	vadd.s32 s0, v58  }
0x4d8: {  	v57 =	vor.u32 v5, v4;
	[tilespmem:v16+s16+$0x0] =	vst.idx.msk $0xffff, v9;
	v9 =	vand.u32 $0x17AF, v11  }
0x4d9: {  	v8 =	vor.u32 v5, v6;
	v19 =	vor.u32 v62, v37;
	_ =	sdelay $0x1  }
0x4da: {  	v10 =	vmul.f32 $8.000000000e+00, v10  }
0x4db: {  	v11 =	vmul.f32 $8.000000000e+00, v13  }
0x4dc: {  	v1 =	vor.u32 v7, v1;
	v14 =	vld.idx.msk [tilespmem:v57+s21+$0x0], $0xffff;
	[tilespmem:v9+s16+$0x0] =	vst.idx.msk $0xffff, v10  }
0x4dd: {  	v2 =	vor.u32 v7, v2;
	v8 =	vld.idx.msk [tilespmem:v8+s21+$0x0], $0xffff;
	[tilespmem:v19+s16+$0x0] =	vst.idx.msk $0xffff, v11  }
0x4de: {  	v44 =	vld [tilespmem:$0x1FF10]  }
0x4df: {  	v41 =	vor.u32 v31, v39;
	v34 =	vadd.s32 s18, v27  }
0x4e0: {  	v4 =	vor.u32 v7, v4;
	v11 =	vand.u32 $0x178F, v34  }
0x4e1: {  	v6 =	vor.u32 v7, v6;
	v1 =	vld.idx.msk [tilespmem:v1+s21+$0x0], $0xffff  }
0x4e2: {  	v48 =	vadd.s32 s0, v63;
	v9 =	vmul.f32 $8.000000000e+00, v14;
	v10 =	vor.u32 $0x40, v51;
	v2 =	vld.idx.msk [tilespmem:v2+s21+$0x0], $0xffff  }
0x4e3: {  	v8 =	vmul.f32 $8.000000000e+00, v8;
	v47 =	vand.u32 $0x48, v10;
	v42 =	vor.u32 v44, v37  }
0x4e4: {  	v49 =	vand.u32 $0x1FAF, v48;
	[tilespmem:v41+s16+$0x0] =	vst.idx.msk $0xffff, v9;
	v9 =	vor.u32 v52, v47  }
0x4e5: {  	v4 =	vld.idx.msk [tilespmem:v4+s21+$0x0], $0xffff;
	[tilespmem:v11+s16+$0x0] =	vst.idx.msk $0xffff, v8;
	v11 =	vor.u32 $0x30, v38  }
0x4e6: {  	v1 =	vmul.f32 $8.000000000e+00, v1  }
0x4e7: {  	v2 =	vmul.f32 $8.000000000e+00, v2;
	v6 =	vld.idx.msk [tilespmem:v6+s21+$0x0], $0xffff  }
0x4e8: {  	v8 =	vadd.s32 s18, v28;
	[tilespmem:v42+s16+$0x0] =	vst.idx.msk $0xffff, v1  }
0x4e9: {  	[tilespmem:v49+s16+$0x0] =	vst.idx.msk $0xffff, v2;
	v8 =	vand.u32 $0x1F8F, v8;
	v1 =	vld.idx.msk [tilespmem:v9+s23+$0x0], $0xffff  }
0x4ea: {  	v53 =	vor.u32 $0x20, v45;
	v2 =	vmul.f32 $8.000000000e+00, v4;
	v4 =	vld.idx.msk [tilespmem:v11+s23+$0x0], $0xffff;
	v9 =	vor.u32 $0x10, v40  }
0x4eb: {  	v55 =	vor.u32 v32, v39;
	v57 =	vand.u32 $0x28, v53;
	v47 =	vand.u32 $0x7, v39  }
0x4ec: {  	s5 =	simm.s32 $0x4;
	v16 =	vor.u32 v47, v57;
	v6 =	vmul.f32 $8.000000000e+00, v6  }
0x4ed: {  	v41 =	vadd.s32 s5, v0  }
0x4ee: {  	v46 =	vand.u32 $0xF, v41;
	[tilespmem:v8+s16+$0x0] =	vst.idx.msk $0xffff, v6;
	v8 =	vshll.u32 v10, $0x7;
	v1 =	vshll.u32 v1, $0x6  }
0x4ef: {  	v4 =	vshll.u32 v4, $0x6;
	v6 =	vld.idx.msk [tilespmem:v9+s23+$0x0], $0xffff;
	v1 =	vadd.s32 v8, v1;
	v8 =	vshll.u32 v11, $0x7  }
0x4f0: {  	[tilespmem:v55+s16+$0x0] =	vst.idx.msk $0xffff, v2;
	v11 =	vor.u32 v0, v1;
	v4 =	vadd.s32 v8, v4  }
0x4f1: {  	v2 =	vld.idx.msk [tilespmem:v16+s23+$0x0], $0xffff;
	v8 =	vor.u32 v0, v4;
	_ =	sdelay $0x1  }
0x4f2: {  	v10 =	vld.idx.msk [tilespmem:v46+s23+$0x0], $0xffff  }
0x4f3: {  	v9 =	vshll.u32 v9, $0x7;
	v6 =	vshll.u32 v6, $0x6  }
0x4f4: {  	v17 =	vshll.u32 v53, $0x7;
	v6 =	vadd.s32 v9, v6;
	v9 =	vld.idx.msk [tilespmem:v11+s21+$0x0], $0xffff  }
0x4f5: {  	v48 =	vor.u32 v50, v38;
	v19 =	vadd.s32 s25, v33;
	v2 =	vshll.u32 v2, $0x6;
	v8 =	vld.idx.msk [tilespmem:v8+s21+$0x0], $0xffff  }
0x4f6: {  	v13 =	vand.u32 $0x7CF, v19;
	v2 =	vadd.s32 v17, v2;
	v11 =	vor.u32 v0, v6  }
0x4f7: {  	v18 =	vshll.u32 v46, $0x7;
	v12 =	vor.u32 v0, v2;
	v10 =	vshll.u32 v10, $0x6  }
0x4f8: {  	v10 =	vadd.s32 v18, v10  }
0x4f9: {  	v34 =	vor.u32 v0, v10;
	v9 =	vmul.f32 $8.000000000e+00, v9  }
0x4fa: {  	v49 =	vor.u32 v3, v4;
	v8 =	vmul.f32 $8.000000000e+00, v8  }
0x4fb: {  	v11 =	vld.idx.msk [tilespmem:v11+s21+$0x0], $0xffff;
	[tilespmem:v13+s16+$0x0] =	vst.idx.msk $0xffff, v9  }
0x4fc: {  	v42 =	vor.u32 v3, v1;
	v12 =	vld.idx.msk [tilespmem:v12+s21+$0x0], $0xffff;
	[tilespmem:v48+s16+$0x0] =	vst.idx.msk $0xffff, v8  }
0x4fd: {  	v55 =	vmov v50;
	v50 =	vadd.s32 s31, v54;
	v9 =	vor.u32 v29, v40;
	v24 =	vld [tilespmem:$0x1FF80]  }
0x4fe: {  	v18 =	vand.u32 $0x7AF, v50;
	v14 =	vld.idx.msk [tilespmem:v34+s21+$0x0], $0xffff  }
0x4ff: {  	v53 =	vadd.s32 s5, v25;
	v20 =	vor.u32 v3, v2;
	v17 =	vld.idx.msk [tilespmem:v49+s21+$0x0], $0xffff  }
0x500: {  	v57 =	vor.u32 v3, v6;
	v8 =	vand.u32 $0x78F, v53;
	v11 =	vmul.f32 $8.000000000e+00, v11  }
0x501: {  	v12 =	vmul.f32 $8.000000000e+00, v12;
	v13 =	vld.idx.msk [tilespmem:v42+s21+$0x0], $0xffff;
	v42 =	vor.u32 v3, v10;
	v49 =	vor.u32 v59, v38  }
0x502: {  	[tilespmem:v9+s16+$0x0] =	vst.idx.msk $0xffff, v11;
	v9 =	vor.u32 v5, v4;
	v34 =	vadd.s32 s25, v24  }
0x503: {  	v14 =	vmul.f32 $8.000000000e+00, v14;
	[tilespmem:v18+s16+$0x0] =	vst.idx.msk $0xffff, v12;
	v16 =	vand.u32 $0xFCF, v34  }
0x504: {  	v48 =	vor.u32 v5, v1;
	v20 =	vld.idx.msk [tilespmem:v20+s21+$0x0], $0xffff;
	v53 =	vmul.f32 $8.000000000e+00, v17  }
0x505: {  	v50 =	vadd.s32 s31, v60;
	v11 =	vld.idx.msk [tilespmem:v57+s21+$0x0], $0xffff;
	[tilespmem:v8+s16+$0x0] =	vst.idx.msk $0xffff, v14  }
0x506: {  	v13 =	vmul.f32 $8.000000000e+00, v13;
	v8 =	vand.u32 $0xFAF, v50;
	v14 =	vld.idx.msk [tilespmem:v42+s21+$0x0], $0xffff;
	[tilespmem:v49+s16+$0x0] =	vst.idx.msk $0xffff, v53  }
0x507: {  	v57 =	vadd.s32 s5, v26;
	v9 =	vld.idx.msk [tilespmem:v9+s21+$0x0], $0xffff  }
0x508: {  	v42 =	vand.u32 $0xF8F, v57;
	[tilespmem:v16+s16+$0x0] =	vst.idx.msk $0xffff, v13  }
0x509: {  	v19 =	vor.u32 v5, v2;
	v57 =	vor.u32 v62, v38;
	v53 =	vmul.f32 $8.000000000e+00, v20;
	v12 =	vld.idx.msk [tilespmem:v48+s21+$0x0], $0xffff  }
0x50a: {  	v50 =	vadd.s32 s25, v35;
	v13 =	vor.u32 v30, v40  }
0x50b: {  	v17 =	vand.u32 $0x17CF, v50;
	v34 =	vor.u32 v5, v6;
	[tilespmem:v8+s16+$0x0] =	vst.idx.msk $0xffff, v53;
	v8 =	vmul.f32 $8.000000000e+00, v14  }
0x50c: {  	v9 =	vmul.f32 $8.000000000e+00, v9  }
0x50d: {  	v11 =	vmul.f32 $8.000000000e+00, v11;
	[tilespmem:v42+s16+$0x0] =	vst.idx.msk $0xffff, v8  }
0x50e: {  	v20 =	vor.u32 v5, v10;
	v18 =	vld.idx.msk [tilespmem:v19+s21+$0x0], $0xffff;
	[tilespmem:v57+s16+$0x0] =	vst.idx.msk $0xffff, v9;
	v12 =	vmul.f32 $8.000000000e+00, v12  }
0x50f: {  	v4 =	vor.u32 v7, v4;
	[tilespmem:v13+s16+$0x0] =	vst.idx.msk $0xffff, v11;
	v11 =	vadd.s32 s31, v58  }
0x510: {  	v1 =	vor.u32 v7, v1;
	v13 =	vld.idx.msk [tilespmem:v34+s21+$0x0], $0xffff;
	v8 =	vand.u32 $0x17AF, v11;
	[tilespmem:v17+s16+$0x0] =	vst.idx.msk $0xffff, v12  }
0x511: {  	v48 =	vmov v35;
	v35 =	vld [tilespmem:$0x1FF90]  }
0x512: {  	v61 =	vmov v58;
	v58 =	vor.u32 v31, v40  }
0x513: {  	v2 =	vor.u32 v7, v2;
	v11 =	vld.idx.msk [tilespmem:v20+s21+$0x0], $0xffff;
	v34 =	vmul.f32 $8.000000000e+00, v18  }
0x514: {  	v6 =	vor.u32 v7, v6;
	v10 =	vor.u32 v7, v10;
	v19 =	vadd.s32 s5, v27;
	v4 =	vld.idx.msk [tilespmem:v4+s21+$0x0], $0xffff  }
0x515: {  	v15 =	vand.u32 $0x178F, v19;
	v1 =	vld.idx.msk [tilespmem:v1+s21+$0x0], $0xffff;
	v13 =	vmul.f32 $8.000000000e+00, v13;
	[tilespmem:v8+s16+$0x0] =	vst.idx.msk $0xffff, v34;
	v8 =	vor.u32 $0x40, v23  }
0x516: {  	v42 =	vor.u32 v44, v38;
	v57 =	vand.u32 $0x48, v8;
	v9 =	vadd.s32 s25, v35  }
0x517: {  	[tilespmem:v58+s16+$0x0] =	vst.idx.msk $0xffff, v13;
	v13 =	vor.u32 v22, v57;
	v9 =	vand.u32 $0x1FCF, v9  }
0x518: {  	v14 =	vor.u32 $0x50, v37;
	v11 =	vmul.f32 $8.000000000e+00, v11  }
0x519: {  	v4 =	vmul.f32 $8.000000000e+00, v4;
	v2 =	vld.idx.msk [tilespmem:v2+s21+$0x0], $0xffff  }
0x51a: {  	v58 =	vadd.s32 s31, v63;
	[tilespmem:v15+s16+$0x0] =	vst.idx.msk $0xffff, v11;
	v6 =	vld.idx.msk [tilespmem:v6+s21+$0x0], $0xffff;
	v1 =	vmul.f32 $8.000000000e+00, v1  }
0x51b: {  	v50 =	vand.u32 $0x7, v40;
	[tilespmem:v42+s16+$0x0] =	vst.idx.msk $0xffff, v4;
	v11 =	vor.u32 $0x20, v43;
	v16 =	vand.u32 $0x1FAF, v58;
	v10 =	vld.idx.msk [tilespmem:v10+s21+$0x0], $0xffff  }
0x51c: {  	v34 =	vor.u32 $0x30, v39;
	v4 =	vld.idx.msk [tilespmem:v13+s23+$0x0], $0xffff;
	[tilespmem:v9+s16+$0x0] =	vst.idx.msk $0xffff, v1;
	v1 =	vor.u32 v32, v40;
	v9 =	vand.u32 $0x28, v11  }
0x51d: {  	v57 =	vld.idx.msk [tilespmem:v14+s23+$0x0], $0xffff;
	v9 =	vor.u32 v50, v9  }
0x51e: {  	s14 =	simm.s32 $0x5;
	v53 =	vadd.s32 s5, v28;
	v2 =	vmul.f32 $8.000000000e+00, v2  }
0x51f: {  	v17 =	vand.u32 $0x1F8F, v53;
	v42 =	vadd.s32 s14, v0;
	v6 =	vmul.f32 $8.000000000e+00, v6  }
0x520: {  	v8 =	vshll.u32 v8, $0x7;
	v49 =	vand.u32 $0xF, v42;
	[tilespmem:v16+s16+$0x0] =	vst.idx.msk $0xffff, v2  }
0x521: {  	v58 =	vor.u32 $0x10, v41;
	v10 =	vmul.f32 $8.000000000e+00, v10;
	v2 =	vld.idx.msk [tilespmem:v34+s23+$0x0], $0xffff;
	v4 =	vshll.u32 v4, $0x6;
	[tilespmem:v1+s16+$0x0] =	vst.idx.msk $0xffff, v6  }
0x522: {  	v4 =	vadd.s32 v8, v4;
	v1 =	vld.idx.msk [tilespmem:v9+s23+$0x0], $0xffff;
	v6 =	vshll.u32 v57, $0x6;
	v9 =	vshll.u32 v14, $0x7  }
0x523: {  	v19 =	vshll.u32 v34, $0x7;
	v34 =	vor.u32 v0, v4;
	v6 =	vadd.s32 v9, v6  }
0x524: {  	[tilespmem:v17+s16+$0x0] =	vst.idx.msk $0xffff, v10;
	v10 =	vor.u32 v0, v6;
	_ =	sdelay $0x1  }
0x525: {  	v8 =	vld.idx.msk [tilespmem:v49+s23+$0x0], $0xffff  }
0x526: {  	v2 =	vshll.u32 v2, $0x6;
	v9 =	vld.idx.msk [tilespmem:v58+s23+$0x0], $0xffff  }
0x527: {  	v11 =	vshll.u32 v11, $0x7;
	v2 =	vadd.s32 v19, v2;
	v14 =	vld.idx.msk [tilespmem:v34+s21+$0x0], $0xffff;
	v1 =	vshll.u32 v1, $0x6  }
0x528: {  	v1 =	vadd.s32 v11, v1;
	v11 =	vshll.u32 v58, $0x7;
	v58 =	vadd.s32 s0, v33;
	v10 =	vld.idx.msk [tilespmem:v10+s21+$0x0], $0xffff  }
0x529: {  	v13 =	vor.u32 v0, v2;
	v17 =	vand.u32 $0x7CF, v58  }
0x52a: {  	v16 =	vor.u32 v56, v37;
	v12 =	vor.u32 v0, v1  }
0x52b: {  	v9 =	vshll.u32 v9, $0x6  }
0x52c: {  	v53 =	vshll.u32 v49, $0x7;
	v9 =	vadd.s32 v11, v9;
	v14 =	vmul.f32 $8.000000000e+00, v14  }
0x52d: {  	v8 =	vshll.u32 v8, $0x6;
	v11 =	vor.u32 v0, v9;
	v10 =	vmul.f32 $8.000000000e+00, v10  }
0x52e: {  	v57 =	vor.u32 v3, v6;
	v8 =	vadd.s32 v53, v8;
	v13 =	vld.idx.msk [tilespmem:v13+s21+$0x0], $0xffff;
	[tilespmem:v17+s16+$0x0] =	vst.idx.msk $0xffff, v14  }
0x52f: {  	v53 =	vadd.s32 s18, v54;
	v34 =	vor.u32 v0, v8;
	v12 =	vld.idx.msk [tilespmem:v12+s21+$0x0], $0xffff;
	[tilespmem:v16+s16+$0x0] =	vst.idx.msk $0xffff, v10  }
0x530: {  	v20 =	vor.u32 v3, v4;
	v10 =	vand.u32 $0x7AF, v53;
	v53 =	vld [tilespmem:$0x1FFE0]  }
0x531: {  	v21 =	vor.u32 v55, v39  }
0x532: {  	v11 =	vld.idx.msk [tilespmem:v11+s21+$0x0], $0xffff  }
0x533: {  	v15 =	vld.idx.msk [tilespmem:v57+s21+$0x0], $0xffff  }
0x534: {  	v23 =	vor.u32 v29, v41;
	v22 =	vor.u32 v3, v2;
	v18 =	vld.idx.msk [tilespmem:v34+s21+$0x0], $0xffff;
	v13 =	vmul.f32 $8.000000000e+00, v13  }
0x535: {  	v20 =	vld.idx.msk [tilespmem:v20+s21+$0x0], $0xffff;
	v57 =	vadd.s32 s14, v25;
	v12 =	vmul.f32 $8.000000000e+00, v12;
	v58 =	vor.u32 v53, v37  }
0x536: {  	v16 =	vor.u32 v3, v1;
	[tilespmem:v21+s16+$0x0] =	vst.idx.msk $0xffff, v13;
	v21 =	vadd.s32 s0, v24;
	v34 =	vand.u32 $0x78F, v57  }
0x537: {  	v57 =	vor.u32 v5, v6;
	v11 =	vmul.f32 $8.000000000e+00, v11;
	[tilespmem:v10+s16+$0x0] =	vst.idx.msk $0xffff, v12;
	v10 =	vand.u32 $0xFCF, v21  }
0x538: {  	v15 =	vmul.f32 $8.000000000e+00, v15  }
0x539: {  	v14 =	vor.u32 v3, v9;
	v18 =	vmul.f32 $8.000000000e+00, v18;
	[tilespmem:v23+s16+$0x0] =	vst.idx.msk $0xffff, v11  }
0x53a: {  	v24 =	vor.u32 v3, v8;
	v22 =	vld.idx.msk [tilespmem:v22+s21+$0x0], $0xffff;
	[tilespmem:v58+s16+$0x0] =	vst.idx.msk $0xffff, v15;
	v58 =	vmul.f32 $8.000000000e+00, v20  }
0x53b: {  	v12 =	vld.idx.msk [tilespmem:v16+s21+$0x0], $0xffff;
	[tilespmem:v34+s16+$0x0] =	vst.idx.msk $0xffff, v18  }
0x53c: {  	v11 =	vor.u32 v59, v39;
	v13 =	vld.idx.msk [tilespmem:v57+s21+$0x0], $0xffff;
	[tilespmem:v10+s16+$0x0] =	vst.idx.msk $0xffff, v58  }
0x53d: {  	v21 =	vadd.s32 s18, v60;
	v16 =	vor.u32 v5, v4;
	v57 =	vld [tilespmem:$0x1FFD0]  }
0x53e: {  	v23 =	vor.u32 v5, v2;
	v14 =	vld.idx.msk [tilespmem:v14+s21+$0x0], $0xffff;
	v15 =	vand.u32 $0xFAF, v21  }
0x53f: {  	v18 =	vor.u32 v5, v1;
	v20 =	vld.idx.msk [tilespmem:v24+s21+$0x0], $0xffff;
	v21 =	vmul.f32 $8.000000000e+00, v22  }
0x540: {  	v34 =	vadd.s32 s14, v26;
	v22 =	vor.u32 v30, v41  }
0x541: {  	v12 =	vmul.f32 $8.000000000e+00, v12;
	[tilespmem:v11+s16+$0x0] =	vst.idx.msk $0xffff, v21;
	v11 =	vand.u32 $0xF8F, v34  }
0x542: {  	v10 =	vor.u32 v5, v9;
	v16 =	vld.idx.msk [tilespmem:v16+s21+$0x0], $0xffff;
	v17 =	vor.u32 v57, v37  }
0x543: {  	v14 =	vmul.f32 $8.000000000e+00, v14;
	v34 =	vadd.s32 s0, v48;
	v21 =	vld.idx.msk [tilespmem:v23+s21+$0x0], $0xffff;
	[tilespmem:v15+s16+$0x0] =	vst.idx.msk $0xffff, v12  }
0x544: {  	v23 =	vor.u32 v5, v8;
	v12 =	vand.u32 $0x17CF, v34;
	v15 =	vld.idx.msk [tilespmem:v18+s21+$0x0], $0xffff;
	v18 =	vmul.f32 $8.000000000e+00, v20  }
0x545: {  	v4 =	vor.u32 v7, v4;
	[tilespmem:v22+s16+$0x0] =	vst.idx.msk $0xffff, v14;
	v13 =	vmul.f32 $8.000000000e+00, v13  }
0x546: {  	v6 =	vor.u32 v7, v6;
	v58 =	vmov v48;
	[tilespmem:v11+s16+$0x0] =	vst.idx.msk $0xffff, v18  }
0x547: {  	v48 =	vadd.s32 s18, v61;
	v14 =	vor.u32 v62, v39;
	v10 =	vld.idx.msk [tilespmem:v10+s21+$0x0], $0xffff;
	v16 =	vmul.f32 $8.000000000e+00, v16;
	[tilespmem:v17+s16+$0x0] =	vst.idx.msk $0xffff, v13  }
0x548: {  	v19 =	vadd.s32 s0, v35;
	v2 =	vor.u32 v7, v2;
	v11 =	vand.u32 $0x17AF, v48;
	v48 =	vld [tilespmem:$0x1FFC0]  }
0x549: {  	v19 =	vand.u32 $0x1FCF, v19;
	v1 =	vor.u32 v7, v1;
	v18 =	vld.idx.msk [tilespmem:v23+s21+$0x0], $0xffff;
	[tilespmem:v12+s16+$0x0] =	vst.idx.msk $0xffff, v16  }
0x54a: {  	v62 =	vmovc v35;
	v34 =	vadd.s32 s14, v27;
	v35 =	vor.u32 v31, v41;
	v20 =	vmul.f32 $8.000000000e+00, v21;
	v4 =	vld.idx.msk [tilespmem:v4+s21+$0x0], $0xffff  }
0x54b: {  	v9 =	vor.u32 v7, v9;
	v8 =	vor.u32 v7, v8;
	v17 =	vand.u32 $0x178F, v34;
	v6 =	vld.idx.msk [tilespmem:v6+s21+$0x0], $0xffff  }
0x54c: {  	v15 =	vmul.f32 $8.000000000e+00, v15;
	v10 =	vmul.f32 $8.000000000e+00, v10;
	v16 =	vor.u32 $0x60, v51;
	[tilespmem:v14+s16+$0x0] =	vst.idx.msk $0xffff, v20  }
0x54d: {  	v20 =	vor.u32 $0x40, v45;
	v51 =	vand.u32 $0x68, v16;
	v2 =	vld.idx.msk [tilespmem:v2+s21+$0x0], $0xffff;
	v13 =	vor.u32 v48, v37  }
0x54e: {  	[tilespmem:v11+s16+$0x0] =	vst.idx.msk $0xffff, v15;
	v11 =	vor.u32 $0x50, v38;
	v14 =	vor.u32 v52, v51;
	v52 =	vmul.f32 $8.000000000e+00, v18  }
0x54f: {  	[tilespmem:v35+s16+$0x0] =	vst.idx.msk $0xffff, v10;
	v10 =	vor.u32 v44, v39;
	v34 =	vand.u32 $0x48, v20;
	v4 =	vmul.f32 $8.000000000e+00, v4  }
0x550: {  	v9 =	vld.idx.msk [tilespmem:v9+s21+$0x0], $0xffff;
	v12 =	vor.u32 v47, v34;
	[tilespmem:v17+s16+$0x0] =	vst.idx.msk $0xffff, v52;
	v6 =	vmul.f32 $8.000000000e+00, v6  }
0x551: {  	v1 =	vld.idx.msk [tilespmem:v1+s21+$0x0], $0xffff;
	[tilespmem:v19+s16+$0x0] =	vst.idx.msk $0xffff, v4  }
0x552: {  	v35 =	vadd.s32 s18, v63;
	v8 =	vld.idx.msk [tilespmem:v8+s21+$0x0], $0xffff;
	v2 =	vmul.f32 $8.000000000e+00, v2;
	v4 =	vor.u32 v32, v41;
	[tilespmem:v13+s16+$0x0] =	vst.idx.msk $0xffff, v6  }
0x553: {  	v6 =	vand.u32 $0x1FAF, v35;
	v13 =	vld.idx.msk [tilespmem:v14+s23+$0x0], $0xffff;
	v14 =	vor.u32 $0x20, v46  }
0x554: {  	v15 =	vor.u32 $0x30, v40;
	v51 =	vand.u32 $0x7, v41;
	[tilespmem:v10+s16+$0x0] =	vst.idx.msk $0xffff, v2;
	v19 =	vld.idx.msk [tilespmem:v11+s23+$0x0], $0xffff;
	v44 =	vand.u32 $0x28, v14  }
0x555: {  	v52 =	vadd.s32 s14, v28;
	v9 =	vmul.f32 $8.000000000e+00, v9;
	v2 =	vld.idx.msk [tilespmem:v12+s23+$0x0], $0xffff;
	v17 =	vor.u32 v51, v44  }
0x556: {  	v18 =	vand.u32 $0x1F8F, v52;
	v1 =	vmul.f32 $8.000000000e+00, v1  }
0x557: {  	s17 =	simm.s32 $0x6;
	v10 =	vor.u32 $0x10, v42;
	[tilespmem:v4+s16+$0x0] =	vst.idx.msk $0xffff, v9  }
0x558: {  	v8 =	vmul.f32 $8.000000000e+00, v8;
	v44 =	vadd.s32 s17, v0;
	v9 =	vshll.u32 v11, $0x7;
	[tilespmem:v6+s16+$0x0] =	vst.idx.msk $0xffff, v1  }
0x559: {  	v52 =	vand.u32 $0xF, v44;
	v6 =	vshll.u32 v16, $0x7;
	v1 =	vshll.u32 v13, $0x6;
	v12 =	vld.idx.msk [tilespmem:v15+s23+$0x0], $0xffff  }
0x55a: {  	v2 =	vshll.u32 v2, $0x6;
	v1 =	vadd.s32 v6, v1;
	v6 =	vshll.u32 v19, $0x6;
	v4 =	vld.idx.msk [tilespmem:v17+s23+$0x0], $0xffff  }
0x55b: {  	[tilespmem:v18+s16+$0x0] =	vst.idx.msk $0xffff, v8;
	v11 =	vor.u32 v0, v1;
	v6 =	vadd.s32 v9, v6;
	v9 =	vshll.u32 v20, $0x7  }
0x55c: {  	v2 =	vadd.s32 v9, v2;
	v9 =	vld [tilespmem:$0x1FE10]  }
0x55d: {  	v8 =	vld.idx.msk [tilespmem:v10+s23+$0x0], $0xffff;
	v13 =	vor.u32 v0, v6  }
0x55e: {  	v14 =	vshll.u32 v14, $0x7;
	v15 =	vshll.u32 v15, $0x7;
	v12 =	vshll.u32 v12, $0x6  }
0x55f: {  	v34 =	vld.idx.msk [tilespmem:v52+s23+$0x0], $0xffff;
	v17 =	vor.u32 v0, v2;
	v12 =	vadd.s32 v15, v12;
	v4 =	vshll.u32 v4, $0x6  }
0x560: {  	v11 =	vld.idx.msk [tilespmem:v11+s21+$0x0], $0xffff;
	v15 =	vor.u32 v0, v12;
	v4 =	vadd.s32 v14, v4  }
0x561: {  	v21 =	vadd.s32 s31, v33;
	v35 =	vmovc v9;
	v9 =	vadd.s32 s25, v9;
	v14 =	vor.u32 v0, v4  }
0x562: {  	v10 =	vshll.u32 v10, $0x7;
	v8 =	vshll.u32 v8, $0x6;
	v13 =	vld.idx.msk [tilespmem:v13+s21+$0x0], $0xffff;
	v9 =	vand.u32 $0x7EF, v9  }
0x563: {  	v18 =	vshll.u32 v52, $0x7;
	v23 =	vld [tilespmem:$0x1FE20];
	v8 =	vadd.s32 v10, v8;
	v10 =	vor.u32 v3, v1  }
0x564: {  	v20 =	vor.u32 v56, v38;
	v19 =	vor.u32 v0, v8;
	v16 =	vshll.u32 v34, $0x6;
	v17 =	vld.idx.msk [tilespmem:v17+s21+$0x0], $0xffff  }
0x565: {  	v16 =	vadd.s32 v18, v16;
	v18 =	vor.u32 v3, v6;
	v11 =	vmul.f32 $8.000000000e+00, v11;
	v15 =	vld.idx.msk [tilespmem:v15+s21+$0x0], $0xffff  }
0x566: {  	v24 =	vor.u32 v55, v40;
	v21 =	vand.u32 $0x7CF, v21;
	v14 =	vld.idx.msk [tilespmem:v14+s21+$0x0], $0xffff  }
0x567: {  	v22 =	vor.u32 v0, v16;
	v13 =	vmul.f32 $8.000000000e+00, v13;
	[tilespmem:v9+s16+$0x0] =	vst.idx.msk $0xffff, v11;
	v9 =	vadd.s32 s5, v54  }
0x568: {  	v10 =	vld.idx.msk [tilespmem:v10+s21+$0x0], $0xffff;
	v9 =	vand.u32 $0x7AF, v9  }
0x569: {  	v33 =	vmov v23;
	v23 =	vadd.s32 s25, v23;
	v19 =	vld.idx.msk [tilespmem:v19+s21+$0x0], $0xffff;
	[tilespmem:v20+s16+$0x0] =	vst.idx.msk $0xffff, v13;
	v13 =	vmul.f32 $8.000000000e+00, v17  }
0x56a: {  	v11 =	vor.u32 v3, v2;
	v20 =	vand.u32 $0xFEF, v23;
	v17 =	vld.idx.msk [tilespmem:v18+s21+$0x0], $0xffff;
	v15 =	vmul.f32 $8.000000000e+00, v15  }
0x56b: {  	v55 =	vor.u32 v3, v12;
	v23 =	vor.u32 v29, v42;
	[tilespmem:v21+s16+$0x0] =	vst.idx.msk $0xffff, v13;
	v14 =	vmul.f32 $8.000000000e+00, v14  }
0x56c: {  	v22 =	vld.idx.msk [tilespmem:v22+s21+$0x0], $0xffff;
	v21 =	vor.u32 v53, v38;
	[tilespmem:v24+s16+$0x0] =	vst.idx.msk $0xffff, v15  }
0x56d: {  	v10 =	vmul.f32 $8.000000000e+00, v10;
	[tilespmem:v9+s16+$0x0] =	vst.idx.msk $0xffff, v14  }
0x56e: {  	v19 =	vmul.f32 $8.000000000e+00, v19;
	v9 =	vld [tilespmem:$0x1FF80]  }
0x56f: {  	v11 =	vld.idx.msk [tilespmem:v11+s21+$0x0], $0xffff;
	v17 =	vmul.f32 $8.000000000e+00, v17;
	[tilespmem:v20+s16+$0x0] =	vst.idx.msk $0xffff, v10  }
0x570: {  	v18 =	vor.u32 v3, v4;
	v14 =	vld.idx.msk [tilespmem:v55+s21+$0x0], $0xffff;
	[tilespmem:v23+s16+$0x0] =	vst.idx.msk $0xffff, v19  }
0x571: {  	v34 =	vmovc v56;
	v56 =	vor.u32 v5, v1;
	v55 =	vmul.f32 $8.000000000e+00, v22;
	v22 =	vadd.s32 s5, v60;
	v23 =	vld [tilespmem:$0x1FF20];
	[tilespmem:v21+s16+$0x0] =	vst.idx.msk $0xffff, v17  }
0x572: {  	v13 =	vor.u32 v3, v8;
	v21 =	vand.u32 $0xFAF, v22;
	v22 =	vld [tilespmem:$0x1FFB0]  }
0x573: {  	v9 =	vadd.s32 s31, v9  }
0x574: {  	v54 =	vadd.s32 s17, v25;
	v9 =	vand.u32 $0xFCF, v9  }
0x575: {  	v15 =	vand.u32 $0x78F, v54;
	v10 =	vld.idx.msk [tilespmem:v18+s21+$0x0], $0xffff  }
0x576: {  	v59 =	vor.u32 v59, v40;
	v20 =	vld.idx.msk [tilespmem:v56+s21+$0x0], $0xffff  }
0x577: {  	v13 =	vld.idx.msk [tilespmem:v13+s21+$0x0], $0xffff;
	v11 =	vmul.f32 $8.000000000e+00, v11;
	v22 =	vadd.s32 s25, v22  }
0x578: {  	v24 =	vor.u32 v5, v6;
	v22 =	vand.u32 $0x17EF, v22  }
0x579: {  	v54 =	vor.u32 v3, v16;
	v14 =	vmul.f32 $8.000000000e+00, v14;
	[tilespmem:v9+s16+$0x0] =	vst.idx.msk $0xffff, v11;
	v11 =	vor.u32 v30, v42  }
0x57a: {  	[tilespmem:v15+s16+$0x0] =	vst.idx.msk $0xffff, v55;
	v10 =	vmul.f32 $8.000000000e+00, v10  }
0x57b: {  	v17 =	vor.u32 v5, v2;
	[tilespmem:v59+s16+$0x0] =	vst.idx.msk $0xffff, v14;
	v20 =	vmul.f32 $8.000000000e+00, v20  }
0x57c: {  	v13 =	vmul.f32 $8.000000000e+00, v13;
	[tilespmem:v21+s16+$0x0] =	vst.idx.msk $0xffff, v10  }
0x57d: {  	v15 =	vor.u32 v5, v12;
	v18 =	vld.idx.msk [tilespmem:v24+s21+$0x0], $0xffff;
	[tilespmem:v22+s16+$0x0] =	vst.idx.msk $0xffff, v20  }
0x57e: {  	v54 =	vld.idx.msk [tilespmem:v54+s21+$0x0], $0xffff;
	[tilespmem:v11+s16+$0x0] =	vst.idx.msk $0xffff, v13  }
0x57f: {  	v9 =	vor.u32 v5, v4;
	v13 =	vld [tilespmem:$0x1FF00]  }
0x580: {  	v1 =	vor.u32 v7, v1;
	v59 =	vadd.s32 s17, v26;
	v10 =	vor.u32 v57, v38;
	v17 =	vld.idx.msk [tilespmem:v17+s21+$0x0], $0xffff  }
0x581: {  	v24 =	vadd.s32 s31, v58;
	v14 =	vand.u32 $0xF8F, v59  }
0x582: {  	v60 =	vor.u32 v5, v8;
	v24 =	vand.u32 $0x17CF, v24;
	v15 =	vld.idx.msk [tilespmem:v15+s21+$0x0], $0xffff  }
0x583: {  	v18 =	vmul.f32 $8.000000000e+00, v18  }
0x584: {  	v6 =	vor.u32 v7, v6;
	v22 =	vmul.f32 $8.000000000e+00, v54;
	v9 =	vld.idx.msk [tilespmem:v9+s21+$0x0], $0xffff;
	v13 =	vor.u32 v13, v40  }
0x585: {  	v1 =	vld.idx.msk [tilespmem:v1+s21+$0x0], $0xffff;
	v11 =	vadd.s32 s5, v61;
	[tilespmem:v10+s16+$0x0] =	vst.idx.msk $0xffff, v18;
	v17 =	vmul.f32 $8.000000000e+00, v17  }
0x586: {  	v23 =	vadd.s32 s25, v23;
	v21 =	vor.u32 v5, v16;
	v11 =	vand.u32 $0x17AF, v11;
	[tilespmem:v14+s16+$0x0] =	vst.idx.msk $0xffff, v22  }
0x587: {  	v2 =	vor.u32 v7, v2;
	v53 =	vand.u32 $0x1FEF, v23;
	v15 =	vmul.f32 $8.000000000e+00, v15;
	v10 =	vld.idx.msk [tilespmem:v60+s21+$0x0], $0xffff;
	[tilespmem:v24+s16+$0x0] =	vst.idx.msk $0xffff, v17  }
0x588: {  	v22 =	vld [tilespmem:$0x1FDD0]  }
0x589: {  	v6 =	vld.idx.msk [tilespmem:v6+s21+$0x0], $0xffff;
	v9 =	vmul.f32 $8.000000000e+00, v9;
	[tilespmem:v13+s16+$0x0] =	vst.idx.msk $0xffff, v15  }
0x58a: {  	v8 =	vor.u32 v7, v8;
	v58 =	vadd.s32 s17, v27;
	v1 =	vmul.f32 $8.000000000e+00, v1;
	v15 =	vld [tilespmem:$0x1FDE0]  }
0x58b: {  	v12 =	vor.u32 v7, v12;
	v59 =	vor.u32 v48, v38;
	v48 =	vld.idx.msk [tilespmem:v21+s21+$0x0], $0xffff;
	[tilespmem:v11+s16+$0x0] =	vst.idx.msk $0xffff, v9  }
0x58c: {  	v4 =	vor.u32 v7, v4;
	v21 =	vor.u32 v31, v42;
	v2 =	vld.idx.msk [tilespmem:v2+s21+$0x0], $0xffff;
	[tilespmem:v53+s16+$0x0] =	vst.idx.msk $0xffff, v1  }
0x58d: {  	v55 =	vand.u32 $0x178F, v58;
	v14 =	vor.u32 $0x70, v37;
	v22 =	vor.u32 $0x60, v22;
	v1 =	vld [tilespmem:$0x1FF10]  }
0x58e: {  	v16 =	vor.u32 v7, v16;
	v20 =	vadd.s32 s31, v62;
	v23 =	vand.u32 $0x68, v22  }
0x58f: {  	v20 =	vand.u32 $0x1FCF, v20;
	v10 =	vmul.f32 $8.000000000e+00, v10;
	v15 =	vor.u32 v15, v23  }
0x590: {  	v57 =	vor.u32 $0x30, v41;
	v62 =	vor.u32 $0x40, v43;
	v6 =	vmul.f32 $8.000000000e+00, v6;
	v12 =	vld.idx.msk [tilespmem:v12+s21+$0x0], $0xffff  }
0x591: {  	v61 =	vor.u32 $0x50, v39;
	v2 =	vmul.f32 $8.000000000e+00, v2;
	v9 =	vadd.s32 s5, v63;
	[tilespmem:v21+s16+$0x0] =	vst.idx.msk $0xffff, v10;
	v23 =	vld.idx.msk [tilespmem:v4+s21+$0x0], $0xffff  }
0x592: {  	v10 =	vld.idx.msk [tilespmem:v14+s23+$0x0], $0xffff;
	[tilespmem:v59+s16+$0x0] =	vst.idx.msk $0xffff, v6;
	v6 =	vadd.s32 s17, v28;
	v60 =	vor.u32 v1, v40;
	v1 =	vand.u32 $0x48, v62  }
0x593: {  	s20 =	simm.s32 $0x7;
	v18 =	vand.u32 $0x1FAF, v9;
	v8 =	vld.idx.msk [tilespmem:v8+s21+$0x0], $0xffff;
	v4 =	vmul.f32 $8.000000000e+00, v48;
	v19 =	vor.u32 v50, v1  }
0x594: {  	[tilespmem:v20+s16+$0x0] =	vst.idx.msk $0xffff, v2;
	v14 =	vshll.u32 v14, $0x7;
	v11 =	vand.u32 $0x1F8F, v6;
	v48 =	vadd.s32 s20, v0;
	v15 =	vld.idx.msk [tilespmem:v15+s23+$0x0], $0xffff  }
0x595: {  	v12 =	vmul.f32 $8.000000000e+00, v12;
	v1 =	vor.u32 $0x20, v49;
	[tilespmem:v55+s16+$0x0] =	vst.idx.msk $0xffff, v4;
	v4 =	vor.u32 v32, v42  }
0x596: {  	v63 =	vld.idx.msk [tilespmem:v61+s23+$0x0], $0xffff;
	v55 =	vand.u32 $0x7, v42;
	v58 =	vand.u32 $0x28, v1;
	v59 =	vmul.f32 $8.000000000e+00, v23  }
0x597: {  	v54 =	vand.u32 $0xF, v48;
	v9 =	vld.idx.msk [tilespmem:v16+s21+$0x0], $0xffff;
	v6 =	vor.u32 v55, v58;
	[tilespmem:v60+s16+$0x0] =	vst.idx.msk $0xffff, v12;
	v60 =	vshll.u32 v10, $0x6  }
0x598: {  	v8 =	vmul.f32 $8.000000000e+00, v8;
	v10 =	vor.u32 $0x10, v44;
	v2 =	vld.idx.msk [tilespmem:v19+s23+$0x0], $0xffff;
	[tilespmem:v18+s16+$0x0] =	vst.idx.msk $0xffff, v59;
	v53 =	vadd.s32 v14, v60  }
0x599: {  	s25 =	simm.s32 $0x8;
	v21 =	vmovc v32;
	v60 =	vshll.u32 v22, $0x7;
	v58 =	vld.idx.msk [tilespmem:v57+s23+$0x0], $0xffff;
	v56 =	vor.u32 v0, v53;
	v59 =	vshll.u32 v15, $0x6  }
.LBB2_5:
0x59a: {  	_ =	sdelay $0x2  }
0x59b: {  	[tilespmem:v4+s16+$0x0] =	vst.idx.msk $0xffff, v8  }
0x59c: {  	v9 =	vmul.f32 $8.000000000e+00, v9;
	v6 =	vld.idx.msk [tilespmem:v6+s23+$0x0], $0xffff  }
0x59d: {  	v14 =	vld.idx.msk [tilespmem:v54+s23+$0x0], $0xffff  }
0x59e: {  	[tilespmem:v11+s16+$0x0] =	vst.idx.msk $0xffff, v9;
	v9 =	vld [tilespmem:$0x1FF20];
	_ =	sdelay $0x1  }
0x59f: {  	v12 =	vshll.u32 v61, $0x7;
	v4 =	vadd.s32 v60, v59  }
0x5a0: {  	v15 =	vld [tilespmem:$0x1FF30];
	v17 =	vshll.u32 v57, $0x7;
	v8 =	vshll.u32 v63, $0x6;
	v13 =	vor.u32 v0, v4  }
0x5a1: {  	v61 =	vadd.s32 v12, v8;
	v2 =	vshll.u32 v2, $0x6;
	v11 =	vshll.u32 v62, $0x7  }
0x5a2: {  	v12 =	vor.u32 v0, v61;
	v16 =	vshll.u32 v58, $0x6;
	v59 =	vadd.s32 s0, v9;
	v9 =	vld.idx.msk [tilespmem:v10+s23+$0x0], $0xffff  }
0x5a3: {  	v60 =	vadd.s32 v11, v2;
	v2 =	vadd.s32 s0, v35;
	v11 =	vld.idx.msk [tilespmem:v56+s21+$0x0], $0xffff;
	v57 =	vadd.s32 v17, v16  }
0x5a4: {  	v20 =	vld [tilespmem:$0x1FFA0];
	v63 =	vand.u32 $0x7EF, v2;
	v2 =	vshll.u32 v6, $0x6;
	v6 =	vor.u32 v0, v57  }
0x5a5: {  	v1 =	vshll.u32 v1, $0x7;
	v22 =	vld [tilespmem:$0x1FEA0];
	v15 =	vor.u32 v15, v37;
	v18 =	vor.u32 v0, v60  }
0x5a6: {  	v19 =	vor.u32 v3, v53;
	v13 =	vld.idx.msk [tilespmem:v13+s21+$0x0], $0xffff;
	v56 =	vadd.s32 v1, v2  }
0x5a7: {  	v62 =	vld [tilespmem:$0x1FEE0];
	v2 =	vshll.u32 v9, $0x6;
	v9 =	vor.u32 v0, v56  }
0x5a8: {  	v12 =	vld.idx.msk [tilespmem:v12+s21+$0x0], $0xffff;
	v11 =	vmul.f32 $8.000000000e+00, v11  }
0x5a9: {  	v10 =	vshll.u32 v10, $0x7;
	v6 =	vld.idx.msk [tilespmem:v6+s21+$0x0], $0xffff  }
0x5aa: {  	v2 =	vadd.s32 v10, v2;
	v10 =	vld.idx.msk [tilespmem:v18+s21+$0x0], $0xffff;
	[tilespmem:v15+s16+$0x0] =	vst.idx.msk $0xffff, v11  }
0x5ab: {  	v13 =	vmul.f32 $8.000000000e+00, v13;
	v19 =	vld.idx.msk [tilespmem:v19+s21+$0x0], $0xffff  }
0x5ac: {  	v32 =	vshll.u32 v54, $0x7;
	v58 =	vor.u32 v3, v4;
	v9 =	vld.idx.msk [tilespmem:v9+s21+$0x0], $0xffff  }
0x5ad: {  	v17 =	vor.u32 v0, v2;
	[tilespmem:v63+s16+$0x0] =	vst.idx.msk $0xffff, v13;
	v63 =	vld [tilespmem:$0x1FF40]  }
0x5ae: {  	v1 =	vshll.u32 v14, $0x6;
	v18 =	vor.u32 v34, v39  }
0x5af: {  	v20 =	vadd.s32 s18, v20;
	v1 =	vadd.s32 v32, v1;
	v32 =	vmovc v21;
	v21 =	vor.u32 v3, v61  }
0x5b0: {  	v24 =	vld [tilespmem:$0x1FF60];
	v11 =	vor.u32 v0, v1;
	v15 =	vand.u32 $0x7CF, v20  }
0x5b1: {  	v23 =	vor.u32 v3, v60;
	v12 =	vmul.f32 $8.000000000e+00, v12;
	v13 =	vor.u32 v62, v41;
	v14 =	vld.idx.msk [tilespmem:v58+s21+$0x0], $0xffff  }
0x5b2: {  	v22 =	vadd.s32 s14, v22;
	v62 =	vor.u32 v3, v57;
	v17 =	vld.idx.msk [tilespmem:v17+s21+$0x0], $0xffff;
	v16 =	vor.u32 v63, v37  }
0x5b3: {  	v10 =	vmul.f32 $8.000000000e+00, v10;
	[tilespmem:v18+s16+$0x0] =	vst.idx.msk $0xffff, v12;
	v12 =	vand.u32 $0x7AF, v22;
	v22 =	vld [tilespmem:$0x1FF50]  }
0x5b4: {  	v8 =	vadd.s32 s0, v33;
	v6 =	vmul.f32 $8.000000000e+00, v6;
	v18 =	vld.idx.msk [tilespmem:v21+s21+$0x0], $0xffff;
	v21 =	vor.u32 v5, v53  }
0x5b5: {  	v8 =	vand.u32 $0xFEF, v8;
	v19 =	vmul.f32 $8.000000000e+00, v19;
	v11 =	vld.idx.msk [tilespmem:v11+s21+$0x0], $0xffff;
	[tilespmem:v15+s16+$0x0] =	vst.idx.msk $0xffff, v10;
	v63 =	vor.u32 v3, v56  }
0x5b6: {  	v58 =	vor.u32 v24, v37;
	v24 =	vadd.s32 s20, v25;
	v15 =	vld.idx.msk [tilespmem:v23+s21+$0x0], $0xffff;
	v9 =	vmul.f32 $8.000000000e+00, v9;
	[tilespmem:v13+s16+$0x0] =	vst.idx.msk $0xffff, v6  }
0x5b7: {  	v10 =	vor.u32 v29, v44;
	v13 =	vand.u32 $0x78F, v24;
	v24 =	vld.idx.msk [tilespmem:v62+s21+$0x0], $0xffff;
	[tilespmem:v16+s16+$0x0] =	vst.idx.msk $0xffff, v19  }
0x5b8: {  	v6 =	vld [tilespmem:$0x1FFE0];
	[tilespmem:v12+s16+$0x0] =	vst.idx.msk $0xffff, v9  }
0x5b9: {  	v14 =	vmul.f32 $8.000000000e+00, v14;
	v12 =	vld.idx.msk [tilespmem:v21+s21+$0x0], $0xffff  }
0x5ba: {  	v17 =	vmul.f32 $8.000000000e+00, v17;
	v19 =	vld.idx.msk [tilespmem:v63+s21+$0x0], $0xffff  }
0x5bb: {  	[tilespmem:v8+s16+$0x0] =	vst.idx.msk $0xffff, v14;
	v8 =	vld [tilespmem:$0x1FFB0]  }
0x5bc: {  	v23 =	vor.u32 v5, v4;
	[tilespmem:v10+s16+$0x0] =	vst.idx.msk $0xffff, v17;
	v17 =	vld [tilespmem:$0x1FF70];
	_ =	sdelay $0x1  }
0x5bd: {  	v20 =	vld [tilespmem:$0x1FF80];
	_ =	sdelay $0x1  }
0x5be: {  	v22 =	vor.u32 v22, v37;
	v37 =	vmovc v38;
	v38 =	vmov v39;
	v10 =	vld [tilespmem:$0x1FEF0];
	v8 =	vadd.s32 s0, v8;
	s0 =	smov.u32 s31;
	s31 =	smov.u32 s18  }
0x5bf: {  	v39 =	vor.u32 v3, v2;
	v6 =	vor.u32 v6, v38;
	v14 =	vadd.s32 s31, v17;
	v17 =	vld.idx.msk [tilespmem:v23+s21+$0x0], $0xffff  }
0x5c0: {  	v23 =	vld [tilespmem:$0x1FEB0]  }
0x5c1: {  	v20 =	vadd.s32 s18, v20;
	v62 =	vor.u32 v5, v61  }
0x5c2: {  	v18 =	vmul.f32 $8.000000000e+00, v18;
	v16 =	vor.u32 v3, v1;
	v9 =	vand.u32 $0xFCF, v20  }
0x5c3: {  	v11 =	vmul.f32 $8.000000000e+00, v11;
	v20 =	vor.u32 v5, v60  }
0x5c4: {  	v21 =	vld.idx.msk [tilespmem:v39+s21+$0x0], $0xffff;
	s18 =	smov.u32 s5;
	s5 =	smov.u32 s14;
	v10 =	vor.u32 v10, v41;
	[tilespmem:v6+s16+$0x0] =	vst.idx.msk $0xffff, v18  }
0x5c5: {  	v15 =	vmul.f32 $8.000000000e+00, v15;
	v63 =	vor.u32 v5, v57;
	[tilespmem:v13+s16+$0x0] =	vst.idx.msk $0xffff, v11;
	v23 =	vadd.s32 s5, v23  }
0x5c6: {  	v13 =	vld.idx.msk [tilespmem:v62+s21+$0x0], $0xffff;
	v11 =	vand.u32 $0xFAF, v23  }
0x5c7: {  	v24 =	vmul.f32 $8.000000000e+00, v24;
	v62 =	vor.u32 v7, v53;
	v16 =	vld.idx.msk [tilespmem:v16+s21+$0x0], $0xffff;
	[tilespmem:v9+s16+$0x0] =	vst.idx.msk $0xffff, v15  }
0x5c8: {  	v12 =	vmul.f32 $8.000000000e+00, v12;
	v15 =	vld.idx.msk [tilespmem:v20+s21+$0x0], $0xffff;
	v23 =	vor.u32 v5, v56  }
0x5c9: {  	v19 =	vmul.f32 $8.000000000e+00, v19;
	v8 =	vand.u32 $0x17EF, v8;
	[tilespmem:v10+s16+$0x0] =	vst.idx.msk $0xffff, v24;
	v10 =	vld [tilespmem:$0x1FFD0]  }
0x5ca: {  	v9 =	vor.u32 v30, v44;
	v24 =	vld.idx.msk [tilespmem:v63+s21+$0x0], $0xffff;
	[tilespmem:v22+s16+$0x0] =	vst.idx.msk $0xffff, v12  }
0x5cb: {  	[tilespmem:v11+s16+$0x0] =	vst.idx.msk $0xffff, v19  }
0x5cc: {  	v17 =	vmul.f32 $8.000000000e+00, v17;
	v11 =	vand.u32 $0x17CF, v14;
	v14 =	vld.idx.msk [tilespmem:v62+s21+$0x0], $0xffff  }
0x5cd: {  	v4 =	vor.u32 v7, v4;
	s14 =	smov.u32 s17;
	s17 =	smov.u32 s20;
	v21 =	vmul.f32 $8.000000000e+00, v21;
	v18 =	vld.idx.msk [tilespmem:v23+s21+$0x0], $0xffff  }
0x5ce: {  	v6 =	vadd.s32 s17, v26;
	v20 =	vor.u32 v5, v2;
	v10 =	vor.u32 v10, v38;
	[tilespmem:v8+s16+$0x0] =	vst.idx.msk $0xffff, v17;
	v62 =	vld [tilespmem:$0x1FF00]  }
0x5cf: {  	v6 =	vand.u32 $0xF8F, v6;
	[tilespmem:v9+s16+$0x0] =	vst.idx.msk $0xffff, v21;
	v9 =	vld [tilespmem:$0x1FEC0]  }
0x5d0: {  	v39 =	vmov v40;
	v40 =	vor.u32 v7, v61  }
0x5d1: {  	v53 =	vor.u32 v5, v1;
	v13 =	vmul.f32 $8.000000000e+00, v13  }
0x5d2: {  	v61 =	vor.u32 v7, v60;
	v8 =	vmul.f32 $8.000000000e+00, v16;
	v4 =	vld.idx.msk [tilespmem:v4+s21+$0x0], $0xffff  }
0x5d3: {  	v20 =	vld.idx.msk [tilespmem:v20+s21+$0x0], $0xffff;
	[tilespmem:v10+s16+$0x0] =	vst.idx.msk $0xffff, v13;
	v16 =	vor.u32 v62, v41  }
0x5d4: {  	v15 =	vmul.f32 $8.000000000e+00, v15;
	v21 =	vor.u32 v7, v57;
	[tilespmem:v6+s16+$0x0] =	vst.idx.msk $0xffff, v8;
	v9 =	vadd.s32 s5, v9  }
0x5d5: {  	v8 =	vld.idx.msk [tilespmem:v40+s21+$0x0], $0xffff;
	v6 =	vand.u32 $0x17AF, v9  }
0x5d6: {  	v23 =	vmul.f32 $8.000000000e+00, v24;
	v12 =	vld.idx.msk [tilespmem:v53+s21+$0x0], $0xffff;
	v53 =	vor.u32 v7, v56;
	[tilespmem:v11+s16+$0x0] =	vst.idx.msk $0xffff, v15;
	v11 =	vand.u32 $0x1FEF, v59  }
0x5d7: {  	v56 =	vor.u32 v31, v44;
	v14 =	vmul.f32 $8.000000000e+00, v14;
	v19 =	vld.idx.msk [tilespmem:v61+s21+$0x0], $0xffff  }
0x5d8: {  	v2 =	vor.u32 v7, v2;
	v18 =	vmul.f32 $8.000000000e+00, v18;
	v9 =	vld [tilespmem:$0x1FFC0];
	[tilespmem:v16+s16+$0x0] =	vst.idx.msk $0xffff, v23  }
0x5d9: {  	v4 =	vmul.f32 $8.000000000e+00, v4;
	v21 =	vld.idx.msk [tilespmem:v21+s21+$0x0], $0xffff;
	[tilespmem:v58+s16+$0x0] =	vst.idx.msk $0xffff, v14  }
0x5da: {  	v22 =	vld [tilespmem:$0x1FF90];
	v58 =	vmul.f32 $8.000000000e+00, v20;
	[tilespmem:v6+s16+$0x0] =	vst.idx.msk $0xffff, v18  }
0x5db: {  	v13 =	vld.idx.msk [tilespmem:v53+s21+$0x0], $0xffff;
	[tilespmem:v11+s16+$0x0] =	vst.idx.msk $0xffff, v4  }
0x5dc: {  	v11 =	vld [tilespmem:$0x1FF10];
	[tilespmem:v56+s16+$0x0] =	vst.idx.msk $0xffff, v58  }
0x5dd: {  	v63 =	vadd.s32 s17, v27;
	v15 =	vld.idx.msk [tilespmem:v2+s21+$0x0], $0xffff  }
0x5de: {  	v24 =	vor.u32 $0x60, v45;
	v10 =	vor.u32 $0x70, v37;
	v9 =	vor.u32 v9, v38;
	v2 =	vld [tilespmem:$0x1FED0]  }
0x5df: {  	v1 =	vor.u32 v7, v1;
	v17 =	vand.u32 $0x178F, v63;
	v57 =	vand.u32 $0x68, v24  }
0x5e0: {  	v22 =	vadd.s32 s31, v22;
	v60 =	vshll.u32 v10, $0x7;
	v40 =	vmovc v41;
	v41 =	vmovc v42;
	v16 =	vor.u32 v47, v57  }
0x5e1: {  	v42 =	vmovc v44;
	v44 =	vmovc v48;
	v62 =	vor.u32 $0x40, v46;
	v48 =	vadd.s32 s25, v0;
	v8 =	vmul.f32 $8.000000000e+00, v8  }
0x5e2: {  	v45 =	vmovc v43;
	v61 =	vor.u32 $0x50, v39;
	v6 =	vand.u32 $0x1FCF, v22;
	v4 =	vmul.f32 $8.000000000e+00, v12  }
0x5e3: {  	v14 =	vld.idx.msk [tilespmem:v10+s23+$0x0], $0xffff;
	[tilespmem:v9+s16+$0x0] =	vst.idx.msk $0xffff, v8;
	v12 =	vor.u32 v11, v40;
	v11 =	vand.u32 $0x48, v62;
	v2 =	vadd.s32 s5, v2  }
0x5e4: {  	v43 =	vmovc v46;
	v57 =	vor.u32 $0x30, v41;
	[tilespmem:v17+s16+$0x0] =	vst.idx.msk $0xffff, v4;
	v18 =	vor.u32 v51, v11;
	v17 =	vand.u32 $0x1FAF, v2  }
0x5e5: {  	p0 =	sne.s32 s25, $0xF;
	v46 =	vmovc v49;
	v49 =	vmovc v52;
	v10 =	vor.u32 $0x10, v44;
	v8 =	vadd.s32 s17, v28;
	v11 =	vmul.f32 $8.000000000e+00, v19;
	v16 =	vld.idx.msk [tilespmem:v16+s23+$0x0], $0xffff  }
.Ltmp3:
0x5e6: {  	v47 =	vmovc v50;
	v50 =	vmovc v51;
	v4 =	vor.u32 v32, v42;
	v13 =	vmul.f32 $8.000000000e+00, v13;
	v9 =	vld.idx.msk [tilespmem:v1+s21+$0x0], $0xffff;
	v2 =	vmul.f32 $8.000000000e+00, v21;
	(pc) =	sbr.rel @p0 .LBB2_5-.Ltmp3, $4  }
0x5e7: {  	v1 =	vor.u32 $0x20, v52;
	v51 =	vmovc v55;
	v55 =	vand.u32 $0x7, v42;
	v52 =	vmovc v54;
	v54 =	vand.u32 $0xF, v48;
	[tilespmem:v6+s16+$0x0] =	vst.idx.msk $0xffff, v11  }
0x5e8: {  	v59 =	vshll.u32 v14, $0x6;
	v6 =	vand.u32 $0x28, v1;
	v11 =	vand.u32 $0x1F8F, v8;
	v63 =	vld.idx.msk [tilespmem:v61+s23+$0x0], $0xffff;
	[tilespmem:v12+s16+$0x0] =	vst.idx.msk $0xffff, v2  }
0x5e9: {  	v8 =	vmul.f32 $8.000000000e+00, v15;
	v53 =	vadd.s32 v60, v59;
	v60 =	vshll.u32 v24, $0x7;
	v2 =	vld.idx.msk [tilespmem:v18+s23+$0x0], $0xffff;
	[tilespmem:v17+s16+$0x0] =	vst.idx.msk $0xffff, v13  }
0x5ea: {  	s20 =	smov.u32 s25;
	s25 =	sadd.s32 $0x1, s25;
	v21 =	vmovc v32;
	v6 =	vor.u32 v55, v6;
	v56 =	vor.u32 v0, v53;
	v59 =	vshll.u32 v16, $0x6;
	v58 =	vld.idx.msk [tilespmem:v57+s23+$0x0], $0xffff  }
0x5eb: {  	_ =	sdelay $0x3  }
0x5ec: {  	v12 =	vld.idx.msk [tilespmem:v54+s23+$0x0], $0xffff;
	_ =	sdelay $0x4  }
0x5ed: {  	v13 =	vshll.u32 v54, $0x7;
	v12 =	vshll.u32 v12, $0x6  }
0x5ee: {  	v12 =	vadd.s32 v13, v12  }
0x5ef: {  	v13 =	vor.u32 v0, v12;
	_ =	sdelay $0x4  }
0x5f0: {  	v13 =	vld.idx.msk [tilespmem:v13+s21+$0x0], $0xffff  }
0x5f1: {  	v14 =	vadd.s32 s20, v25  }
0x5f2: {  	v14 =	vand.u32 $0x78F, v14  }
0x5f3: {  	v15 =	vor.u32 v3, v12;
	_ =	sdelay $0x1  }
0x5f4: {  	v13 =	vmul.f32 $8.000000000e+00, v13;
	_ =	sdelay $0x1  }
0x5f5: {  	[tilespmem:v14+s16+$0x0] =	vst.idx.msk $0xffff, v13  }
0x5f6: {  	v13 =	vld.idx.msk [tilespmem:v15+s21+$0x0], $0xffff  }
0x5f7: {  	v26 =	vadd.s32 s20, v26  }
0x5f8: {  	v14 =	vand.u32 $0xF8F, v26  }
0x5f9: {  	v15 =	vor.u32 v5, v12;
	_ =	sdelay $0x1  }
0x5fa: {  	v13 =	vmul.f32 $8.000000000e+00, v13;
	_ =	sdelay $0x1  }
0x5fb: {  	[tilespmem:v14+s16+$0x0] =	vst.idx.msk $0xffff, v13  }
0x5fc: {  	v13 =	vld.idx.msk [tilespmem:v15+s21+$0x0], $0xffff  }
0x5fd: {  	v22 =	vadd.s32 s20, v27  }
0x5fe: {  	v14 =	vand.u32 $0x178F, v22  }
0x5ff: {  	v12 =	vor.u32 v7, v12;
	_ =	sdelay $0x1  }
0x600: {  	v13 =	vmul.f32 $8.000000000e+00, v13;
	_ =	sdelay $0x1  }
0x601: {  	[tilespmem:v14+s16+$0x0] =	vst.idx.msk $0xffff, v13  }
0x602: {  	v12 =	vld.idx.msk [tilespmem:v12+s21+$0x0], $0xffff  }
0x603: {  	v23 =	vadd.s32 s20, v28  }
0x604: {  	v9 =	vmul.f32 $8.000000000e+00, v9;
	v13 =	vand.u32 $0x1F8F, v23  }
0x605: {  	v24 =	vor.u32 $0x10, v48  }
0x606: {  	[tilespmem:v11+s16+$0x0] =	vst.idx.msk $0xffff, v9  }
0x607: {  	v11 =	vld.idx.msk [tilespmem:v10+s23+$0x0], $0xffff;
	v25 =	vmul.f32 $8.000000000e+00, v12;
	_ =	sdelay $0x1  }
0x608: {  	[tilespmem:v13+s16+$0x0] =	vst.idx.msk $0xffff, v25  }
0x609: {  	v9 =	vld.idx.msk [tilespmem:v24+s23+$0x0], $0xffff;
	_ =	sdelay $0x1  }
0x60a: {  	v11 =	vshll.u32 v11, $0x6;
	v26 =	vshll.u32 v10, $0x7  }
0x60b: {  	v10 =	vadd.s32 v26, v11  }
0x60c: {  	v11 =	vor.u32 v0, v10  }
0x60d: {  	v27 =	vshll.u32 v24, $0x7;
	v9 =	vshll.u32 v9, $0x6  }
0x60e: {  	v9 =	vadd.s32 v27, v9  }
0x60f: {  	v12 =	vor.u32 v0, v9;
	_ =	sdelay $0x1  }
0x610: {  	v11 =	vld.idx.msk [tilespmem:v11+s21+$0x0], $0xffff;
	_ =	sdelay $0x1  }
0x611: {  	v28 =	vor.u32 v29, v44  }
0x612: {  	v22 =	vor.u32 v3, v10;
	v12 =	vld.idx.msk [tilespmem:v12+s21+$0x0], $0xffff;
	_ =	sdelay $0x1  }
0x613: {  	v15 =	vor.u32 v29, v48;
	v11 =	vmul.f32 $8.000000000e+00, v11  }
0x614: {  	v16 =	vor.u32 v3, v9  }
0x615: {  	[tilespmem:v28+s16+$0x0] =	vst.idx.msk $0xffff, v11  }
0x616: {  	v24 =	vld.idx.msk [tilespmem:v22+s21+$0x0], $0xffff;
	v23 =	vmul.f32 $8.000000000e+00, v12;
	_ =	sdelay $0x1  }
0x617: {  	v25 =	vor.u32 v30, v44;
	[tilespmem:v15+s16+$0x0] =	vst.idx.msk $0xffff, v23  }
0x618: {  	v27 =	vor.u32 v5, v10;
	v26 =	vld.idx.msk [tilespmem:v16+s21+$0x0], $0xffff;
	_ =	sdelay $0x1  }
0x619: {  	v12 =	vmul.f32 $8.000000000e+00, v24;
	v15 =	vor.u32 v30, v48  }
0x61a: {  	v16 =	vor.u32 v5, v9  }
0x61b: {  	[tilespmem:v25+s16+$0x0] =	vst.idx.msk $0xffff, v12  }
0x61c: {  	v12 =	vld.idx.msk [tilespmem:v27+s21+$0x0], $0xffff;
	v28 =	vmul.f32 $8.000000000e+00, v26;
	_ =	sdelay $0x1  }
0x61d: {  	v29 =	vor.u32 v31, v44;
	[tilespmem:v15+s16+$0x0] =	vst.idx.msk $0xffff, v28  }
0x61e: {  	v10 =	vor.u32 v7, v10;
	v30 =	vld.idx.msk [tilespmem:v16+s21+$0x0], $0xffff;
	_ =	sdelay $0x1  }
0x61f: {  	v22 =	vor.u32 v31, v48;
	v12 =	vmul.f32 $8.000000000e+00, v12;
	_ =	sdelay $0x1  }
0x620: {  	v9 =	vor.u32 v7, v9;
	[tilespmem:v29+s16+$0x0] =	vst.idx.msk $0xffff, v12  }
0x621: {  	v10 =	vld.idx.msk [tilespmem:v10+s21+$0x0], $0xffff;
	v23 =	vmul.f32 $8.000000000e+00, v30  }
0x622: {  	v24 =	vor.u32 $0x20, v52  }
0x623: {  	v25 =	vor.u32 v21, v44;
	v26 =	vand.u32 $0x28, v24;
	[tilespmem:v22+s16+$0x0] =	vst.idx.msk $0xffff, v23;
	v23 =	vand.u32 $0x7, v44  }
0x624: {  	v13 =	vor.u32 v23, v26  }
0x625: {  	v22 =	vand.u32 $0x7, v48;
	v9 =	vld.idx.msk [tilespmem:v9+s21+$0x0], $0xffff;
	[tilespmem:$0x1FDA0] =	vst v23  }
0x626: {  	v10 =	vmul.f32 $8.000000000e+00, v10;
	[tilespmem:$0x1FDB0] =	vst v22  }
0x627: {  	[tilespmem:v4+s16+$0x0] =	vst.idx.msk $0xffff, v8  }
0x628: {  	[tilespmem:v25+s16+$0x0] =	vst.idx.msk $0xffff, v10;
	v4 =	vld.idx.msk [tilespmem:v6+s23+$0x0], $0xffff  }
0x629: {  	v8 =	vld.idx.msk [tilespmem:v13+s23+$0x0], $0xffff  }
0x62a: {  	v15 =	vor.u32 v21, v48  }
0x62b: {  	v27 =	vor.u32 $0x20, v54  }
0x62c: {  	v1 =	vshll.u32 v1, $0x7;
	v16 =	vand.u32 $0x28, v27  }
0x62d: {  	v16 =	vor.u32 v22, v16;
	v6 =	vmul.f32 $8.000000000e+00, v9;
	v4 =	vshll.u32 v4, $0x6  }
0x62e: {  	v1 =	vadd.s32 v1, v4;
	v4 =	vshll.u32 v8, $0x6;
	v8 =	vshll.u32 v24, $0x7  }
0x62f: {  	[tilespmem:v15+s16+$0x0] =	vst.idx.msk $0xffff, v6;
	v28 =	vor.u32 v0, v1;
	v4 =	vadd.s32 v8, v4  }
0x630: {  	v15 =	vld [tilespmem:$0x1FEA0];
	v8 =	vor.u32 v0, v4;
	_ =	sdelay $0x1  }
0x631: {  	v6 =	vld.idx.msk [tilespmem:v16+s23+$0x0], $0xffff;
	_ =	sdelay $0x1  }
0x632: {  	v9 =	vld.idx.msk [tilespmem:v28+s21+$0x0], $0xffff  }
0x633: {  	v30 =	vadd.s32 s14, v15;
	v8 =	vld.idx.msk [tilespmem:v8+s21+$0x0], $0xffff  }
0x634: {  	v31 =	vadd.s32 s17, v15;
	v11 =	vand.u32 $0x7AF, v30  }
0x635: {  	v29 =	vshll.u32 v27, $0x7;
	v6 =	vshll.u32 v6, $0x6;
	v12 =	vand.u32 $0x7AF, v31  }
0x636: {  	v6 =	vadd.s32 v29, v6  }
0x637: {  	v10 =	vor.u32 v0, v6;
	v9 =	vmul.f32 $8.000000000e+00, v9  }
0x638: {  	v8 =	vmul.f32 $8.000000000e+00, v8  }
0x639: {  	[tilespmem:v11+s16+$0x0] =	vst.idx.msk $0xffff, v9  }
0x63a: {  	v21 =	vor.u32 v3, v1;
	[tilespmem:v12+s16+$0x0] =	vst.idx.msk $0xffff, v8  }
0x63b: {  	v24 =	vor.u32 v3, v4;
	v17 =	vld [tilespmem:$0x1FEB0]  }
0x63c: {  	v10 =	vld.idx.msk [tilespmem:v10+s21+$0x0], $0xffff;
	_ =	sdelay $0x2  }
0x63d: {  	v15 =	vadd.s32 s20, v15;
	v9 =	vld.idx.msk [tilespmem:v21+s21+$0x0], $0xffff  }
0x63e: {  	v15 =	vand.u32 $0x7AF, v15;
	v26 =	vld.idx.msk [tilespmem:v24+s21+$0x0], $0xffff;
	v25 =	vadd.s32 s14, v17  }
0x63f: {  	v8 =	vmul.f32 $8.000000000e+00, v10;
	v27 =	vadd.s32 s17, v17;
	v10 =	vand.u32 $0xFAF, v25  }
0x640: {  	v12 =	vand.u32 $0xFAF, v27;
	_ =	sdelay $0x1  }
0x641: {  	v9 =	vmul.f32 $8.000000000e+00, v9  }
0x642: {  	[tilespmem:v15+s16+$0x0] =	vst.idx.msk $0xffff, v8;
	v11 =	vmul.f32 $8.000000000e+00, v26  }
0x643: {  	v16 =	vor.u32 v3, v6;
	[tilespmem:v10+s16+$0x0] =	vst.idx.msk $0xffff, v9  }
0x644: {  	v8 =	vor.u32 v5, v1;
	[tilespmem:v12+s16+$0x0] =	vst.idx.msk $0xffff, v11  }
0x645: {  	v29 =	vor.u32 v5, v4;
	v31 =	vld [tilespmem:$0x1FEC0];
	_ =	sdelay $0x2  }
0x646: {  	v28 =	vld.idx.msk [tilespmem:v16+s21+$0x0], $0xffff  }
0x647: {  	v15 =	vadd.s32 s20, v17;
	v8 =	vld.idx.msk [tilespmem:v8+s21+$0x0], $0xffff  }
0x648: {  	v15 =	vand.u32 $0xFAF, v15;
	v11 =	vld.idx.msk [tilespmem:v29+s21+$0x0], $0xffff;
	v12 =	vadd.s32 s14, v31  }
0x649: {  	v21 =	vadd.s32 s17, v31;
	v10 =	vand.u32 $0x17AF, v12  }
0x64a: {  	v16 =	vor.u32 v5, v6;
	v24 =	vand.u32 $0x17AF, v21  }
0x64b: {  	v30 =	vmul.f32 $8.000000000e+00, v28  }
0x64c: {  	v8 =	vmul.f32 $8.000000000e+00, v8  }
0x64d: {  	[tilespmem:v15+s16+$0x0] =	vst.idx.msk $0xffff, v30;
	v11 =	vmul.f32 $8.000000000e+00, v11  }
0x64e: {  	[tilespmem:v10+s16+$0x0] =	vst.idx.msk $0xffff, v8  }
0x64f: {  	v1 =	vor.u32 v7, v1;
	v25 =	vld.idx.msk [tilespmem:v16+s21+$0x0], $0xffff;
	[tilespmem:v24+s16+$0x0] =	vst.idx.msk $0xffff, v11  }
0x650: {  	v4 =	vor.u32 v7, v4;
	v13 =	vadd.s32 s20, v31;
	v26 =	vld [tilespmem:$0x1FED0]  }
0x651: {  	v13 =	vand.u32 $0x17AF, v13  }
0x652: {  	v6 =	vor.u32 v7, v6;
	_ =	sdelay $0x1  }
0x653: {  	v8 =	vmul.f32 $8.000000000e+00, v25;
	v1 =	vld.idx.msk [tilespmem:v1+s21+$0x0], $0xffff  }
0x654: {  	v4 =	vld.idx.msk [tilespmem:v4+s21+$0x0], $0xffff;
	v27 =	vadd.s32 s14, v26  }
0x655: {  	[tilespmem:v13+s16+$0x0] =	vst.idx.msk $0xffff, v8;
	v28 =	vadd.s32 s17, v26;
	v9 =	vand.u32 $0x1FAF, v27  }
0x656: {  	v8 =	vor.u32 $0x30, v42;
	v6 =	vld.idx.msk [tilespmem:v6+s21+$0x0], $0xffff;
	v10 =	vand.u32 $0x1FAF, v28  }
0x657: {  	v29 =	vor.u32 $0x30, v44;
	v12 =	vadd.s32 s20, v26  }
0x658: {  	v1 =	vmul.f32 $8.000000000e+00, v1;
	v12 =	vand.u32 $0x1FAF, v12  }
0x659: {  	v4 =	vmul.f32 $8.000000000e+00, v4  }
0x65a: {  	v30 =	vor.u32 $0x30, v48;
	v15 =	vshll.u32 v57, $0x7;
	v31 =	vshll.u32 v58, $0x6;
	[tilespmem:v9+s16+$0x0] =	vst.idx.msk $0xffff, v1  }
0x65b: {  	v1 =	vadd.s32 v15, v31;
	[tilespmem:v10+s16+$0x0] =	vst.idx.msk $0xffff, v4;
	v4 =	vmul.f32 $8.000000000e+00, v6;
	v9 =	vld.idx.msk [tilespmem:v8+s23+$0x0], $0xffff  }
0x65c: {  	v6 =	vor.u32 v0, v1;
	v10 =	vld.idx.msk [tilespmem:v29+s23+$0x0], $0xffff  }
0x65d: {  	[tilespmem:v12+s16+$0x0] =	vst.idx.msk $0xffff, v4  }
0x65e: {  	v19 =	vld [tilespmem:$0x1FEE0]  }
0x65f: {  	v4 =	vld.idx.msk [tilespmem:v30+s23+$0x0], $0xffff  }
0x660: {  	v21 =	vshll.u32 v29, $0x7  }
0x661: {  	v8 =	vshll.u32 v8, $0x7;
	v9 =	vshll.u32 v9, $0x6;
	v6 =	vld.idx.msk [tilespmem:v6+s21+$0x0], $0xffff;
	v58 =	vshll.u32 v10, $0x6  }
0x662: {  	v8 =	vadd.s32 v8, v9;
	v9 =	vadd.s32 v21, v58  }
0x663: {  	v24 =	vor.u32 v19, v41;
	v10 =	vor.u32 v0, v9  }
0x664: {  	v13 =	vshll.u32 v30, $0x7;
	v4 =	vshll.u32 v4, $0x6  }
0x665: {  	v25 =	vor.u32 v0, v8;
	v4 =	vadd.s32 v13, v4  }
0x666: {  	v13 =	vor.u32 v0, v4;
	v6 =	vmul.f32 $8.000000000e+00, v6  }
0x667: {  	v14 =	vor.u32 v3, v1  }
0x668: {  	[tilespmem:v24+s16+$0x0] =	vst.idx.msk $0xffff, v6;
	v6 =	vld.idx.msk [tilespmem:v10+s21+$0x0], $0xffff  }
0x669: {  	v29 =	vld [tilespmem:$0x1FEF0]  }
0x66a: {  	v12 =	vld.idx.msk [tilespmem:v25+s21+$0x0], $0xffff  }
0x66b: {  	v15 =	vor.u32 v19, v44;
	v13 =	vld.idx.msk [tilespmem:v13+s21+$0x0], $0xffff  }
0x66c: {  	v27 =	vor.u32 v19, v42;
	v26 =	vld.idx.msk [tilespmem:v14+s21+$0x0], $0xffff  }
0x66d: {  	v28 =	vor.u32 v3, v8;
	v19 =	vor.u32 v19, v48  }
0x66e: {  	v20 =	vor.u32 v3, v4;
	v6 =	vmul.f32 $8.000000000e+00, v6;
	v16 =	vor.u32 v29, v41  }
0x66f: {  	v12 =	vmul.f32 $8.000000000e+00, v12  }
0x670: {  	v17 =	vor.u32 v3, v9;
	[tilespmem:v15+s16+$0x0] =	vst.idx.msk $0xffff, v6;
	v6 =	vmul.f32 $8.000000000e+00, v13  }
0x671: {  	v10 =	vmul.f32 $8.000000000e+00, v26;
	[tilespmem:v27+s16+$0x0] =	vst.idx.msk $0xffff, v12  }
0x672: {  	v18 =	vor.u32 v5, v1;
	v11 =	vld.idx.msk [tilespmem:v28+s21+$0x0], $0xffff;
	[tilespmem:v19+s16+$0x0] =	vst.idx.msk $0xffff, v6  }
0x673: {  	v15 =	vld.idx.msk [tilespmem:v20+s21+$0x0], $0xffff;
	[tilespmem:v16+s16+$0x0] =	vst.idx.msk $0xffff, v10  }
0x674: {  	v20 =	vld [tilespmem:$0x1FF00]  }
0x675: {  	v30 =	vld.idx.msk [tilespmem:v17+s21+$0x0], $0xffff  }
0x676: {  	v57 =	vor.u32 v29, v42  }
0x677: {  	v58 =	vor.u32 v29, v44;
	v31 =	vld.idx.msk [tilespmem:v18+s21+$0x0], $0xffff  }
0x678: {  	v18 =	vor.u32 v29, v48  }
0x679: {  	v6 =	vor.u32 v5, v8;
	v11 =	vmul.f32 $8.000000000e+00, v11;
	v16 =	vor.u32 v20, v41  }
0x67a: {  	v10 =	vmul.f32 $8.000000000e+00, v30  }
0x67b: {  	v17 =	vor.u32 v5, v9;
	[tilespmem:v57+s16+$0x0] =	vst.idx.msk $0xffff, v11;
	v24 =	vmul.f32 $8.000000000e+00, v15  }
0x67c: {  	v19 =	vor.u32 v5, v4;
	[tilespmem:v58+s16+$0x0] =	vst.idx.msk $0xffff, v10;
	v12 =	vmul.f32 $8.000000000e+00, v31  }
0x67d: {  	v1 =	vor.u32 v7, v1;
	[tilespmem:v18+s16+$0x0] =	vst.idx.msk $0xffff, v24  }
0x67e: {  	v6 =	vld.idx.msk [tilespmem:v6+s21+$0x0], $0xffff;
	[tilespmem:v16+s16+$0x0] =	vst.idx.msk $0xffff, v12  }
0x67f: {  	v18 =	vld [tilespmem:$0x1FF10]  }
0x680: {  	v25 =	vld.idx.msk [tilespmem:v17+s21+$0x0], $0xffff;
	v26 =	vor.u32 v20, v42  }
0x681: {  	v8 =	vor.u32 v7, v8;
	v28 =	vld.idx.msk [tilespmem:v19+s21+$0x0], $0xffff  }
0x682: {  	v27 =	vor.u32 v20, v44;
	v1 =	vld.idx.msk [tilespmem:v1+s21+$0x0], $0xffff  }
0x683: {  	v9 =	vor.u32 v7, v9;
	v6 =	vmul.f32 $8.000000000e+00, v6;
	v16 =	vor.u32 v20, v48  }
0x684: {  	v4 =	vor.u32 v7, v4;
	v15 =	vor.u32 $0x40, v46;
	v29 =	vor.u32 v18, v41  }
0x685: {  	v17 =	vand.u32 $0x48, v15;
	v11 =	vmul.f32 $8.000000000e+00, v25;
	[tilespmem:v26+s16+$0x0] =	vst.idx.msk $0xffff, v6  }
0x686: {  	v17 =	vor.u32 v51, v17;
	v6 =	vld.idx.msk [tilespmem:v8+s21+$0x0], $0xffff;
	v8 =	vmul.f32 $8.000000000e+00, v28  }
0x687: {  	[tilespmem:v27+s16+$0x0] =	vst.idx.msk $0xffff, v11;
	v1 =	vmul.f32 $8.000000000e+00, v1  }
0x688: {  	v9 =	vld.idx.msk [tilespmem:v9+s21+$0x0], $0xffff;
	[tilespmem:v16+s16+$0x0] =	vst.idx.msk $0xffff, v8  }
0x689: {  	v30 =	vor.u32 v18, v42;
	v4 =	vld.idx.msk [tilespmem:v4+s21+$0x0], $0xffff;
	[tilespmem:v29+s16+$0x0] =	vst.idx.msk $0xffff, v1;
	v1 =	vor.u32 $0x40, v49  }
0x68a: {  	v58 =	vor.u32 v18, v44;
	v31 =	vand.u32 $0x48, v1  }
0x68b: {  	v14 =	vld.idx.msk [tilespmem:v17+s23+$0x0], $0xffff;
	v17 =	vor.u32 v18, v48;
	v8 =	vor.u32 v55, v31  }
0x68c: {  	v6 =	vmul.f32 $8.000000000e+00, v6  }
0x68d: {  	v2 =	vshll.u32 v2, $0x6;
	v57 =	vor.u32 $0x40, v52;
	v9 =	vmul.f32 $8.000000000e+00, v9  }
0x68e: {  	v21 =	vand.u32 $0x48, v57;
	v19 =	vshll.u32 v62, $0x7;
	[tilespmem:v30+s16+$0x0] =	vst.idx.msk $0xffff, v6;
	v4 =	vmul.f32 $8.000000000e+00, v4  }
0x68f: {  	v13 =	vor.u32 v23, v21;
	v6 =	vadd.s32 v19, v2;
	[tilespmem:v58+s16+$0x0] =	vst.idx.msk $0xffff, v9  }
0x690: {  	[tilespmem:v17+s16+$0x0] =	vst.idx.msk $0xffff, v4;
	v2 =	vld.idx.msk [tilespmem:v8+s23+$0x0], $0xffff;
	v8 =	vor.u32 v0, v6  }
0x691: {  	v16 =	vor.u32 $0x40, v54;
	v28 =	vld [tilespmem:$0x1FFA0]  }
0x692: {  	v18 =	vand.u32 $0x48, v16  }
0x693: {  	v18 =	vor.u32 v22, v18  }
0x694: {  	v25 =	vshll.u32 v15, $0x7;
	v11 =	vld.idx.msk [tilespmem:v13+s23+$0x0], $0xffff;
	v24 =	vshll.u32 v14, $0x6  }
0x695: {  	v9 =	vadd.s32 v25, v24;
	v8 =	vld.idx.msk [tilespmem:v8+s21+$0x0], $0xffff  }
0x696: {  	v4 =	vor.u32 v0, v9;
	v27 =	vadd.s32 s18, v28  }
0x697: {  	v30 =	vand.u32 $0x7CF, v27  }
0x698: {  	v1 =	vshll.u32 v1, $0x7;
	v26 =	vld.idx.msk [tilespmem:v18+s23+$0x0], $0xffff;
	v2 =	vshll.u32 v2, $0x6  }
0x699: {  	v29 =	vshll.u32 v57, $0x7;
	v1 =	vadd.s32 v1, v2;
	v2 =	vshll.u32 v11, $0x6  }
0x69a: {  	v31 =	vor.u32 v0, v1;
	v11 =	vadd.s32 v29, v2;
	v8 =	vmul.f32 $8.000000000e+00, v8  }
0x69b: {  	v4 =	vld.idx.msk [tilespmem:v4+s21+$0x0], $0xffff;
	v57 =	vor.u32 v0, v11  }
0x69c: {  	v58 =	vshll.u32 v16, $0x7;
	v15 =	vor.u32 v3, v6;
	v16 =	vadd.s32 s5, v28;
	[tilespmem:v30+s16+$0x0] =	vst.idx.msk $0xffff, v8  }
0x69d: {  	v16 =	vand.u32 $0x7CF, v16;
	v2 =	vshll.u32 v26, $0x6;
	v26 =	vld [tilespmem:$0x1FF80];
	_ =	sdelay $0x1  }
0x69e: {  	v13 =	vld.idx.msk [tilespmem:v31+s21+$0x0], $0xffff  }
0x69f: {  	v18 =	vshll.u32 v61, $0x7;
	v4 =	vmul.f32 $8.000000000e+00, v4;
	v8 =	vadd.s32 s14, v28;
	v61 =	vld.idx.msk [tilespmem:v57+s21+$0x0], $0xffff  }
0x6a0: {  	v20 =	vadd.s32 s17, v28;
	v10 =	vadd.s32 v58, v2;
	v15 =	vld.idx.msk [tilespmem:v15+s21+$0x0], $0xffff;
	v8 =	vand.u32 $0x7CF, v8  }
0x6a1: {  	v17 =	vor.u32 v0, v10;
	[tilespmem:v16+s16+$0x0] =	vst.idx.msk $0xffff, v4;
	v16 =	vand.u32 $0x7CF, v20;
	v62 =	vadd.s32 s18, v26  }
0x6a2: {  	v19 =	vor.u32 v3, v9;
	v14 =	vand.u32 $0xFCF, v62  }
0x6a3: {  	v13 =	vmul.f32 $8.000000000e+00, v13  }
0x6a4: {  	v12 =	vmul.f32 $8.000000000e+00, v61  }
0x6a5: {  	v15 =	vmul.f32 $8.000000000e+00, v15;
	[tilespmem:v8+s16+$0x0] =	vst.idx.msk $0xffff, v13  }
0x6a6: {  	v4 =	vor.u32 v3, v1;
	v17 =	vld.idx.msk [tilespmem:v17+s21+$0x0], $0xffff;
	[tilespmem:v16+s16+$0x0] =	vst.idx.msk $0xffff, v12  }
0x6a7: {  	v25 =	vadd.s32 s20, v28;
	v2 =	vshll.u32 v63, $0x6;
	v63 =	vor.u32 v3, v11;
	v19 =	vld.idx.msk [tilespmem:v19+s21+$0x0], $0xffff;
	[tilespmem:v14+s16+$0x0] =	vst.idx.msk $0xffff, v15  }
0x6a8: {  	v22 =	vand.u32 $0x7CF, v25;
	v20 =	vor.u32 v5, v6;
	v27 =	vadd.s32 s5, v26;
	v25 =	vld [tilespmem:$0x1FF70]  }
0x6a9: {  	v23 =	vand.u32 $0xFCF, v27  }
0x6aa: {  	v2 =	vadd.s32 v18, v2;
	v8 =	vor.u32 v5, v9  }
0x6ab: {  	v24 =	vor.u32 v3, v10;
	v18 =	vor.u32 v0, v2;
	v4 =	vld.idx.msk [tilespmem:v4+s21+$0x0], $0xffff  }
0x6ac: {  	v31 =	vadd.s32 s14, v26;
	v29 =	vmul.f32 $8.000000000e+00, v17;
	v30 =	vmul.f32 $8.000000000e+00, v19;
	v15 =	vld.idx.msk [tilespmem:v63+s21+$0x0], $0xffff  }
0x6ad: {  	v19 =	vadd.s32 s17, v26;
	v14 =	vand.u32 $0xFCF, v31;
	v17 =	vld.idx.msk [tilespmem:v20+s21+$0x0], $0xffff;
	v16 =	vadd.s32 s18, v25  }
0x6ae: {  	v57 =	vor.u32 v5, v1;
	[tilespmem:v23+s16+$0x0] =	vst.idx.msk $0xffff, v30;
	v12 =	vand.u32 $0x17CF, v16;
	v16 =	vand.u32 $0xFCF, v19  }
0x6af: {  	v20 =	vor.u32 v5, v11;
	v8 =	vld.idx.msk [tilespmem:v8+s21+$0x0], $0xffff  }
0x6b0: {  	v18 =	vld.idx.msk [tilespmem:v18+s21+$0x0], $0xffff;
	[tilespmem:v22+s16+$0x0] =	vst.idx.msk $0xffff, v29;
	v4 =	vmul.f32 $8.000000000e+00, v4;
	v61 =	vadd.s32 s5, v25  }
0x6b1: {  	v15 =	vmul.f32 $8.000000000e+00, v15;
	v19 =	vld.idx.msk [tilespmem:v24+s21+$0x0], $0xffff;
	v22 =	vand.u32 $0x17CF, v61  }
0x6b2: {  	v58 =	vadd.s32 s20, v26;
	[tilespmem:v14+s16+$0x0] =	vst.idx.msk $0xffff, v4;
	v17 =	vmul.f32 $8.000000000e+00, v17  }
0x6b3: {  	v6 =	vor.u32 v7, v6;
	v21 =	vand.u32 $0xFCF, v58;
	v13 =	vld.idx.msk [tilespmem:v57+s21+$0x0], $0xffff;
	[tilespmem:v16+s16+$0x0] =	vst.idx.msk $0xffff, v15  }
0x6b4: {  	v63 =	vor.u32 v34, v39;
	v31 =	vadd.s32 s14, v25;
	v8 =	vmul.f32 $8.000000000e+00, v8;
	[tilespmem:v12+s16+$0x0] =	vst.idx.msk $0xffff, v17;
	v16 =	vld.idx.msk [tilespmem:v20+s21+$0x0], $0xffff  }
0x6b5: {  	v15 =	vmul.f32 $8.000000000e+00, v18;
	v12 =	vand.u32 $0x17CF, v31;
	v18 =	vadd.s32 s17, v25;
	v27 =	vld [tilespmem:$0x1FF90]  }
0x6b6: {  	v62 =	vor.u32 v5, v10;
	v30 =	vmul.f32 $8.000000000e+00, v19;
	[tilespmem:v22+s16+$0x0] =	vst.idx.msk $0xffff, v8;
	v8 =	vand.u32 $0x17CF, v18;
	_ =	sdelay $0x1  }
0x6b7: {  	v9 =	vor.u32 v7, v9;
	v13 =	vmul.f32 $8.000000000e+00, v13;
	[tilespmem:v21+s16+$0x0] =	vst.idx.msk $0xffff, v30  }
0x6b8: {  	[tilespmem:v63+s16+$0x0] =	vst.idx.msk $0xffff, v15;
	v16 =	vmul.f32 $8.000000000e+00, v16  }
0x6b9: {  	v4 =	vor.u32 v3, v2;
	v6 =	vld.idx.msk [tilespmem:v6+s21+$0x0], $0xffff;
	[tilespmem:v12+s16+$0x0] =	vst.idx.msk $0xffff, v13;
	v17 =	vadd.s32 s18, v27  }
0x6ba: {  	v29 =	vmov v34;
	v34 =	vand.u32 $0x1FCF, v17;
	v17 =	vld.idx.msk [tilespmem:v62+s21+$0x0], $0xffff;
	[tilespmem:v8+s16+$0x0] =	vst.idx.msk $0xffff, v16  }
0x6bb: {  	v11 =	vor.u32 v7, v11;
	v19 =	vadd.s32 s20, v25;
	v61 =	vld [tilespmem:$0x1FFE0]  }
0x6bc: {  	v1 =	vor.u32 v7, v1;
	v19 =	vand.u32 $0x17CF, v19;
	v9 =	vld.idx.msk [tilespmem:v9+s21+$0x0], $0xffff  }
0x6bd: {  	v10 =	vor.u32 v7, v10;
	v20 =	vadd.s32 s5, v27  }
0x6be: {  	v18 =	vor.u32 $0x50, v40;
	v4 =	vld.idx.msk [tilespmem:v4+s21+$0x0], $0xffff;
	v6 =	vmul.f32 $8.000000000e+00, v6;
	v15 =	vand.u32 $0x1FCF, v20  }
0x6bf: {  	v20 =	vor.u32 $0x50, v41;
	v8 =	vmul.f32 $8.000000000e+00, v17  }
0x6c0: {  	v11 =	vld.idx.msk [tilespmem:v11+s21+$0x0], $0xffff;
	[tilespmem:v34+s16+$0x0] =	vst.idx.msk $0xffff, v6;
	v57 =	vor.u32 v61, v39  }
0x6c1: {  	v1 =	vld.idx.msk [tilespmem:v1+s21+$0x0], $0xffff;
	v16 =	vadd.s32 s17, v27;
	v6 =	vmul.f32 $8.000000000e+00, v9;
	[tilespmem:v19+s16+$0x0] =	vst.idx.msk $0xffff, v8  }
0x6c2: {  	v58 =	vadd.s32 s14, v27;
	v8 =	vand.u32 $0x1FCF, v16;
	v10 =	vld.idx.msk [tilespmem:v10+s21+$0x0], $0xffff  }
0x6c3: {  	v4 =	vmul.f32 $8.000000000e+00, v4;
	v9 =	vand.u32 $0x1FCF, v58;
	v17 =	vadd.s32 s20, v27;
	v14 =	vld.idx.msk [tilespmem:v18+s23+$0x0], $0xffff;
	[tilespmem:v15+s16+$0x0] =	vst.idx.msk $0xffff, v6  }
0x6c4: {  	v17 =	vand.u32 $0x1FCF, v17;
	v6 =	vor.u32 $0x50, v42;
	v15 =	vld.idx.msk [tilespmem:v20+s23+$0x0], $0xffff  }
0x6c5: {  	[tilespmem:v57+s16+$0x0] =	vst.idx.msk $0xffff, v4;
	v4 =	vmul.f32 $8.000000000e+00, v11  }
0x6c6: {  	v16 =	vor.u32 $0x50, v44;
	v19 =	vmul.f32 $8.000000000e+00, v1  }
0x6c7: {  	[tilespmem:v8+s16+$0x0] =	vst.idx.msk $0xffff, v4;
	v4 =	vmul.f32 $8.000000000e+00, v10  }
0x6c8: {  	v30 =	vshll.u32 v18, $0x7;
	v62 =	vor.u32 v5, v2;
	[tilespmem:v9+s16+$0x0] =	vst.idx.msk $0xffff, v19  }
0x6c9: {  	v24 =	vshll.u32 v14, $0x6;
	v31 =	vld.idx.msk [tilespmem:v6+s23+$0x0], $0xffff;
	v57 =	vshll.u32 v20, $0x7;
	v34 =	vshll.u32 v15, $0x6;
	[tilespmem:v17+s16+$0x0] =	vst.idx.msk $0xffff, v4  }
0x6ca: {  	v63 =	vor.u32 $0x50, v48;
	v9 =	vadd.s32 v30, v24;
	v10 =	vadd.s32 v57, v34;
	v34 =	vld [tilespmem:$0x1FFD0]  }
0x6cb: {  	v1 =	vadd.s32 v60, v59;
	v8 =	vor.u32 v0, v9;
	v15 =	vld.idx.msk [tilespmem:v16+s23+$0x0], $0xffff  }
0x6cc: {  	v18 =	vor.u32 v0, v1  }
0x6cd: {  	v12 =	vld.idx.msk [tilespmem:v62+s21+$0x0], $0xffff;
	v4 =	vor.u32 v0, v10;
	_ =	sdelay $0x1  }
0x6ce: {  	v6 =	vshll.u32 v6, $0x7;
	v58 =	vld.idx.msk [tilespmem:v63+s23+$0x0], $0xffff;
	v13 =	vshll.u32 v31, $0x6;
	v19 =	vor.u32 v34, v39  }
0x6cf: {  	v6 =	vadd.s32 v6, v13;
	v8 =	vld.idx.msk [tilespmem:v8+s21+$0x0], $0xffff;
	v59 =	vshll.u32 v15, $0x6;
	v15 =	vshll.u32 v16, $0x7  }
0x6d0: {  	v17 =	vadd.s32 s0, v35;
	v20 =	vor.u32 v0, v6;
	v16 =	vld.idx.msk [tilespmem:v18+s21+$0x0], $0xffff;
	v13 =	vadd.s32 v15, v59  }
0x6d1: {  	v12 =	vmul.f32 $8.000000000e+00, v12;
	v18 =	vor.u32 v29, v40;
	v4 =	vld.idx.msk [tilespmem:v4+s21+$0x0], $0xffff;
	v15 =	vor.u32 v0, v13  }
0x6d2: {  	v2 =	vor.u32 v7, v2;
	v17 =	vand.u32 $0x7EF, v17  }
0x6d3: {  	v11 =	vshll.u32 v63, $0x7;
	v60 =	vor.u32 v3, v9;
	v14 =	vshll.u32 v58, $0x6;
	[tilespmem:v19+s16+$0x0] =	vst.idx.msk $0xffff, v12  }
0x6d4: {  	v62 =	vor.u32 v29, v41;
	v11 =	vadd.s32 v11, v14;
	v8 =	vmul.f32 $8.000000000e+00, v8;
	v31 =	vld [tilespmem:$0x1FFC0]  }
0x6d5: {  	v14 =	vor.u32 v0, v11;
	v20 =	vld.idx.msk [tilespmem:v20+s21+$0x0], $0xffff;
	v16 =	vmul.f32 $8.000000000e+00, v16  }
0x6d6: {  	v4 =	vmul.f32 $8.000000000e+00, v4;
	[tilespmem:v18+s16+$0x0] =	vst.idx.msk $0xffff, v8;
	v8 =	vld.idx.msk [tilespmem:v15+s21+$0x0], $0xffff  }
0x6d7: {  	v19 =	vor.u32 v3, v10;
	v2 =	vld.idx.msk [tilespmem:v2+s21+$0x0], $0xffff;
	[tilespmem:v17+s16+$0x0] =	vst.idx.msk $0xffff, v16;
	v17 =	vor.u32 v29, v42  }
0x6d8: {  	v23 =	vor.u32 $0x60, v45;
	v63 =	vor.u32 v3, v1;
	v16 =	vld.idx.msk [tilespmem:v60+s21+$0x0], $0xffff;
	v60 =	vor.u32 v29, v44  }
0x6d9: {  	v45 =	vand.u32 $0x68, v23;
	[tilespmem:v62+s16+$0x0] =	vst.idx.msk $0xffff, v4;
	v4 =	vor.u32 v3, v6;
	v30 =	vor.u32 v31, v39  }
0x6da: {  	v18 =	vor.u32 v61, v40;
	v62 =	vor.u32 v3, v13;
	v14 =	vld.idx.msk [tilespmem:v14+s21+$0x0], $0xffff;
	v20 =	vmul.f32 $8.000000000e+00, v20  }
0x6db: {  	v15 =	vor.u32 v47, v45;
	v47 =	vor.u32 v5, v9;
	v8 =	vmul.f32 $8.000000000e+00, v8  }
0x6dc: {  	v57 =	vor.u32 v29, v48;
	v19 =	vld.idx.msk [tilespmem:v19+s21+$0x0], $0xffff;
	v2 =	vmul.f32 $8.000000000e+00, v2;
	[tilespmem:v17+s16+$0x0] =	vst.idx.msk $0xffff, v20  }
0x6dd: {  	v24 =	vor.u32 v3, v11;
	v22 =	vld.idx.msk [tilespmem:v63+s21+$0x0], $0xffff;
	v16 =	vmul.f32 $8.000000000e+00, v16;
	[tilespmem:v60+s16+$0x0] =	vst.idx.msk $0xffff, v8  }
0x6de: {  	v4 =	vld.idx.msk [tilespmem:v4+s21+$0x0], $0xffff;
	[tilespmem:v30+s16+$0x0] =	vst.idx.msk $0xffff, v2;
	v2 =	vor.u32 v61, v41  }
0x6df: {  	v63 =	vor.u32 v5, v10;
	v8 =	vmul.f32 $8.000000000e+00, v14;
	[tilespmem:v18+s16+$0x0] =	vst.idx.msk $0xffff, v16;
	v62 =	vld.idx.msk [tilespmem:v62+s21+$0x0], $0xffff  }
0x6e0: {  	v18 =	vor.u32 v61, v42;
	v17 =	vld.idx.msk [tilespmem:v47+s21+$0x0], $0xffff  }
0x6e1: {  	v60 =	vmul.f32 $8.000000000e+00, v19;
	v29 =	vld [tilespmem:$0x1FF20];
	[tilespmem:v57+s16+$0x0] =	vst.idx.msk $0xffff, v8  }
0x6e2: {  	v9 =	vor.u32 v7, v9;
	v20 =	vor.u32 v34, v40;
	v12 =	vld.idx.msk [tilespmem:v24+s21+$0x0], $0xffff  }
0x6e3: {  	v15 =	vld.idx.msk [tilespmem:v15+s23+$0x0], $0xffff;
	v8 =	vor.u32 v61, v44;
	v4 =	vmul.f32 $8.000000000e+00, v4;
	[tilespmem:v2+s16+$0x0] =	vst.idx.msk $0xffff, v60  }
0x6e4: {  	v16 =	vadd.s32 s0, v33;
	v2 =	vor.u32 v5, v6;
	v21 =	vld.idx.msk [tilespmem:v63+s21+$0x0], $0xffff;
	v63 =	vor.u32 v61, v48  }
0x6e5: {  	v24 =	vor.u32 v5, v13;
	v30 =	vld [tilespmem:$0x1FFB0];
	[tilespmem:v18+s16+$0x0] =	vst.idx.msk $0xffff, v4;
	v4 =	vand.u32 $0xFEF, v16;
	v16 =	vmul.f32 $8.000000000e+00, v17  }
0x6e6: {  	v59 =	vmovc v61;
	v14 =	vmul.f32 $8.000000000e+00, v62;
	v60 =	vor.u32 v34, v41;
	v61 =	vor.u32 v5, v11  }
0x6e7: {  	v10 =	vor.u32 v7, v10;
	v12 =	vmul.f32 $8.000000000e+00, v12;
	[tilespmem:v20+s16+$0x0] =	vst.idx.msk $0xffff, v16  }
0x6e8: {  	v62 =	vmul.f32 $8.000000000e+00, v22;
	v22 =	vor.u32 $0x60, v43;
	[tilespmem:v8+s16+$0x0] =	vst.idx.msk $0xffff, v14;
	v8 =	vor.u32 v5, v1;
	v9 =	vld.idx.msk [tilespmem:v9+s21+$0x0], $0xffff  }
0x6e9: {  	v17 =	vld.idx.msk [tilespmem:v2+s21+$0x0], $0xffff;
	v2 =	vshll.u32 v15, $0x6;
	v15 =	vshll.u32 v23, $0x7;
	v16 =	vmul.f32 $8.000000000e+00, v21;
	[tilespmem:v63+s16+$0x0] =	vst.idx.msk $0xffff, v12  }
0x6ea: {  	v18 =	vld.idx.msk [tilespmem:v24+s21+$0x0], $0xffff;
	v24 =	vor.u32 v31, v40;
	v2 =	vadd.s32 v15, v2;
	[tilespmem:v4+s16+$0x0] =	vst.idx.msk $0xffff, v62  }
0x6eb: {  	v15 =	vor.u32 v34, v42;
	v4 =	vand.u32 $0x68, v22;
	[tilespmem:v60+s16+$0x0] =	vst.idx.msk $0xffff, v16;
	v16 =	vld.idx.msk [tilespmem:v61+s21+$0x0], $0xffff  }
0x6ec: {  	v63 =	vor.u32 v34, v44;
	v4 =	vor.u32 v50, v4  }
0x6ed: {  	v43 =	vor.u32 v34, v48;
	v6 =	vor.u32 v7, v6;
	v9 =	vmul.f32 $8.000000000e+00, v9  }
0x6ee: {  	v10 =	vld.idx.msk [tilespmem:v10+s21+$0x0], $0xffff;
	v17 =	vmul.f32 $8.000000000e+00, v17  }
0x6ef: {  	v13 =	vor.u32 v7, v13;
	v47 =	vmul.f32 $8.000000000e+00, v18;
	[tilespmem:v24+s16+$0x0] =	vst.idx.msk $0xffff, v9  }
0x6f0: {  	v8 =	vld.idx.msk [tilespmem:v8+s21+$0x0], $0xffff;
	[tilespmem:v15+s16+$0x0] =	vst.idx.msk $0xffff, v17;
	v15 =	vor.u32 v31, v41;
	v58 =	vmul.f32 $8.000000000e+00, v16  }
0x6f1: {  	[tilespmem:v63+s16+$0x0] =	vst.idx.msk $0xffff, v47;
	v63 =	vld.idx.msk [tilespmem:v4+s23+$0x0], $0xffff  }
0x6f2: {  	v6 =	vld.idx.msk [tilespmem:v6+s21+$0x0], $0xffff;
	[tilespmem:v43+s16+$0x0] =	vst.idx.msk $0xffff, v58  }
0x6f3: {  	v11 =	vor.u32 v7, v11;
	v18 =	vor.u32 $0x60, v46;
	v10 =	vmul.f32 $8.000000000e+00, v10;
	v4 =	vld [tilespmem:$0x1FDA0]  }
0x6f4: {  	v14 =	vor.u32 $0x60, v49;
	v17 =	vand.u32 $0x68, v18;
	v13 =	vld.idx.msk [tilespmem:v13+s21+$0x0], $0xffff  }
0x6f5: {  	v60 =	vor.u32 v51, v17;
	v16 =	vor.u32 v31, v42;
	v17 =	vand.u32 $0x68, v14;
	[tilespmem:v15+s16+$0x0] =	vst.idx.msk $0xffff, v10  }
0x6f6: {  	v57 =	vmovc v34;
	v21 =	vor.u32 $0x60, v52;
	v34 =	vor.u32 $0x60, v54;
	v61 =	vor.u32 v55, v17;
	v54 =	vld [tilespmem:$0x1FDB0]  }
0x6f7: {  	v62 =	vand.u32 $0x68, v21;
	v17 =	vor.u32 v31, v44  }
0x6f8: {  	v11 =	vld.idx.msk [tilespmem:v11+s21+$0x0], $0xffff;
	v6 =	vmul.f32 $8.000000000e+00, v6;
	v23 =	vor.u32 v4, v62  }
0x6f9: {  	v45 =	vadd.s32 s0, v29;
	v1 =	vor.u32 v7, v1  }
0x6fa: {  	v52 =	vor.u32 v31, v48;
	v15 =	vand.u32 $0x68, v34;
	v13 =	vmul.f32 $8.000000000e+00, v13;
	v9 =	vld.idx.msk [tilespmem:v60+s23+$0x0], $0xffff;
	[tilespmem:v16+s16+$0x0] =	vst.idx.msk $0xffff, v6  }
0x6fb: {  	v45 =	vand.u32 $0x1FEF, v45;
	v6 =	vmul.f32 $8.000000000e+00, v8;
	v8 =	vld.idx.msk [tilespmem:v61+s23+$0x0], $0xffff;
	v15 =	vor.u32 v54, v15  }
0x6fc: {  	v19 =	vadd.s32 s0, v30;
	v49 =	vadd.s32 s31, v30;
	v20 =	vor.u32 v0, v2;
	[tilespmem:v17+s16+$0x0] =	vst.idx.msk $0xffff, v13  }
0x6fd: {  	v16 =	vshll.u32 v22, $0x7;
	v11 =	vmul.f32 $8.000000000e+00, v11;
	v61 =	vshll.u32 v63, $0x6;
	v17 =	vld.idx.msk [tilespmem:v23+s23+$0x0], $0xffff  }
0x6fe: {  	v19 =	vand.u32 $0x17EF, v19;
	v49 =	vand.u32 $0x17EF, v49;
	v13 =	vadd.s32 v16, v61  }
0x6ff: {  	v24 =	vadd.s32 s31, v33;
	v14 =	vshll.u32 v14, $0x7;
	[tilespmem:v52+s16+$0x0] =	vst.idx.msk $0xffff, v11;
	v63 =	vor.u32 v0, v13  }
0x700: {  	v9 =	vshll.u32 v9, $0x6;
	v23 =	vshll.u32 v18, $0x7;
	v8 =	vshll.u32 v8, $0x6;
	v15 =	vld.idx.msk [tilespmem:v15+s23+$0x0], $0xffff  }
0x701: {  	v20 =	vld.idx.msk [tilespmem:v20+s21+$0x0], $0xffff;
	v24 =	vand.u32 $0xFEF, v24;
	v9 =	vadd.s32 v23, v9;
	v8 =	vadd.s32 v14, v8  }
0x702: {  	v58 =	vmovc v31;
	v11 =	vor.u32 v0, v9;
	v31 =	vshll.u32 v17, $0x6;
	v17 =	vshll.u32 v21, $0x7  }
0x703: {  	v55 =	vadd.s32 s31, v35;
	[tilespmem:v19+s16+$0x0] =	vst.idx.msk $0xffff, v6;
	v18 =	vor.u32 v0, v8;
	v14 =	vadd.s32 v17, v31  }
0x704: {  	v43 =	vadd.s32 s18, v29;
	v60 =	vand.u32 $0x7EF, v55;
	v1 =	vld.idx.msk [tilespmem:v1+s21+$0x0], $0xffff;
	v17 =	vor.u32 v0, v14  }
0x705: {  	v62 =	vor.u32 v3, v2;
	v19 =	vshll.u32 v34, $0x7;
	v10 =	vld.idx.msk [tilespmem:v63+s21+$0x0], $0xffff;
	v15 =	vshll.u32 v15, $0x6  }
0x706: {  	v20 =	vmul.f32 $8.000000000e+00, v20;
	v6 =	vadd.s32 s18, v35;
	v31 =	vld [tilespmem:$0x1FF30];
	v15 =	vadd.s32 v19, v15  }
0x707: {  	v55 =	vadd.s32 s5, v35;
	v6 =	vand.u32 $0x7EF, v6;
	v11 =	vld.idx.msk [tilespmem:v11+s21+$0x0], $0xffff;
	v34 =	vor.u32 v0, v15  }
0x708: {  	v4 =	vadd.s32 s31, v29;
	v16 =	vadd.s32 s18, v33;
	v47 =	vor.u32 v3, v13;
	v18 =	vld.idx.msk [tilespmem:v18+s21+$0x0], $0xffff  }
0x709: {  	v46 =	vand.u32 $0x7EF, v55;
	v61 =	vadd.s32 s17, v35;
	[tilespmem:v60+s16+$0x0] =	vst.idx.msk $0xffff, v20;
	v60 =	vadd.s32 s14, v35;
	v17 =	vld.idx.msk [tilespmem:v17+s21+$0x0], $0xffff  }
0x70a: {  	v50 =	vor.u32 v3, v9;
	v22 =	vld.idx.msk [tilespmem:v62+s21+$0x0], $0xffff;
	v10 =	vmul.f32 $8.000000000e+00, v10;
	v51 =	vand.u32 $0x7EF, v60  }
0x70b: {  	v52 =	vand.u32 $0x7EF, v61;
	v1 =	vmul.f32 $8.000000000e+00, v1;
	v62 =	vor.u32 v3, v8  }
0x70c: {  	v4 =	vand.u32 $0x1FEF, v4;
	[tilespmem:v6+s16+$0x0] =	vst.idx.msk $0xffff, v10;
	v6 =	vor.u32 v3, v14;
	v11 =	vmul.f32 $8.000000000e+00, v11;
	v12 =	vld.idx.msk [tilespmem:v34+s21+$0x0], $0xffff  }
0x70d: {  	v63 =	vadd.s32 s20, v35;
	[tilespmem:v45+s16+$0x0] =	vst.idx.msk $0xffff, v1;
	v35 =	vld.idx.msk [tilespmem:v47+s21+$0x0], $0xffff;
	v18 =	vmul.f32 $8.000000000e+00, v18;
	v34 =	vor.u32 v5, v2  }
0x70e: {  	v55 =	vld.idx.msk [tilespmem:v56+s21+$0x0], $0xffff;
	v16 =	vand.u32 $0xFEF, v16;
	v10 =	vand.u32 $0x7EF, v63;
	[tilespmem:v46+s16+$0x0] =	vst.idx.msk $0xffff, v11;
	v17 =	vmul.f32 $8.000000000e+00, v17  }
0x70f: {  	v61 =	vadd.s32 s5, v33;
	v60 =	vor.u32 v3, v15;
	v1 =	vmul.f32 $8.000000000e+00, v22;
	[tilespmem:v51+s16+$0x0] =	vst.idx.msk $0xffff, v18;
	v56 =	vld.idx.msk [tilespmem:v50+s21+$0x0], $0xffff  }
0x710: {  	v20 =	vor.u32 $0x70, v38;
	v63 =	vadd.s32 s17, v33;
	v18 =	vor.u32 v5, v13;
	v51 =	vld.idx.msk [tilespmem:v62+s21+$0x0], $0xffff;
	[tilespmem:v52+s16+$0x0] =	vst.idx.msk $0xffff, v17  }
0x711: {  	[tilespmem:v24+s16+$0x0] =	vst.idx.msk $0xffff, v1;
	v50 =	vand.u32 $0xFEF, v61;
	v62 =	vadd.s32 s14, v33;
	v12 =	vmul.f32 $8.000000000e+00, v12;
	v6 =	vld.idx.msk [tilespmem:v6+s21+$0x0], $0xffff  }
0x712: {  	v1 =	vor.u32 v5, v9;
	v46 =	vmul.f32 $8.000000000e+00, v35;
	v24 =	vand.u32 $0xFEF, v62;
	v11 =	vld.idx.msk [tilespmem:v34+s21+$0x0], $0xffff  }
0x713: {  	v54 =	vadd.s32 s20, v33;
	v19 =	vor.u32 v3, v53;
	[tilespmem:v10+s16+$0x0] =	vst.idx.msk $0xffff, v12;
	v10 =	vand.u32 $0xFEF, v63  }
0x714: {  	v21 =	vadd.s32 s18, v30;
	v35 =	vor.u32 v5, v8;
	[tilespmem:v16+s16+$0x0] =	vst.idx.msk $0xffff, v46;
	v34 =	vmul.f32 $8.000000000e+00, v56;
	v45 =	vld.idx.msk [tilespmem:v60+s21+$0x0], $0xffff  }
0x715: {  	v23 =	vor.u32 v31, v37;
	v2 =	vor.u32 v7, v2;
	v56 =	vld.idx.msk [tilespmem:v18+s21+$0x0], $0xffff;
	v18 =	vmul.f32 $8.000000000e+00, v51  }
0x716: {  	v47 =	vld.idx.msk [tilespmem:v20+s23+$0x0], $0xffff;
	v16 =	vor.u32 v5, v14;
	v46 =	vand.u32 $0xFEF, v54;
	[tilespmem:v50+s16+$0x0] =	vst.idx.msk $0xffff, v34;
	v6 =	vmul.f32 $8.000000000e+00, v6  }
0x717: {  	v21 =	vand.u32 $0x17EF, v21;
	v61 =	vor.u32 v5, v15;
	[tilespmem:v24+s16+$0x0] =	vst.idx.msk $0xffff, v18;
	v1 =	vld.idx.msk [tilespmem:v1+s21+$0x0], $0xffff;
	v11 =	vmul.f32 $8.000000000e+00, v11  }
0x718: {  	v9 =	vor.u32 v7, v9;
	v52 =	vadd.s32 s5, v30;
	[tilespmem:v10+s16+$0x0] =	vst.idx.msk $0xffff, v6;
	v6 =	vor.u32 v7, v13  }
0x719: {  	v33 =	vshll.u32 v20, $0x7;
	v62 =	vand.u32 $0x17EF, v52;
	v63 =	vld.idx.msk [tilespmem:v35+s21+$0x0], $0xffff;
	[tilespmem:v49+s16+$0x0] =	vst.idx.msk $0xffff, v11;
	v24 =	vmul.f32 $8.000000000e+00, v45  }
0x71a: {  	v20 =	vadd.s32 s14, v30;
	v8 =	vor.u32 v7, v8;
	v12 =	vmul.f32 $8.000000000e+00, v56;
	v2 =	vld.idx.msk [tilespmem:v2+s21+$0x0], $0xffff  }
0x71b: {  	v20 =	vand.u32 $0x17EF, v20;
	v52 =	vor.u32 v7, v15;
	v60 =	vmul.f32 $8.000000000e+00, v55;
	v16 =	vld.idx.msk [tilespmem:v16+s21+$0x0], $0xffff;
	[tilespmem:v46+s16+$0x0] =	vst.idx.msk $0xffff, v24  }
0x71c: {  	v18 =	vshll.u32 v47, $0x6;
	v34 =	vadd.s32 s17, v30;
	[tilespmem:v21+s16+$0x0] =	vst.idx.msk $0xffff, v12;
	v1 =	vmul.f32 $8.000000000e+00, v1;
	v35 =	vld.idx.msk [tilespmem:v61+s21+$0x0], $0xffff  }
0x71d: {  	v47 =	vor.u32 $0x70, v39;
	v22 =	vand.u32 $0x17EF, v34;
	v46 =	vadd.s32 s20, v30;
	v6 =	vld.idx.msk [tilespmem:v6+s21+$0x0], $0xffff  }
0x71e: {  	v45 =	vor.u32 v7, v14;
	v49 =	vmul.f32 $8.000000000e+00, v63;
	[tilespmem:v62+s16+$0x0] =	vst.idx.msk $0xffff, v1;
	v50 =	vand.u32 $0x17EF, v46  }
0x71f: {  	[tilespmem:v23+s16+$0x0] =	vst.idx.msk $0xffff, v60;
	v1 =	vadd.s32 v33, v18;
	v18 =	vand.u32 $0x1FEF, v43;
	v9 =	vld.idx.msk [tilespmem:v9+s21+$0x0], $0xffff;
	v2 =	vmul.f32 $8.000000000e+00, v2  }
0x720: {  	v17 =	vadd.s32 s5, v29;
	v15 =	vld.idx.msk [tilespmem:v19+s21+$0x0], $0xffff;
	[tilespmem:v20+s16+$0x0] =	vst.idx.msk $0xffff, v49;
	v51 =	vmul.f32 $8.000000000e+00, v16  }
0x721: {  	v17 =	vand.u32 $0x1FEF, v17;
	v8 =	vld.idx.msk [tilespmem:v8+s21+$0x0], $0xffff;
	v16 =	vor.u32 v0, v1;
	[tilespmem:v4+s16+$0x0] =	vst.idx.msk $0xffff, v2;
	v55 =	vmul.f32 $8.000000000e+00, v35  }
0x722: {  	v2 =	vor.u32 $0x70, v41;
	[tilespmem:v22+s16+$0x0] =	vst.idx.msk $0xffff, v51;
	v20 =	vld.idx.msk [tilespmem:v47+s23+$0x0], $0xffff;
	v6 =	vmul.f32 $8.000000000e+00, v6  }
0x723: {  	v54 =	vor.u32 $0x70, v40;
	v19 =	vadd.s32 s14, v29;
	v4 =	vld.idx.msk [tilespmem:v45+s21+$0x0], $0xffff;
	[tilespmem:v50+s16+$0x0] =	vst.idx.msk $0xffff, v55  }
0x724: {  	v19 =	vand.u32 $0x1FEF, v19;
	v9 =	vmul.f32 $8.000000000e+00, v9;
	v13 =	vld.idx.msk [tilespmem:v52+s21+$0x0], $0xffff;
	[tilespmem:v18+s16+$0x0] =	vst.idx.msk $0xffff, v6  }
0x725: {  	v56 =	vadd.s32 s17, v29;
	v30 =	vld [tilespmem:$0x1FF40]  }
0x726: {  	v60 =	vor.u32 $0x70, v42;
	v12 =	vand.u32 $0x1FEF, v56;
	v10 =	vshll.u32 v54, $0x7;
	v61 =	vld.idx.msk [tilespmem:v16+s21+$0x0], $0xffff;
	[tilespmem:v17+s16+$0x0] =	vst.idx.msk $0xffff, v9  }
0x727: {  	v8 =	vmul.f32 $8.000000000e+00, v8;
	v16 =	vadd.s32 s20, v29;
	v6 =	vor.u32 $0x70, v44;
	v17 =	vld.idx.msk [tilespmem:v2+s23+$0x0], $0xffff  }
0x728: {  	v29 =	vor.u32 $0x70, v48;
	v63 =	vand.u32 $0x1FEF, v16;
	v62 =	vld.idx.msk [tilespmem:v54+s23+$0x0], $0xffff;
	v4 =	vmul.f32 $8.000000000e+00, v4  }
0x729: {  	v33 =	vld [tilespmem:$0x1FF50];
	[tilespmem:v19+s16+$0x0] =	vst.idx.msk $0xffff, v8;
	v8 =	vor.u32 v31, v38;
	v19 =	vshll.u32 v20, $0x6;
	v20 =	vshll.u32 v47, $0x7  }
0x72a: {  	v46 =	vor.u32 v3, v1;
	v14 =	vadd.s32 v20, v19;
	v18 =	vor.u32 v30, v37  }
0x72b: {  	v15 =	vmul.f32 $8.000000000e+00, v15;
	v45 =	vld.idx.msk [tilespmem:v60+s23+$0x0], $0xffff;
	[tilespmem:v12+s16+$0x0] =	vst.idx.msk $0xffff, v4;
	v4 =	vmul.f32 $8.000000000e+00, v13;
	v20 =	vor.u32 v0, v14  }
0x72c: {  	v2 =	vshll.u32 v2, $0x7;
	v47 =	vmul.f32 $8.000000000e+00, v61;
	v19 =	vld.idx.msk [tilespmem:v6+s23+$0x0], $0xffff;
	v49 =	vshll.u32 v17, $0x6  }
0x72d: {  	v16 =	vor.u32 v5, v53;
	v22 =	vshll.u32 v62, $0x6;
	[tilespmem:v63+s16+$0x0] =	vst.idx.msk $0xffff, v4;
	v2 =	vadd.s32 v2, v49  }
0x72e: {  	v4 =	vadd.s32 v10, v22;
	v50 =	vld.idx.msk [tilespmem:v29+s23+$0x0], $0xffff;
	[tilespmem:v8+s16+$0x0] =	vst.idx.msk $0xffff, v47;
	v8 =	vor.u32 v0, v2  }
0x72f: {  	[tilespmem:v18+s16+$0x0] =	vst.idx.msk $0xffff, v15;
	v15 =	vor.u32 v0, v4  }
0x730: {  	v11 =	vshll.u32 v60, $0x7;
	v52 =	vshll.u32 v45, $0x6;
	v17 =	vld.idx.msk [tilespmem:v20+s21+$0x0], $0xffff  }
0x731: {  	v6 =	vshll.u32 v6, $0x7;
	v12 =	vld.idx.msk [tilespmem:v46+s21+$0x0], $0xffff;
	v11 =	vadd.s32 v11, v52;
	v54 =	vshll.u32 v19, $0x6  }
0x732: {  	v19 =	vshll.u32 v29, $0x7;
	v18 =	vor.u32 v0, v11;
	v6 =	vadd.s32 v6, v54;
	v51 =	vld.idx.msk [tilespmem:v16+s21+$0x0], $0xffff  }
0x733: {  	v16 =	vor.u32 v30, v38;
	v13 =	vor.u32 v0, v6;
	v10 =	vshll.u32 v50, $0x6;
	v8 =	vld.idx.msk [tilespmem:v8+s21+$0x0], $0xffff  }
0x734: {  	v20 =	vor.u32 v31, v39;
	v10 =	vadd.s32 v19, v10;
	v15 =	vld.idx.msk [tilespmem:v15+s21+$0x0], $0xffff  }
0x735: {  	v19 =	vor.u32 v0, v10;
	v60 =	vmul.f32 $8.000000000e+00, v17;
	v17 =	vor.u32 v31, v41  }
0x736: {  	v56 =	vor.u32 v31, v40;
	v55 =	vor.u32 v3, v14;
	v12 =	vmul.f32 $8.000000000e+00, v12  }
0x737: {  	v43 =	vor.u32 v33, v37;
	v61 =	vor.u32 v3, v4;
	v18 =	vld.idx.msk [tilespmem:v18+s21+$0x0], $0xffff  }
0x738: {  	[tilespmem:v16+s16+$0x0] =	vst.idx.msk $0xffff, v12;
	v13 =	vld.idx.msk [tilespmem:v13+s21+$0x0], $0xffff;
	v16 =	vor.u32 v5, v1;
	v8 =	vmul.f32 $8.000000000e+00, v8  }
0x739: {  	[tilespmem:v20+s16+$0x0] =	vst.idx.msk $0xffff, v60;
	v20 =	vor.u32 v3, v2;
	v62 =	vmul.f32 $8.000000000e+00, v15;
	v15 =	vor.u32 v31, v42  }
0x73a: {  	v63 =	vor.u32 v31, v44;
	v29 =	vor.u32 v3, v11;
	v19 =	vld.idx.msk [tilespmem:v19+s21+$0x0], $0xffff;
	[tilespmem:v17+s16+$0x0] =	vst.idx.msk $0xffff, v8  }
0x73b: {  	v34 =	vor.u32 v3, v10;
	v9 =	vmul.f32 $8.000000000e+00, v51;
	v21 =	vld.idx.msk [tilespmem:v55+s21+$0x0], $0xffff;
	[tilespmem:v56+s16+$0x0] =	vst.idx.msk $0xffff, v62  }
0x73c: {  	v8 =	vmul.f32 $8.000000000e+00, v18;
	v17 =	vor.u32 v3, v6;
	v18 =	vor.u32 v31, v48;
	v12 =	vld.idx.msk [tilespmem:v61+s21+$0x0], $0xffff  }
0x73d: {  	[tilespmem:v43+s16+$0x0] =	vst.idx.msk $0xffff, v9;
	v31 =	vor.u32 v30, v39;
	v13 =	vmul.f32 $8.000000000e+00, v13;
	v16 =	vld.idx.msk [tilespmem:v16+s21+$0x0], $0xffff  }
0x73e: {  	v20 =	vld.idx.msk [tilespmem:v20+s21+$0x0], $0xffff;
	[tilespmem:v15+s16+$0x0] =	vst.idx.msk $0xffff, v8;
	v8 =	vor.u32 v5, v14;
	v15 =	vor.u32 v30, v40  }
0x73f: {  	v43 =	vor.u32 v5, v4;
	v35 =	vmul.f32 $8.000000000e+00, v19;
	v19 =	vor.u32 v33, v38;
	v9 =	vld.idx.msk [tilespmem:v29+s21+$0x0], $0xffff  }
0x740: {  	v21 =	vmul.f32 $8.000000000e+00, v21;
	[tilespmem:v63+s16+$0x0] =	vst.idx.msk $0xffff, v13  }
0x741: {  	[tilespmem:v18+s16+$0x0] =	vst.idx.msk $0xffff, v35;
	v17 =	vld.idx.msk [tilespmem:v17+s21+$0x0], $0xffff;
	v18 =	vor.u32 v30, v42;
	v12 =	vmul.f32 $8.000000000e+00, v12  }
0x742: {  	v45 =	vor.u32 v30, v41;
	[tilespmem:v31+s16+$0x0] =	vst.idx.msk $0xffff, v21;
	v46 =	vld.idx.msk [tilespmem:v34+s21+$0x0], $0xffff;
	v16 =	vmul.f32 $8.000000000e+00, v16  }
0x743: {  	v49 =	vor.u32 v30, v44;
	v8 =	vld.idx.msk [tilespmem:v8+s21+$0x0], $0xffff;
	[tilespmem:v15+s16+$0x0] =	vst.idx.msk $0xffff, v12  }
0x744: {  	v50 =	vmul.f32 $8.000000000e+00, v20;
	v20 =	vor.u32 v30, v48;
	[tilespmem:v19+s16+$0x0] =	vst.idx.msk $0xffff, v16;
	v16 =	vld.idx.msk [tilespmem:v43+s21+$0x0], $0xffff;
	v9 =	vmul.f32 $8.000000000e+00, v9  }
0x745: {  	v47 =	vor.u32 v5, v2;
	v51 =	vor.u32 v33, v39  }
0x746: {  	v15 =	vor.u32 v5, v11;
	v52 =	vmul.f32 $8.000000000e+00, v17;
	[tilespmem:v18+s16+$0x0] =	vst.idx.msk $0xffff, v9;
	v18 =	vor.u32 v33, v40  }
0x747: {  	[tilespmem:v45+s16+$0x0] =	vst.idx.msk $0xffff, v50;
	v21 =	vmul.f32 $8.000000000e+00, v46  }
0x748: {  	v19 =	vor.u32 v5, v6;
	[tilespmem:v49+s16+$0x0] =	vst.idx.msk $0xffff, v52;
	v8 =	vmul.f32 $8.000000000e+00, v8  }
0x749: {  	v17 =	vor.u32 v5, v10;
	[tilespmem:v20+s16+$0x0] =	vst.idx.msk $0xffff, v21;
	v16 =	vmul.f32 $8.000000000e+00, v16  }
0x74a: {  	v54 =	vor.u32 v7, v53;
	v55 =	vld.idx.msk [tilespmem:v47+s21+$0x0], $0xffff;
	[tilespmem:v51+s16+$0x0] =	vst.idx.msk $0xffff, v8  }
0x74b: {  	v1 =	vor.u32 v7, v1;
	v15 =	vld.idx.msk [tilespmem:v15+s21+$0x0], $0xffff;
	[tilespmem:v18+s16+$0x0] =	vst.idx.msk $0xffff, v16  }
0x74c: {  	v14 =	vor.u32 v7, v14;
	v21 =	vld [tilespmem:$0x1FF60]  }
0x74d: {  	v4 =	vor.u32 v7, v4;
	v20 =	vor.u32 v33, v41;
	v19 =	vld.idx.msk [tilespmem:v19+s21+$0x0], $0xffff  }
0x74e: {  	v2 =	vor.u32 v7, v2;
	v56 =	vld.idx.msk [tilespmem:v17+s21+$0x0], $0xffff;
	v8 =	vor.u32 v33, v42  }
0x74f: {  	v11 =	vor.u32 v7, v11;
	v9 =	vld.idx.msk [tilespmem:v54+s21+$0x0], $0xffff;
	v16 =	vor.u32 v33, v44  }
0x750: {  	v6 =	vor.u32 v7, v6;
	v1 =	vld.idx.msk [tilespmem:v1+s21+$0x0], $0xffff;
	v13 =	vmul.f32 $8.000000000e+00, v55;
	v17 =	vor.u32 v33, v48  }
0x751: {  	v10 =	vor.u32 v7, v10;
	v14 =	vld.idx.msk [tilespmem:v14+s21+$0x0], $0xffff;
	v15 =	vmul.f32 $8.000000000e+00, v15;
	v18 =	vor.u32 v21, v37  }
0x752: {  	v19 =	vmul.f32 $8.000000000e+00, v19;
	[tilespmem:v20+s16+$0x0] =	vst.idx.msk $0xffff, v13;
	v4 =	vld.idx.msk [tilespmem:v4+s21+$0x0], $0xffff;
	v60 =	vor.u32 v21, v38  }
0x753: {  	v2 =	vld.idx.msk [tilespmem:v2+s21+$0x0], $0xffff;
	v12 =	vmul.f32 $8.000000000e+00, v56;
	[tilespmem:v8+s16+$0x0] =	vst.idx.msk $0xffff, v15;
	v8 =	vor.u32 v21, v39  }
0x754: {  	v9 =	vmul.f32 $8.000000000e+00, v9;
	[tilespmem:v16+s16+$0x0] =	vst.idx.msk $0xffff, v19;
	v11 =	vld.idx.msk [tilespmem:v11+s21+$0x0], $0xffff;
	v15 =	vor.u32 v21, v40  }
0x755: {  	v1 =	vmul.f32 $8.000000000e+00, v1;
	[tilespmem:v17+s16+$0x0] =	vst.idx.msk $0xffff, v12;
	v61 =	vor.u32 v21, v41;
	v6 =	vld.idx.msk [tilespmem:v6+s21+$0x0], $0xffff  }
0x756: {  	v62 =	vmul.f32 $8.000000000e+00, v14;
	v10 =	vld.idx.msk [tilespmem:v10+s21+$0x0], $0xffff;
	v63 =	vor.u32 v21, v42;
	[tilespmem:v18+s16+$0x0] =	vst.idx.msk $0xffff, v9  }
0x757: {  	[tilespmem:v60+s16+$0x0] =	vst.idx.msk $0xffff, v1;
	v1 =	vmul.f32 $8.000000000e+00, v4;
	v4 =	vor.u32 v21, v44  }
0x758: {  	v2 =	vmul.f32 $8.000000000e+00, v2;
	[tilespmem:v8+s16+$0x0] =	vst.idx.msk $0xffff, v62;
	v8 =	vor.u32 v21, v48  }
0x759: {  	[tilespmem:v15+s16+$0x0] =	vst.idx.msk $0xffff, v1;
	v1 =	vmul.f32 $8.000000000e+00, v11  }
0x75a: {  	s5 =	sshll.u32 s30, $0x12;
	[tilespmem:v61+s16+$0x0] =	vst.idx.msk $0xffff, v2;
	v2 =	vmul.f32 $8.000000000e+00, v6  }
0x75b: {  	s0 =	sor.u32 s6, s5;
	[tilespmem:v63+s16+$0x0] =	vst.idx.msk $0xffff, v1;
	v1 =	vmul.f32 $8.000000000e+00, v10  }
0x75c: {  	s0 =	sshrl.u32 s0, $0x3;
	[tilespmem:v4+s16+$0x0] =	vst.idx.msk $0xffff, v2  }
0x75d: {  	s14 =	sadd.s32 s2, s0;
	[tilespmem:v8+s16+$0x0] =	vst.idx.msk $0xffff, v1  }
0x75e: {  	[hbm4b:s14+s3] =	stream.linear.scatter [tilespmem:s16], [sflag:$0x4], $0x400, $0x38;
	[tilespmem:$0x12580] =	vst v63  }
0x75f: {  	s18 =	simm.s32 $0x10800;
	s17 =	sadd.s32 s0, s7  }
0x760: {  	[hbm4b:s17+s3] =	stream.linear.scatter [tilespmem:s18], [sflag:$0x4], $0x400, $0x38;
	[tilespmem:$0x12580] =	vst v63  }
0x761: {  	s25 =	simm.s32 $0x10C00;
	s20 =	sadd.s32 s0, s8  }
0x762: {  	[hbm4b:s20+s3] =	stream.linear.scatter [tilespmem:s25], [sflag:$0x4], $0x400, $0x38;
	[tilespmem:$0x12580] =	vst v63  }
0x763: {  	s31 =	simm.s32 $0x11000;
	s30 =	sadd.s32 s0, s9  }
0x764: {  	[hbm4b:s30+s3] =	stream.linear.scatter [tilespmem:s31], [sflag:$0x4], $0x400, $0x38;
	[tilespmem:$0x12580] =	vst v63  }
0x765: {  	s17 =	sadd.s32 s0, s10;
	s18 =	simm.s32 $0x11400  }
0x766: {  	[hbm4b:s17+s3] =	stream.linear.scatter [tilespmem:s18], [sflag:$0x4], $0x400, $0x38;
	[tilespmem:$0x12580] =	vst v63  }
0x767: {  	s20 =	sadd.s32 s0, s11;
	s25 =	simm.s32 $0x11800  }
0x768: {  	[hbm4b:s20+s3] =	stream.linear.scatter [tilespmem:s25], [sflag:$0x4], $0x400, $0x38;
	[tilespmem:$0x12580] =	vst v63  }
.Ltmp4:
0x769: {  	_ = 	snop;
	(pc) =	sbr.rel @p1 .LBB2_8-.Ltmp4, $4  }
0x76a: {  	s30 =	sadd.s32 s0, s12;
	s31 =	simm.s32 $0x11C00  }
0x76b: {  	[hbm4b:s30+s3] =	stream.linear.scatter [tilespmem:s31], [sflag:$0x4], $0x400, $0x38;
	[tilespmem:$0x12580] =	vst v63  }
0x76c: {  	s0 =	sadd.s32 s0, s13  }
0x76d: {  	v17 =	vmovc v26;
	v16 =	vmov v28;
	v19 =	vmov v27;
	v18 =	vmov v25;
	[hbm4b:s0+s3] =	stream.linear.scatter [tilespmem:s26], [sflag:$0x4], $0x400, $0x38;
	[tilespmem:$0x12580] =	vst v63  }
0x76e: {  	v1 =	vld [tilespmem:s29+$0x180];
	_ =	sdelay $0x4  }
0x76f: {  	vm0 =	vgt.s32 v1, $0x7A17F;
	v2 =	vadd.s32 $0xFFF85E80, v1  }
0x770: {  	v1 =	vsel vm0, v2, v1  }
0x771: {  	[tilespmem:$0x12480] =	vst v1  }
0x772: {  	v1 =	vld [tilespmem:s29+$0x190];
	_ =	sdelay $0x4  }
0x773: {  	vm9 =	vgt.s32 v1, $0x7A17F;
	v2 =	vadd.s32 $0xFFF85E80, v1  }
0x774: {  	v1 =	vsel vm9, v2, v1  }
0x775: {  	[tilespmem:$0x12490] =	vst v1  }
0x776: {  	v1 =	vld [tilespmem:s29+$0x1A0];
	_ =	sdelay $0x4  }
0x777: {  	vm10 =	vgt.s32 v1, $0x7A17F;
	v2 =	vadd.s32 $0xFFF85E80, v1  }
0x778: {  	v1 =	vsel vm10, v2, v1  }
0x779: {  	[tilespmem:$0x124A0] =	vst v1  }
0x77a: {  	v1 =	vld [tilespmem:s29+$0x1B0];
	_ =	sdelay $0x4  }
0x77b: {  	vm11 =	vgt.s32 v1, $0x7A17F;
	v2 =	vadd.s32 $0xFFF85E80, v1  }
0x77c: {  	v1 =	vsel vm11, v2, v1  }
0x77d: {  	[tilespmem:$0x124B0] =	vst v1  }
0x77e: {  	v1 =	vld [tilespmem:s29+$0x1C0];
	_ =	sdelay $0x4  }
0x77f: {  	vm12 =	vgt.s32 v1, $0x7A17F;
	v2 =	vadd.s32 $0xFFF85E80, v1  }
0x780: {  	v1 =	vsel vm12, v2, v1  }
0x781: {  	[tilespmem:$0x124C0] =	vst v1  }
0x782: {  	v1 =	vld [tilespmem:s29+$0x1D0];
	_ =	sdelay $0x4  }
0x783: {  	vm13 =	vgt.s32 v1, $0x7A17F;
	v2 =	vadd.s32 $0xFFF85E80, v1  }
0x784: {  	v1 =	vsel vm13, v2, v1  }
0x785: {  	[tilespmem:$0x124D0] =	vst v1  }
0x786: {  	v1 =	vld [tilespmem:s29+$0x1E0]  }
0x787: {  	v25 =	vld [tilespmem:$0x1FE30]  }
0x788: {  	v26 =	vld [tilespmem:$0x1FE40]  }
0x789: {  	v27 =	vld [tilespmem:$0x1FE50]  }
0x78a: {  	v28 =	vld [tilespmem:$0x1FE60]  }
0x78b: {  	v30 =	vld [tilespmem:$0x1FE70];
	vm14 =	vgt.s32 v1, $0x7A17F;
	v2 =	vadd.s32 $0xFFF85E80, v1  }
0x78c: {  	v31 =	vld [tilespmem:$0x1FE80];
	v1 =	vsel vm14, v2, v1  }
0x78d: {  	v35 =	vld [tilespmem:$0x1FE90];
	[tilespmem:$0x124E0] =	vst v1  }
0x78e: {  	v1 =	vld [tilespmem:s29+$0x1F0]  }
0x78f: {  	v34 =	vld [tilespmem:$0x1FEA0]  }
0x790: {  	v23 =	vld [tilespmem:$0x1FEB0]  }
0x791: {  	v20 =	vld [tilespmem:$0x1FEC0]  }
.Ltmp5:
0x792: {  	v15 =	vld [tilespmem:$0x1FED0];
	(pc) =	sbr.rel .LBB2_2-.Ltmp5, $4  }
0x793: {  	v12 =	vld [tilespmem:$0x1FEE0];
	vm15 =	vgt.s32 v1, $0x7A17F;
	v2 =	vadd.s32 $0xFFF85E80, v1  }
0x794: {  	v13 =	vld [tilespmem:$0x1FEF0];
	v1 =	vsel vm15, v2, v1  }
0x795: {  	s0 =	simm.s32 $0x12480;
	s28 =	sadd.s32 $0x1, s28;
	v14 =	vld [tilespmem:$0x1FF00];
	[tilespmem:$0x124F0] =	vst v1  }
0x796: {  	v29 =	vld [tilespmem:$0x1FF10];
	v24 =	vmov v36;
	[tilespmem:s21], [sflag:$0x2] =	stream.indirect.gather [hbm4b:s4+s15], $0x80, s0, s15, $0xb8  }
.LBB2_9:
0x797: {  	_ =	sfence.sel $0x180000  }
0x798: {  	[bflag:$0x0] =	sbarrier.arrive $0xFFFF  }
0x799: {  	_ =	strace $0x90000047  }
0x79a: {  	s0 =	stileid.u32;
	[bflag:$0x2] =	sbarrier.arrive $0xFFFF  }
0x79b: {  	p0 =	sne.s32 s0, $0x0;
	s0 =	rddreg [dreg:$0x2]  }
0x79c: {  	s0 =	sadd.s32 @!p0 $0x100000, s0  }
0x79d: {  	[sflag:s0] =	ssyncadd.tile.s32 @!p0 $0x1;
	_ =	shalt  }
.Lfunc_end2:
_tile_overlayer_lowered:
.L_overlay_start_2:
0x79e: {  	(tag) =	ssettag $0x2  }
0x79f: {  	s0 =	rddreg [dreg:$0x0];
	s2 =	stileid.u32  }
0x7a0: {  	s1 =	rddreg [dreg:$0x1];
	p0 =	sne.s32 s2, $0x0  }
0x7a1: {  	s3 =	rddreg [dreg:$0x2];
	[bflag:$0x3] =	sbarrier.arrive $0xFFFF;
	s2 =	simm.s32 @!p0 $0x1C05  }
0x7a2: {  	[timem:s3], [sflag:s2] =	dma.local @!p0 [hbm:s0], s1  }
0x7a3: {  	s0 =	simm.s32 @!p0 $0x5  }
0x7a4: {  	_ =	swait.ge @!p0 [sflag:s0], s1  }
0x7a5: {  	s1 =	ssub.s32 @!p0 $0x0, s1;
	[sflag:s0] =	ssyncset.done @!p0 $0x0  }
0x7a6: {  	[sflag:s0] =	ssyncadd.s32 @!p0 s1  }
0x7a7: {  	[bflag:$0x3] =	sbarrier.arrive $0xFFFF  }
0x7a8: {  	_ =	shalt  }

</sc_bundles>
